<compile_context>
chip_gen: v7x
topology: tpu7x:2x2x1
jax: 0.10.2.dev20260603
libtpu: 0.0.44.dev20260713+nightly
codegen_flags: <defaults>
</compile_context>

<pallas_src>
import functools

import numpy as np
import jax
import jax.numpy as jnp
from jax import lax
from jax.experimental import pallas as pl
from jax.experimental.pallas import tpu as pltpu
from jax.experimental.pallas import tpu_sc as plsc

NPAD = 10240
NREAL = 10000
KNBR = 8
NGR = 50
DT = 128
BLK = 128
NBLK = NPAD // BLK
EDG = NPAD * KNBR


def _elu(v):
    return jnp.where(v > 0, v, jnp.exp(v) - 1.0)


def _mlp_body(x_ref, bcol_ref, norm_ref, w1_ref, b1_ref, w2_ref, b2_ref, out_ref):
    h = x_ref[...] * norm_ref[...]
    h = _elu(lax.dot_general(h, w1_ref[...], (((1,), (0,)), ((), ()))) + b1_ref[...])
    h = _elu(lax.dot_general(h, w2_ref[...], (((1,), (0,)), ((), ()))) + b2_ref[...])
    rid = lax.broadcasted_iota(jnp.int32, (NPAD, 1), 0)
    validf = jnp.where(rid < NREAL, 1.0, 0.0)
    code = jnp.where(rid < NREAL, bcol_ref[...], 1000.0 + rid.astype(jnp.float32))
    out_ref[...] = jnp.concatenate(
        [h, validf, bcol_ref[...], code,
         jnp.zeros((NPAD, DT - 67), jnp.float32)], axis=1)


def _k_mlp(xp, bcol, norm, W1, b1, W2, b2):
    return pl.pallas_call(
        _mlp_body,
        out_shape=jax.ShapeDtypeStruct((NPAD, DT), jnp.float32),
    )(xp, bcol, norm, W1, b1, W2, b2)


def _knn_body(trow_ref, tfull_ref, m_ref, nbr_ref, deg_ref):
    i = pl.program_id(0)
    fr = trow_ref[:, 0:64]
    cr = trow_ref[:, 66:67]
    F = tfull_ref[:, 0:64]
    crow = m_ref[0:1, :]
    xs_r = jnp.sum(fr * fr, axis=1, keepdims=True)
    xs_row = lax.dot_general(jnp.ones((8, 64), jnp.float32), F * F,
                             (((1,), (1,)), ((), ())))[0:1, :]
    d = xs_r + xs_row - 2.0 * lax.dot_general(fr, F, (((1,), (1,)), ((), ())))
    rid = lax.broadcasted_iota(jnp.int32, (BLK, 1), 0) + i * BLK
    cid = lax.broadcasted_iota(jnp.int32, (1, NPAD), 1)
    bad = (cr != crow) | (rid == cid)
    d = jnp.where(bad, 1e18, d)
    cid_b = lax.broadcasted_iota(jnp.int32, (BLK, NPAD), 1)
    for r in range(KNBR):
        m = jnp.min(d, axis=1, keepdims=True)
        cand = jnp.where(d == m, cid_b, jnp.int32(2**30))
        idxc = jnp.min(cand, axis=1, keepdims=True)
        nbr_ref[:, r:r + 1] = idxc
        d = jnp.where(cid_b == idxc, jnp.inf, d)
    chosen = jnp.isinf(d) & (rid < NREAL)
    cf = jnp.sum(chosen.astype(jnp.float32), axis=0, keepdims=True)

    @pl.when(i == 0)
    def _():
        deg_ref[...] = jnp.full((8, NPAD), float(KNBR), jnp.float32)

    deg_ref[0:1, :] = deg_ref[0:1, :] + cf


def _k_knn(T, M):
    return pl.pallas_call(
        _knn_body,
        grid=(NBLK,),
        in_specs=[
            pl.BlockSpec((BLK, DT), lambda i: (i, 0)),
            pl.BlockSpec((NPAD, DT), lambda i: (0, 0)),
            pl.BlockSpec((8, NPAD), lambda i: (0, 0)),
        ],
        out_specs=[
            pl.BlockSpec((BLK, 128), lambda i: (i, 0)),
            pl.BlockSpec((8, NPAD), lambda i: (0, 0)),
        ],
        out_shape=[
            jax.ShapeDtypeStruct((NPAD, 128), jnp.int32),
            jax.ShapeDtypeStruct((8, NPAD), jnp.float32),
        ],
    )(T, T, M)


def _sc_gather(table, idx):
    B = idx.shape[0]
    info = plsc.get_sparse_core_info()
    NC, NS = info.num_cores, info.num_subcores
    NW = NC * NS
    per = B // NW
    CH = min(per, 256)
    iters = per // CH
    NBUF = 3
    mesh = plsc.VectorSubcoreMesh(core_axis_name="c", subcore_axis_name="s")

    @functools.partial(
        pl.kernel,
        out_type=jax.ShapeDtypeStruct((B, DT), jnp.float32),
        mesh=mesh,
        compiler_params=pltpu.CompilerParams(use_tc_tiling_on_sc=True),
        scratch_types=[
            pltpu.VMEM((per,), jnp.int32),
            pltpu.VMEM((NBUF, CH, DT), jnp.float32),
            pltpu.SemaphoreType.DMA,
            pltpu.SemaphoreType.DMA,
            pltpu.SemaphoreType.DMA,
            pltpu.SemaphoreType.DMA,
        ],
    )
    def k(table_hbm, idx_hbm, out_hbm, idx_v, rows_v, gsem, wsem0, wsem1, wsem2):
        wid = lax.axis_index("s") * NC + lax.axis_index("c")
        base = wid * per
        pltpu.sync_copy(idx_hbm.at[pl.ds(pl.multiple_of(base, 8), per)], idx_v)
        wsems = (wsem0, wsem1, wsem2)

        def gath(c, buf):
            return pltpu.make_async_copy(
                table_hbm.at[idx_v.at[pl.ds(c * CH, CH)]], rows_v.at[buf], gsem)

        def wb(c, buf):
            start = pl.multiple_of(base + c * CH, 8)
            return pltpu.make_async_copy(
                rows_v.at[buf], out_hbm.at[pl.ds(start, CH)], wsems[buf])

        gath(0, 0).start()
        if iters > 1:
            gath(1, 1).start()
        for c in range(iters):
            buf = c % NBUF
            gath(c, buf).wait()
            wb(c, buf).start()
            if c + 2 < iters:
                if c >= 1:
                    wb(c - 1, (c - 1) % NBUF).wait()
                gath(c + 2, (c + 2) % NBUF).start()
        for c in range(max(0, iters - NBUF), iters):
            wb(c, c % NBUF).wait()

    return k(table, idx)


def _conv_body(trow_ref, *refs):
    g_refs = refs[0:KNBR]
    w1_ref, b1_ref, w2_ref, b2_ref = refs[KNBR:KNBR + 4]
    fwd_ref = refs[KNBR + 4]
    rev_refs = refs[KNBR + 5:]
    xi = trow_ref[:, 0:64]
    vi = trow_ref[:, 64:65]
    ins = []
    evs = []
    for j in range(KNBR):
        xj = g_refs[j][:, 0:64]
        vj = g_refs[j][:, 64:65]
        ins.append(jnp.concatenate([xi, xj - xi], axis=1))
        evs.append((vi > 0.5) & (vj > 0.5))
    for j in range(KNBR):
        xj = g_refs[j][:, 0:64]
        ins.append(jnp.concatenate([xj, xi - xj], axis=1))
    big = jnp.concatenate(ins, axis=0)
    h = _elu(lax.dot_general(big, w1_ref[...], (((1,), (0,)), ((), ()))) + b1_ref[...])
    h = _elu(lax.dot_general(h, w2_ref[...], (((1,), (0,)), ((), ()))) + b2_ref[...])
    fwdmax = jnp.full((BLK, 64), -1e18, jnp.float32)
    for j in range(KNBR):
        fwdmax = jnp.maximum(fwdmax,
                             jnp.where(evs[j], h[j * BLK:(j + 1) * BLK, :], -1e18))
    fwd_ref[...] = fwdmax
    for j in range(KNBR):
        rev_refs[j][...] = jnp.where(
            evs[j], h[(KNBR + j) * BLK:(KNBR + j + 1) * BLK, :], -1e18)


def _k_conv(T, G, W1, b1, W2, b2):
    g_specs = [pl.BlockSpec((BLK, DT), functools.partial(lambda i, jj: (jj * NBLK + i, 0), jj=j))
               for j in range(KNBR)]
    outs = pl.pallas_call(
        _conv_body,
        grid=(NBLK,),
        in_specs=[pl.BlockSpec((BLK, DT), lambda i: (i, 0))] + g_specs + [
            pl.BlockSpec((128, 96), lambda i: (0, 0)),
            pl.BlockSpec((1, 96), lambda i: (0, 0)),
            pl.BlockSpec((96, 64), lambda i: (0, 0)),
            pl.BlockSpec((1, 64), lambda i: (0, 0)),
        ],
        out_specs=[pl.BlockSpec((BLK, 64), lambda i: (i, 0))] * (1 + KNBR),
        out_shape=[jax.ShapeDtypeStruct((NPAD, 64), jnp.float32)] * (1 + KNBR),
    )(T, *([G] * KNBR), W1, b1, W2, b2)
    return outs[0], jnp.concatenate(outs[1:], axis=0)


def _scatter_body(idx_ref, *refs):
    rev_refs = refs[0:KNBR]
    init_ref, tv_ref, acc_ref = refs[KNBR:]
    i = pl.program_id(0)

    @pl.when(i == 0)
    def _():
        acc_ref[...] = init_ref[...]

    def body(r, carry):
        ts = [idx_ref[r, j] for j in range(KNBR)]
        curs = [acc_ref[pl.ds(ts[j], 1), :] for j in range(KNBR)]
        news = [jnp.maximum(curs[j], rev_refs[j][pl.ds(r, 1), :])
                for j in range(KNBR)]
        for j in range(KNBR):
            acc_ref[pl.ds(ts[j], 1), :] = news[j]
        return carry

    lax.fori_loop(0, BLK, body, 0)

    @pl.when(i == NBLK - 1)
    def _():
        v = tv_ref[:, 64:65]
        acc_ref[...] = jnp.where(v > 0.5, acc_ref[...], 0.0)


def _k_scatter(nbr8, rev, init, T):
    rev_specs = [pl.BlockSpec((BLK, 64), functools.partial(lambda i, jj: (jj * NBLK + i, 0), jj=j))
                 for j in range(KNBR)]
    return pl.pallas_call(
        _scatter_body,
        grid=(NBLK,),
        in_specs=[
            pl.BlockSpec((BLK, KNBR), lambda i: (i, 0), memory_space=pltpu.SMEM),
        ] + rev_specs + [
            pl.BlockSpec((NPAD, 64), lambda i: (0, 0)),
            pl.BlockSpec((NPAD, DT), lambda i: (0, 0)),
        ],
        out_specs=pl.BlockSpec((NPAD, 64), lambda i: (0, 0)),
        out_shape=jax.ShapeDtypeStruct((NPAD, 64), jnp.float32),
    )(nbr8, *([rev] * KNBR), init, T)


def _grac1_body(t2_ref, *refs):
    g_refs = refs[0:KNBR]
    b_ref = refs[KNBR]
    hi = t2_ref[:, 0:64]
    degi = t2_ref[:, 64:65]
    ws = []
    ids = []
    for j in range(KNBR):
        hj = g_refs[j][:, 0:64]
        degj = g_refs[j][:, 64:65]
        idj = g_refs[j][:, 65:66]
        diff = hj - hi
        ed = jnp.sqrt(jnp.sum(diff * diff, axis=1, keepdims=True) + 1e-12)
        ws.append(ed * (1.0 / degi + 1.0 / degj))
        ids.append(idj)
    W = jnp.concatenate(ws, axis=1)
    ID = jnp.concatenate(ids, axis=1)
    m = jnp.max(W, axis=1, keepdims=True)
    jio = lax.broadcasted_iota(jnp.int32, (BLK, KNBR), 1)
    jstar = jnp.min(jnp.where(W == m, jio, jnp.int32(99)), axis=1, keepdims=True)
    bsel = jnp.sum(jnp.where(jio == jstar, ID, 0.0), axis=1, keepdims=True)
    b_ref[...] = jnp.broadcast_to(bsel, (BLK, 128))


def _k_grac1(T2, G2):
    g_specs = [pl.BlockSpec((BLK, DT), functools.partial(lambda i, jj: (jj * NBLK + i, 0), jj=j))
               for j in range(KNBR)]
    return pl.pallas_call(
        _grac1_body,
        grid=(NBLK,),
        in_specs=[pl.BlockSpec((BLK, DT), lambda i: (i, 0))] + g_specs,
        out_specs=pl.BlockSpec((BLK, 128), lambda i: (i, 0)),
        out_shape=jax.ShapeDtypeStruct((NPAD, 128), jnp.float32),
    )(T2, *([G2] * KNBR))


def _grac2_body(t3_ref, g3_ref, t4_ref):
    i = pl.program_id(0)
    hi = t3_ref[:, 0:64]
    b = t3_ref[:, 64:65]
    bat = t3_ref[:, 65:66]
    hb = g3_ref[:, 0:64]
    bb = g3_ref[:, 64:65]
    batb = g3_ref[:, 65:66]
    rid = (lax.broadcasted_iota(jnp.int32, (BLK, 1), 0) + i * BLK).astype(jnp.float32)
    vi = rid < float(NREAL)
    mutual = (bb == rid) & vi
    pvalid = (~(mutual & (b < rid))) & vi
    px = jnp.where(mutual, jnp.maximum(hi, hb), hi)
    px = jnp.where(pvalid, px, 0.0)
    pb = jnp.where(pvalid, jnp.where(mutual, jnp.maximum(bat, batb), bat), 0.0)
    pvf = jnp.where(pvalid, 1.0, 0.0)
    code = jnp.where(pvalid, pb, 1000.0 + rid)
    t4_ref[...] = jnp.concatenate(
        [px, pvf, pb, code, jnp.zeros((BLK, DT - 67), jnp.float32)], axis=1)


def _k_grac2(T3, G3):
    return pl.pallas_call(
        _grac2_body,
        grid=(NBLK,),
        in_specs=[
            pl.BlockSpec((BLK, DT), lambda i: (i, 0)),
            pl.BlockSpec((BLK, DT), lambda i: (i, 0)),
        ],
        out_specs=pl.BlockSpec((BLK, DT), lambda i: (i, 0)),
        out_shape=jax.ShapeDtypeStruct((NPAD, DT), jnp.float32),
    )(T3, G3)


def _final_body(t4_ref, h2_ref, wo1_ref, bo1_ref, wo2_ref, bo2_ref,
                wo3_ref, bo3_ref, out_ref, g_s):
    i = pl.program_id(0)

    @pl.when(i == 0)
    def _():
        g_s[...] = jnp.full((56, 64), -jnp.inf, jnp.float32)

    v2 = t4_ref[:, 64:65]
    bat = t4_ref[:, 65:66]
    rid = lax.broadcasted_iota(jnp.int32, (BLK, 1), 0) + i * BLK
    val = jnp.where(v2 > 0.5, h2_ref[...], -1e18)
    val = jnp.where(rid < NREAL, val, -jnp.inf)
    for gi in range(NGR):
        contrib = jnp.max(jnp.where(bat == float(gi), val, -jnp.inf),
                          axis=0, keepdims=True)
        g_s[gi:gi + 1, :] = jnp.maximum(g_s[gi:gi + 1, :], contrib)

    @pl.when(i == NBLK - 1)
    def _():
        g = g_s[...]
        g = jnp.where(jnp.isfinite(g), g, 0.0)
        o = _elu(lax.dot_general(g, wo1_ref[...], (((1,), (0,)), ((), ()))) + bo1_ref[...])
        o = _elu(lax.dot_general(o, wo2_ref[...], (((1,), (0,)), ((), ()))) + bo2_ref[...])
        o = lax.dot_general(o, wo3_ref[...], (((1,), (0,)), ((), ()))) + bo3_ref[...]
        xc = jnp.log1p(jnp.exp(-jnp.abs(o[:, 0:1]))) + jnp.maximum(o[:, 0:1], 0.0)
        yc = jnp.clip(o[:, 1:2], -np.pi, np.pi)
        out_ref[...] = jnp.concatenate(
            [xc, jnp.cos(yc), jnp.sin(yc), jnp.zeros((56, 125), jnp.float32)], axis=1)


def _k_final(T4, h2, Wo1, bo1, Wo2, bo2, Wo3p, bo3p):
    return pl.pallas_call(
        _final_body,
        grid=(NBLK,),
        in_specs=[
            pl.BlockSpec((BLK, DT), lambda i: (i, 0)),
            pl.BlockSpec((BLK, 64), lambda i: (i, 0)),
            pl.BlockSpec((64, 64), lambda i: (0, 0)),
            pl.BlockSpec((1, 64), lambda i: (0, 0)),
            pl.BlockSpec((64, 32), lambda i: (0, 0)),
            pl.BlockSpec((1, 32), lambda i: (0, 0)),
            pl.BlockSpec((32, 8), lambda i: (0, 0)),
            pl.BlockSpec((1, 8), lambda i: (0, 0)),
        ],
        out_specs=pl.BlockSpec((56, 128), lambda i: (0, 0)),
        out_shape=jax.ShapeDtypeStruct((56, 128), jnp.float32),
        scratch_shapes=[pltpu.VMEM((56, 64), jnp.float32)],
    )(T4, h2, Wo1, bo1, Wo2, bo2, Wo3p, bo3p)


def kernel(x, batch, norm, W_in1, b_in1, W_in2, b_in2, W_c1a, b_c1a, W_c1b,
           b_c1b, W_c2a, b_c2a, W_c2b, b_c2b, W_o1, b_o1, W_o2, b_o2, W_o3, b_o3):
    xp = jnp.pad(x, ((0, NPAD - NREAL), (0, 0)))
    batchf = jnp.pad(batch.astype(jnp.float32), (0, NPAD - NREAL))
    bcol = batchf.reshape(NPAD, 1)
    idcol = jnp.arange(NPAD, dtype=jnp.float32).reshape(NPAD, 1)
    validf = (jnp.arange(NPAD) < NREAL).astype(jnp.float32)
    zrow = jnp.zeros((NPAD,), jnp.float32)

    T1 = _k_mlp(xp, bcol, norm.reshape(1, 4), W_in1, b_in1.reshape(1, 32),
                W_in2, b_in2.reshape(1, 64))
    M1 = jnp.stack([T1[:, 66]] + [zrow] * 7)
    nbr_w, degrow = _k_knn(T1, M1)
    idxJ = jnp.transpose(nbr_w[:, 0:KNBR]).reshape(-1)

    G1 = _sc_gather(T1, idxJ)
    fwd1, rev1 = _k_conv(T1, G1, W_c1a, b_c1a.reshape(1, 96),
                         W_c1b, b_c1b.reshape(1, 64))
    h1 = _k_scatter(nbr_w[:, 0:KNBR], rev1, fwd1, T1)

    deg = degrow[0].reshape(NPAD, 1)
    zpad = jnp.zeros((NPAD, DT - 66), jnp.float32)
    T2 = jnp.concatenate([h1, deg, idcol, zpad], axis=1)
    G2 = _sc_gather(T2, idxJ)
    b_w = _k_grac1(T2, G2)
    bcolf = b_w[:, 0:1]
    b_i = bcolf.astype(jnp.int32).reshape(-1)
    T3 = jnp.concatenate([h1, bcolf, bcol, zpad], axis=1)
    G3 = _sc_gather(T3, b_i)
    T4 = _k_grac2(T3, G3)

    M2 = jnp.stack([T4[:, 66]] + [zrow] * 7)
    nbr2_w, _ = _k_knn(T4, M2)
    idxJ2 = jnp.transpose(nbr2_w[:, 0:KNBR]).reshape(-1)
    G4 = _sc_gather(T4, idxJ2)
    fwd2, rev2 = _k_conv(T4, G4, W_c2a, b_c2a.reshape(1, 96),
                         W_c2b, b_c2b.reshape(1, 64))
    h2 = _k_scatter(nbr2_w[:, 0:KNBR], rev2, fwd2, T4)

    Wo3p = jnp.pad(W_o3, ((0, 0), (0, 6)))
    bo3p = jnp.pad(b_o3, (0, 6)).reshape(1, 8)
    outw = _k_final(T4, h2, W_o1, b_o1.reshape(1, 64), W_o2, b_o2.reshape(1, 32),
                    Wo3p, bo3p)
    return outw[0:NGR, 0:3]

# --- scband reference (transcript-rebuilt; emitter-appended) ---
"""Pipeline reference for scband-net-17051020165436 (READ-ONLY COPY).

The authoritative reference and input builder live on the scoring server;
editing this copy changes nothing except your own understanding.
"""

import jax, jax.numpy as jnp
import numpy as np

K = 8
N_GRAPHS = 50

def _knn_idx(x, batch, valid, k):
    x = jax.lax.stop_gradient(x)
    N = x.shape[0]
    xs = jnp.sum(x * x, axis=1)
    ar = jnp.arange(N)
    rows = []
    CS = 2000
    for s in range(0, N, CS):
        e = min(s + CS, N)
        xc = x[s:e]
        d = jnp.sum(xc * xc, axis=1)[:, None] + xs[None, :] - 2.0 * xc @ x.T
        bad = (batch[s:e, None] != batch[None, :]) | (~valid[None, :]) | (~valid[s:e, None]) | (ar[s:e, None] == ar[None, :])
        d = jnp.where(bad, 1e18, d)
        _, nb = jax.lax.top_k(-d, k)
        rows.append(nb)
    return jnp.concatenate(rows, axis=0)

def _edge_conv(x, nbr, valid, W1, b1, W2, b2):
    N, k = nbr.shape
    rep = jnp.repeat(jnp.arange(N), k)
    nf = nbr.reshape(-1)
    tgt = jnp.concatenate([rep, nf])
    src = jnp.concatenate([nf, rep])
    xi = x[tgt]
    xj = x[src]
    h = jnp.concatenate([xi, xj - xi], axis=1)
    h = jax.nn.elu(h @ W1 + b1)
    h = jax.nn.elu(h @ W2 + b2)
    ev = valid[tgt] & valid[src]
    h = jnp.where(ev[:, None], h, -1e18)
    out = jax.ops.segment_max(h, tgt, num_segments=N)
    out = jnp.where(valid[:, None] & jnp.isfinite(out), out, 0.0)
    return out

def _graclus_pool(x, nbr, batch, valid):
    N, k = nbr.shape
    ar = jnp.arange(N)
    rep = jnp.repeat(ar, k)
    nf = nbr.reshape(-1)
    tgt = jnp.concatenate([rep, nf])
    deg = jax.ops.segment_sum(jnp.ones(tgt.shape[0], jnp.float32), tgt, num_segments=N)
    deg = jnp.maximum(deg, 1.0)
    xd = jax.lax.stop_gradient(x)
    diff = xd[rep] - xd[nf]
    ed = jnp.sqrt(jnp.sum(diff * diff, axis=1) + 1e-12)
    w = (ed * (1.0 / deg[rep] + 1.0 / deg[nf])).reshape(N, k)
    nbr_valid = valid[nf].reshape(N, k)
    w = jnp.where(nbr_valid, w, -1.0)
    b = nbr[ar, jnp.argmax(w, axis=1)]
    mutual = (b[b] == ar) & valid & valid[b]
    cluster = jnp.where(mutual, jnp.minimum(ar, b), ar)
    xm = jnp.where(valid[:, None], x, -1e18)
    px = jax.ops.segment_max(xm, cluster, num_segments=N)
    cnt = jax.ops.segment_sum(jnp.where(valid, 1, 0), cluster, num_segments=N)
    pvalid = cnt > 0
    pbatch = jax.ops.segment_max(jnp.where(valid, batch, -1), cluster, num_segments=N)
    pbatch = jnp.maximum(pbatch, 0)
    px = jnp.where(pvalid[:, None] & jnp.isfinite(px), px, 0.0)
    return px, pbatch, pvalid

def _forward(x, batch, norm, W_in1, b_in1, W_in2, b_in2, W_c1a, b_c1a, W_c1b, b_c1b, W_c2a, b_c2a, W_c2b, b_c2b, W_o1, b_o1, W_o2, b_o2, W_o3, b_o3):
    N = x.shape[0]
    valid = jnp.ones(N, dtype=bool)
    h = x * norm
    h = jax.nn.elu(h @ W_in1 + b_in1)
    h = jax.nn.elu(h @ W_in2 + b_in2)
    nbr = _knn_idx(h, batch, valid, K)
    h = _edge_conv(h, nbr, valid, W_c1a, b_c1a, W_c1b, b_c1b)
    h, batch2, valid2 = _graclus_pool(h, nbr, batch, valid)
    nbr2 = _knn_idx(h, batch2, valid2, K)
    h = _edge_conv(h, nbr2, valid2, W_c2a, b_c2a, W_c2b, b_c2b)
    hm = jnp.where(valid2[:, None], h, -1e18)
    g = jax.ops.segment_max(hm, batch2, num_segments=N_GRAPHS)
    g = jnp.where(jnp.isfinite(g), g, 0.0)
    o = jax.nn.elu(g @ W_o1 + b_o1)
    o = jax.nn.elu(o @ W_o2 + b_o2)
    o = o @ W_o3 + b_o3
    xc = jax.nn.softplus(o[:, 0:1])
    yc = jnp.clip(o[:, 1:2], -np.pi, np.pi)
    return jnp.concatenate([xc, jnp.cos(yc), jnp.sin(yc)], axis=1)

def _lin(k, fi, fo):
    k1, k2 = jax.random.split(k)
    s = 1.0 / np.sqrt(fi)
    W = jax.random.uniform(k1, (fi, fo), minval=-s, maxval=s, dtype=jnp.float32)
    b = jax.random.uniform(k2, (fo,), minval=-s, maxval=s, dtype=jnp.float32)
    return W, b

def setup_inputs(seed: int = 0):
    key = jax.random.key(seed)
    ks = jax.random.split(key, 16)
    N = 10000
    x = jax.random.normal(ks[0], (N, 4), dtype=jnp.float32)
    batch = jnp.sort(jax.random.randint(ks[1], (N,), 0, N_GRAPHS))
    norm = jnp.array([1.0 / 2950.0, 1.0 / 6.0, 1.0 / 3.1416016, 1.0 / 1.2050781], dtype=jnp.float32)
    W_in1, b_in1 = _lin(ks[2], 4, 32)
    W_in2, b_in2 = _lin(ks[3], 32, 64)
    W_c1a, b_c1a = _lin(ks[4], 128, 96)
    W_c1b, b_c1b = _lin(ks[5], 96, 64)
    W_c2a, b_c2a = _lin(ks[6], 128, 96)
    W_c2b, b_c2b = _lin(ks[7], 96, 64)
    W_o1, b_o1 = _lin(ks[8], 64, 64)
    W_o2, b_o2 = _lin(ks[9], 64, 32)
    W_o3, b_o3 = _lin(ks[10], 32, 2)
    return {"x": x, "batch": batch, "norm": norm, "W_in1": W_in1, "b_in1": b_in1, "W_in2": W_in2, "b_in2": b_in2, "W_c1a": W_c1a, "b_c1a": b_c1a, "W_c1b": W_c1b, "b_c1b": b_c1b, "W_c2a": W_c2a, "b_c2a": b_c2a, "W_c2b": W_c2b, "b_c2b": b_c2b, "W_o1": W_o1, "b_o1": b_o1, "W_o2": W_o2, "b_o2": b_o2, "W_o3": W_o3, "b_o3": b_o3}

def reference(x, batch, norm, W_in1, b_in1, W_in2, b_in2, W_c1a, b_c1a, W_c1b, b_c1b, W_c2a, b_c2a, W_c2b, b_c2b, W_o1, b_o1, W_o2, b_o2, W_o3, b_o3):
    return _forward(x, batch, norm, W_in1, b_in1, W_in2, b_in2, W_c1a, b_c1a, W_c1b, b_c1b, W_c2a, b_c2a, W_c2b, b_c2b, W_o1, b_o1, W_o2, b_o2, W_o3, b_o3)

if __name__ == "__main__":
    import jax
    _d = setup_inputs()
    print(jax.jit(kernel)(*tuple(_d.values())))

</pallas_src>

<mosaic_0001>
#map = affine_map<(d0, d1) -> (0, 0)>
#map1 = affine_map<(d0, d1) -> (0)>
module attributes {stable_mosaic.version = 14 : i64} {
  func.func @k(%arg0: i32, %arg1: i32, %arg2: memref<10240x128xf32, #tpu.memory_space<hbm>>, %arg3: memref<81920xi32, #tpu.memory_space<hbm>>, %arg4: memref<81920x128xf32, #tpu.memory_space<hbm>>, %arg5: memref<2560xi32, #tpu.memory_space<vmem>>, %arg6: memref<3x256x128xf32, #tpu.memory_space<vmem>>, %arg7: memref<!tpu.dma_semaphore, #tpu.memory_space<semaphore_mem>>, %arg8: memref<!tpu.dma_semaphore, #tpu.memory_space<semaphore_mem>>, %arg9: memref<!tpu.dma_semaphore, #tpu.memory_space<semaphore_mem>>, %arg10: memref<!tpu.dma_semaphore, #tpu.memory_space<semaphore_mem>>) attributes {dimension_semantics = [#tpu.dimension_semantics<core_parallel>, #tpu.dimension_semantics<subcore_parallel>], iteration_bounds = array<i64: 2, 16>, scalar_prefetch = 0 : i64, scratch_operands = 6 : i64, tpu.core_type = #tpu.core_type<sc_vector_subcore>, window_params = [{transform_indices = #map}, {transform_indices = #map1}, {transform_indices = #map}]} {
    %mul3A = arith.constant 2 : i32
    %mul3A_0 = arith.muli %arg1, %mul3A : i32
    %add3A = arith.addi %mul3A_0, %arg0 : i32
    %mul3A_1 = arith.constant 2560 : i32
    %mul3A_2 = arith.muli %add3A, %mul3A_1 : i32
    %multiple_of3A = tpu.assume_multiple %mul3A_2, 8 : i32
    "tpu.region"() ({
      %run_scoped3A = tpu.sem_alloc : memref<!tpu.dma_semaphore, #tpu.memory_space<semaphore_mem>>
      %dma_start3A_521 = tpu.memref_slice %arg3[%multiple_of3A] : memref<81920xi32, #tpu.memory_space<hbm>> -> memref<2560xi32, #tpu.memory_space<hbm>>
      %dma_start3A_522 = tpu.memref_slice %arg3[%multiple_of3A] : memref<81920xi32, #tpu.memory_space<hbm>> -> memref<2560xi32, #tpu.memory_space<hbm>>
      tpu.enqueue_dma source(%dma_start3A_522 : memref<2560xi32, #tpu.memory_space<hbm>>) target(%arg5 : memref<2560xi32, #tpu.memory_space<vmem>>) target_semaphore(%run_scoped3A : memref<!tpu.dma_semaphore, #tpu.memory_space<semaphore_mem>>)
      %dma_wait3A_523 = tpu.memref_slice %arg3[%multiple_of3A] : memref<81920xi32, #tpu.memory_space<hbm>> -> memref<2560xi32, #tpu.memory_space<hbm>>
      %dma_wait3A_524 = tpu.memref_slice %arg3[%multiple_of3A] : memref<81920xi32, #tpu.memory_space<hbm>> -> memref<2560xi32, #tpu.memory_space<hbm>>
      tpu.wait_dma2 semaphore(%run_scoped3A : memref<!tpu.dma_semaphore, #tpu.memory_space<semaphore_mem>>) src(%dma_wait3A_524 : memref<2560xi32, #tpu.memory_space<hbm>>) dst(%arg5 : memref<2560xi32, #tpu.memory_space<vmem>>)
      tpu.yield
    }) : () -> ()
    %dma_start3A = arith.constant 0 : i32
    %dma_start3A_3 = arith.constant 0 : i32
    %dma_start3A_4 = arith.constant 0 : i32
    %dma_start3A_5 = tpu.memref_slice %arg6[%dma_start3A, %dma_start3A_3, %dma_start3A_4] : memref<3x256x128xf32, #tpu.memory_space<vmem>> -> memref<1x256x128xf32, #tpu.memory_space<vmem>>
    %dma_start3A_6 = tpu.memref_squeeze %dma_start3A_5 : memref<1x256x128xf32, #tpu.memory_space<vmem>> -> memref<256x128xf32, #tpu.memory_space<vmem>>
    %dma_start3A_7 = arith.constant 0 : i32
    %dma_start3A_8 = tpu.memref_slice %arg5[%dma_start3A_7] : memref<2560xi32, #tpu.memory_space<vmem>> -> memref<256xi32, #tpu.memory_space<vmem>>
    %dma_start3A_9 = arith.constant 0 : i32
    %dma_start3A_10 = arith.constant 0 : i32
    %dma_start3A_11 = tpu.memref_slice %arg2[%dma_start3A_9, %dma_start3A_10] : memref<10240x128xf32, #tpu.memory_space<hbm>> -> memref<10240x128xf32, #tpu.memory_space<hbm>>
    tpu.enqueue_indirect_dma source(%dma_start3A_11 : memref<10240x128xf32, #tpu.memory_space<hbm>>) target(%dma_start3A_6 : memref<256x128xf32, #tpu.memory_space<vmem>>) offsets(%dma_start3A_8 : memref<256xi32, #tpu.memory_space<vmem>>) semaphore(%arg7 : memref<!tpu.dma_semaphore, #tpu.memory_space<semaphore_mem>>)
    %dma_start3A_12 = arith.constant 1 : i32
    %dma_start3A_13 = arith.constant 0 : i32
    %dma_start3A_14 = arith.constant 0 : i32
    %dma_start3A_15 = tpu.memref_slice %arg6[%dma_start3A_12, %dma_start3A_13, %dma_start3A_14] : memref<3x256x128xf32, #tpu.memory_space<vmem>> -> memref<1x256x128xf32, #tpu.memory_space<vmem>>
    %dma_start3A_16 = tpu.memref_squeeze %dma_start3A_15 : memref<1x256x128xf32, #tpu.memory_space<vmem>> -> memref<256x128xf32, #tpu.memory_space<vmem>>
    %dma_start3A_17 = arith.constant 256 : i32
    %dma_start3A_18 = tpu.memref_slice %arg5[%dma_start3A_17] : memref<2560xi32, #tpu.memory_space<vmem>> -> memref<256xi32, #tpu.memory_space<vmem>>
    %dma_start3A_19 = arith.constant 0 : i32
    %dma_start3A_20 = arith.constant 0 : i32
    %dma_start3A_21 = tpu.memref_slice %arg2[%dma_start3A_19, %dma_start3A_20] : memref<10240x128xf32, #tpu.memory_space<hbm>> -> memref<10240x128xf32, #tpu.memory_space<hbm>>
    tpu.enqueue_indirect_dma source(%dma_start3A_21 : memref<10240x128xf32, #tpu.memory_space<hbm>>) target(%dma_start3A_16 : memref<256x128xf32, #tpu.memory_space<vmem>>) offsets(%dma_start3A_18 : memref<256xi32, #tpu.memory_space<vmem>>) semaphore(%arg7 : memref<!tpu.dma_semaphore, #tpu.memory_space<semaphore_mem>>)
    %dma_wait3A = arith.constant 0 : i32
    %dma_wait3A_22 = arith.constant 0 : i32
    %dma_wait3A_23 = arith.constant 0 : i32
    %dma_wait3A_24 = tpu.memref_slice %arg6[%dma_wait3A, %dma_wait3A_22, %dma_wait3A_23] : memref<3x256x128xf32, #tpu.memory_space<vmem>> -> memref<1x256x128xf32, #tpu.memory_space<vmem>>
    %dma_wait3A_25 = tpu.memref_squeeze %dma_wait3A_24 : memref<1x256x128xf32, #tpu.memory_space<vmem>> -> memref<256x128xf32, #tpu.memory_space<vmem>>
    %dma_wait3A_26 = arith.constant 0 : i32
    %dma_wait3A_27 = tpu.memref_slice %arg5[%dma_wait3A_26] : memref<2560xi32, #tpu.memory_space<vmem>> -> memref<256xi32, #tpu.memory_space<vmem>>
    %dma_wait3A_28 = arith.constant 0 : i32
    %dma_wait3A_29 = arith.constant 0 : i32
    %dma_wait3A_30 = tpu.memref_slice %arg2[%dma_wait3A_28, %dma_wait3A_29] : memref<10240x128xf32, #tpu.memory_space<hbm>> -> memref<10240x128xf32, #tpu.memory_space<hbm>>
    tpu.wait_indirect_dma semaphore(%arg7 : memref<!tpu.dma_semaphore, #tpu.memory_space<semaphore_mem>>) src(%dma_wait3A_30 : memref<10240x128xf32, #tpu.memory_space<hbm>>) dst(%dma_wait3A_25 : memref<256x128xf32, #tpu.memory_space<vmem>>)
    %add3A_31 = arith.constant 0 : i32
    %add3A_32 = arith.addi %mul3A_2, %add3A_31 : i32
    %multiple_of3A_33 = tpu.assume_multiple %add3A_32, 8 : i32
    %dma_start3A_34 = arith.constant 0 : i32
    %dma_start3A_35 = arith.constant 0 : i32
    %dma_start3A_36 = arith.constant 0 : i32
    %dma_start3A_37 = tpu.memref_slice %arg6[%dma_start3A_34, %dma_start3A_35, %dma_start3A_36] : memref<3x256x128xf32, #tpu.memory_space<vmem>> -> memref<1x256x128xf32, #tpu.memory_space<vmem>>
    %dma_start3A_38 = tpu.memref_squeeze %dma_start3A_37 : memref<1x256x128xf32, #tpu.memory_space<vmem>> -> memref<256x128xf32, #tpu.memory_space<vmem>>
    %dma_start3A_39 = arith.constant 0 : i32
    %dma_start3A_40 = tpu.memref_slice %arg4[%multiple_of3A_33, %dma_start3A_39] : memref<81920x128xf32, #tpu.memory_space<hbm>> -> memref<256x128xf32, #tpu.memory_space<hbm>>
    %dma_start3A_41 = arith.constant 0 : i32
    %dma_start3A_42 = tpu.memref_slice %arg4[%multiple_of3A_33, %dma_start3A_41] : memref<81920x128xf32, #tpu.memory_space<hbm>> -> memref<256x128xf32, #tpu.memory_space<hbm>>
    %dma_start3A_43 = arith.constant 0 : i32
    %dma_start3A_44 = arith.constant 0 : i32
    %dma_start3A_45 = tpu.memref_slice %arg6[%dma_start3A_34, %dma_start3A_43, %dma_start3A_44] : memref<3x256x128xf32, #tpu.memory_space<vmem>> -> memref<1x256x128xf32, #tpu.memory_space<vmem>>
    %dma_start3A_46 = tpu.memref_squeeze %dma_start3A_45 : memref<1x256x128xf32, #tpu.memory_space<vmem>> -> memref<256x128xf32, #tpu.memory_space<vmem>>
    tpu.enqueue_dma source(%dma_start3A_46 : memref<256x128xf32, #tpu.memory_space<vmem>>) target(%dma_start3A_42 : memref<256x128xf32, #tpu.memory_space<hbm>>) target_semaphore(%arg8 : memref<!tpu.dma_semaphore, #tpu.memory_space<semaphore_mem>>)
    %dma_start3A_47 = arith.constant 2 : i32
    %dma_start3A_48 = arith.constant 0 : i32
    %dma_start3A_49 = arith.constant 0 : i32
    %dma_start3A_50 = tpu.memref_slice %arg6[%dma_start3A_47, %dma_start3A_48, %dma_start3A_49] : memref<3x256x128xf32, #tpu.memory_space<vmem>> -> memref<1x256x128xf32, #tpu.memory_space<vmem>>
    %dma_start3A_51 = tpu.memref_squeeze %dma_start3A_50 : memref<1x256x128xf32, #tpu.memory_space<vmem>> -> memref<256x128xf32, #tpu.memory_space<vmem>>
    %dma_start3A_52 = arith.constant 512 : i32
    %dma_start3A_53 = tpu.memref_slice %arg5[%dma_start3A_52] : memref<2560xi32, #tpu.memory_space<vmem>> -> memref<256xi32, #tpu.memory_space<vmem>>
    %dma_start3A_54 = arith.constant 0 : i32
    %dma_start3A_55 = arith.constant 0 : i32
    %dma_start3A_56 = tpu.memref_slice %arg2[%dma_start3A_54, %dma_start3A_55] : memref<10240x128xf32, #tpu.memory_space<hbm>> -> memref<10240x128xf32, #tpu.memory_space<hbm>>
    tpu.enqueue_indirect_dma source(%dma_start3A_56 : memref<10240x128xf32, #tpu.memory_space<hbm>>) target(%dma_start3A_51 : memref<256x128xf32, #tpu.memory_space<vmem>>) offsets(%dma_start3A_53 : memref<256xi32, #tpu.memory_space<vmem>>) semaphore(%arg7 : memref<!tpu.dma_semaphore, #tpu.memory_space<semaphore_mem>>)
    %dma_wait3A_57 = arith.constant 1 : i32
    %dma_wait3A_58 = arith.constant 0 : i32
    %dma_wait3A_59 = arith.constant 0 : i32
    %dma_wait3A_60 = tpu.memref_slice %arg6[%dma_wait3A_57, %dma_wait3A_58, %dma_wait3A_59] : memref<3x256x128xf32, #tpu.memory_space<vmem>> -> memref<1x256x128xf32, #tpu.memory_space<vmem>>
    %dma_wait3A_61 = tpu.memref_squeeze %dma_wait3A_60 : memref<1x256x128xf32, #tpu.memory_space<vmem>> -> memref<256x128xf32, #tpu.memory_space<vmem>>
    %dma_wait3A_62 = arith.constant 256 : i32
    %dma_wait3A_63 = tpu.memref_slice %arg5[%dma_wait3A_62] : memref<2560xi32, #tpu.memory_space<vmem>> -> memref<256xi32, #tpu.memory_space<vmem>>
    %dma_wait3A_64 = arith.constant 0 : i32
    %dma_wait3A_65 = arith.constant 0 : i32
    %dma_wait3A_66 = tpu.memref_slice %arg2[%dma_wait3A_64, %dma_wait3A_65] : memref<10240x128xf32, #tpu.memory_space<hbm>> -> memref<10240x128xf32, #tpu.memory_space<hbm>>
    tpu.wait_indirect_dma semaphore(%arg7 : memref<!tpu.dma_semaphore, #tpu.memory_space<semaphore_mem>>) src(%dma_wait3A_66 : memref<10240x128xf32, #tpu.memory_space<hbm>>) dst(%dma_wait3A_61 : memref<256x128xf32, #tpu.memory_space<vmem>>)
    %add3A_67 = arith.constant 256 : i32
    %add3A_68 = arith.addi %mul3A_2, %add3A_67 : i32
    %multiple_of3A_69 = tpu.assume_multiple %add3A_68, 8 : i32
    %dma_start3A_70 = arith.constant 1 : i32
    %dma_start3A_71 = arith.constant 0 : i32
    %dma_start3A_72 = arith.constant 0 : i32
    %dma_start3A_73 = tpu.memref_slice %arg6[%dma_start3A_70, %dma_start3A_71, %dma_start3A_72] : memref<3x256x128xf32, #tpu.memory_space<vmem>> -> memref<1x256x128xf32, #tpu.memory_space<vmem>>
    %dma_start3A_74 = tpu.memref_squeeze %dma_start3A_73 : memref<1x256x128xf32, #tpu.memory_space<vmem>> -> memref<256x128xf32, #tpu.memory_space<vmem>>
    %dma_start3A_75 = arith.constant 0 : i32
    %dma_start3A_76 = tpu.memref_slice %arg4[%multiple_of3A_69, %dma_start3A_75] : memref<81920x128xf32, #tpu.memory_space<hbm>> -> memref<256x128xf32, #tpu.memory_space<hbm>>
    %dma_start3A_77 = arith.constant 0 : i32
    %dma_start3A_78 = tpu.memref_slice %arg4[%multiple_of3A_69, %dma_start3A_77] : memref<81920x128xf32, #tpu.memory_space<hbm>> -> memref<256x128xf32, #tpu.memory_space<hbm>>
    %dma_start3A_79 = arith.constant 0 : i32
    %dma_start3A_80 = arith.constant 0 : i32
    %dma_start3A_81 = tpu.memref_slice %arg6[%dma_start3A_70, %dma_start3A_79, %dma_start3A_80] : memref<3x256x128xf32, #tpu.memory_space<vmem>> -> memref<1x256x128xf32, #tpu.memory_space<vmem>>
    %dma_start3A_82 = tpu.memref_squeeze %dma_start3A_81 : memref<1x256x128xf32, #tpu.memory_space<vmem>> -> memref<256x128xf32, #tpu.memory_space<vmem>>
    tpu.enqueue_dma source(%dma_start3A_82 : memref<256x128xf32, #tpu.memory_space<vmem>>) target(%dma_start3A_78 : memref<256x128xf32, #tpu.memory_space<hbm>>) target_semaphore(%arg9 : memref<!tpu.dma_semaphore, #tpu.memory_space<semaphore_mem>>)
    %add3A_83 = arith.constant 0 : i32
    %add3A_84 = arith.addi %mul3A_2, %add3A_83 : i32
    %multiple_of3A_85 = tpu.assume_multiple %add3A_84, 8 : i32
    %dma_wait3A_86 = arith.constant 0 : i32
    %dma_wait3A_87 = arith.constant 0 : i32
    %dma_wait3A_88 = arith.constant 0 : i32
    %dma_wait3A_89 = tpu.memref_slice %arg6[%dma_wait3A_86, %dma_wait3A_87, %dma_wait3A_88] : memref<3x256x128xf32, #tpu.memory_space<vmem>> -> memref<1x256x128xf32, #tpu.memory_space<vmem>>
    %dma_wait3A_90 = tpu.memref_squeeze %dma_wait3A_89 : memref<1x256x128xf32, #tpu.memory_space<vmem>> -> memref<256x128xf32, #tpu.memory_space<vmem>>
    %dma_wait3A_91 = arith.constant 0 : i32
    %dma_wait3A_92 = tpu.memref_slice %arg4[%multiple_of3A_85, %dma_wait3A_91] : memref<81920x128xf32, #tpu.memory_space<hbm>> -> memref<256x128xf32, #tpu.memory_space<hbm>>
    %dma_wait3A_93 = arith.constant 0 : i32
    %dma_wait3A_94 = tpu.memref_slice %arg4[%multiple_of3A_85, %dma_wait3A_93] : memref<81920x128xf32, #tpu.memory_space<hbm>> -> memref<256x128xf32, #tpu.memory_space<hbm>>
    %dma_wait3A_95 = arith.constant 0 : i32
    %dma_wait3A_96 = arith.constant 0 : i32
    %dma_wait3A_97 = tpu.memref_slice %arg6[%dma_wait3A_86, %dma_wait3A_95, %dma_wait3A_96] : memref<3x256x128xf32, #tpu.memory_space<vmem>> -> memref<1x256x128xf32, #tpu.memory_space<vmem>>
    %dma_wait3A_98 = tpu.memref_squeeze %dma_wait3A_97 : memref<1x256x128xf32, #tpu.memory_space<vmem>> -> memref<256x128xf32, #tpu.memory_space<vmem>>
    tpu.wait_dma2 semaphore(%arg8 : memref<!tpu.dma_semaphore, #tpu.memory_space<semaphore_mem>>) src(%dma_wait3A_98 : memref<256x128xf32, #tpu.memory_space<vmem>>) dst(%dma_wait3A_94 : memref<256x128xf32, #tpu.memory_space<hbm>>)
    %dma_start3A_99 = arith.constant 0 : i32
    %dma_start3A_100 = arith.constant 0 : i32
    %dma_start3A_101 = arith.constant 0 : i32
    %dma_start3A_102 = tpu.memref_slice %arg6[%dma_start3A_99, %dma_start3A_100, %dma_start3A_101] : memref<3x256x128xf32, #tpu.memory_space<vmem>> -> memref<1x256x128xf32, #tpu.memory_space<vmem>>
    %dma_start3A_103 = tpu.memref_squeeze %dma_start3A_102 : memref<1x256x128xf32, #tpu.memory_space<vmem>> -> memref<256x128xf32, #tpu.memory_space<vmem>>
    %dma_start3A_104 = arith.constant 768 : i32
    %dma_start3A_105 = tpu.memref_slice %arg5[%dma_start3A_104] : memref<2560xi32, #tpu.memory_space<vmem>> -> memref<256xi32, #tpu.memory_space<vmem>>
    %dma_start3A_106 = arith.constant 0 : i32
    %dma_start3A_107 = arith.constant 0 : i32
    %dma_start3A_108 = tpu.memref_slice %arg2[%dma_start3A_106, %dma_start3A_107] : memref<10240x128xf32, #tpu.memory_space<hbm>> -> memref<10240x128xf32, #tpu.memory_space<hbm>>
    tpu.enqueue_indirect_dma source(%dma_start3A_108 : memref<10240x128xf32, #tpu.memory_space<hbm>>) target(%dma_start3A_103 : memref<256x128xf32, #tpu.memory_space<vmem>>) offsets(%dma_start3A_105 : memref<256xi32, #tpu.memory_space<vmem>>) semaphore(%arg7 : memref<!tpu.dma_semaphore, #tpu.memory_space<semaphore_mem>>)
    %dma_wait3A_109 = arith.constant 2 : i32
    %dma_wait3A_110 = arith.constant 0 : i32
    %dma_wait3A_111 = arith.constant 0 : i32
    %dma_wait3A_112 = tpu.memref_slice %arg6[%dma_wait3A_109, %dma_wait3A_110, %dma_wait3A_111] : memref<3x256x128xf32, #tpu.memory_space<vmem>> -> memref<1x256x128xf32, #tpu.memory_space<vmem>>
    %dma_wait3A_113 = tpu.memref_squeeze %dma_wait3A_112 : memref<1x256x128xf32, #tpu.memory_space<vmem>> -> memref<256x128xf32, #tpu.memory_space<vmem>>
    %dma_wait3A_114 = arith.constant 512 : i32
    %dma_wait3A_115 = tpu.memref_slice %arg5[%dma_wait3A_114] : memref<2560xi32, #tpu.memory_space<vmem>> -> memref<256xi32, #tpu.memory_space<vmem>>
    %dma_wait3A_116 = arith.constant 0 : i32
    %dma_wait3A_117 = arith.constant 0 : i32
    %dma_wait3A_118 = tpu.memref_slice %arg2[%dma_wait3A_116, %dma_wait3A_117] : memref<10240x128xf32, #tpu.memory_space<hbm>> -> memref<10240x128xf32, #tpu.memory_space<hbm>>
    tpu.wait_indirect_dma semaphore(%arg7 : memref<!tpu.dma_semaphore, #tpu.memory_space<semaphore_mem>>) src(%dma_wait3A_118 : memref<10240x128xf32, #tpu.memory_space<hbm>>) dst(%dma_wait3A_113 : memref<256x128xf32, #tpu.memory_space<vmem>>)
    %add3A_119 = arith.constant 512 : i32
    %add3A_120 = arith.addi %mul3A_2, %add3A_119 : i32
    %multiple_of3A_121 = tpu.assume_multiple %add3A_120, 8 : i32
    %dma_start3A_122 = arith.constant 2 : i32
    %dma_start3A_123 = arith.constant 0 : i32
    %dma_start3A_124 = arith.constant 0 : i32
    %dma_start3A_125 = tpu.memref_slice %arg6[%dma_start3A_122, %dma_start3A_123, %dma_start3A_124] : memref<3x256x128xf32, #tpu.memory_space<vmem>> -> memref<1x256x128xf32, #tpu.memory_space<vmem>>
    %dma_start3A_126 = tpu.memref_squeeze %dma_start3A_125 : memref<1x256x128xf32, #tpu.memory_space<vmem>> -> memref<256x128xf32, #tpu.memory_space<vmem>>
    %dma_start3A_127 = arith.constant 0 : i32
    %dma_start3A_128 = tpu.memref_slice %arg4[%multiple_of3A_121, %dma_start3A_127] : memref<81920x128xf32, #tpu.memory_space<hbm>> -> memref<256x128xf32, #tpu.memory_space<hbm>>
    %dma_start3A_129 = arith.constant 0 : i32
    %dma_start3A_130 = tpu.memref_slice %arg4[%multiple_of3A_121, %dma_start3A_129] : memref<81920x128xf32, #tpu.memory_space<hbm>> -> memref<256x128xf32, #tpu.memory_space<hbm>>
    %dma_start3A_131 = arith.constant 0 : i32
    %dma_start3A_132 = arith.constant 0 : i32
    %dma_start3A_133 = tpu.memref_slice %arg6[%dma_start3A_122, %dma_start3A_131, %dma_start3A_132] : memref<3x256x128xf32, #tpu.memory_space<vmem>> -> memref<1x256x128xf32, #tpu.memory_space<vmem>>
    %dma_start3A_134 = tpu.memref_squeeze %dma_start3A_133 : memref<1x256x128xf32, #tpu.memory_space<vmem>> -> memref<256x128xf32, #tpu.memory_space<vmem>>
    tpu.enqueue_dma source(%dma_start3A_134 : memref<256x128xf32, #tpu.memory_space<vmem>>) target(%dma_start3A_130 : memref<256x128xf32, #tpu.memory_space<hbm>>) target_semaphore(%arg10 : memref<!tpu.dma_semaphore, #tpu.memory_space<semaphore_mem>>)
    %add3A_135 = arith.constant 256 : i32
    %add3A_136 = arith.addi %mul3A_2, %add3A_135 : i32
    %multiple_of3A_137 = tpu.assume_multiple %add3A_136, 8 : i32
    %dma_wait3A_138 = arith.constant 1 : i32
    %dma_wait3A_139 = arith.constant 0 : i32
    %dma_wait3A_140 = arith.constant 0 : i32
    %dma_wait3A_141 = tpu.memref_slice %arg6[%dma_wait3A_138, %dma_wait3A_139, %dma_wait3A_140] : memref<3x256x128xf32, #tpu.memory_space<vmem>> -> memref<1x256x128xf32, #tpu.memory_space<vmem>>
    %dma_wait3A_142 = tpu.memref_squeeze %dma_wait3A_141 : memref<1x256x128xf32, #tpu.memory_space<vmem>> -> memref<256x128xf32, #tpu.memory_space<vmem>>
    %dma_wait3A_143 = arith.constant 0 : i32
    %dma_wait3A_144 = tpu.memref_slice %arg4[%multiple_of3A_137, %dma_wait3A_143] : memref<81920x128xf32, #tpu.memory_space<hbm>> -> memref<256x128xf32, #tpu.memory_space<hbm>>
    %dma_wait3A_145 = arith.constant 0 : i32
    %dma_wait3A_146 = tpu.memref_slice %arg4[%multiple_of3A_137, %dma_wait3A_145] : memref<81920x128xf32, #tpu.memory_space<hbm>> -> memref<256x128xf32, #tpu.memory_space<hbm>>
    %dma_wait3A_147 = arith.constant 0 : i32
    %dma_wait3A_148 = arith.constant 0 : i32
    %dma_wait3A_149 = tpu.memref_slice %arg6[%dma_wait3A_138, %dma_wait3A_147, %dma_wait3A_148] : memref<3x256x128xf32, #tpu.memory_space<vmem>> -> memref<1x256x128xf32, #tpu.memory_space<vmem>>
    %dma_wait3A_150 = tpu.memref_squeeze %dma_wait3A_149 : memref<1x256x128xf32, #tpu.memory_space<vmem>> -> memref<256x128xf32, #tpu.memory_space<vmem>>
    tpu.wait_dma2 semaphore(%arg9 : memref<!tpu.dma_semaphore, #tpu.memory_space<semaphore_mem>>) src(%dma_wait3A_150 : memref<256x128xf32, #tpu.memory_space<vmem>>) dst(%dma_wait3A_146 : memref<256x128xf32, #tpu.memory_space<hbm>>)
    %dma_start3A_151 = arith.constant 1 : i32
    %dma_start3A_152 = arith.constant 0 : i32
    %dma_start3A_153 = arith.constant 0 : i32
    %dma_start3A_154 = tpu.memref_slice %arg6[%dma_start3A_151, %dma_start3A_152, %dma_start3A_153] : memref<3x256x128xf32, #tpu.memory_space<vmem>> -> memref<1x256x128xf32, #tpu.memory_space<vmem>>
    %dma_start3A_155 = tpu.memref_squeeze %dma_start3A_154 : memref<1x256x128xf32, #tpu.memory_space<vmem>> -> memref<256x128xf32, #tpu.memory_space<vmem>>
    %dma_start3A_156 = arith.constant 1024 : i32
    %dma_start3A_157 = tpu.memref_slice %arg5[%dma_start3A_156] : memref<2560xi32, #tpu.memory_space<vmem>> -> memref<256xi32, #tpu.memory_space<vmem>>
    %dma_start3A_158 = arith.constant 0 : i32
    %dma_start3A_159 = arith.constant 0 : i32
    %dma_start3A_160 = tpu.memref_slice %arg2[%dma_start3A_158, %dma_start3A_159] : memref<10240x128xf32, #tpu.memory_space<hbm>> -> memref<10240x128xf32, #tpu.memory_space<hbm>>
    tpu.enqueue_indirect_dma source(%dma_start3A_160 : memref<10240x128xf32, #tpu.memory_space<hbm>>) target(%dma_start3A_155 : memref<256x128xf32, #tpu.memory_space<vmem>>) offsets(%dma_start3A_157 : memref<256xi32, #tpu.memory_space<vmem>>) semaphore(%arg7 : memref<!tpu.dma_semaphore, #tpu.memory_space<semaphore_mem>>)
    %dma_wait3A_161 = arith.constant 0 : i32
    %dma_wait3A_162 = arith.constant 0 : i32
    %dma_wait3A_163 = arith.constant 0 : i32
    %dma_wait3A_164 = tpu.memref_slice %arg6[%dma_wait3A_161, %dma_wait3A_162, %dma_wait3A_163] : memref<3x256x128xf32, #tpu.memory_space<vmem>> -> memref<1x256x128xf32, #tpu.memory_space<vmem>>
    %dma_wait3A_165 = tpu.memref_squeeze %dma_wait3A_164 : memref<1x256x128xf32, #tpu.memory_space<vmem>> -> memref<256x128xf32, #tpu.memory_space<vmem>>
    %dma_wait3A_166 = arith.constant 768 : i32
    %dma_wait3A_167 = tpu.memref_slice %arg5[%dma_wait3A_166] : memref<2560xi32, #tpu.memory_space<vmem>> -> memref<256xi32, #tpu.memory_space<vmem>>
    %dma_wait3A_168 = arith.constant 0 : i32
    %dma_wait3A_169 = arith.constant 0 : i32
    %dma_wait3A_170 = tpu.memref_slice %arg2[%dma_wait3A_168, %dma_wait3A_169] : memref<10240x128xf32, #tpu.memory_space<hbm>> -> memref<10240x128xf32, #tpu.memory_space<hbm>>
    tpu.wait_indirect_dma semaphore(%arg7 : memref<!tpu.dma_semaphore, #tpu.memory_space<semaphore_mem>>) src(%dma_wait3A_170 : memref<10240x128xf32, #tpu.memory_space<hbm>>) dst(%dma_wait3A_165 : memref<256x128xf32, #tpu.memory_space<vmem>>)
    %add3A_171 = arith.constant 768 : i32
    %add3A_172 = arith.addi %mul3A_2, %add3A_171 : i32
    %multiple_of3A_173 = tpu.assume_multiple %add3A_172, 8 : i32
    %dma_start3A_174 = arith.constant 0 : i32
    %dma_start3A_175 = arith.constant 0 : i32
    %dma_start3A_176 = arith.constant 0 : i32
    %dma_start3A_177 = tpu.memref_slice %arg6[%dma_start3A_174, %dma_start3A_175, %dma_start3A_176] : memref<3x256x128xf32, #tpu.memory_space<vmem>> -> memref<1x256x128xf32, #tpu.memory_space<vmem>>
    %dma_start3A_178 = tpu.memref_squeeze %dma_start3A_177 : memref<1x256x128xf32, #tpu.memory_space<vmem>> -> memref<256x128xf32, #tpu.memory_space<vmem>>
    %dma_start3A_179 = arith.constant 0 : i32
    %dma_start3A_180 = tpu.memref_slice %arg4[%multiple_of3A_173, %dma_start3A_179] : memref<81920x128xf32, #tpu.memory_space<hbm>> -> memref<256x128xf32, #tpu.memory_space<hbm>>
    %dma_start3A_181 = arith.constant 0 : i32
    %dma_start3A_182 = tpu.memref_slice %arg4[%multiple_of3A_173, %dma_start3A_181] : memref<81920x128xf32, #tpu.memory_space<hbm>> -> memref<256x128xf32, #tpu.memory_space<hbm>>
    %dma_start3A_183 = arith.constant 0 : i32
    %dma_start3A_184 = arith.constant 0 : i32
    %dma_start3A_185 = tpu.memref_slice %arg6[%dma_start3A_174, %dma_start3A_183, %dma_start3A_184] : memref<3x256x128xf32, #tpu.memory_space<vmem>> -> memref<1x256x128xf32, #tpu.memory_space<vmem>>
    %dma_start3A_186 = tpu.memref_squeeze %dma_start3A_185 : memref<1x256x128xf32, #tpu.memory_space<vmem>> -> memref<256x128xf32, #tpu.memory_space<vmem>>
    tpu.enqueue_dma source(%dma_start3A_186 : memref<256x128xf32, #tpu.memory_space<vmem>>) target(%dma_start3A_182 : memref<256x128xf32, #tpu.memory_space<hbm>>) target_semaphore(%arg8 : memref<!tpu.dma_semaphore, #tpu.memory_space<semaphore_mem>>)
    %add3A_187 = arith.constant 512 : i32
    %add3A_188 = arith.addi %mul3A_2, %add3A_187 : i32
    %multiple_of3A_189 = tpu.assume_multiple %add3A_188, 8 : i32
    %dma_wait3A_190 = arith.constant 2 : i32
    %dma_wait3A_191 = arith.constant 0 : i32
    %dma_wait3A_192 = arith.constant 0 : i32
    %dma_wait3A_193 = tpu.memref_slice %arg6[%dma_wait3A_190, %dma_wait3A_191, %dma_wait3A_192] : memref<3x256x128xf32, #tpu.memory_space<vmem>> -> memref<1x256x128xf32, #tpu.memory_space<vmem>>
    %dma_wait3A_194 = tpu.memref_squeeze %dma_wait3A_193 : memref<1x256x128xf32, #tpu.memory_space<vmem>> -> memref<256x128xf32, #tpu.memory_space<vmem>>
    %dma_wait3A_195 = arith.constant 0 : i32
    %dma_wait3A_196 = tpu.memref_slice %arg4[%multiple_of3A_189, %dma_wait3A_195] : memref<81920x128xf32, #tpu.memory_space<hbm>> -> memref<256x128xf32, #tpu.memory_space<hbm>>
    %dma_wait3A_197 = arith.constant 0 : i32
    %dma_wait3A_198 = tpu.memref_slice %arg4[%multiple_of3A_189, %dma_wait3A_197] : memref<81920x128xf32, #tpu.memory_space<hbm>> -> memref<256x128xf32, #tpu.memory_space<hbm>>
    %dma_wait3A_199 = arith.constant 0 : i32
    %dma_wait3A_200 = arith.constant 0 : i32
    %dma_wait3A_201 = tpu.memref_slice %arg6[%dma_wait3A_190, %dma_wait3A_199, %dma_wait3A_200] : memref<3x256x128xf32, #tpu.memory_space<vmem>> -> memref<1x256x128xf32, #tpu.memory_space<vmem>>
    %dma_wait3A_202 = tpu.memref_squeeze %dma_wait3A_201 : memref<1x256x128xf32, #tpu.memory_space<vmem>> -> memref<256x128xf32, #tpu.memory_space<vmem>>
    tpu.wait_dma2 semaphore(%arg10 : memref<!tpu.dma_semaphore, #tpu.memory_space<semaphore_mem>>) src(%dma_wait3A_202 : memref<256x128xf32, #tpu.memory_space<vmem>>) dst(%dma_wait3A_198 : memref<256x128xf32, #tpu.memory_space<hbm>>)
    %dma_start3A_203 = arith.constant 2 : i32
    %dma_start3A_204 = arith.constant 0 : i32
    %dma_start3A_205 = arith.constant 0 : i32
    %dma_start3A_206 = tpu.memref_slice %arg6[%dma_start3A_203, %dma_start3A_204, %dma_start3A_205] : memref<3x256x128xf32, #tpu.memory_space<vmem>> -> memref<1x256x128xf32, #tpu.memory_space<vmem>>
    %dma_start3A_207 = tpu.memref_squeeze %dma_start3A_206 : memref<1x256x128xf32, #tpu.memory_space<vmem>> -> memref<256x128xf32, #tpu.memory_space<vmem>>
    %dma_start3A_208 = arith.constant 1280 : i32
    %dma_start3A_209 = tpu.memref_slice %arg5[%dma_start3A_208] : memref<2560xi32, #tpu.memory_space<vmem>> -> memref<256xi32, #tpu.memory_space<vmem>>
    %dma_start3A_210 = arith.constant 0 : i32
    %dma_start3A_211 = arith.constant 0 : i32
    %dma_start3A_212 = tpu.memref_slice %arg2[%dma_start3A_210, %dma_start3A_211] : memref<10240x128xf32, #tpu.memory_space<hbm>> -> memref<10240x128xf32, #tpu.memory_space<hbm>>
    tpu.enqueue_indirect_dma source(%dma_start3A_212 : memref<10240x128xf32, #tpu.memory_space<hbm>>) target(%dma_start3A_207 : memref<256x128xf32, #tpu.memory_space<vmem>>) offsets(%dma_start3A_209 : memref<256xi32, #tpu.memory_space<vmem>>) semaphore(%arg7 : memref<!tpu.dma_semaphore, #tpu.memory_space<semaphore_mem>>)
    %dma_wait3A_213 = arith.constant 1 : i32
    %dma_wait3A_214 = arith.constant 0 : i32
    %dma_wait3A_215 = arith.constant 0 : i32
    %dma_wait3A_216 = tpu.memref_slice %arg6[%dma_wait3A_213, %dma_wait3A_214, %dma_wait3A_215] : memref<3x256x128xf32, #tpu.memory_space<vmem>> -> memref<1x256x128xf32, #tpu.memory_space<vmem>>
    %dma_wait3A_217 = tpu.memref_squeeze %dma_wait3A_216 : memref<1x256x128xf32, #tpu.memory_space<vmem>> -> memref<256x128xf32, #tpu.memory_space<vmem>>
    %dma_wait3A_218 = arith.constant 1024 : i32
    %dma_wait3A_219 = tpu.memref_slice %arg5[%dma_wait3A_218] : memref<2560xi32, #tpu.memory_space<vmem>> -> memref<256xi32, #tpu.memory_space<vmem>>
    %dma_wait3A_220 = arith.constant 0 : i32
    %dma_wait3A_221 = arith.constant 0 : i32
    %dma_wait3A_222 = tpu.memref_slice %arg2[%dma_wait3A_220, %dma_wait3A_221] : memref<10240x128xf32, #tpu.memory_space<hbm>> -> memref<10240x128xf32, #tpu.memory_space<hbm>>
    tpu.wait_indirect_dma semaphore(%arg7 : memref<!tpu.dma_semaphore, #tpu.memory_space<semaphore_mem>>) src(%dma_wait3A_222 : memref<10240x128xf32, #tpu.memory_space<hbm>>) dst(%dma_wait3A_217 : memref<256x128xf32, #tpu.memory_space<vmem>>)
    %add3A_223 = arith.constant 1024 : i32
    %add3A_224 = arith.addi %mul3A_2, %add3A_223 : i32
    %multiple_of3A_225 = tpu.assume_multiple %add3A_224, 8 : i32
    %dma_start3A_226 = arith.constant 1 : i32
    %dma_start3A_227 = arith.constant 0 : i32
    %dma_start3A_228 = arith.constant 0 : i32
    %dma_start3A_229 = tpu.memref_slice %arg6[%dma_start3A_226, %dma_start3A_227, %dma_start3A_228] : memref<3x256x128xf32, #tpu.memory_space<vmem>> -> memref<1x256x128xf32, #tpu.memory_space<vmem>>
    %dma_start3A_230 = tpu.memref_squeeze %dma_start3A_229 : memref<1x256x128xf32, #tpu.memory_space<vmem>> -> memref<256x128xf32, #tpu.memory_space<vmem>>
    %dma_start3A_231 = arith.constant 0 : i32
    %dma_start3A_232 = tpu.memref_slice %arg4[%multiple_of3A_225, %dma_start3A_231] : memref<81920x128xf32, #tpu.memory_space<hbm>> -> memref<256x128xf32, #tpu.memory_space<hbm>>
    %dma_start3A_233 = arith.constant 0 : i32
    %dma_start3A_234 = tpu.memref_slice %arg4[%multiple_of3A_225, %dma_start3A_233] : memref<81920x128xf32, #tpu.memory_space<hbm>> -> memref<256x128xf32, #tpu.memory_space<hbm>>
    %dma_start3A_235 = arith.constant 0 : i32
    %dma_start3A_236 = arith.constant 0 : i32
    %dma_start3A_237 = tpu.memref_slice %arg6[%dma_start3A_226, %dma_start3A_235, %dma_start3A_236] : memref<3x256x128xf32, #tpu.memory_space<vmem>> -> memref<1x256x128xf32, #tpu.memory_space<vmem>>
    %dma_start3A_238 = tpu.memref_squeeze %dma_start3A_237 : memref<1x256x128xf32, #tpu.memory_space<vmem>> -> memref<256x128xf32, #tpu.memory_space<vmem>>
    tpu.enqueue_dma source(%dma_start3A_238 : memref<256x128xf32, #tpu.memory_space<vmem>>) target(%dma_start3A_234 : memref<256x128xf32, #tpu.memory_space<hbm>>) target_semaphore(%arg9 : memref<!tpu.dma_semaphore, #tpu.memory_space<semaphore_mem>>)
    %add3A_239 = arith.constant 768 : i32
    %add3A_240 = arith.addi %mul3A_2, %add3A_239 : i32
    %multiple_of3A_241 = tpu.assume_multiple %add3A_240, 8 : i32
    %dma_wait3A_242 = arith.constant 0 : i32
    %dma_wait3A_243 = arith.constant 0 : i32
    %dma_wait3A_244 = arith.constant 0 : i32
    %dma_wait3A_245 = tpu.memref_slice %arg6[%dma_wait3A_242, %dma_wait3A_243, %dma_wait3A_244] : memref<3x256x128xf32, #tpu.memory_space<vmem>> -> memref<1x256x128xf32, #tpu.memory_space<vmem>>
    %dma_wait3A_246 = tpu.memref_squeeze %dma_wait3A_245 : memref<1x256x128xf32, #tpu.memory_space<vmem>> -> memref<256x128xf32, #tpu.memory_space<vmem>>
    %dma_wait3A_247 = arith.constant 0 : i32
    %dma_wait3A_248 = tpu.memref_slice %arg4[%multiple_of3A_241, %dma_wait3A_247] : memref<81920x128xf32, #tpu.memory_space<hbm>> -> memref<256x128xf32, #tpu.memory_space<hbm>>
    %dma_wait3A_249 = arith.constant 0 : i32
    %dma_wait3A_250 = tpu.memref_slice %arg4[%multiple_of3A_241, %dma_wait3A_249] : memref<81920x128xf32, #tpu.memory_space<hbm>> -> memref<256x128xf32, #tpu.memory_space<hbm>>
    %dma_wait3A_251 = arith.constant 0 : i32
    %dma_wait3A_252 = arith.constant 0 : i32
    %dma_wait3A_253 = tpu.memref_slice %arg6[%dma_wait3A_242, %dma_wait3A_251, %dma_wait3A_252] : memref<3x256x128xf32, #tpu.memory_space<vmem>> -> memref<1x256x128xf32, #tpu.memory_space<vmem>>
    %dma_wait3A_254 = tpu.memref_squeeze %dma_wait3A_253 : memref<1x256x128xf32, #tpu.memory_space<vmem>> -> memref<256x128xf32, #tpu.memory_space<vmem>>
    tpu.wait_dma2 semaphore(%arg8 : memref<!tpu.dma_semaphore, #tpu.memory_space<semaphore_mem>>) src(%dma_wait3A_254 : memref<256x128xf32, #tpu.memory_space<vmem>>) dst(%dma_wait3A_250 : memref<256x128xf32, #tpu.memory_space<hbm>>)
    %dma_start3A_255 = arith.constant 0 : i32
    %dma_start3A_256 = arith.constant 0 : i32
    %dma_start3A_257 = arith.constant 0 : i32
    %dma_start3A_258 = tpu.memref_slice %arg6[%dma_start3A_255, %dma_start3A_256, %dma_start3A_257] : memref<3x256x128xf32, #tpu.memory_space<vmem>> -> memref<1x256x128xf32, #tpu.memory_space<vmem>>
    %dma_start3A_259 = tpu.memref_squeeze %dma_start3A_258 : memref<1x256x128xf32, #tpu.memory_space<vmem>> -> memref<256x128xf32, #tpu.memory_space<vmem>>
    %dma_start3A_260 = arith.constant 1536 : i32
    %dma_start3A_261 = tpu.memref_slice %arg5[%dma_start3A_260] : memref<2560xi32, #tpu.memory_space<vmem>> -> memref<256xi32, #tpu.memory_space<vmem>>
    %dma_start3A_262 = arith.constant 0 : i32
    %dma_start3A_263 = arith.constant 0 : i32
    %dma_start3A_264 = tpu.memref_slice %arg2[%dma_start3A_262, %dma_start3A_263] : memref<10240x128xf32, #tpu.memory_space<hbm>> -> memref<10240x128xf32, #tpu.memory_space<hbm>>
    tpu.enqueue_indirect_dma source(%dma_start3A_264 : memref<10240x128xf32, #tpu.memory_space<hbm>>) target(%dma_start3A_259 : memref<256x128xf32, #tpu.memory_space<vmem>>) offsets(%dma_start3A_261 : memref<256xi32, #tpu.memory_space<vmem>>) semaphore(%arg7 : memref<!tpu.dma_semaphore, #tpu.memory_space<semaphore_mem>>)
    %dma_wait3A_265 = arith.constant 2 : i32
    %dma_wait3A_266 = arith.constant 0 : i32
    %dma_wait3A_267 = arith.constant 0 : i32
    %dma_wait3A_268 = tpu.memref_slice %arg6[%dma_wait3A_265, %dma_wait3A_266, %dma_wait3A_267] : memref<3x256x128xf32, #tpu.memory_space<vmem>> -> memref<1x256x128xf32, #tpu.memory_space<vmem>>
    %dma_wait3A_269 = tpu.memref_squeeze %dma_wait3A_268 : memref<1x256x128xf32, #tpu.memory_space<vmem>> -> memref<256x128xf32, #tpu.memory_space<vmem>>
    %dma_wait3A_270 = arith.constant 1280 : i32
    %dma_wait3A_271 = tpu.memref_slice %arg5[%dma_wait3A_270] : memref<2560xi32, #tpu.memory_space<vmem>> -> memref<256xi32, #tpu.memory_space<vmem>>
    %dma_wait3A_272 = arith.constant 0 : i32
    %dma_wait3A_273 = arith.constant 0 : i32
    %dma_wait3A_274 = tpu.memref_slice %arg2[%dma_wait3A_272, %dma_wait3A_273] : memref<10240x128xf32, #tpu.memory_space<hbm>> -> memref<10240x128xf32, #tpu.memory_space<hbm>>
    tpu.wait_indirect_dma semaphore(%arg7 : memref<!tpu.dma_semaphore, #tpu.memory_space<semaphore_mem>>) src(%dma_wait3A_274 : memref<10240x128xf32, #tpu.memory_space<hbm>>) dst(%dma_wait3A_269 : memref<256x128xf32, #tpu.memory_space<vmem>>)
    %add3A_275 = arith.constant 1280 : i32
    %add3A_276 = arith.addi %mul3A_2, %add3A_275 : i32
    %multiple_of3A_277 = tpu.assume_multiple %add3A_276, 8 : i32
    %dma_start3A_278 = arith.constant 2 : i32
    %dma_start3A_279 = arith.constant 0 : i32
    %dma_start3A_280 = arith.constant 0 : i32
    %dma_start3A_281 = tpu.memref_slice %arg6[%dma_start3A_278, %dma_start3A_279, %dma_start3A_280] : memref<3x256x128xf32, #tpu.memory_space<vmem>> -> memref<1x256x128xf32, #tpu.memory_space<vmem>>
    %dma_start3A_282 = tpu.memref_squeeze %dma_start3A_281 : memref<1x256x128xf32, #tpu.memory_space<vmem>> -> memref<256x128xf32, #tpu.memory_space<vmem>>
    %dma_start3A_283 = arith.constant 0 : i32
    %dma_start3A_284 = tpu.memref_slice %arg4[%multiple_of3A_277, %dma_start3A_283] : memref<81920x128xf32, #tpu.memory_space<hbm>> -> memref<256x128xf32, #tpu.memory_space<hbm>>
    %dma_start3A_285 = arith.constant 0 : i32
    %dma_start3A_286 = tpu.memref_slice %arg4[%multiple_of3A_277, %dma_start3A_285] : memref<81920x128xf32, #tpu.memory_space<hbm>> -> memref<256x128xf32, #tpu.memory_space<hbm>>
    %dma_start3A_287 = arith.constant 0 : i32
    %dma_start3A_288 = arith.constant 0 : i32
    %dma_start3A_289 = tpu.memref_slice %arg6[%dma_start3A_278, %dma_start3A_287, %dma_start3A_288] : memref<3x256x128xf32, #tpu.memory_space<vmem>> -> memref<1x256x128xf32, #tpu.memory_space<vmem>>
    %dma_start3A_290 = tpu.memref_squeeze %dma_start3A_289 : memref<1x256x128xf32, #tpu.memory_space<vmem>> -> memref<256x128xf32, #tpu.memory_space<vmem>>
    tpu.enqueue_dma source(%dma_start3A_290 : memref<256x128xf32, #tpu.memory_space<vmem>>) target(%dma_start3A_286 : memref<256x128xf32, #tpu.memory_space<hbm>>) target_semaphore(%arg10 : memref<!tpu.dma_semaphore, #tpu.memory_space<semaphore_mem>>)
    %add3A_291 = arith.constant 1024 : i32
    %add3A_292 = arith.addi %mul3A_2, %add3A_291 : i32
    %multiple_of3A_293 = tpu.assume_multiple %add3A_292, 8 : i32
    %dma_wait3A_294 = arith.constant 1 : i32
    %dma_wait3A_295 = arith.constant 0 : i32
    %dma_wait3A_296 = arith.constant 0 : i32
    %dma_wait3A_297 = tpu.memref_slice %arg6[%dma_wait3A_294, %dma_wait3A_295, %dma_wait3A_296] : memref<3x256x128xf32, #tpu.memory_space<vmem>> -> memref<1x256x128xf32, #tpu.memory_space<vmem>>
    %dma_wait3A_298 = tpu.memref_squeeze %dma_wait3A_297 : memref<1x256x128xf32, #tpu.memory_space<vmem>> -> memref<256x128xf32, #tpu.memory_space<vmem>>
    %dma_wait3A_299 = arith.constant 0 : i32
    %dma_wait3A_300 = tpu.memref_slice %arg4[%multiple_of3A_293, %dma_wait3A_299] : memref<81920x128xf32, #tpu.memory_space<hbm>> -> memref<256x128xf32, #tpu.memory_space<hbm>>
    %dma_wait3A_301 = arith.constant 0 : i32
    %dma_wait3A_302 = tpu.memref_slice %arg4[%multiple_of3A_293, %dma_wait3A_301] : memref<81920x128xf32, #tpu.memory_space<hbm>> -> memref<256x128xf32, #tpu.memory_space<hbm>>
    %dma_wait3A_303 = arith.constant 0 : i32
    %dma_wait3A_304 = arith.constant 0 : i32
    %dma_wait3A_305 = tpu.memref_slice %arg6[%dma_wait3A_294, %dma_wait3A_303, %dma_wait3A_304] : memref<3x256x128xf32, #tpu.memory_space<vmem>> -> memref<1x256x128xf32, #tpu.memory_space<vmem>>
    %dma_wait3A_306 = tpu.memref_squeeze %dma_wait3A_305 : memref<1x256x128xf32, #tpu.memory_space<vmem>> -> memref<256x128xf32, #tpu.memory_space<vmem>>
    tpu.wait_dma2 semaphore(%arg9 : memref<!tpu.dma_semaphore, #tpu.memory_space<semaphore_mem>>) src(%dma_wait3A_306 : memref<256x128xf32, #tpu.memory_space<vmem>>) dst(%dma_wait3A_302 : memref<256x128xf32, #tpu.memory_space<hbm>>)
    %dma_start3A_307 = arith.constant 1 : i32
    %dma_start3A_308 = arith.constant 0 : i32
    %dma_start3A_309 = arith.constant 0 : i32
    %dma_start3A_310 = tpu.memref_slice %arg6[%dma_start3A_307, %dma_start3A_308, %dma_start3A_309] : memref<3x256x128xf32, #tpu.memory_space<vmem>> -> memref<1x256x128xf32, #tpu.memory_space<vmem>>
    %dma_start3A_311 = tpu.memref_squeeze %dma_start3A_310 : memref<1x256x128xf32, #tpu.memory_space<vmem>> -> memref<256x128xf32, #tpu.memory_space<vmem>>
    %dma_start3A_312 = arith.constant 1792 : i32
    %dma_start3A_313 = tpu.memref_slice %arg5[%dma_start3A_312] : memref<2560xi32, #tpu.memory_space<vmem>> -> memref<256xi32, #tpu.memory_space<vmem>>
    %dma_start3A_314 = arith.constant 0 : i32
    %dma_start3A_315 = arith.constant 0 : i32
    %dma_start3A_316 = tpu.memref_slice %arg2[%dma_start3A_314, %dma_start3A_315] : memref<10240x128xf32, #tpu.memory_space<hbm>> -> memref<10240x128xf32, #tpu.memory_space<hbm>>
    tpu.enqueue_indirect_dma source(%dma_start3A_316 : memref<10240x128xf32, #tpu.memory_space<hbm>>) target(%dma_start3A_311 : memref<256x128xf32, #tpu.memory_space<vmem>>) offsets(%dma_start3A_313 : memref<256xi32, #tpu.memory_space<vmem>>) semaphore(%arg7 : memref<!tpu.dma_semaphore, #tpu.memory_space<semaphore_mem>>)
    %dma_wait3A_317 = arith.constant 0 : i32
    %dma_wait3A_318 = arith.constant 0 : i32
    %dma_wait3A_319 = arith.constant 0 : i32
    %dma_wait3A_320 = tpu.memref_slice %arg6[%dma_wait3A_317, %dma_wait3A_318, %dma_wait3A_319] : memref<3x256x128xf32, #tpu.memory_space<vmem>> -> memref<1x256x128xf32, #tpu.memory_space<vmem>>
    %dma_wait3A_321 = tpu.memref_squeeze %dma_wait3A_320 : memref<1x256x128xf32, #tpu.memory_space<vmem>> -> memref<256x128xf32, #tpu.memory_space<vmem>>
    %dma_wait3A_322 = arith.constant 1536 : i32
    %dma_wait3A_323 = tpu.memref_slice %arg5[%dma_wait3A_322] : memref<2560xi32, #tpu.memory_space<vmem>> -> memref<256xi32, #tpu.memory_space<vmem>>
    %dma_wait3A_324 = arith.constant 0 : i32
    %dma_wait3A_325 = arith.constant 0 : i32
    %dma_wait3A_326 = tpu.memref_slice %arg2[%dma_wait3A_324, %dma_wait3A_325] : memref<10240x128xf32, #tpu.memory_space<hbm>> -> memref<10240x128xf32, #tpu.memory_space<hbm>>
    tpu.wait_indirect_dma semaphore(%arg7 : memref<!tpu.dma_semaphore, #tpu.memory_space<semaphore_mem>>) src(%dma_wait3A_326 : memref<10240x128xf32, #tpu.memory_space<hbm>>) dst(%dma_wait3A_321 : memref<256x128xf32, #tpu.memory_space<vmem>>)
    %add3A_327 = arith.constant 1536 : i32
    %add3A_328 = arith.addi %mul3A_2, %add3A_327 : i32
    %multiple_of3A_329 = tpu.assume_multiple %add3A_328, 8 : i32
    %dma_start3A_330 = arith.constant 0 : i32
    %dma_start3A_331 = arith.constant 0 : i32
    %dma_start3A_332 = arith.constant 0 : i32
    %dma_start3A_333 = tpu.memref_slice %arg6[%dma_start3A_330, %dma_start3A_331, %dma_start3A_332] : memref<3x256x128xf32, #tpu.memory_space<vmem>> -> memref<1x256x128xf32, #tpu.memory_space<vmem>>
    %dma_start3A_334 = tpu.memref_squeeze %dma_start3A_333 : memref<1x256x128xf32, #tpu.memory_space<vmem>> -> memref<256x128xf32, #tpu.memory_space<vmem>>
    %dma_start3A_335 = arith.constant 0 : i32
    %dma_start3A_336 = tpu.memref_slice %arg4[%multiple_of3A_329, %dma_start3A_335] : memref<81920x128xf32, #tpu.memory_space<hbm>> -> memref<256x128xf32, #tpu.memory_space<hbm>>
    %dma_start3A_337 = arith.constant 0 : i32
    %dma_start3A_338 = tpu.memref_slice %arg4[%multiple_of3A_329, %dma_start3A_337] : memref<81920x128xf32, #tpu.memory_space<hbm>> -> memref<256x128xf32, #tpu.memory_space<hbm>>
    %dma_start3A_339 = arith.constant 0 : i32
    %dma_start3A_340 = arith.constant 0 : i32
    %dma_start3A_341 = tpu.memref_slice %arg6[%dma_start3A_330, %dma_start3A_339, %dma_start3A_340] : memref<3x256x128xf32, #tpu.memory_space<vmem>> -> memref<1x256x128xf32, #tpu.memory_space<vmem>>
    %dma_start3A_342 = tpu.memref_squeeze %dma_start3A_341 : memref<1x256x128xf32, #tpu.memory_space<vmem>> -> memref<256x128xf32, #tpu.memory_space<vmem>>
    tpu.enqueue_dma source(%dma_start3A_342 : memref<256x128xf32, #tpu.memory_space<vmem>>) target(%dma_start3A_338 : memref<256x128xf32, #tpu.memory_space<hbm>>) target_semaphore(%arg8 : memref<!tpu.dma_semaphore, #tpu.memory_space<semaphore_mem>>)
    %add3A_343 = arith.constant 1280 : i32
    %add3A_344 = arith.addi %mul3A_2, %add3A_343 : i32
    %multiple_of3A_345 = tpu.assume_multiple %add3A_344, 8 : i32
    %dma_wait3A_346 = arith.constant 2 : i32
    %dma_wait3A_347 = arith.constant 0 : i32
    %dma_wait3A_348 = arith.constant 0 : i32
    %dma_wait3A_349 = tpu.memref_slice %arg6[%dma_wait3A_346, %dma_wait3A_347, %dma_wait3A_348] : memref<3x256x128xf32, #tpu.memory_space<vmem>> -> memref<1x256x128xf32, #tpu.memory_space<vmem>>
    %dma_wait3A_350 = tpu.memref_squeeze %dma_wait3A_349 : memref<1x256x128xf32, #tpu.memory_space<vmem>> -> memref<256x128xf32, #tpu.memory_space<vmem>>
    %dma_wait3A_351 = arith.constant 0 : i32
    %dma_wait3A_352 = tpu.memref_slice %arg4[%multiple_of3A_345, %dma_wait3A_351] : memref<81920x128xf32, #tpu.memory_space<hbm>> -> memref<256x128xf32, #tpu.memory_space<hbm>>
    %dma_wait3A_353 = arith.constant 0 : i32
    %dma_wait3A_354 = tpu.memref_slice %arg4[%multiple_of3A_345, %dma_wait3A_353] : memref<81920x128xf32, #tpu.memory_space<hbm>> -> memref<256x128xf32, #tpu.memory_space<hbm>>
    %dma_wait3A_355 = arith.constant 0 : i32
    %dma_wait3A_356 = arith.constant 0 : i32
    %dma_wait3A_357 = tpu.memref_slice %arg6[%dma_wait3A_346, %dma_wait3A_355, %dma_wait3A_356] : memref<3x256x128xf32, #tpu.memory_space<vmem>> -> memref<1x256x128xf32, #tpu.memory_space<vmem>>
    %dma_wait3A_358 = tpu.memref_squeeze %dma_wait3A_357 : memref<1x256x128xf32, #tpu.memory_space<vmem>> -> memref<256x128xf32, #tpu.memory_space<vmem>>
    tpu.wait_dma2 semaphore(%arg10 : memref<!tpu.dma_semaphore, #tpu.memory_space<semaphore_mem>>) src(%dma_wait3A_358 : memref<256x128xf32, #tpu.memory_space<vmem>>) dst(%dma_wait3A_354 : memref<256x128xf32, #tpu.memory_space<hbm>>)
    %dma_start3A_359 = arith.constant 2 : i32
    %dma_start3A_360 = arith.constant 0 : i32
    %dma_start3A_361 = arith.constant 0 : i32
    %dma_start3A_362 = tpu.memref_slice %arg6[%dma_start3A_359, %dma_start3A_360, %dma_start3A_361] : memref<3x256x128xf32, #tpu.memory_space<vmem>> -> memref<1x256x128xf32, #tpu.memory_space<vmem>>
    %dma_start3A_363 = tpu.memref_squeeze %dma_start3A_362 : memref<1x256x128xf32, #tpu.memory_space<vmem>> -> memref<256x128xf32, #tpu.memory_space<vmem>>
    %dma_start3A_364 = arith.constant 2048 : i32
    %dma_start3A_365 = tpu.memref_slice %arg5[%dma_start3A_364] : memref<2560xi32, #tpu.memory_space<vmem>> -> memref<256xi32, #tpu.memory_space<vmem>>
    %dma_start3A_366 = arith.constant 0 : i32
    %dma_start3A_367 = arith.constant 0 : i32
    %dma_start3A_368 = tpu.memref_slice %arg2[%dma_start3A_366, %dma_start3A_367] : memref<10240x128xf32, #tpu.memory_space<hbm>> -> memref<10240x128xf32, #tpu.memory_space<hbm>>
    tpu.enqueue_indirect_dma source(%dma_start3A_368 : memref<10240x128xf32, #tpu.memory_space<hbm>>) target(%dma_start3A_363 : memref<256x128xf32, #tpu.memory_space<vmem>>) offsets(%dma_start3A_365 : memref<256xi32, #tpu.memory_space<vmem>>) semaphore(%arg7 : memref<!tpu.dma_semaphore, #tpu.memory_space<semaphore_mem>>)
    %dma_wait3A_369 = arith.constant 1 : i32
    %dma_wait3A_370 = arith.constant 0 : i32
    %dma_wait3A_371 = arith.constant 0 : i32
    %dma_wait3A_372 = tpu.memref_slice %arg6[%dma_wait3A_369, %dma_wait3A_370, %dma_wait3A_371] : memref<3x256x128xf32, #tpu.memory_space<vmem>> -> memref<1x256x128xf32, #tpu.memory_space<vmem>>
    %dma_wait3A_373 = tpu.memref_squeeze %dma_wait3A_372 : memref<1x256x128xf32, #tpu.memory_space<vmem>> -> memref<256x128xf32, #tpu.memory_space<vmem>>
    %dma_wait3A_374 = arith.constant 1792 : i32
    %dma_wait3A_375 = tpu.memref_slice %arg5[%dma_wait3A_374] : memref<2560xi32, #tpu.memory_space<vmem>> -> memref<256xi32, #tpu.memory_space<vmem>>
    %dma_wait3A_376 = arith.constant 0 : i32
    %dma_wait3A_377 = arith.constant 0 : i32
    %dma_wait3A_378 = tpu.memref_slice %arg2[%dma_wait3A_376, %dma_wait3A_377] : memref<10240x128xf32, #tpu.memory_space<hbm>> -> memref<10240x128xf32, #tpu.memory_space<hbm>>
    tpu.wait_indirect_dma semaphore(%arg7 : memref<!tpu.dma_semaphore, #tpu.memory_space<semaphore_mem>>) src(%dma_wait3A_378 : memref<10240x128xf32, #tpu.memory_space<hbm>>) dst(%dma_wait3A_373 : memref<256x128xf32, #tpu.memory_space<vmem>>)
    %add3A_379 = arith.constant 1792 : i32
    %add3A_380 = arith.addi %mul3A_2, %add3A_379 : i32
    %multiple_of3A_381 = tpu.assume_multiple %add3A_380, 8 : i32
    %dma_start3A_382 = arith.constant 1 : i32
    %dma_start3A_383 = arith.constant 0 : i32
    %dma_start3A_384 = arith.constant 0 : i32
    %dma_start3A_385 = tpu.memref_slice %arg6[%dma_start3A_382, %dma_start3A_383, %dma_start3A_384] : memref<3x256x128xf32, #tpu.memory_space<vmem>> -> memref<1x256x128xf32, #tpu.memory_space<vmem>>
    %dma_start3A_386 = tpu.memref_squeeze %dma_start3A_385 : memref<1x256x128xf32, #tpu.memory_space<vmem>> -> memref<256x128xf32, #tpu.memory_space<vmem>>
    %dma_start3A_387 = arith.constant 0 : i32
    %dma_start3A_388 = tpu.memref_slice %arg4[%multiple_of3A_381, %dma_start3A_387] : memref<81920x128xf32, #tpu.memory_space<hbm>> -> memref<256x128xf32, #tpu.memory_space<hbm>>
    %dma_start3A_389 = arith.constant 0 : i32
    %dma_start3A_390 = tpu.memref_slice %arg4[%multiple_of3A_381, %dma_start3A_389] : memref<81920x128xf32, #tpu.memory_space<hbm>> -> memref<256x128xf32, #tpu.memory_space<hbm>>
    %dma_start3A_391 = arith.constant 0 : i32
    %dma_start3A_392 = arith.constant 0 : i32
    %dma_start3A_393 = tpu.memref_slice %arg6[%dma_start3A_382, %dma_start3A_391, %dma_start3A_392] : memref<3x256x128xf32, #tpu.memory_space<vmem>> -> memref<1x256x128xf32, #tpu.memory_space<vmem>>
    %dma_start3A_394 = tpu.memref_squeeze %dma_start3A_393 : memref<1x256x128xf32, #tpu.memory_space<vmem>> -> memref<256x128xf32, #tpu.memory_space<vmem>>
    tpu.enqueue_dma source(%dma_start3A_394 : memref<256x128xf32, #tpu.memory_space<vmem>>) target(%dma_start3A_390 : memref<256x128xf32, #tpu.memory_space<hbm>>) target_semaphore(%arg9 : memref<!tpu.dma_semaphore, #tpu.memory_space<semaphore_mem>>)
    %add3A_395 = arith.constant 1536 : i32
    %add3A_396 = arith.addi %mul3A_2, %add3A_395 : i32
    %multiple_of3A_397 = tpu.assume_multiple %add3A_396, 8 : i32
    %dma_wait3A_398 = arith.constant 0 : i32
    %dma_wait3A_399 = arith.constant 0 : i32
    %dma_wait3A_400 = arith.constant 0 : i32
    %dma_wait3A_401 = tpu.memref_slice %arg6[%dma_wait3A_398, %dma_wait3A_399, %dma_wait3A_400] : memref<3x256x128xf32, #tpu.memory_space<vmem>> -> memref<1x256x128xf32, #tpu.memory_space<vmem>>
    %dma_wait3A_402 = tpu.memref_squeeze %dma_wait3A_401 : memref<1x256x128xf32, #tpu.memory_space<vmem>> -> memref<256x128xf32, #tpu.memory_space<vmem>>
    %dma_wait3A_403 = arith.constant 0 : i32
    %dma_wait3A_404 = tpu.memref_slice %arg4[%multiple_of3A_397, %dma_wait3A_403] : memref<81920x128xf32, #tpu.memory_space<hbm>> -> memref<256x128xf32, #tpu.memory_space<hbm>>
    %dma_wait3A_405 = arith.constant 0 : i32
    %dma_wait3A_406 = tpu.memref_slice %arg4[%multiple_of3A_397, %dma_wait3A_405] : memref<81920x128xf32, #tpu.memory_space<hbm>> -> memref<256x128xf32, #tpu.memory_space<hbm>>
    %dma_wait3A_407 = arith.constant 0 : i32
    %dma_wait3A_408 = arith.constant 0 : i32
    %dma_wait3A_409 = tpu.memref_slice %arg6[%dma_wait3A_398, %dma_wait3A_407, %dma_wait3A_408] : memref<3x256x128xf32, #tpu.memory_space<vmem>> -> memref<1x256x128xf32, #tpu.memory_space<vmem>>
    %dma_wait3A_410 = tpu.memref_squeeze %dma_wait3A_409 : memref<1x256x128xf32, #tpu.memory_space<vmem>> -> memref<256x128xf32, #tpu.memory_space<vmem>>
    tpu.wait_dma2 semaphore(%arg8 : memref<!tpu.dma_semaphore, #tpu.memory_space<semaphore_mem>>) src(%dma_wait3A_410 : memref<256x128xf32, #tpu.memory_space<vmem>>) dst(%dma_wait3A_406 : memref<256x128xf32, #tpu.memory_space<hbm>>)
    %dma_start3A_411 = arith.constant 0 : i32
    %dma_start3A_412 = arith.constant 0 : i32
    %dma_start3A_413 = arith.constant 0 : i32
    %dma_start3A_414 = tpu.memref_slice %arg6[%dma_start3A_411, %dma_start3A_412, %dma_start3A_413] : memref<3x256x128xf32, #tpu.memory_space<vmem>> -> memref<1x256x128xf32, #tpu.memory_space<vmem>>
    %dma_start3A_415 = tpu.memref_squeeze %dma_start3A_414 : memref<1x256x128xf32, #tpu.memory_space<vmem>> -> memref<256x128xf32, #tpu.memory_space<vmem>>
    %dma_start3A_416 = arith.constant 2304 : i32
    %dma_start3A_417 = tpu.memref_slice %arg5[%dma_start3A_416] : memref<2560xi32, #tpu.memory_space<vmem>> -> memref<256xi32, #tpu.memory_space<vmem>>
    %dma_start3A_418 = arith.constant 0 : i32
    %dma_start3A_419 = arith.constant 0 : i32
    %dma_start3A_420 = tpu.memref_slice %arg2[%dma_start3A_418, %dma_start3A_419] : memref<10240x128xf32, #tpu.memory_space<hbm>> -> memref<10240x128xf32, #tpu.memory_space<hbm>>
    tpu.enqueue_indirect_dma source(%dma_start3A_420 : memref<10240x128xf32, #tpu.memory_space<hbm>>) target(%dma_start3A_415 : memref<256x128xf32, #tpu.memory_space<vmem>>) offsets(%dma_start3A_417 : memref<256xi32, #tpu.memory_space<vmem>>) semaphore(%arg7 : memref<!tpu.dma_semaphore, #tpu.memory_space<semaphore_mem>>)
    %dma_wait3A_421 = arith.constant 2 : i32
    %dma_wait3A_422 = arith.constant 0 : i32
    %dma_wait3A_423 = arith.constant 0 : i32
    %dma_wait3A_424 = tpu.memref_slice %arg6[%dma_wait3A_421, %dma_wait3A_422, %dma_wait3A_423] : memref<3x256x128xf32, #tpu.memory_space<vmem>> -> memref<1x256x128xf32, #tpu.memory_space<vmem>>
    %dma_wait3A_425 = tpu.memref_squeeze %dma_wait3A_424 : memref<1x256x128xf32, #tpu.memory_space<vmem>> -> memref<256x128xf32, #tpu.memory_space<vmem>>
    %dma_wait3A_426 = arith.constant 2048 : i32
    %dma_wait3A_427 = tpu.memref_slice %arg5[%dma_wait3A_426] : memref<2560xi32, #tpu.memory_space<vmem>> -> memref<256xi32, #tpu.memory_space<vmem>>
    %dma_wait3A_428 = arith.constant 0 : i32
    %dma_wait3A_429 = arith.constant 0 : i32
    %dma_wait3A_430 = tpu.memref_slice %arg2[%dma_wait3A_428, %dma_wait3A_429] : memref<10240x128xf32, #tpu.memory_space<hbm>> -> memref<10240x128xf32, #tpu.memory_space<hbm>>
    tpu.wait_indirect_dma semaphore(%arg7 : memref<!tpu.dma_semaphore, #tpu.memory_space<semaphore_mem>>) src(%dma_wait3A_430 : memref<10240x128xf32, #tpu.memory_space<hbm>>) dst(%dma_wait3A_425 : memref<256x128xf32, #tpu.memory_space<vmem>>)
    %add3A_431 = arith.constant 2048 : i32
    %add3A_432 = arith.addi %mul3A_2, %add3A_431 : i32
    %multiple_of3A_433 = tpu.assume_multiple %add3A_432, 8 : i32
    %dma_start3A_434 = arith.constant 2 : i32
    %dma_start3A_435 = arith.constant 0 : i32
    %dma_start3A_436 = arith.constant 0 : i32
    %dma_start3A_437 = tpu.memref_slice %arg6[%dma_start3A_434, %dma_start3A_435, %dma_start3A_436] : memref<3x256x128xf32, #tpu.memory_space<vmem>> -> memref<1x256x128xf32, #tpu.memory_space<vmem>>
    %dma_start3A_438 = tpu.memref_squeeze %dma_start3A_437 : memref<1x256x128xf32, #tpu.memory_space<vmem>> -> memref<256x128xf32, #tpu.memory_space<vmem>>
    %dma_start3A_439 = arith.constant 0 : i32
    %dma_start3A_440 = tpu.memref_slice %arg4[%multiple_of3A_433, %dma_start3A_439] : memref<81920x128xf32, #tpu.memory_space<hbm>> -> memref<256x128xf32, #tpu.memory_space<hbm>>
    %dma_start3A_441 = arith.constant 0 : i32
    %dma_start3A_442 = tpu.memref_slice %arg4[%multiple_of3A_433, %dma_start3A_441] : memref<81920x128xf32, #tpu.memory_space<hbm>> -> memref<256x128xf32, #tpu.memory_space<hbm>>
    %dma_start3A_443 = arith.constant 0 : i32
    %dma_start3A_444 = arith.constant 0 : i32
    %dma_start3A_445 = tpu.memref_slice %arg6[%dma_start3A_434, %dma_start3A_443, %dma_start3A_444] : memref<3x256x128xf32, #tpu.memory_space<vmem>> -> memref<1x256x128xf32, #tpu.memory_space<vmem>>
    %dma_start3A_446 = tpu.memref_squeeze %dma_start3A_445 : memref<1x256x128xf32, #tpu.memory_space<vmem>> -> memref<256x128xf32, #tpu.memory_space<vmem>>
    tpu.enqueue_dma source(%dma_start3A_446 : memref<256x128xf32, #tpu.memory_space<vmem>>) target(%dma_start3A_442 : memref<256x128xf32, #tpu.memory_space<hbm>>) target_semaphore(%arg10 : memref<!tpu.dma_semaphore, #tpu.memory_space<semaphore_mem>>)
    %dma_wait3A_447 = arith.constant 0 : i32
    %dma_wait3A_448 = arith.constant 0 : i32
    %dma_wait3A_449 = arith.constant 0 : i32
    %dma_wait3A_450 = tpu.memref_slice %arg6[%dma_wait3A_447, %dma_wait3A_448, %dma_wait3A_449] : memref<3x256x128xf32, #tpu.memory_space<vmem>> -> memref<1x256x128xf32, #tpu.memory_space<vmem>>
    %dma_wait3A_451 = tpu.memref_squeeze %dma_wait3A_450 : memref<1x256x128xf32, #tpu.memory_space<vmem>> -> memref<256x128xf32, #tpu.memory_space<vmem>>
    %dma_wait3A_452 = arith.constant 2304 : i32
    %dma_wait3A_453 = tpu.memref_slice %arg5[%dma_wait3A_452] : memref<2560xi32, #tpu.memory_space<vmem>> -> memref<256xi32, #tpu.memory_space<vmem>>
    %dma_wait3A_454 = arith.constant 0 : i32
    %dma_wait3A_455 = arith.constant 0 : i32
    %dma_wait3A_456 = tpu.memref_slice %arg2[%dma_wait3A_454, %dma_wait3A_455] : memref<10240x128xf32, #tpu.memory_space<hbm>> -> memref<10240x128xf32, #tpu.memory_space<hbm>>
    tpu.wait_indirect_dma semaphore(%arg7 : memref<!tpu.dma_semaphore, #tpu.memory_space<semaphore_mem>>) src(%dma_wait3A_456 : memref<10240x128xf32, #tpu.memory_space<hbm>>) dst(%dma_wait3A_451 : memref<256x128xf32, #tpu.memory_space<vmem>>)
    %add3A_457 = arith.constant 2304 : i32
    %add3A_458 = arith.addi %mul3A_2, %add3A_457 : i32
    %multiple_of3A_459 = tpu.assume_multiple %add3A_458, 8 : i32
    %dma_start3A_460 = arith.constant 0 : i32
    %dma_start3A_461 = arith.constant 0 : i32
    %dma_start3A_462 = arith.constant 0 : i32
    %dma_start3A_463 = tpu.memref_slice %arg6[%dma_start3A_460, %dma_start3A_461, %dma_start3A_462] : memref<3x256x128xf32, #tpu.memory_space<vmem>> -> memref<1x256x128xf32, #tpu.memory_space<vmem>>
    %dma_start3A_464 = tpu.memref_squeeze %dma_start3A_463 : memref<1x256x128xf32, #tpu.memory_space<vmem>> -> memref<256x128xf32, #tpu.memory_space<vmem>>
    %dma_start3A_465 = arith.constant 0 : i32
    %dma_start3A_466 = tpu.memref_slice %arg4[%multiple_of3A_459, %dma_start3A_465] : memref<81920x128xf32, #tpu.memory_space<hbm>> -> memref<256x128xf32, #tpu.memory_space<hbm>>
    %dma_start3A_467 = arith.constant 0 : i32
    %dma_start3A_468 = tpu.memref_slice %arg4[%multiple_of3A_459, %dma_start3A_467] : memref<81920x128xf32, #tpu.memory_space<hbm>> -> memref<256x128xf32, #tpu.memory_space<hbm>>
    %dma_start3A_469 = arith.constant 0 : i32
    %dma_start3A_470 = arith.constant 0 : i32
    %dma_start3A_471 = tpu.memref_slice %arg6[%dma_start3A_460, %dma_start3A_469, %dma_start3A_470] : memref<3x256x128xf32, #tpu.memory_space<vmem>> -> memref<1x256x128xf32, #tpu.memory_space<vmem>>
    %dma_start3A_472 = tpu.memref_squeeze %dma_start3A_471 : memref<1x256x128xf32, #tpu.memory_space<vmem>> -> memref<256x128xf32, #tpu.memory_space<vmem>>
    tpu.enqueue_dma source(%dma_start3A_472 : memref<256x128xf32, #tpu.memory_space<vmem>>) target(%dma_start3A_468 : memref<256x128xf32, #tpu.memory_space<hbm>>) target_semaphore(%arg8 : memref<!tpu.dma_semaphore, #tpu.memory_space<semaphore_mem>>)
    %add3A_473 = arith.constant 1792 : i32
    %add3A_474 = arith.addi %mul3A_2, %add3A_473 : i32
    %multiple_of3A_475 = tpu.assume_multiple %add3A_474, 8 : i32
    %dma_wait3A_476 = arith.constant 1 : i32
    %dma_wait3A_477 = arith.constant 0 : i32
    %dma_wait3A_478 = arith.constant 0 : i32
    %dma_wait3A_479 = tpu.memref_slice %arg6[%dma_wait3A_476, %dma_wait3A_477, %dma_wait3A_478] : memref<3x256x128xf32, #tpu.memory_space<vmem>> -> memref<1x256x128xf32, #tpu.memory_space<vmem>>
    %dma_wait3A_480 = tpu.memref_squeeze %dma_wait3A_479 : memref<1x256x128xf32, #tpu.memory_space<vmem>> -> memref<256x128xf32, #tpu.memory_space<vmem>>
    %dma_wait3A_481 = arith.constant 0 : i32
    %dma_wait3A_482 = tpu.memref_slice %arg4[%multiple_of3A_475, %dma_wait3A_481] : memref<81920x128xf32, #tpu.memory_space<hbm>> -> memref<256x128xf32, #tpu.memory_space<hbm>>
    %dma_wait3A_483 = arith.constant 0 : i32
    %dma_wait3A_484 = tpu.memref_slice %arg4[%multiple_of3A_475, %dma_wait3A_483] : memref<81920x128xf32, #tpu.memory_space<hbm>> -> memref<256x128xf32, #tpu.memory_space<hbm>>
    %dma_wait3A_485 = arith.constant 0 : i32
    %dma_wait3A_486 = arith.constant 0 : i32
    %dma_wait3A_487 = tpu.memref_slice %arg6[%dma_wait3A_476, %dma_wait3A_485, %dma_wait3A_486] : memref<3x256x128xf32, #tpu.memory_space<vmem>> -> memref<1x256x128xf32, #tpu.memory_space<vmem>>
    %dma_wait3A_488 = tpu.memref_squeeze %dma_wait3A_487 : memref<1x256x128xf32, #tpu.memory_space<vmem>> -> memref<256x128xf32, #tpu.memory_space<vmem>>
    tpu.wait_dma2 semaphore(%arg9 : memref<!tpu.dma_semaphore, #tpu.memory_space<semaphore_mem>>) src(%dma_wait3A_488 : memref<256x128xf32, #tpu.memory_space<vmem>>) dst(%dma_wait3A_484 : memref<256x128xf32, #tpu.memory_space<hbm>>)
    %add3A_489 = arith.constant 2048 : i32
    %add3A_490 = arith.addi %mul3A_2, %add3A_489 : i32
    %multiple_of3A_491 = tpu.assume_multiple %add3A_490, 8 : i32
    %dma_wait3A_492 = arith.constant 2 : i32
    %dma_wait3A_493 = arith.constant 0 : i32
    %dma_wait3A_494 = arith.constant 0 : i32
    %dma_wait3A_495 = tpu.memref_slice %arg6[%dma_wait3A_492, %dma_wait3A_493, %dma_wait3A_494] : memref<3x256x128xf32, #tpu.memory_space<vmem>> -> memref<1x256x128xf32, #tpu.memory_space<vmem>>
    %dma_wait3A_496 = tpu.memref_squeeze %dma_wait3A_495 : memref<1x256x128xf32, #tpu.memory_space<vmem>> -> memref<256x128xf32, #tpu.memory_space<vmem>>
    %dma_wait3A_497 = arith.constant 0 : i32
    %dma_wait3A_498 = tpu.memref_slice %arg4[%multiple_of3A_491, %dma_wait3A_497] : memref<81920x128xf32, #tpu.memory_space<hbm>> -> memref<256x128xf32, #tpu.memory_space<hbm>>
    %dma_wait3A_499 = arith.constant 0 : i32
    %dma_wait3A_500 = tpu.memref_slice %arg4[%multiple_of3A_491, %dma_wait3A_499] : memref<81920x128xf32, #tpu.memory_space<hbm>> -> memref<256x128xf32, #tpu.memory_space<hbm>>
    %dma_wait3A_501 = arith.constant 0 : i32
    %dma_wait3A_502 = arith.constant 0 : i32
    %dma_wait3A_503 = tpu.memref_slice %arg6[%dma_wait3A_492, %dma_wait3A_501, %dma_wait3A_502] : memref<3x256x128xf32, #tpu.memory_space<vmem>> -> memref<1x256x128xf32, #tpu.memory_space<vmem>>
    %dma_wait3A_504 = tpu.memref_squeeze %dma_wait3A_503 : memref<1x256x128xf32, #tpu.memory_space<vmem>> -> memref<256x128xf32, #tpu.memory_space<vmem>>
    tpu.wait_dma2 semaphore(%arg10 : memref<!tpu.dma_semaphore, #tpu.memory_space<semaphore_mem>>) src(%dma_wait3A_504 : memref<256x128xf32, #tpu.memory_space<vmem>>) dst(%dma_wait3A_500 : memref<256x128xf32, #tpu.memory_space<hbm>>)
    %add3A_505 = arith.constant 2304 : i32
    %add3A_506 = arith.addi %mul3A_2, %add3A_505 : i32
    %multiple_of3A_507 = tpu.assume_multiple %add3A_506, 8 : i32
    %dma_wait3A_508 = arith.constant 0 : i32
    %dma_wait3A_509 = arith.constant 0 : i32
    %dma_wait3A_510 = arith.constant 0 : i32
    %dma_wait3A_511 = tpu.memref_slice %arg6[%dma_wait3A_508, %dma_wait3A_509, %dma_wait3A_510] : memref<3x256x128xf32, #tpu.memory_space<vmem>> -> memref<1x256x128xf32, #tpu.memory_space<vmem>>
    %dma_wait3A_512 = tpu.memref_squeeze %dma_wait3A_511 : memref<1x256x128xf32, #tpu.memory_space<vmem>> -> memref<256x128xf32, #tpu.memory_space<vmem>>
    %dma_wait3A_513 = arith.constant 0 : i32
    %dma_wait3A_514 = tpu.memref_slice %arg4[%multiple_of3A_507, %dma_wait3A_513] : memref<81920x128xf32, #tpu.memory_space<hbm>> -> memref<256x128xf32, #tpu.memory_space<hbm>>
    %dma_wait3A_515 = arith.constant 0 : i32
    %dma_wait3A_516 = tpu.memref_slice %arg4[%multiple_of3A_507, %dma_wait3A_515] : memref<81920x128xf32, #tpu.memory_space<hbm>> -> memref<256x128xf32, #tpu.memory_space<hbm>>
    %dma_wait3A_517 = arith.constant 0 : i32
    %dma_wait3A_518 = arith.constant 0 : i32
    %dma_wait3A_519 = tpu.memref_slice %arg6[%dma_wait3A_508, %dma_wait3A_517, %dma_wait3A_518] : memref<3x256x128xf32, #tpu.memory_space<vmem>> -> memref<1x256x128xf32, #tpu.memory_space<vmem>>
    %dma_wait3A_520 = tpu.memref_squeeze %dma_wait3A_519 : memref<1x256x128xf32, #tpu.memory_space<vmem>> -> memref<256x128xf32, #tpu.memory_space<vmem>>
    tpu.wait_dma2 semaphore(%arg8 : memref<!tpu.dma_semaphore, #tpu.memory_space<semaphore_mem>>) src(%dma_wait3A_520 : memref<256x128xf32, #tpu.memory_space<vmem>>) dst(%dma_wait3A_516 : memref<256x128xf32, #tpu.memory_space<hbm>>)
    return
  }
}

#map = affine_map<(d0, d1) -> (0, 0)>
#map1 = affine_map<(d0, d1) -> (0)>
module attributes {stable_mosaic.version = 14 : i64} {
  func.func @k(%arg0: i32, %arg1: i32, %arg2: memref<10240x128xf32, #tpu.memory_space<hbm>>, %arg3: memref<81920xi32, #tpu.memory_space<hbm>>, %arg4: memref<81920x128xf32, #tpu.memory_space<hbm>>, %arg5: memref<2560xi32, #tpu.memory_space<vmem>>, %arg6: memref<3x256x128xf32, #tpu.memory_space<vmem>>, %arg7: memref<!tpu.dma_semaphore, #tpu.memory_space<semaphore_mem>>, %arg8: memref<!tpu.dma_semaphore, #tpu.memory_space<semaphore_mem>>, %arg9: memref<!tpu.dma_semaphore, #tpu.memory_space<semaphore_mem>>, %arg10: memref<!tpu.dma_semaphore, #tpu.memory_space<semaphore_mem>>) attributes {dimension_semantics = [#tpu.dimension_semantics<core_parallel>, #tpu.dimension_semantics<subcore_parallel>], iteration_bounds = array<i64: 2, 16>, scalar_prefetch = 0 : i64, scratch_operands = 6 : i64, tpu.core_type = #tpu.core_type<sc_vector_subcore>, window_params = [{transform_indices = #map}, {transform_indices = #map1}, {transform_indices = #map}]} {
    %mul3A = arith.constant 2 : i32
    %mul3A_0 = arith.muli %arg1, %mul3A : i32
    %add3A = arith.addi %mul3A_0, %arg0 : i32
    %mul3A_1 = arith.constant 2560 : i32
    %mul3A_2 = arith.muli %add3A, %mul3A_1 : i32
    %multiple_of3A = tpu.assume_multiple %mul3A_2, 8 : i32
    "tpu.region"() ({
      %run_scoped3A = tpu.sem_alloc : memref<!tpu.dma_semaphore, #tpu.memory_space<semaphore_mem>>
      %dma_start3A_521 = tpu.memref_slice %arg3[%multiple_of3A] : memref<81920xi32, #tpu.memory_space<hbm>> -> memref<2560xi32, #tpu.memory_space<hbm>>
      %dma_start3A_522 = tpu.memref_slice %arg3[%multiple_of3A] : memref<81920xi32, #tpu.memory_space<hbm>> -> memref<2560xi32, #tpu.memory_space<hbm>>
      tpu.enqueue_dma source(%dma_start3A_522 : memref<2560xi32, #tpu.memory_space<hbm>>) target(%arg5 : memref<2560xi32, #tpu.memory_space<vmem>>) target_semaphore(%run_scoped3A : memref<!tpu.dma_semaphore, #tpu.memory_space<semaphore_mem>>)
      %dma_wait3A_523 = tpu.memref_slice %arg3[%multiple_of3A] : memref<81920xi32, #tpu.memory_space<hbm>> -> memref<2560xi32, #tpu.memory_space<hbm>>
      %dma_wait3A_524 = tpu.memref_slice %arg3[%multiple_of3A] : memref<81920xi32, #tpu.memory_space<hbm>> -> memref<2560xi32, #tpu.memory_space<hbm>>
      tpu.wait_dma2 semaphore(%run_scoped3A : memref<!tpu.dma_semaphore, #tpu.memory_space<semaphore_mem>>) src(%dma_wait3A_524 : memref<2560xi32, #tpu.memory_space<hbm>>) dst(%arg5 : memref<2560xi32, #tpu.memory_space<vmem>>)
      tpu.yield
    }) : () -> ()
    %dma_start3A = arith.constant 0 : i32
    %dma_start3A_3 = arith.constant 0 : i32
    %dma_start3A_4 = arith.constant 0 : i32
    %dma_start3A_5 = tpu.memref_slice %arg6[%dma_start3A, %dma_start3A_3, %dma_start3A_4] : memref<3x256x128xf32, #tpu.memory_space<vmem>> -> memref<1x256x128xf32, #tpu.memory_space<vmem>>
    %dma_start3A_6 = tpu.memref_squeeze %dma_start3A_5 : memref<1x256x128xf32, #tpu.memory_space<vmem>> -> memref<256x128xf32, #tpu.memory_space<vmem>>
    %dma_start3A_7 = arith.constant 0 : i32
    %dma_start3A_8 = tpu.memref_slice %arg5[%dma_start3A_7] : memref<2560xi32, #tpu.memory_space<vmem>> -> memref<256xi32, #tpu.memory_space<vmem>>
    %dma_start3A_9 = arith.constant 0 : i32
    %dma_start3A_10 = arith.constant 0 : i32
    %dma_start3A_11 = tpu.memref_slice %arg2[%dma_start3A_9, %dma_start3A_10] : memref<10240x128xf32, #tpu.memory_space<hbm>> -> memref<10240x128xf32, #tpu.memory_space<hbm>>
    tpu.enqueue_indirect_dma source(%dma_start3A_11 : memref<10240x128xf32, #tpu.memory_space<hbm>>) target(%dma_start3A_6 : memref<256x128xf32, #tpu.memory_space<vmem>>) offsets(%dma_start3A_8 : memref<256xi32, #tpu.memory_space<vmem>>) semaphore(%arg7 : memref<!tpu.dma_semaphore, #tpu.memory_space<semaphore_mem>>)
    %dma_start3A_12 = arith.constant 1 : i32
    %dma_start3A_13 = arith.constant 0 : i32
    %dma_start3A_14 = arith.constant 0 : i32
    %dma_start3A_15 = tpu.memref_slice %arg6[%dma_start3A_12, %dma_start3A_13, %dma_start3A_14] : memref<3x256x128xf32, #tpu.memory_space<vmem>> -> memref<1x256x128xf32, #tpu.memory_space<vmem>>
    %dma_start3A_16 = tpu.memref_squeeze %dma_start3A_15 : memref<1x256x128xf32, #tpu.memory_space<vmem>> -> memref<256x128xf32, #tpu.memory_space<vmem>>
    %dma_start3A_17 = arith.constant 256 : i32
    %dma_start3A_18 = tpu.memref_slice %arg5[%dma_start3A_17] : memref<2560xi32, #tpu.memory_space<vmem>> -> memref<256xi32, #tpu.memory_space<vmem>>
    %dma_start3A_19 = arith.constant 0 : i32
    %dma_start3A_20 = arith.constant 0 : i32
    %dma_start3A_21 = tpu.memref_slice %arg2[%dma_start3A_19, %dma_start3A_20] : memref<10240x128xf32, #tpu.memory_space<hbm>> -> memref<10240x128xf32, #tpu.memory_space<hbm>>
    tpu.enqueue_indirect_dma source(%dma_start3A_21 : memref<10240x128xf32, #tpu.memory_space<hbm>>) target(%dma_start3A_16 : memref<256x128xf32, #tpu.memory_space<vmem>>) offsets(%dma_start3A_18 : memref<256xi32, #tpu.memory_space<vmem>>) semaphore(%arg7 : memref<!tpu.dma_semaphore, #tpu.memory_space<semaphore_mem>>)
    %dma_wait3A = arith.constant 0 : i32
    %dma_wait3A_22 = arith.constant 0 : i32
    %dma_wait3A_23 = arith.constant 0 : i32
    %dma_wait3A_24 = tpu.memref_slice %arg6[%dma_wait3A, %dma_wait3A_22, %dma_wait3A_23] : memref<3x256x128xf32, #tpu.memory_space<vmem>> -> memref<1x256x128xf32, #tpu.memory_space<vmem>>
    %dma_wait3A_25 = tpu.memref_squeeze %dma_wait3A_24 : memref<1x256x128xf32, #tpu.memory_space<vmem>> -> memref<256x128xf32, #tpu.memory_space<vmem>>
    %dma_wait3A_26 = arith.constant 0 : i32
    %dma_wait3A_27 = tpu.memref_slice %arg5[%dma_wait3A_26] : memref<2560xi32, #tpu.memory_space<vmem>> -> memref<256xi32, #tpu.memory_space<vmem>>
    %dma_wait3A_28 = arith.constant 0 : i32
    %dma_wait3A_29 = arith.constant 0 : i32
    %dma_wait3A_30 = tpu.memref_slice %arg2[%dma_wait3A_28, %dma_wait3A_29] : memref<10240x128xf32, #tpu.memory_space<hbm>> -> memref<10240x128xf32, #tpu.memory_space<hbm>>
    tpu.wait_indirect_dma semaphore(%arg7 : memref<!tpu.dma_semaphore, #tpu.memory_space<semaphore_mem>>) src(%dma_wait3A_30 : memref<10240x128xf32, #tpu.memory_space<hbm>>) dst(%dma_wait3A_25 : memref<256x128xf32, #tpu.memory_space<vmem>>)
    %add3A_31 = arith.constant 0 : i32
    %add3A_32 = arith.addi %mul3A_2, %add3A_31 : i32
    %multiple_of3A_33 = tpu.assume_multiple %add3A_32, 8 : i32
    %dma_start3A_34 = arith.constant 0 : i32
    %dma_start3A_35 = arith.constant 0 : i32
    %dma_start3A_36 = arith.constant 0 : i32
    %dma_start3A_37 = tpu.memref_slice %arg6[%dma_start3A_34, %dma_start3A_35, %dma_start3A_36] : memref<3x256x128xf32, #tpu.memory_space<vmem>> -> memref<1x256x128xf32, #tpu.memory_space<vmem>>
    %dma_start3A_38 = tpu.memref_squeeze %dma_start3A_37 : memref<1x256x128xf32, #tpu.memory_space<vmem>> -> memref<256x128xf32, #tpu.memory_space<vmem>>
    %dma_start3A_39 = arith.constant 0 : i32
    %dma_start3A_40 = tpu.memref_slice %arg4[%multiple_of3A_33, %dma_start3A_39] : memref<81920x128xf32, #tpu.memory_space<hbm>> -> memref<256x128xf32, #tpu.memory_space<hbm>>
    %dma_start3A_41 = arith.constant 0 : i32
    %dma_start3A_42 = tpu.memref_slice %arg4[%multiple_of3A_33, %dma_start3A_41] : memref<81920x128xf32, #tpu.memory_space<hbm>> -> memref<256x128xf32, #tpu.memory_space<hbm>>
    %dma_start3A_43 = arith.constant 0 : i32
    %dma_start3A_44 = arith.constant 0 : i32
    %dma_start3A_45 = tpu.memref_slice %arg6[%dma_start3A_34, %dma_start3A_43, %dma_start3A_44] : memref<3x256x128xf32, #tpu.memory_space<vmem>> -> memref<1x256x128xf32, #tpu.memory_space<vmem>>
    %dma_start3A_46 = tpu.memref_squeeze %dma_start3A_45 : memref<1x256x128xf32, #tpu.memory_space<vmem>> -> memref<256x128xf32, #tpu.memory_space<vmem>>
    tpu.enqueue_dma source(%dma_start3A_46 : memref<256x128xf32, #tpu.memory_space<vmem>>) target(%dma_start3A_42 : memref<256x128xf32, #tpu.memory_space<hbm>>) target_semaphore(%arg8 : memref<!tpu.dma_semaphore, #tpu.memory_space<semaphore_mem>>)
    %dma_start3A_47 = arith.constant 2 : i32
    %dma_start3A_48 = arith.constant 0 : i32
    %dma_start3A_49 = arith.constant 0 : i32
    %dma_start3A_50 = tpu.memref_slice %arg6[%dma_start3A_47, %dma_start3A_48, %dma_start3A_49] : memref<3x256x128xf32, #tpu.memory_space<vmem>> -> memref<1x256x128xf32, #tpu.memory_space<vmem>>
    %dma_start3A_51 = tpu.memref_squeeze %dma_start3A_50 : memref<1x256x128xf32, #tpu.memory_space<vmem>> -> memref<256x128xf32, #tpu.memory_space<vmem>>
    %dma_start3A_52 = arith.constant 512 : i32
    %dma_start3A_53 = tpu.memref_slice %arg5[%dma_start3A_52] : memref<2560xi32, #tpu.memory_space<vmem>> -> memref<256xi32, #tpu.memory_space<vmem>>
    %dma_start3A_54 = arith.constant 0 : i32
    %dma_start3A_55 = arith.constant 0 : i32
    %dma_start3A_56 = tpu.memref_slice %arg2[%dma_start3A_54, %dma_start3A_55] : memref<10240x128xf32, #tpu.memory_space<hbm>> -> memref<10240x128xf32, #tpu.memory_space<hbm>>
    tpu.enqueue_indirect_dma source(%dma_start3A_56 : memref<10240x128xf32, #tpu.memory_space<hbm>>) target(%dma_start3A_51 : memref<256x128xf32, #tpu.memory_space<vmem>>) offsets(%dma_start3A_53 : memref<256xi32, #tpu.memory_space<vmem>>) semaphore(%arg7 : memref<!tpu.dma_semaphore, #tpu.memory_space<semaphore_mem>>)
    %dma_wait3A_57 = arith.constant 1 : i32
    %dma_wait3A_58 = arith.constant 0 : i32
    %dma_wait3A_59 = arith.constant 0 : i32
    %dma_wait3A_60 = tpu.memref_slice %arg6[%dma_wait3A_57, %dma_wait3A_58, %dma_wait3A_59] : memref<3x256x128xf32, #tpu.memory_space<vmem>> -> memref<1x256x128xf32, #tpu.memory_space<vmem>>
    %dma_wait3A_61 = tpu.memref_squeeze %dma_wait3A_60 : memref<1x256x128xf32, #tpu.memory_space<vmem>> -> memref<256x128xf32, #tpu.memory_space<vmem>>
    %dma_wait3A_62 = arith.constant 256 : i32
    %dma_wait3A_63 = tpu.memref_slice %arg5[%dma_wait3A_62] : memref<2560xi32, #tpu.memory_space<vmem>> -> memref<256xi32, #tpu.memory_space<vmem>>
    %dma_wait3A_64 = arith.constant 0 : i32
    %dma_wait3A_65 = arith.constant 0 : i32
    %dma_wait3A_66 = tpu.memref_slice %arg2[%dma_wait3A_64, %dma_wait3A_65] : memref<10240x128xf32, #tpu.memory_space<hbm>> -> memref<10240x128xf32, #tpu.memory_space<hbm>>
    tpu.wait_indirect_dma semaphore(%arg7 : memref<!tpu.dma_semaphore, #tpu.memory_space<semaphore_mem>>) src(%dma_wait3A_66 : memref<10240x128xf32, #tpu.memory_space<hbm>>) dst(%dma_wait3A_61 : memref<256x128xf32, #tpu.memory_space<vmem>>)
    %add3A_67 = arith.constant 256 : i32
    %add3A_68 = arith.addi %mul3A_2, %add3A_67 : i32
    %multiple_of3A_69 = tpu.assume_multiple %add3A_68, 8 : i32
    %dma_start3A_70 = arith.constant 1 : i32
    %dma_start3A_71 = arith.constant 0 : i32
    %dma_start3A_72 = arith.constant 0 : i32
    %dma_start3A_73 = tpu.memref_slice %arg6[%dma_start3A_70, %dma_start3A_71, %dma_start3A_72] : memref<3x256x128xf32, #tpu.memory_space<vmem>> -> memref<1x256x128xf32, #tpu.memory_space<vmem>>
    %dma_start3A_74 = tpu.memref_squeeze %dma_start3A_73 : memref<1x256x128xf32, #tpu.memory_space<vmem>> -> memref<256x128xf32, #tpu.memory_space<vmem>>
    %dma_start3A_75 = arith.constant 0 : i32
    %dma_start3A_76 = tpu.memref_slice %arg4[%multiple_of3A_69, %dma_start3A_75] : memref<81920x128xf32, #tpu.memory_space<hbm>> -> memref<256x128xf32, #tpu.memory_space<hbm>>
    %dma_start3A_77 = arith.constant 0 : i32
    %dma_start3A_78 = tpu.memref_slice %arg4[%multiple_of3A_69, %dma_start3A_77] : memref<81920x128xf32, #tpu.memory_space<hbm>> -> memref<256x128xf32, #tpu.memory_space<hbm>>
    %dma_start3A_79 = arith.constant 0 : i32
    %dma_start3A_80 = arith.constant 0 : i32
    %dma_start3A_81 = tpu.memref_slice %arg6[%dma_start3A_70, %dma_start3A_79, %dma_start3A_80] : memref<3x256x128xf32, #tpu.memory_space<vmem>> -> memref<1x256x128xf32, #tpu.memory_space<vmem>>
    %dma_start3A_82 = tpu.memref_squeeze %dma_start3A_81 : memref<1x256x128xf32, #tpu.memory_space<vmem>> -> memref<256x128xf32, #tpu.memory_space<vmem>>
    tpu.enqueue_dma source(%dma_start3A_82 : memref<256x128xf32, #tpu.memory_space<vmem>>) target(%dma_start3A_78 : memref<256x128xf32, #tpu.memory_space<hbm>>) target_semaphore(%arg9 : memref<!tpu.dma_semaphore, #tpu.memory_space<semaphore_mem>>)
    %add3A_83 = arith.constant 0 : i32
    %add3A_84 = arith.addi %mul3A_2, %add3A_83 : i32
    %multiple_of3A_85 = tpu.assume_multiple %add3A_84, 8 : i32
    %dma_wait3A_86 = arith.constant 0 : i32
    %dma_wait3A_87 = arith.constant 0 : i32
    %dma_wait3A_88 = arith.constant 0 : i32
    %dma_wait3A_89 = tpu.memref_slice %arg6[%dma_wait3A_86, %dma_wait3A_87, %dma_wait3A_88] : memref<3x256x128xf32, #tpu.memory_space<vmem>> -> memref<1x256x128xf32, #tpu.memory_space<vmem>>
    %dma_wait3A_90 = tpu.memref_squeeze %dma_wait3A_89 : memref<1x256x128xf32, #tpu.memory_space<vmem>> -> memref<256x128xf32, #tpu.memory_space<vmem>>
    %dma_wait3A_91 = arith.constant 0 : i32
    %dma_wait3A_92 = tpu.memref_slice %arg4[%multiple_of3A_85, %dma_wait3A_91] : memref<81920x128xf32, #tpu.memory_space<hbm>> -> memref<256x128xf32, #tpu.memory_space<hbm>>
    %dma_wait3A_93 = arith.constant 0 : i32
    %dma_wait3A_94 = tpu.memref_slice %arg4[%multiple_of3A_85, %dma_wait3A_93] : memref<81920x128xf32, #tpu.memory_space<hbm>> -> memref<256x128xf32, #tpu.memory_space<hbm>>
    %dma_wait3A_95 = arith.constant 0 : i32
    %dma_wait3A_96 = arith.constant 0 : i32
    %dma_wait3A_97 = tpu.memref_slice %arg6[%dma_wait3A_86, %dma_wait3A_95, %dma_wait3A_96] : memref<3x256x128xf32, #tpu.memory_space<vmem>> -> memref<1x256x128xf32, #tpu.memory_space<vmem>>
    %dma_wait3A_98 = tpu.memref_squeeze %dma_wait3A_97 : memref<1x256x128xf32, #tpu.memory_space<vmem>> -> memref<256x128xf32, #tpu.memory_space<vmem>>
    tpu.wait_dma2 semaphore(%arg8 : memref<!tpu.dma_semaphore, #tpu.memory_space<semaphore_mem>>) src(%dma_wait3A_98 : memref<256x128xf32, #tpu.memory_space<vmem>>) dst(%dma_wait3A_94 : memref<256x128xf32, #tpu.memory_space<hbm>>)
    %dma_start3A_99 = arith.constant 0 : i32
    %dma_start3A_100 = arith.constant 0 : i32
    %dma_start3A_101 = arith.constant 0 : i32
    %dma_start3A_102 = tpu.memref_slice %arg6[%dma_start3A_99, %dma_start3A_100, %dma_start3A_101] : memref<3x256x128xf32, #tpu.memory_space<vmem>> -> memref<1x256x128xf32, #tpu.memory_space<vmem>>
    %dma_start3A_103 = tpu.memref_squeeze %dma_start3A_102 : memref<1x256x128xf32, #tpu.memory_space<vmem>> -> memref<256x128xf32, #tpu.memory_space<vmem>>
    %dma_start3A_104 = arith.constant 768 : i32
    %dma_start3A_105 = tpu.memref_slice %arg5[%dma_start3A_104] : memref<2560xi32, #tpu.memory_space<vmem>> -> memref<256xi32, #tpu.memory_space<vmem>>
    %dma_start3A_106 = arith.constant 0 : i32
    %dma_start3A_107 = arith.constant 0 : i32
    %dma_start3A_108 = tpu.memref_slice %arg2[%dma_start3A_106, %dma_start3A_107] : memref<10240x128xf32, #tpu.memory_space<hbm>> -> memref<10240x128xf32, #tpu.memory_space<hbm>>
    tpu.enqueue_indirect_dma source(%dma_start3A_108 : memref<10240x128xf32, #tpu.memory_space<hbm>>) target(%dma_start3A_103 : memref<256x128xf32, #tpu.memory_space<vmem>>) offsets(%dma_start3A_105 : memref<256xi32, #tpu.memory_space<vmem>>) semaphore(%arg7 : memref<!tpu.dma_semaphore, #tpu.memory_space<semaphore_mem>>)
    %dma_wait3A_109 = arith.constant 2 : i32
    %dma_wait3A_110 = arith.constant 0 : i32
    %dma_wait3A_111 = arith.constant 0 : i32
    %dma_wait3A_112 = tpu.memref_slice %arg6[%dma_wait3A_109, %dma_wait3A_110, %dma_wait3A_111] : memref<3x256x128xf32, #tpu.memory_space<vmem>> -> memref<1x256x128xf32, #tpu.memory_space<vmem>>
    %dma_wait3A_113 = tpu.memref_squeeze %dma_wait3A_112 : memref<1x256x128xf32, #tpu.memory_space<vmem>> -> memref<256x128xf32, #tpu.memory_space<vmem>>
    %dma_wait3A_114 = arith.constant 512 : i32
    %dma_wait3A_115 = tpu.memref_slice %arg5[%dma_wait3A_114] : memref<2560xi32, #tpu.memory_space<vmem>> -> memref<256xi32, #tpu.memory_space<vmem>>
    %dma_wait3A_116 = arith.constant 0 : i32
    %dma_wait3A_117 = arith.constant 0 : i32
    %dma_wait3A_118 = tpu.memref_slice %arg2[%dma_wait3A_116, %dma_wait3A_117] : memref<10240x128xf32, #tpu.memory_space<hbm>> -> memref<10240x128xf32, #tpu.memory_space<hbm>>
    tpu.wait_indirect_dma semaphore(%arg7 : memref<!tpu.dma_semaphore, #tpu.memory_space<semaphore_mem>>) src(%dma_wait3A_118 : memref<10240x128xf32, #tpu.memory_space<hbm>>) dst(%dma_wait3A_113 : memref<256x128xf32, #tpu.memory_space<vmem>>)
    %add3A_119 = arith.constant 512 : i32
    %add3A_120 = arith.addi %mul3A_2, %add3A_119 : i32
    %multiple_of3A_121 = tpu.assume_multiple %add3A_120, 8 : i32
    %dma_start3A_122 = arith.constant 2 : i32
    %dma_start3A_123 = arith.constant 0 : i32
    %dma_start3A_124 = arith.constant 0 : i32
    %dma_start3A_125 = tpu.memref_slice %arg6[%dma_start3A_122, %dma_start3A_123, %dma_start3A_124] : memref<3x256x128xf32, #tpu.memory_space<vmem>> -> memref<1x256x128xf32, #tpu.memory_space<vmem>>
    %dma_start3A_126 = tpu.memref_squeeze %dma_start3A_125 : memref<1x256x128xf32, #tpu.memory_space<vmem>> -> memref<256x128xf32, #tpu.memory_space<vmem>>
    %dma_start3A_127 = arith.constant 0 : i32
    %dma_start3A_128 = tpu.memref_slice %arg4[%multiple_of3A_121, %dma_start3A_127] : memref<81920x128xf32, #tpu.memory_space<hbm>> -> memref<256x128xf32, #tpu.memory_space<hbm>>
    %dma_start3A_129 = arith.constant 0 : i32
    %dma_start3A_130 = tpu.memref_slice %arg4[%multiple_of3A_121, %dma_start3A_129] : memref<81920x128xf32, #tpu.memory_space<hbm>> -> memref<256x128xf32, #tpu.memory_space<hbm>>
    %dma_start3A_131 = arith.constant 0 : i32
    %dma_start3A_132 = arith.constant 0 : i32
    %dma_start3A_133 = tpu.memref_slice %arg6[%dma_start3A_122, %dma_start3A_131, %dma_start3A_132] : memref<3x256x128xf32, #tpu.memory_space<vmem>> -> memref<1x256x128xf32, #tpu.memory_space<vmem>>
    %dma_start3A_134 = tpu.memref_squeeze %dma_start3A_133 : memref<1x256x128xf32, #tpu.memory_space<vmem>> -> memref<256x128xf32, #tpu.memory_space<vmem>>
    tpu.enqueue_dma source(%dma_start3A_134 : memref<256x128xf32, #tpu.memory_space<vmem>>) target(%dma_start3A_130 : memref<256x128xf32, #tpu.memory_space<hbm>>) target_semaphore(%arg10 : memref<!tpu.dma_semaphore, #tpu.memory_space<semaphore_mem>>)
    %add3A_135 = arith.constant 256 : i32
    %add3A_136 = arith.addi %mul3A_2, %add3A_135 : i32
    %multiple_of3A_137 = tpu.assume_multiple %add3A_136, 8 : i32
    %dma_wait3A_138 = arith.constant 1 : i32
    %dma_wait3A_139 = arith.constant 0 : i32
    %dma_wait3A_140 = arith.constant 0 : i32
    %dma_wait3A_141 = tpu.memref_slice %arg6[%dma_wait3A_138, %dma_wait3A_139, %dma_wait3A_140] : memref<3x256x128xf32, #tpu.memory_space<vmem>> -> memref<1x256x128xf32, #tpu.memory_space<vmem>>
    %dma_wait3A_142 = tpu.memref_squeeze %dma_wait3A_141 : memref<1x256x128xf32, #tpu.memory_space<vmem>> -> memref<256x128xf32, #tpu.memory_space<vmem>>
    %dma_wait3A_143 = arith.constant 0 : i32
    %dma_wait3A_144 = tpu.memref_slice %arg4[%multiple_of3A_137, %dma_wait3A_143] : memref<81920x128xf32, #tpu.memory_space<hbm>> -> memref<256x128xf32, #tpu.memory_space<hbm>>
    %dma_wait3A_145 = arith.constant 0 : i32
    %dma_wait3A_146 = tpu.memref_slice %arg4[%multiple_of3A_137, %dma_wait3A_145] : memref<81920x128xf32, #tpu.memory_space<hbm>> -> memref<256x128xf32, #tpu.memory_space<hbm>>
    %dma_wait3A_147 = arith.constant 0 : i32
    %dma_wait3A_148 = arith.constant 0 : i32
    %dma_wait3A_149 = tpu.memref_slice %arg6[%dma_wait3A_138, %dma_wait3A_147, %dma_wait3A_148] : memref<3x256x128xf32, #tpu.memory_space<vmem>> -> memref<1x256x128xf32, #tpu.memory_space<vmem>>
    %dma_wait3A_150 = tpu.memref_squeeze %dma_wait3A_149 : memref<1x256x128xf32, #tpu.memory_space<vmem>> -> memref<256x128xf32, #tpu.memory_space<vmem>>
    tpu.wait_dma2 semaphore(%arg9 : memref<!tpu.dma_semaphore, #tpu.memory_space<semaphore_mem>>) src(%dma_wait3A_150 : memref<256x128xf32, #tpu.memory_space<vmem>>) dst(%dma_wait3A_146 : memref<256x128xf32, #tpu.memory_space<hbm>>)
    %dma_start3A_151 = arith.constant 1 : i32
    %dma_start3A_152 = arith.constant 0 : i32
    %dma_start3A_153 = arith.constant 0 : i32
    %dma_start3A_154 = tpu.memref_slice %arg6[%dma_start3A_151, %dma_start3A_152, %dma_start3A_153] : memref<3x256x128xf32, #tpu.memory_space<vmem>> -> memref<1x256x128xf32, #tpu.memory_space<vmem>>
    %dma_start3A_155 = tpu.memref_squeeze %dma_start3A_154 : memref<1x256x128xf32, #tpu.memory_space<vmem>> -> memref<256x128xf32, #tpu.memory_space<vmem>>
    %dma_start3A_156 = arith.constant 1024 : i32
    %dma_start3A_157 = tpu.memref_slice %arg5[%dma_start3A_156] : memref<2560xi32, #tpu.memory_space<vmem>> -> memref<256xi32, #tpu.memory_space<vmem>>
    %dma_start3A_158 = arith.constant 0 : i32
    %dma_start3A_159 = arith.constant 0 : i32
    %dma_start3A_160 = tpu.memref_slice %arg2[%dma_start3A_158, %dma_start3A_159] : memref<10240x128xf32, #tpu.memory_space<hbm>> -> memref<10240x128xf32, #tpu.memory_space<hbm>>
    tpu.enqueue_indirect_dma source(%dma_start3A_160 : memref<10240x128xf32, #tpu.memory_space<hbm>>) target(%dma_start3A_155 : memref<256x128xf32, #tpu.memory_space<vmem>>) offsets(%dma_start3A_157 : memref<256xi32, #tpu.memory_space<vmem>>) semaphore(%arg7 : memref<!tpu.dma_semaphore, #tpu.memory_space<semaphore_mem>>)
    %dma_wait3A_161 = arith.constant 0 : i32
    %dma_wait3A_162 = arith.constant 0 : i32
    %dma_wait3A_163 = arith.constant 0 : i32
    %dma_wait3A_164 = tpu.memref_slice %arg6[%dma_wait3A_161, %dma_wait3A_162, %dma_wait3A_163] : memref<3x256x128xf32, #tpu.memory_space<vmem>> -> memref<1x256x128xf32, #tpu.memory_space<vmem>>
    %dma_wait3A_165 = tpu.memref_squeeze %dma_wait3A_164 : memref<1x256x128xf32, #tpu.memory_space<vmem>> -> memref<256x128xf32, #tpu.memory_space<vmem>>
    %dma_wait3A_166 = arith.constant 768 : i32
    %dma_wait3A_167 = tpu.memref_slice %arg5[%dma_wait3A_166] : memref<2560xi32, #tpu.memory_space<vmem>> -> memref<256xi32, #tpu.memory_space<vmem>>
    %dma_wait3A_168 = arith.constant 0 : i32
    %dma_wait3A_169 = arith.constant 0 : i32
    %dma_wait3A_170 = tpu.memref_slice %arg2[%dma_wait3A_168, %dma_wait3A_169] : memref<10240x128xf32, #tpu.memory_space<hbm>> -> memref<10240x128xf32, #tpu.memory_space<hbm>>
    tpu.wait_indirect_dma semaphore(%arg7 : memref<!tpu.dma_semaphore, #tpu.memory_space<semaphore_mem>>) src(%dma_wait3A_170 : memref<10240x128xf32, #tpu.memory_space<hbm>>) dst(%dma_wait3A_165 : memref<256x128xf32, #tpu.memory_space<vmem>>)
    %add3A_171 = arith.constant 768 : i32
    %add3A_172 = arith.addi %mul3A_2, %add3A_171 : i32
    %multiple_of3A_173 = tpu.assume_multiple %add3A_172, 8 : i32
    %dma_start3A_174 = arith.constant 0 : i32
    %dma_start3A_175 = arith.constant 0 : i32
    %dma_start3A_176 = arith.constant 0 : i32
    %dma_start3A_177 = tpu.memref_slice %arg6[%dma_start3A_174, %dma_start3A_175, %dma_start3A_176] : memref<3x256x128xf32, #tpu.memory_space<vmem>> -> memref<1x256x128xf32, #tpu.memory_space<vmem>>
    %dma_start3A_178 = tpu.memref_squeeze %dma_start3A_177 : memref<1x256x128xf32, #tpu.memory_space<vmem>> -> memref<256x128xf32, #tpu.memory_space<vmem>>
    %dma_start3A_179 = arith.constant 0 : i32
    %dma_start3A_180 = tpu.memref_slice %arg4[%multiple_of3A_173, %dma_start3A_179] : memref<81920x128xf32, #tpu.memory_space<hbm>> -> memref<256x128xf32, #tpu.memory_space<hbm>>
    %dma_start3A_181 = arith.constant 0 : i32
    %dma_start3A_182 = tpu.memref_slice %arg4[%multiple_of3A_173, %dma_start3A_181] : memref<81920x128xf32, #tpu.memory_space<hbm>> -> memref<256x128xf32, #tpu.memory_space<hbm>>
    %dma_start3A_183 = arith.constant 0 : i32
    %dma_start3A_184 = arith.constant 0 : i32
    %dma_start3A_185 = tpu.memref_slice %arg6[%dma_start3A_174, %dma_start3A_183, %dma_start3A_184] : memref<3x256x128xf32, #tpu.memory_space<vmem>> -> memref<1x256x128xf32, #tpu.memory_space<vmem>>
    %dma_start3A_186 = tpu.memref_squeeze %dma_start3A_185 : memref<1x256x128xf32, #tpu.memory_space<vmem>> -> memref<256x128xf32, #tpu.memory_space<vmem>>
    tpu.enqueue_dma source(%dma_start3A_186 : memref<256x128xf32, #tpu.memory_space<vmem>>) target(%dma_start3A_182 : memref<256x128xf32, #tpu.memory_space<hbm>>) target_semaphore(%arg8 : memref<!tpu.dma_semaphore, #tpu.memory_space<semaphore_mem>>)
    %add3A_187 = arith.constant 512 : i32
    %add3A_188 = arith.addi %mul3A_2, %add3A_187 : i32
    %multiple_of3A_189 = tpu.assume_multiple %add3A_188, 8 : i32
    %dma_wait3A_190 = arith.constant 2 : i32
    %dma_wait3A_191 = arith.constant 0 : i32
    %dma_wait3A_192 = arith.constant 0 : i32
    %dma_wait3A_193 = tpu.memref_slice %arg6[%dma_wait3A_190, %dma_wait3A_191, %dma_wait3A_192] : memref<3x256x128xf32, #tpu.memory_space<vmem>> -> memref<1x256x128xf32, #tpu.memory_space<vmem>>
    %dma_wait3A_194 = tpu.memref_squeeze %dma_wait3A_193 : memref<1x256x128xf32, #tpu.memory_space<vmem>> -> memref<256x128xf32, #tpu.memory_space<vmem>>
    %dma_wait3A_195 = arith.constant 0 : i32
    %dma_wait3A_196 = tpu.memref_slice %arg4[%multiple_of3A_189, %dma_wait3A_195] : memref<81920x128xf32, #tpu.memory_space<hbm>> -> memref<256x128xf32, #tpu.memory_space<hbm>>
    %dma_wait3A_197 = arith.constant 0 : i32
    %dma_wait3A_198 = tpu.memref_slice %arg4[%multiple_of3A_189, %dma_wait3A_197] : memref<81920x128xf32, #tpu.memory_space<hbm>> -> memref<256x128xf32, #tpu.memory_space<hbm>>
    %dma_wait3A_199 = arith.constant 0 : i32
    %dma_wait3A_200 = arith.constant 0 : i32
    %dma_wait3A_201 = tpu.memref_slice %arg6[%dma_wait3A_190, %dma_wait3A_199, %dma_wait3A_200] : memref<3x256x128xf32, #tpu.memory_space<vmem>> -> memref<1x256x128xf32, #tpu.memory_space<vmem>>
    %dma_wait3A_202 = tpu.memref_squeeze %dma_wait3A_201 : memref<1x256x128xf32, #tpu.memory_space<vmem>> -> memref<256x128xf32, #tpu.memory_space<vmem>>
    tpu.wait_dma2 semaphore(%arg10 : memref<!tpu.dma_semaphore, #tpu.memory_space<semaphore_mem>>) src(%dma_wait3A_202 : memref<256x128xf32, #tpu.memory_space<vmem>>) dst(%dma_wait3A_198 : memref<256x128xf32, #tpu.memory_space<hbm>>)
    %dma_start3A_203 = arith.constant 2 : i32
    %dma_start3A_204 = arith.constant 0 : i32
    %dma_start3A_205 = arith.constant 0 : i32
    %dma_start3A_206 = tpu.memref_slice %arg6[%dma_start3A_203, %dma_start3A_204, %dma_start3A_205] : memref<3x256x128xf32, #tpu.memory_space<vmem>> -> memref<1x256x128xf32, #tpu.memory_space<vmem>>
    %dma_start3A_207 = tpu.memref_squeeze %dma_start3A_206 : memref<1x256x128xf32, #tpu.memory_space<vmem>> -> memref<256x128xf32, #tpu.memory_space<vmem>>
    %dma_start3A_208 = arith.constant 1280 : i32
    %dma_start3A_209 = tpu.memref_slice %arg5[%dma_start3A_208] : memref<2560xi32, #tpu.memory_space<vmem>> -> memref<256xi32, #tpu.memory_space<vmem>>
    %dma_start3A_210 = arith.constant 0 : i32
    %dma_start3A_211 = arith.constant 0 : i32
    %dma_start3A_212 = tpu.memref_slice %arg2[%dma_start3A_210, %dma_start3A_211] : memref<10240x128xf32, #tpu.memory_space<hbm>> -> memref<10240x128xf32, #tpu.memory_space<hbm>>
    tpu.enqueue_indirect_dma source(%dma_start3A_212 : memref<10240x128xf32, #tpu.memory_space<hbm>>) target(%dma_start3A_207 : memref<256x128xf32, #tpu.memory_space<vmem>>) offsets(%dma_start3A_209 : memref<256xi32, #tpu.memory_space<vmem>>) semaphore(%arg7 : memref<!tpu.dma_semaphore, #tpu.memory_space<semaphore_mem>>)
    %dma_wait3A_213 = arith.constant 1 : i32
    %dma_wait3A_214 = arith.constant 0 : i32
    %dma_wait3A_215 = arith.constant 0 : i32
    %dma_wait3A_216 = tpu.memref_slice %arg6[%dma_wait3A_213, %dma_wait3A_214, %dma_wait3A_215] : memref<3x256x128xf32, #tpu.memory_space<vmem>> -> memref<1x256x128xf32, #tpu.memory_space<vmem>>
    %dma_wait3A_217 = tpu.memref_squeeze %dma_wait3A_216 : memref<1x256x128xf32, #tpu.memory_space<vmem>> -> memref<256x128xf32, #tpu.memory_space<vmem>>
    %dma_wait3A_218 = arith.constant 1024 : i32
    %dma_wait3A_219 = tpu.memref_slice %arg5[%dma_wait3A_218] : memref<2560xi32, #tpu.memory_space<vmem>> -> memref<256xi32, #tpu.memory_space<vmem>>
    %dma_wait3A_220 = arith.constant 0 : i32
    %dma_wait3A_221 = arith.constant 0 : i32
    %dma_wait3A_222 = tpu.memref_slice %arg2[%dma_wait3A_220, %dma_wait3A_221] : memref<10240x128xf32, #tpu.memory_space<hbm>> -> memref<10240x128xf32, #tpu.memory_space<hbm>>
    tpu.wait_indirect_dma semaphore(%arg7 : memref<!tpu.dma_semaphore, #tpu.memory_space<semaphore_mem>>) src(%dma_wait3A_222 : memref<10240x128xf32, #tpu.memory_space<hbm>>) dst(%dma_wait3A_217 : memref<256x128xf32, #tpu.memory_space<vmem>>)
    %add3A_223 = arith.constant 1024 : i32
    %add3A_224 = arith.addi %mul3A_2, %add3A_223 : i32
    %multiple_of3A_225 = tpu.assume_multiple %add3A_224, 8 : i32
    %dma_start3A_226 = arith.constant 1 : i32
    %dma_start3A_227 = arith.constant 0 : i32
    %dma_start3A_228 = arith.constant 0 : i32
    %dma_start3A_229 = tpu.memref_slice %arg6[%dma_start3A_226, %dma_start3A_227, %dma_start3A_228] : memref<3x256x128xf32, #tpu.memory_space<vmem>> -> memref<1x256x128xf32, #tpu.memory_space<vmem>>
    %dma_start3A_230 = tpu.memref_squeeze %dma_start3A_229 : memref<1x256x128xf32, #tpu.memory_space<vmem>> -> memref<256x128xf32, #tpu.memory_space<vmem>>
    %dma_start3A_231 = arith.constant 0 : i32
    %dma_start3A_232 = tpu.memref_slice %arg4[%multiple_of3A_225, %dma_start3A_231] : memref<81920x128xf32, #tpu.memory_space<hbm>> -> memref<256x128xf32, #tpu.memory_space<hbm>>
    %dma_start3A_233 = arith.constant 0 : i32
    %dma_start3A_234 = tpu.memref_slice %arg4[%multiple_of3A_225, %dma_start3A_233] : memref<81920x128xf32, #tpu.memory_space<hbm>> -> memref<256x128xf32, #tpu.memory_space<hbm>>
    %dma_start3A_235 = arith.constant 0 : i32
    %dma_start3A_236 = arith.constant 0 : i32
    %dma_start3A_237 = tpu.memref_slice %arg6[%dma_start3A_226, %dma_start3A_235, %dma_start3A_236] : memref<3x256x128xf32, #tpu.memory_space<vmem>> -> memref<1x256x128xf32, #tpu.memory_space<vmem>>
    %dma_start3A_238 = tpu.memref_squeeze %dma_start3A_237 : memref<1x256x128xf32, #tpu.memory_space<vmem>> -> memref<256x128xf32, #tpu.memory_space<vmem>>
    tpu.enqueue_dma source(%dma_start3A_238 : memref<256x128xf32, #tpu.memory_space<vmem>>) target(%dma_start3A_234 : memref<256x128xf32, #tpu.memory_space<hbm>>) target_semaphore(%arg9 : memref<!tpu.dma_semaphore, #tpu.memory_space<semaphore_mem>>)
    %add3A_239 = arith.constant 768 : i32
    %add3A_240 = arith.addi %mul3A_2, %add3A_239 : i32
    %multiple_of3A_241 = tpu.assume_multiple %add3A_240, 8 : i32
    %dma_wait3A_242 = arith.constant 0 : i32
    %dma_wait3A_243 = arith.constant 0 : i32
    %dma_wait3A_244 = arith.constant 0 : i32
    %dma_wait3A_245 = tpu.memref_slice %arg6[%dma_wait3A_242, %dma_wait3A_243, %dma_wait3A_244] : memref<3x256x128xf32, #tpu.memory_space<vmem>> -> memref<1x256x128xf32, #tpu.memory_space<vmem>>
    %dma_wait3A_246 = tpu.memref_squeeze %dma_wait3A_245 : memref<1x256x128xf32, #tpu.memory_space<vmem>> -> memref<256x128xf32, #tpu.memory_space<vmem>>
    %dma_wait3A_247 = arith.constant 0 : i32
    %dma_wait3A_248 = tpu.memref_slice %arg4[%multiple_of3A_241, %dma_wait3A_247] : memref<81920x128xf32, #tpu.memory_space<hbm>> -> memref<256x128xf32, #tpu.memory_space<hbm>>
    %dma_wait3A_249 = arith.constant 0 : i32
    %dma_wait3A_250 = tpu.memref_slice %arg4[%multiple_of3A_241, %dma_wait3A_249] : memref<81920x128xf32, #tpu.memory_space<hbm>> -> memref<256x128xf32, #tpu.memory_space<hbm>>
    %dma_wait3A_251 = arith.constant 0 : i32
    %dma_wait3A_252 = arith.constant 0 : i32
    %dma_wait3A_253 = tpu.memref_slice %arg6[%dma_wait3A_242, %dma_wait3A_251, %dma_wait3A_252] : memref<3x256x128xf32, #tpu.memory_space<vmem>> -> memref<1x256x128xf32, #tpu.memory_space<vmem>>
    %dma_wait3A_254 = tpu.memref_squeeze %dma_wait3A_253 : memref<1x256x128xf32, #tpu.memory_space<vmem>> -> memref<256x128xf32, #tpu.memory_space<vmem>>
    tpu.wait_dma2 semaphore(%arg8 : memref<!tpu.dma_semaphore, #tpu.memory_space<semaphore_mem>>) src(%dma_wait3A_254 : memref<256x128xf32, #tpu.memory_space<vmem>>) dst(%dma_wait3A_250 : memref<256x128xf32, #tpu.memory_space<hbm>>)
    %dma_start3A_255 = arith.constant 0 : i32
    %dma_start3A_256 = arith.constant 0 : i32
    %dma_start3A_257 = arith.constant 0 : i32
    %dma_start3A_258 = tpu.memref_slice %arg6[%dma_start3A_255, %dma_start3A_256, %dma_start3A_257] : memref<3x256x128xf32, #tpu.memory_space<vmem>> -> memref<1x256x128xf32, #tpu.memory_space<vmem>>
    %dma_start3A_259 = tpu.memref_squeeze %dma_start3A_258 : memref<1x256x128xf32, #tpu.memory_space<vmem>> -> memref<256x128xf32, #tpu.memory_space<vmem>>
    %dma_start3A_260 = arith.constant 1536 : i32
    %dma_start3A_261 = tpu.memref_slice %arg5[%dma_start3A_260] : memref<2560xi32, #tpu.memory_space<vmem>> -> memref<256xi32, #tpu.memory_space<vmem>>
    %dma_start3A_262 = arith.constant 0 : i32
    %dma_start3A_263 = arith.constant 0 : i32
    %dma_start3A_264 = tpu.memref_slice %arg2[%dma_start3A_262, %dma_start3A_263] : memref<10240x128xf32, #tpu.memory_space<hbm>> -> memref<10240x128xf32, #tpu.memory_space<hbm>>
    tpu.enqueue_indirect_dma source(%dma_start3A_264 : memref<10240x128xf32, #tpu.memory_space<hbm>>) target(%dma_start3A_259 : memref<256x128xf32, #tpu.memory_space<vmem>>) offsets(%dma_start3A_261 : memref<256xi32, #tpu.memory_space<vmem>>) semaphore(%arg7 : memref<!tpu.dma_semaphore, #tpu.memory_space<semaphore_mem>>)
    %dma_wait3A_265 = arith.constant 2 : i32
    %dma_wait3A_266 = arith.constant 0 : i32
    %dma_wait3A_267 = arith.constant 0 : i32
    %dma_wait3A_268 = tpu.memref_slice %arg6[%dma_wait3A_265, %dma_wait3A_266, %dma_wait3A_267] : memref<3x256x128xf32, #tpu.memory_space<vmem>> -> memref<1x256x128xf32, #tpu.memory_space<vmem>>
    %dma_wait3A_269 = tpu.memref_squeeze %dma_wait3A_268 : memref<1x256x128xf32, #tpu.memory_space<vmem>> -> memref<256x128xf32, #tpu.memory_space<vmem>>
    %dma_wait3A_270 = arith.constant 1280 : i32
    %dma_wait3A_271 = tpu.memref_slice %arg5[%dma_wait3A_270] : memref<2560xi32, #tpu.memory_space<vmem>> -> memref<256xi32, #tpu.memory_space<vmem>>
    %dma_wait3A_272 = arith.constant 0 : i32
    %dma_wait3A_273 = arith.constant 0 : i32
    %dma_wait3A_274 = tpu.memref_slice %arg2[%dma_wait3A_272, %dma_wait3A_273] : memref<10240x128xf32, #tpu.memory_space<hbm>> -> memref<10240x128xf32, #tpu.memory_space<hbm>>
    tpu.wait_indirect_dma semaphore(%arg7 : memref<!tpu.dma_semaphore, #tpu.memory_space<semaphore_mem>>) src(%dma_wait3A_274 : memref<10240x128xf32, #tpu.memory_space<hbm>>) dst(%dma_wait3A_269 : memref<256x128xf32, #tpu.memory_space<vmem>>)
    %add3A_275 = arith.constant 1280 : i32
    %add3A_276 = arith.addi %mul3A_2, %add3A_275 : i32
    %multiple_of3A_277 = tpu.assume_multiple %add3A_276, 8 : i32
    %dma_start3A_278 = arith.constant 2 : i32
    %dma_start3A_279 = arith.constant 0 : i32
    %dma_start3A_280 = arith.constant 0 : i32
    %dma_start3A_281 = tpu.memref_slice %arg6[%dma_start3A_278, %dma_start3A_279, %dma_start3A_280] : memref<3x256x128xf32, #tpu.memory_space<vmem>> -> memref<1x256x128xf32, #tpu.memory_space<vmem>>
    %dma_start3A_282 = tpu.memref_squeeze %dma_start3A_281 : memref<1x256x128xf32, #tpu.memory_space<vmem>> -> memref<256x128xf32, #tpu.memory_space<vmem>>
    %dma_start3A_283 = arith.constant 0 : i32
    %dma_start3A_284 = tpu.memref_slice %arg4[%multiple_of3A_277, %dma_start3A_283] : memref<81920x128xf32, #tpu.memory_space<hbm>> -> memref<256x128xf32, #tpu.memory_space<hbm>>
    %dma_start3A_285 = arith.constant 0 : i32
    %dma_start3A_286 = tpu.memref_slice %arg4[%multiple_of3A_277, %dma_start3A_285] : memref<81920x128xf32, #tpu.memory_space<hbm>> -> memref<256x128xf32, #tpu.memory_space<hbm>>
    %dma_start3A_287 = arith.constant 0 : i32
    %dma_start3A_288 = arith.constant 0 : i32
    %dma_start3A_289 = tpu.memref_slice %arg6[%dma_start3A_278, %dma_start3A_287, %dma_start3A_288] : memref<3x256x128xf32, #tpu.memory_space<vmem>> -> memref<1x256x128xf32, #tpu.memory_space<vmem>>
    %dma_start3A_290 = tpu.memref_squeeze %dma_start3A_289 : memref<1x256x128xf32, #tpu.memory_space<vmem>> -> memref<256x128xf32, #tpu.memory_space<vmem>>
    tpu.enqueue_dma source(%dma_start3A_290 : memref<256x128xf32, #tpu.memory_space<vmem>>) target(%dma_start3A_286 : memref<256x128xf32, #tpu.memory_space<hbm>>) target_semaphore(%arg10 : memref<!tpu.dma_semaphore, #tpu.memory_space<semaphore_mem>>)
    %add3A_291 = arith.constant 1024 : i32
    %add3A_292 = arith.addi %mul3A_2, %add3A_291 : i32
    %multiple_of3A_293 = tpu.assume_multiple %add3A_292, 8 : i32
    %dma_wait3A_294 = arith.constant 1 : i32
    %dma_wait3A_295 = arith.constant 0 : i32
    %dma_wait3A_296 = arith.constant 0 : i32
    %dma_wait3A_297 = tpu.memref_slice %arg6[%dma_wait3A_294, %dma_wait3A_295, %dma_wait3A_296] : memref<3x256x128xf32, #tpu.memory_space<vmem>> -> memref<1x256x128xf32, #tpu.memory_space<vmem>>
    %dma_wait3A_298 = tpu.memref_squeeze %dma_wait3A_297 : memref<1x256x128xf32, #tpu.memory_space<vmem>> -> memref<256x128xf32, #tpu.memory_space<vmem>>
    %dma_wait3A_299 = arith.constant 0 : i32
    %dma_wait3A_300 = tpu.memref_slice %arg4[%multiple_of3A_293, %dma_wait3A_299] : memref<81920x128xf32, #tpu.memory_space<hbm>> -> memref<256x128xf32, #tpu.memory_space<hbm>>
    %dma_wait3A_301 = arith.constant 0 : i32
    %dma_wait3A_302 = tpu.memref_slice %arg4[%multiple_of3A_293, %dma_wait3A_301] : memref<81920x128xf32, #tpu.memory_space<hbm>> -> memref<256x128xf32, #tpu.memory_space<hbm>>
    %dma_wait3A_303 = arith.constant 0 : i32
    %dma_wait3A_304 = arith.constant 0 : i32
    %dma_wait3A_305 = tpu.memref_slice %arg6[%dma_wait3A_294, %dma_wait3A_303, %dma_wait3A_304] : memref<3x256x128xf32, #tpu.memory_space<vmem>> -> memref<1x256x128xf32, #tpu.memory_space<vmem>>
    %dma_wait3A_306 = tpu.memref_squeeze %dma_wait3A_305 : memref<1x256x128xf32, #tpu.memory_space<vmem>> -> memref<256x128xf32, #tpu.memory_space<vmem>>
    tpu.wait_dma2 semaphore(%arg9 : memref<!tpu.dma_semaphore, #tpu.memory_space<semaphore_mem>>) src(%dma_wait3A_306 : memref<256x128xf32, #tpu.memory_space<vmem>>) dst(%dma_wait3A_302 : memref<256x128xf32, #tpu.memory_space<hbm>>)
    %dma_start3A_307 = arith.constant 1 : i32
    %dma_start3A_308 = arith.constant 0 : i32
    %dma_start3A_309 = arith.constant 0 : i32
    %dma_start3A_310 = tpu.memref_slice %arg6[%dma_start3A_307, %dma_start3A_308, %dma_start3A_309] : memref<3x256x128xf32, #tpu.memory_space<vmem>> -> memref<1x256x128xf32, #tpu.memory_space<vmem>>
    %dma_start3A_311 = tpu.memref_squeeze %dma_start3A_310 : memref<1x256x128xf32, #tpu.memory_space<vmem>> -> memref<256x128xf32, #tpu.memory_space<vmem>>
    %dma_start3A_312 = arith.constant 1792 : i32
    %dma_start3A_313 = tpu.memref_slice %arg5[%dma_start3A_312] : memref<2560xi32, #tpu.memory_space<vmem>> -> memref<256xi32, #tpu.memory_space<vmem>>
    %dma_start3A_314 = arith.constant 0 : i32
    %dma_start3A_315 = arith.constant 0 : i32
    %dma_start3A_316 = tpu.memref_slice %arg2[%dma_start3A_314, %dma_start3A_315] : memref<10240x128xf32, #tpu.memory_space<hbm>> -> memref<10240x128xf32, #tpu.memory_space<hbm>>
    tpu.enqueue_indirect_dma source(%dma_start3A_316 : memref<10240x128xf32, #tpu.memory_space<hbm>>) target(%dma_start3A_311 : memref<256x128xf32, #tpu.memory_space<vmem>>) offsets(%dma_start3A_313 : memref<256xi32, #tpu.memory_space<vmem>>) semaphore(%arg7 : memref<!tpu.dma_semaphore, #tpu.memory_space<semaphore_mem>>)
    %dma_wait3A_317 = arith.constant 0 : i32
    %dma_wait3A_318 = arith.constant 0 : i32
    %dma_wait3A_319 = arith.constant 0 : i32
    %dma_wait3A_320 = tpu.memref_slice %arg6[%dma_wait3A_317, %dma_wait3A_318, %dma_wait3A_319] : memref<3x256x128xf32, #tpu.memory_space<vmem>> -> memref<1x256x128xf32, #tpu.memory_space<vmem>>
    %dma_wait3A_321 = tpu.memref_squeeze %dma_wait3A_320 : memref<1x256x128xf32, #tpu.memory_space<vmem>> -> memref<256x128xf32, #tpu.memory_space<vmem>>
    %dma_wait3A_322 = arith.constant 1536 : i32
    %dma_wait3A_323 = tpu.memref_slice %arg5[%dma_wait3A_322] : memref<2560xi32, #tpu.memory_space<vmem>> -> memref<256xi32, #tpu.memory_space<vmem>>
    %dma_wait3A_324 = arith.constant 0 : i32
    %dma_wait3A_325 = arith.constant 0 : i32
    %dma_wait3A_326 = tpu.memref_slice %arg2[%dma_wait3A_324, %dma_wait3A_325] : memref<10240x128xf32, #tpu.memory_space<hbm>> -> memref<10240x128xf32, #tpu.memory_space<hbm>>
    tpu.wait_indirect_dma semaphore(%arg7 : memref<!tpu.dma_semaphore, #tpu.memory_space<semaphore_mem>>) src(%dma_wait3A_326 : memref<10240x128xf32, #tpu.memory_space<hbm>>) dst(%dma_wait3A_321 : memref<256x128xf32, #tpu.memory_space<vmem>>)
    %add3A_327 = arith.constant 1536 : i32
    %add3A_328 = arith.addi %mul3A_2, %add3A_327 : i32
    %multiple_of3A_329 = tpu.assume_multiple %add3A_328, 8 : i32
    %dma_start3A_330 = arith.constant 0 : i32
    %dma_start3A_331 = arith.constant 0 : i32
    %dma_start3A_332 = arith.constant 0 : i32
    %dma_start3A_333 = tpu.memref_slice %arg6[%dma_start3A_330, %dma_start3A_331, %dma_start3A_332] : memref<3x256x128xf32, #tpu.memory_space<vmem>> -> memref<1x256x128xf32, #tpu.memory_space<vmem>>
    %dma_start3A_334 = tpu.memref_squeeze %dma_start3A_333 : memref<1x256x128xf32, #tpu.memory_space<vmem>> -> memref<256x128xf32, #tpu.memory_space<vmem>>
    %dma_start3A_335 = arith.constant 0 : i32
    %dma_start3A_336 = tpu.memref_slice %arg4[%multiple_of3A_329, %dma_start3A_335] : memref<81920x128xf32, #tpu.memory_space<hbm>> -> memref<256x128xf32, #tpu.memory_space<hbm>>
    %dma_start3A_337 = arith.constant 0 : i32
    %dma_start3A_338 = tpu.memref_slice %arg4[%multiple_of3A_329, %dma_start3A_337] : memref<81920x128xf32, #tpu.memory_space<hbm>> -> memref<256x128xf32, #tpu.memory_space<hbm>>
    %dma_start3A_339 = arith.constant 0 : i32
    %dma_start3A_340 = arith.constant 0 : i32
    %dma_start3A_341 = tpu.memref_slice %arg6[%dma_start3A_330, %dma_start3A_339, %dma_start3A_340] : memref<3x256x128xf32, #tpu.memory_space<vmem>> -> memref<1x256x128xf32, #tpu.memory_space<vmem>>
    %dma_start3A_342 = tpu.memref_squeeze %dma_start3A_341 : memref<1x256x128xf32, #tpu.memory_space<vmem>> -> memref<256x128xf32, #tpu.memory_space<vmem>>
    tpu.enqueue_dma source(%dma_start3A_342 : memref<256x128xf32, #tpu.memory_space<vmem>>) target(%dma_start3A_338 : memref<256x128xf32, #tpu.memory_space<hbm>>) target_semaphore(%arg8 : memref<!tpu.dma_semaphore, #tpu.memory_space<semaphore_mem>>)
    %add3A_343 = arith.constant 1280 : i32
    %add3A_344 = arith.addi %mul3A_2, %add3A_343 : i32
    %multiple_of3A_345 = tpu.assume_multiple %add3A_344, 8 : i32
    %dma_wait3A_346 = arith.constant 2 : i32
    %dma_wait3A_347 = arith.constant 0 : i32
    %dma_wait3A_348 = arith.constant 0 : i32
    %dma_wait3A_349 = tpu.memref_slice %arg6[%dma_wait3A_346, %dma_wait3A_347, %dma_wait3A_348] : memref<3x256x128xf32, #tpu.memory_space<vmem>> -> memref<1x256x128xf32, #tpu.memory_space<vmem>>
    %dma_wait3A_350 = tpu.memref_squeeze %dma_wait3A_349 : memref<1x256x128xf32, #tpu.memory_space<vmem>> -> memref<256x128xf32, #tpu.memory_space<vmem>>
    %dma_wait3A_351 = arith.constant 0 : i32
    %dma_wait3A_352 = tpu.memref_slice %arg4[%multiple_of3A_345, %dma_wait3A_351] : memref<81920x128xf32, #tpu.memory_space<hbm>> -> memref<256x128xf32, #tpu.memory_space<hbm>>
    %dma_wait3A_353 = arith.constant 0 : i32
    %dma_wait3A_354 = tpu.memref_slice %arg4[%multiple_of3A_345, %dma_wait3A_353] : memref<81920x128xf32, #tpu.memory_space<hbm>> -> memref<256x128xf32, #tpu.memory_space<hbm>>
    %dma_wait3A_355 = arith.constant 0 : i32
    %dma_wait3A_356 = arith.constant 0 : i32
    %dma_wait3A_357 = tpu.memref_slice %arg6[%dma_wait3A_346, %dma_wait3A_355, %dma_wait3A_356] : memref<3x256x128xf32, #tpu.memory_space<vmem>> -> memref<1x256x128xf32, #tpu.memory_space<vmem>>
    %dma_wait3A_358 = tpu.memref_squeeze %dma_wait3A_357 : memref<1x256x128xf32, #tpu.memory_space<vmem>> -> memref<256x128xf32, #tpu.memory_space<vmem>>
    tpu.wait_dma2 semaphore(%arg10 : memref<!tpu.dma_semaphore, #tpu.memory_space<semaphore_mem>>) src(%dma_wait3A_358 : memref<256x128xf32, #tpu.memory_space<vmem>>) dst(%dma_wait3A_354 : memref<256x128xf32, #tpu.memory_space<hbm>>)
    %dma_start3A_359 = arith.constant 2 : i32
    %dma_start3A_360 = arith.constant 0 : i32
    %dma_start3A_361 = arith.constant 0 : i32
    %dma_start3A_362 = tpu.memref_slice %arg6[%dma_start3A_359, %dma_start3A_360, %dma_start3A_361] : memref<3x256x128xf32, #tpu.memory_space<vmem>> -> memref<1x256x128xf32, #tpu.memory_space<vmem>>
    %dma_start3A_363 = tpu.memref_squeeze %dma_start3A_362 : memref<1x256x128xf32, #tpu.memory_space<vmem>> -> memref<256x128xf32, #tpu.memory_space<vmem>>
    %dma_start3A_364 = arith.constant 2048 : i32
    %dma_start3A_365 = tpu.memref_slice %arg5[%dma_start3A_364] : memref<2560xi32, #tpu.memory_space<vmem>> -> memref<256xi32, #tpu.memory_space<vmem>>
    %dma_start3A_366 = arith.constant 0 : i32
    %dma_start3A_367 = arith.constant 0 : i32
    %dma_start3A_368 = tpu.memref_slice %arg2[%dma_start3A_366, %dma_start3A_367] : memref<10240x128xf32, #tpu.memory_space<hbm>> -> memref<10240x128xf32, #tpu.memory_space<hbm>>
    tpu.enqueue_indirect_dma source(%dma_start3A_368 : memref<10240x128xf32, #tpu.memory_space<hbm>>) target(%dma_start3A_363 : memref<256x128xf32, #tpu.memory_space<vmem>>) offsets(%dma_start3A_365 : memref<256xi32, #tpu.memory_space<vmem>>) semaphore(%arg7 : memref<!tpu.dma_semaphore, #tpu.memory_space<semaphore_mem>>)
    %dma_wait3A_369 = arith.constant 1 : i32
    %dma_wait3A_370 = arith.constant 0 : i32
    %dma_wait3A_371 = arith.constant 0 : i32
    %dma_wait3A_372 = tpu.memref_slice %arg6[%dma_wait3A_369, %dma_wait3A_370, %dma_wait3A_371] : memref<3x256x128xf32, #tpu.memory_space<vmem>> -> memref<1x256x128xf32, #tpu.memory_space<vmem>>
    %dma_wait3A_373 = tpu.memref_squeeze %dma_wait3A_372 : memref<1x256x128xf32, #tpu.memory_space<vmem>> -> memref<256x128xf32, #tpu.memory_space<vmem>>
    %dma_wait3A_374 = arith.constant 1792 : i32
    %dma_wait3A_375 = tpu.memref_slice %arg5[%dma_wait3A_374] : memref<2560xi32, #tpu.memory_space<vmem>> -> memref<256xi32, #tpu.memory_space<vmem>>
    %dma_wait3A_376 = arith.constant 0 : i32
    %dma_wait3A_377 = arith.constant 0 : i32
    %dma_wait3A_378 = tpu.memref_slice %arg2[%dma_wait3A_376, %dma_wait3A_377] : memref<10240x128xf32, #tpu.memory_space<hbm>> -> memref<10240x128xf32, #tpu.memory_space<hbm>>
    tpu.wait_indirect_dma semaphore(%arg7 : memref<!tpu.dma_semaphore, #tpu.memory_space<semaphore_mem>>) src(%dma_wait3A_378 : memref<10240x128xf32, #tpu.memory_space<hbm>>) dst(%dma_wait3A_373 : memref<256x128xf32, #tpu.memory_space<vmem>>)
    %add3A_379 = arith.constant 1792 : i32
    %add3A_380 = arith.addi %mul3A_2, %add3A_379 : i32
    %multiple_of3A_381 = tpu.assume_multiple %add3A_380, 8 : i32
    %dma_start3A_382 = arith.constant 1 : i32
    %dma_start3A_383 = arith.constant 0 : i32
    %dma_start3A_384 = arith.constant 0 : i32
    %dma_start3A_385 = tpu.memref_slice %arg6[%dma_start3A_382, %dma_start3A_383, %dma_start3A_384] : memref<3x256x128xf32, #tpu.memory_space<vmem>> -> memref<1x256x128xf32, #tpu.memory_space<vmem>>
    %dma_start3A_386 = tpu.memref_squeeze %dma_start3A_385 : memref<1x256x128xf32, #tpu.memory_space<vmem>> -> memref<256x128xf32, #tpu.memory_space<vmem>>
    %dma_start3A_387 = arith.constant 0 : i32
    %dma_start3A_388 = tpu.memref_slice %arg4[%multiple_of3A_381, %dma_start3A_387] : memref<81920x128xf32, #tpu.memory_space<hbm>> -> memref<256x128xf32, #tpu.memory_space<hbm>>
    %dma_start3A_389 = arith.constant 0 : i32
    %dma_start3A_390 = tpu.memref_slice %arg4[%multiple_of3A_381, %dma_start3A_389] : memref<81920x128xf32, #tpu.memory_space<hbm>> -> memref<256x128xf32, #tpu.memory_space<hbm>>
    %dma_start3A_391 = arith.constant 0 : i32
    %dma_start3A_392 = arith.constant 0 : i32
    %dma_start3A_393 = tpu.memref_slice %arg6[%dma_start3A_382, %dma_start3A_391, %dma_start3A_392] : memref<3x256x128xf32, #tpu.memory_space<vmem>> -> memref<1x256x128xf32, #tpu.memory_space<vmem>>
    %dma_start3A_394 = tpu.memref_squeeze %dma_start3A_393 : memref<1x256x128xf32, #tpu.memory_space<vmem>> -> memref<256x128xf32, #tpu.memory_space<vmem>>
    tpu.enqueue_dma source(%dma_start3A_394 : memref<256x128xf32, #tpu.memory_space<vmem>>) target(%dma_start3A_390 : memref<256x128xf32, #tpu.memory_space<hbm>>) target_semaphore(%arg9 : memref<!tpu.dma_semaphore, #tpu.memory_space<semaphore_mem>>)
    %add3A_395 = arith.constant 1536 : i32
    %add3A_396 = arith.addi %mul3A_2, %add3A_395 : i32
    %multiple_of3A_397 = tpu.assume_multiple %add3A_396, 8 : i32
    %dma_wait3A_398 = arith.constant 0 : i32
    %dma_wait3A_399 = arith.constant 0 : i32
    %dma_wait3A_400 = arith.constant 0 : i32
    %dma_wait3A_401 = tpu.memref_slice %arg6[%dma_wait3A_398, %dma_wait3A_399, %dma_wait3A_400] : memref<3x256x128xf32, #tpu.memory_space<vmem>> -> memref<1x256x128xf32, #tpu.memory_space<vmem>>
    %dma_wait3A_402 = tpu.memref_squeeze %dma_wait3A_401 : memref<1x256x128xf32, #tpu.memory_space<vmem>> -> memref<256x128xf32, #tpu.memory_space<vmem>>
    %dma_wait3A_403 = arith.constant 0 : i32
    %dma_wait3A_404 = tpu.memref_slice %arg4[%multiple_of3A_397, %dma_wait3A_403] : memref<81920x128xf32, #tpu.memory_space<hbm>> -> memref<256x128xf32, #tpu.memory_space<hbm>>
    %dma_wait3A_405 = arith.constant 0 : i32
    %dma_wait3A_406 = tpu.memref_slice %arg4[%multiple_of3A_397, %dma_wait3A_405] : memref<81920x128xf32, #tpu.memory_space<hbm>> -> memref<256x128xf32, #tpu.memory_space<hbm>>
    %dma_wait3A_407 = arith.constant 0 : i32
    %dma_wait3A_408 = arith.constant 0 : i32
    %dma_wait3A_409 = tpu.memref_slice %arg6[%dma_wait3A_398, %dma_wait3A_407, %dma_wait3A_408] : memref<3x256x128xf32, #tpu.memory_space<vmem>> -> memref<1x256x128xf32, #tpu.memory_space<vmem>>
    %dma_wait3A_410 = tpu.memref_squeeze %dma_wait3A_409 : memref<1x256x128xf32, #tpu.memory_space<vmem>> -> memref<256x128xf32, #tpu.memory_space<vmem>>
    tpu.wait_dma2 semaphore(%arg8 : memref<!tpu.dma_semaphore, #tpu.memory_space<semaphore_mem>>) src(%dma_wait3A_410 : memref<256x128xf32, #tpu.memory_space<vmem>>) dst(%dma_wait3A_406 : memref<256x128xf32, #tpu.memory_space<hbm>>)
    %dma_start3A_411 = arith.constant 0 : i32
    %dma_start3A_412 = arith.constant 0 : i32
    %dma_start3A_413 = arith.constant 0 : i32
    %dma_start3A_414 = tpu.memref_slice %arg6[%dma_start3A_411, %dma_start3A_412, %dma_start3A_413] : memref<3x256x128xf32, #tpu.memory_space<vmem>> -> memref<1x256x128xf32, #tpu.memory_space<vmem>>
    %dma_start3A_415 = tpu.memref_squeeze %dma_start3A_414 : memref<1x256x128xf32, #tpu.memory_space<vmem>> -> memref<256x128xf32, #tpu.memory_space<vmem>>
    %dma_start3A_416 = arith.constant 2304 : i32
    %dma_start3A_417 = tpu.memref_slice %arg5[%dma_start3A_416] : memref<2560xi32, #tpu.memory_space<vmem>> -> memref<256xi32, #tpu.memory_space<vmem>>
    %dma_start3A_418 = arith.constant 0 : i32
    %dma_start3A_419 = arith.constant 0 : i32
    %dma_start3A_420 = tpu.memref_slice %arg2[%dma_start3A_418, %dma_start3A_419] : memref<10240x128xf32, #tpu.memory_space<hbm>> -> memref<10240x128xf32, #tpu.memory_space<hbm>>
    tpu.enqueue_indirect_dma source(%dma_start3A_420 : memref<10240x128xf32, #tpu.memory_space<hbm>>) target(%dma_start3A_415 : memref<256x128xf32, #tpu.memory_space<vmem>>) offsets(%dma_start3A_417 : memref<256xi32, #tpu.memory_space<vmem>>) semaphore(%arg7 : memref<!tpu.dma_semaphore, #tpu.memory_space<semaphore_mem>>)
    %dma_wait3A_421 = arith.constant 2 : i32
    %dma_wait3A_422 = arith.constant 0 : i32
    %dma_wait3A_423 = arith.constant 0 : i32
    %dma_wait3A_424 = tpu.memref_slice %arg6[%dma_wait3A_421, %dma_wait3A_422, %dma_wait3A_423] : memref<3x256x128xf32, #tpu.memory_space<vmem>> -> memref<1x256x128xf32, #tpu.memory_space<vmem>>
    %dma_wait3A_425 = tpu.memref_squeeze %dma_wait3A_424 : memref<1x256x128xf32, #tpu.memory_space<vmem>> -> memref<256x128xf32, #tpu.memory_space<vmem>>
    %dma_wait3A_426 = arith.constant 2048 : i32
    %dma_wait3A_427 = tpu.memref_slice %arg5[%dma_wait3A_426] : memref<2560xi32, #tpu.memory_space<vmem>> -> memref<256xi32, #tpu.memory_space<vmem>>
    %dma_wait3A_428 = arith.constant 0 : i32
    %dma_wait3A_429 = arith.constant 0 : i32
    %dma_wait3A_430 = tpu.memref_slice %arg2[%dma_wait3A_428, %dma_wait3A_429] : memref<10240x128xf32, #tpu.memory_space<hbm>> -> memref<10240x128xf32, #tpu.memory_space<hbm>>
    tpu.wait_indirect_dma semaphore(%arg7 : memref<!tpu.dma_semaphore, #tpu.memory_space<semaphore_mem>>) src(%dma_wait3A_430 : memref<10240x128xf32, #tpu.memory_space<hbm>>) dst(%dma_wait3A_425 : memref<256x128xf32, #tpu.memory_space<vmem>>)
    %add3A_431 = arith.constant 2048 : i32
    %add3A_432 = arith.addi %mul3A_2, %add3A_431 : i32
    %multiple_of3A_433 = tpu.assume_multiple %add3A_432, 8 : i32
    %dma_start3A_434 = arith.constant 2 : i32
    %dma_start3A_435 = arith.constant 0 : i32
    %dma_start3A_436 = arith.constant 0 : i32
    %dma_start3A_437 = tpu.memref_slice %arg6[%dma_start3A_434, %dma_start3A_435, %dma_start3A_436] : memref<3x256x128xf32, #tpu.memory_space<vmem>> -> memref<1x256x128xf32, #tpu.memory_space<vmem>>
    %dma_start3A_438 = tpu.memref_squeeze %dma_start3A_437 : memref<1x256x128xf32, #tpu.memory_space<vmem>> -> memref<256x128xf32, #tpu.memory_space<vmem>>
    %dma_start3A_439 = arith.constant 0 : i32
    %dma_start3A_440 = tpu.memref_slice %arg4[%multiple_of3A_433, %dma_start3A_439] : memref<81920x128xf32, #tpu.memory_space<hbm>> -> memref<256x128xf32, #tpu.memory_space<hbm>>
    %dma_start3A_441 = arith.constant 0 : i32
    %dma_start3A_442 = tpu.memref_slice %arg4[%multiple_of3A_433, %dma_start3A_441] : memref<81920x128xf32, #tpu.memory_space<hbm>> -> memref<256x128xf32, #tpu.memory_space<hbm>>
    %dma_start3A_443 = arith.constant 0 : i32
    %dma_start3A_444 = arith.constant 0 : i32
    %dma_start3A_445 = tpu.memref_slice %arg6[%dma_start3A_434, %dma_start3A_443, %dma_start3A_444] : memref<3x256x128xf32, #tpu.memory_space<vmem>> -> memref<1x256x128xf32, #tpu.memory_space<vmem>>
    %dma_start3A_446 = tpu.memref_squeeze %dma_start3A_445 : memref<1x256x128xf32, #tpu.memory_space<vmem>> -> memref<256x128xf32, #tpu.memory_space<vmem>>
    tpu.enqueue_dma source(%dma_start3A_446 : memref<256x128xf32, #tpu.memory_space<vmem>>) target(%dma_start3A_442 : memref<256x128xf32, #tpu.memory_space<hbm>>) target_semaphore(%arg10 : memref<!tpu.dma_semaphore, #tpu.memory_space<semaphore_mem>>)
    %dma_wait3A_447 = arith.constant 0 : i32
    %dma_wait3A_448 = arith.constant 0 : i32
    %dma_wait3A_449 = arith.constant 0 : i32
    %dma_wait3A_450 = tpu.memref_slice %arg6[%dma_wait3A_447, %dma_wait3A_448, %dma_wait3A_449] : memref<3x256x128xf32, #tpu.memory_space<vmem>> -> memref<1x256x128xf32, #tpu.memory_space<vmem>>
    %dma_wait3A_451 = tpu.memref_squeeze %dma_wait3A_450 : memref<1x256x128xf32, #tpu.memory_space<vmem>> -> memref<256x128xf32, #tpu.memory_space<vmem>>
    %dma_wait3A_452 = arith.constant 2304 : i32
    %dma_wait3A_453 = tpu.memref_slice %arg5[%dma_wait3A_452] : memref<2560xi32, #tpu.memory_space<vmem>> -> memref<256xi32, #tpu.memory_space<vmem>>
    %dma_wait3A_454 = arith.constant 0 : i32
    %dma_wait3A_455 = arith.constant 0 : i32
    %dma_wait3A_456 = tpu.memref_slice %arg2[%dma_wait3A_454, %dma_wait3A_455] : memref<10240x128xf32, #tpu.memory_space<hbm>> -> memref<10240x128xf32, #tpu.memory_space<hbm>>
    tpu.wait_indirect_dma semaphore(%arg7 : memref<!tpu.dma_semaphore, #tpu.memory_space<semaphore_mem>>) src(%dma_wait3A_456 : memref<10240x128xf32, #tpu.memory_space<hbm>>) dst(%dma_wait3A_451 : memref<256x128xf32, #tpu.memory_space<vmem>>)
    %add3A_457 = arith.constant 2304 : i32
    %add3A_458 = arith.addi %mul3A_2, %add3A_457 : i32
    %multiple_of3A_459 = tpu.assume_multiple %add3A_458, 8 : i32
    %dma_start3A_460 = arith.constant 0 : i32
    %dma_start3A_461 = arith.constant 0 : i32
    %dma_start3A_462 = arith.constant 0 : i32
    %dma_start3A_463 = tpu.memref_slice %arg6[%dma_start3A_460, %dma_start3A_461, %dma_start3A_462] : memref<3x256x128xf32, #tpu.memory_space<vmem>> -> memref<1x256x128xf32, #tpu.memory_space<vmem>>
    %dma_start3A_464 = tpu.memref_squeeze %dma_start3A_463 : memref<1x256x128xf32, #tpu.memory_space<vmem>> -> memref<256x128xf32, #tpu.memory_space<vmem>>
    %dma_start3A_465 = arith.constant 0 : i32
    %dma_start3A_466 = tpu.memref_slice %arg4[%multiple_of3A_459, %dma_start3A_465] : memref<81920x128xf32, #tpu.memory_space<hbm>> -> memref<256x128xf32, #tpu.memory_space<hbm>>
    %dma_start3A_467 = arith.constant 0 : i32
    %dma_start3A_468 = tpu.memref_slice %arg4[%multiple_of3A_459, %dma_start3A_467] : memref<81920x128xf32, #tpu.memory_space<hbm>> -> memref<256x128xf32, #tpu.memory_space<hbm>>
    %dma_start3A_469 = arith.constant 0 : i32
    %dma_start3A_470 = arith.constant 0 : i32
    %dma_start3A_471 = tpu.memref_slice %arg6[%dma_start3A_460, %dma_start3A_469, %dma_start3A_470] : memref<3x256x128xf32, #tpu.memory_space<vmem>> -> memref<1x256x128xf32, #tpu.memory_space<vmem>>
    %dma_start3A_472 = tpu.memref_squeeze %dma_start3A_471 : memref<1x256x128xf32, #tpu.memory_space<vmem>> -> memref<256x128xf32, #tpu.memory_space<vmem>>
    tpu.enqueue_dma source(%dma_start3A_472 : memref<256x128xf32, #tpu.memory_space<vmem>>) target(%dma_start3A_468 : memref<256x128xf32, #tpu.memory_space<hbm>>) target_semaphore(%arg8 : memref<!tpu.dma_semaphore, #tpu.memory_space<semaphore_mem>>)
    %add3A_473 = arith.constant 1792 : i32
    %add3A_474 = arith.addi %mul3A_2, %add3A_473 : i32
    %multiple_of3A_475 = tpu.assume_multiple %add3A_474, 8 : i32
    %dma_wait3A_476 = arith.constant 1 : i32
    %dma_wait3A_477 = arith.constant 0 : i32
    %dma_wait3A_478 = arith.constant 0 : i32
    %dma_wait3A_479 = tpu.memref_slice %arg6[%dma_wait3A_476, %dma_wait3A_477, %dma_wait3A_478] : memref<3x256x128xf32, #tpu.memory_space<vmem>> -> memref<1x256x128xf32, #tpu.memory_space<vmem>>
    %dma_wait3A_480 = tpu.memref_squeeze %dma_wait3A_479 : memref<1x256x128xf32, #tpu.memory_space<vmem>> -> memref<256x128xf32, #tpu.memory_space<vmem>>
    %dma_wait3A_481 = arith.constant 0 : i32
    %dma_wait3A_482 = tpu.memref_slice %arg4[%multiple_of3A_475, %dma_wait3A_481] : memref<81920x128xf32, #tpu.memory_space<hbm>> -> memref<256x128xf32, #tpu.memory_space<hbm>>
    %dma_wait3A_483 = arith.constant 0 : i32
    %dma_wait3A_484 = tpu.memref_slice %arg4[%multiple_of3A_475, %dma_wait3A_483] : memref<81920x128xf32, #tpu.memory_space<hbm>> -> memref<256x128xf32, #tpu.memory_space<hbm>>
    %dma_wait3A_485 = arith.constant 0 : i32
    %dma_wait3A_486 = arith.constant 0 : i32
    %dma_wait3A_487 = tpu.memref_slice %arg6[%dma_wait3A_476, %dma_wait3A_485, %dma_wait3A_486] : memref<3x256x128xf32, #tpu.memory_space<vmem>> -> memref<1x256x128xf32, #tpu.memory_space<vmem>>
    %dma_wait3A_488 = tpu.memref_squeeze %dma_wait3A_487 : memref<1x256x128xf32, #tpu.memory_space<vmem>> -> memref<256x128xf32, #tpu.memory_space<vmem>>
    tpu.wait_dma2 semaphore(%arg9 : memref<!tpu.dma_semaphore, #tpu.memory_space<semaphore_mem>>) src(%dma_wait3A_488 : memref<256x128xf32, #tpu.memory_space<vmem>>) dst(%dma_wait3A_484 : memref<256x128xf32, #tpu.memory_space<hbm>>)
    %add3A_489 = arith.constant 2048 : i32
    %add3A_490 = arith.addi %mul3A_2, %add3A_489 : i32
    %multiple_of3A_491 = tpu.assume_multiple %add3A_490, 8 : i32
    %dma_wait3A_492 = arith.constant 2 : i32
    %dma_wait3A_493 = arith.constant 0 : i32
    %dma_wait3A_494 = arith.constant 0 : i32
    %dma_wait3A_495 = tpu.memref_slice %arg6[%dma_wait3A_492, %dma_wait3A_493, %dma_wait3A_494] : memref<3x256x128xf32, #tpu.memory_space<vmem>> -> memref<1x256x128xf32, #tpu.memory_space<vmem>>
    %dma_wait3A_496 = tpu.memref_squeeze %dma_wait3A_495 : memref<1x256x128xf32, #tpu.memory_space<vmem>> -> memref<256x128xf32, #tpu.memory_space<vmem>>
    %dma_wait3A_497 = arith.constant 0 : i32
    %dma_wait3A_498 = tpu.memref_slice %arg4[%multiple_of3A_491, %dma_wait3A_497] : memref<81920x128xf32, #tpu.memory_space<hbm>> -> memref<256x128xf32, #tpu.memory_space<hbm>>
    %dma_wait3A_499 = arith.constant 0 : i32
    %dma_wait3A_500 = tpu.memref_slice %arg4[%multiple_of3A_491, %dma_wait3A_499] : memref<81920x128xf32, #tpu.memory_space<hbm>> -> memref<256x128xf32, #tpu.memory_space<hbm>>
    %dma_wait3A_501 = arith.constant 0 : i32
    %dma_wait3A_502 = arith.constant 0 : i32
    %dma_wait3A_503 = tpu.memref_slice %arg6[%dma_wait3A_492, %dma_wait3A_501, %dma_wait3A_502] : memref<3x256x128xf32, #tpu.memory_space<vmem>> -> memref<1x256x128xf32, #tpu.memory_space<vmem>>
    %dma_wait3A_504 = tpu.memref_squeeze %dma_wait3A_503 : memref<1x256x128xf32, #tpu.memory_space<vmem>> -> memref<256x128xf32, #tpu.memory_space<vmem>>
    tpu.wait_dma2 semaphore(%arg10 : memref<!tpu.dma_semaphore, #tpu.memory_space<semaphore_mem>>) src(%dma_wait3A_504 : memref<256x128xf32, #tpu.memory_space<vmem>>) dst(%dma_wait3A_500 : memref<256x128xf32, #tpu.memory_space<hbm>>)
    %add3A_505 = arith.constant 2304 : i32
    %add3A_506 = arith.addi %mul3A_2, %add3A_505 : i32
    %multiple_of3A_507 = tpu.assume_multiple %add3A_506, 8 : i32
    %dma_wait3A_508 = arith.constant 0 : i32
    %dma_wait3A_509 = arith.constant 0 : i32
    %dma_wait3A_510 = arith.constant 0 : i32
    %dma_wait3A_511 = tpu.memref_slice %arg6[%dma_wait3A_508, %dma_wait3A_509, %dma_wait3A_510] : memref<3x256x128xf32, #tpu.memory_space<vmem>> -> memref<1x256x128xf32, #tpu.memory_space<vmem>>
    %dma_wait3A_512 = tpu.memref_squeeze %dma_wait3A_511 : memref<1x256x128xf32, #tpu.memory_space<vmem>> -> memref<256x128xf32, #tpu.memory_space<vmem>>
    %dma_wait3A_513 = arith.constant 0 : i32
    %dma_wait3A_514 = tpu.memref_slice %arg4[%multiple_of3A_507, %dma_wait3A_513] : memref<81920x128xf32, #tpu.memory_space<hbm>> -> memref<256x128xf32, #tpu.memory_space<hbm>>
    %dma_wait3A_515 = arith.constant 0 : i32
    %dma_wait3A_516 = tpu.memref_slice %arg4[%multiple_of3A_507, %dma_wait3A_515] : memref<81920x128xf32, #tpu.memory_space<hbm>> -> memref<256x128xf32, #tpu.memory_space<hbm>>
    %dma_wait3A_517 = arith.constant 0 : i32
    %dma_wait3A_518 = arith.constant 0 : i32
    %dma_wait3A_519 = tpu.memref_slice %arg6[%dma_wait3A_508, %dma_wait3A_517, %dma_wait3A_518] : memref<3x256x128xf32, #tpu.memory_space<vmem>> -> memref<1x256x128xf32, #tpu.memory_space<vmem>>
    %dma_wait3A_520 = tpu.memref_squeeze %dma_wait3A_519 : memref<1x256x128xf32, #tpu.memory_space<vmem>> -> memref<256x128xf32, #tpu.memory_space<vmem>>
    tpu.wait_dma2 semaphore(%arg8 : memref<!tpu.dma_semaphore, #tpu.memory_space<semaphore_mem>>) src(%dma_wait3A_520 : memref<256x128xf32, #tpu.memory_space<vmem>>) dst(%dma_wait3A_516 : memref<256x128xf32, #tpu.memory_space<hbm>>)
    return
  }
}

#map = affine_map<(d0, d1) -> (0, 0)>
#map1 = affine_map<(d0, d1) -> (0)>
module attributes {stable_mosaic.version = 14 : i64} {
  func.func @k(%arg0: i32, %arg1: i32, %arg2: memref<10240x128xf32, #tpu.memory_space<hbm>>, %arg3: memref<81920xi32, #tpu.memory_space<hbm>>, %arg4: memref<81920x128xf32, #tpu.memory_space<hbm>>, %arg5: memref<2560xi32, #tpu.memory_space<vmem>>, %arg6: memref<3x256x128xf32, #tpu.memory_space<vmem>>, %arg7: memref<!tpu.dma_semaphore, #tpu.memory_space<semaphore_mem>>, %arg8: memref<!tpu.dma_semaphore, #tpu.memory_space<semaphore_mem>>, %arg9: memref<!tpu.dma_semaphore, #tpu.memory_space<semaphore_mem>>, %arg10: memref<!tpu.dma_semaphore, #tpu.memory_space<semaphore_mem>>) attributes {dimension_semantics = [#tpu.dimension_semantics<core_parallel>, #tpu.dimension_semantics<subcore_parallel>], iteration_bounds = array<i64: 2, 16>, scalar_prefetch = 0 : i64, scratch_operands = 6 : i64, tpu.core_type = #tpu.core_type<sc_vector_subcore>, window_params = [{transform_indices = #map}, {transform_indices = #map1}, {transform_indices = #map}]} {
    %mul3A = arith.constant 2 : i32
    %mul3A_0 = arith.muli %arg1, %mul3A : i32
    %add3A = arith.addi %mul3A_0, %arg0 : i32
    %mul3A_1 = arith.constant 2560 : i32
    %mul3A_2 = arith.muli %add3A, %mul3A_1 : i32
    %multiple_of3A = tpu.assume_multiple %mul3A_2, 8 : i32
    "tpu.region"() ({
      %run_scoped3A = tpu.sem_alloc : memref<!tpu.dma_semaphore, #tpu.memory_space<semaphore_mem>>
      %dma_start3A_521 = tpu.memref_slice %arg3[%multiple_of3A] : memref<81920xi32, #tpu.memory_space<hbm>> -> memref<2560xi32, #tpu.memory_space<hbm>>
      %dma_start3A_522 = tpu.memref_slice %arg3[%multiple_of3A] : memref<81920xi32, #tpu.memory_space<hbm>> -> memref<2560xi32, #tpu.memory_space<hbm>>
      tpu.enqueue_dma source(%dma_start3A_522 : memref<2560xi32, #tpu.memory_space<hbm>>) target(%arg5 : memref<2560xi32, #tpu.memory_space<vmem>>) target_semaphore(%run_scoped3A : memref<!tpu.dma_semaphore, #tpu.memory_space<semaphore_mem>>)
      %dma_wait3A_523 = tpu.memref_slice %arg3[%multiple_of3A] : memref<81920xi32, #tpu.memory_space<hbm>> -> memref<2560xi32, #tpu.memory_space<hbm>>
      %dma_wait3A_524 = tpu.memref_slice %arg3[%multiple_of3A] : memref<81920xi32, #tpu.memory_space<hbm>> -> memref<2560xi32, #tpu.memory_space<hbm>>
      tpu.wait_dma2 semaphore(%run_scoped3A : memref<!tpu.dma_semaphore, #tpu.memory_space<semaphore_mem>>) src(%dma_wait3A_524 : memref<2560xi32, #tpu.memory_space<hbm>>) dst(%arg5 : memref<2560xi32, #tpu.memory_space<vmem>>)
      tpu.yield
    }) : () -> ()
    %dma_start3A = arith.constant 0 : i32
    %dma_start3A_3 = arith.constant 0 : i32
    %dma_start3A_4 = arith.constant 0 : i32
    %dma_start3A_5 = tpu.memref_slice %arg6[%dma_start3A, %dma_start3A_3, %dma_start3A_4] : memref<3x256x128xf32, #tpu.memory_space<vmem>> -> memref<1x256x128xf32, #tpu.memory_space<vmem>>
    %dma_start3A_6 = tpu.memref_squeeze %dma_start3A_5 : memref<1x256x128xf32, #tpu.memory_space<vmem>> -> memref<256x128xf32, #tpu.memory_space<vmem>>
    %dma_start3A_7 = arith.constant 0 : i32
    %dma_start3A_8 = tpu.memref_slice %arg5[%dma_start3A_7] : memref<2560xi32, #tpu.memory_space<vmem>> -> memref<256xi32, #tpu.memory_space<vmem>>
    %dma_start3A_9 = arith.constant 0 : i32
    %dma_start3A_10 = arith.constant 0 : i32
    %dma_start3A_11 = tpu.memref_slice %arg2[%dma_start3A_9, %dma_start3A_10] : memref<10240x128xf32, #tpu.memory_space<hbm>> -> memref<10240x128xf32, #tpu.memory_space<hbm>>
    tpu.enqueue_indirect_dma source(%dma_start3A_11 : memref<10240x128xf32, #tpu.memory_space<hbm>>) target(%dma_start3A_6 : memref<256x128xf32, #tpu.memory_space<vmem>>) offsets(%dma_start3A_8 : memref<256xi32, #tpu.memory_space<vmem>>) semaphore(%arg7 : memref<!tpu.dma_semaphore, #tpu.memory_space<semaphore_mem>>)
    %dma_start3A_12 = arith.constant 1 : i32
    %dma_start3A_13 = arith.constant 0 : i32
    %dma_start3A_14 = arith.constant 0 : i32
    %dma_start3A_15 = tpu.memref_slice %arg6[%dma_start3A_12, %dma_start3A_13, %dma_start3A_14] : memref<3x256x128xf32, #tpu.memory_space<vmem>> -> memref<1x256x128xf32, #tpu.memory_space<vmem>>
    %dma_start3A_16 = tpu.memref_squeeze %dma_start3A_15 : memref<1x256x128xf32, #tpu.memory_space<vmem>> -> memref<256x128xf32, #tpu.memory_space<vmem>>
    %dma_start3A_17 = arith.constant 256 : i32
    %dma_start3A_18 = tpu.memref_slice %arg5[%dma_start3A_17] : memref<2560xi32, #tpu.memory_space<vmem>> -> memref<256xi32, #tpu.memory_space<vmem>>
    %dma_start3A_19 = arith.constant 0 : i32
    %dma_start3A_20 = arith.constant 0 : i32
    %dma_start3A_21 = tpu.memref_slice %arg2[%dma_start3A_19, %dma_start3A_20] : memref<10240x128xf32, #tpu.memory_space<hbm>> -> memref<10240x128xf32, #tpu.memory_space<hbm>>
    tpu.enqueue_indirect_dma source(%dma_start3A_21 : memref<10240x128xf32, #tpu.memory_space<hbm>>) target(%dma_start3A_16 : memref<256x128xf32, #tpu.memory_space<vmem>>) offsets(%dma_start3A_18 : memref<256xi32, #tpu.memory_space<vmem>>) semaphore(%arg7 : memref<!tpu.dma_semaphore, #tpu.memory_space<semaphore_mem>>)
    %dma_wait3A = arith.constant 0 : i32
    %dma_wait3A_22 = arith.constant 0 : i32
    %dma_wait3A_23 = arith.constant 0 : i32
    %dma_wait3A_24 = tpu.memref_slice %arg6[%dma_wait3A, %dma_wait3A_22, %dma_wait3A_23] : memref<3x256x128xf32, #tpu.memory_space<vmem>> -> memref<1x256x128xf32, #tpu.memory_space<vmem>>
    %dma_wait3A_25 = tpu.memref_squeeze %dma_wait3A_24 : memref<1x256x128xf32, #tpu.memory_space<vmem>> -> memref<256x128xf32, #tpu.memory_space<vmem>>
    %dma_wait3A_26 = arith.constant 0 : i32
    %dma_wait3A_27 = tpu.memref_slice %arg5[%dma_wait3A_26] : memref<2560xi32, #tpu.memory_space<vmem>> -> memref<256xi32, #tpu.memory_space<vmem>>
    %dma_wait3A_28 = arith.constant 0 : i32
    %dma_wait3A_29 = arith.constant 0 : i32
    %dma_wait3A_30 = tpu.memref_slice %arg2[%dma_wait3A_28, %dma_wait3A_29] : memref<10240x128xf32, #tpu.memory_space<hbm>> -> memref<10240x128xf32, #tpu.memory_space<hbm>>
    tpu.wait_indirect_dma semaphore(%arg7 : memref<!tpu.dma_semaphore, #tpu.memory_space<semaphore_mem>>) src(%dma_wait3A_30 : memref<10240x128xf32, #tpu.memory_space<hbm>>) dst(%dma_wait3A_25 : memref<256x128xf32, #tpu.memory_space<vmem>>)
    %add3A_31 = arith.constant 0 : i32
    %add3A_32 = arith.addi %mul3A_2, %add3A_31 : i32
    %multiple_of3A_33 = tpu.assume_multiple %add3A_32, 8 : i32
    %dma_start3A_34 = arith.constant 0 : i32
    %dma_start3A_35 = arith.constant 0 : i32
    %dma_start3A_36 = arith.constant 0 : i32
    %dma_start3A_37 = tpu.memref_slice %arg6[%dma_start3A_34, %dma_start3A_35, %dma_start3A_36] : memref<3x256x128xf32, #tpu.memory_space<vmem>> -> memref<1x256x128xf32, #tpu.memory_space<vmem>>
    %dma_start3A_38 = tpu.memref_squeeze %dma_start3A_37 : memref<1x256x128xf32, #tpu.memory_space<vmem>> -> memref<256x128xf32, #tpu.memory_space<vmem>>
    %dma_start3A_39 = arith.constant 0 : i32
    %dma_start3A_40 = tpu.memref_slice %arg4[%multiple_of3A_33, %dma_start3A_39] : memref<81920x128xf32, #tpu.memory_space<hbm>> -> memref<256x128xf32, #tpu.memory_space<hbm>>
    %dma_start3A_41 = arith.constant 0 : i32
    %dma_start3A_42 = tpu.memref_slice %arg4[%multiple_of3A_33, %dma_start3A_41] : memref<81920x128xf32, #tpu.memory_space<hbm>> -> memref<256x128xf32, #tpu.memory_space<hbm>>
    %dma_start3A_43 = arith.constant 0 : i32
    %dma_start3A_44 = arith.constant 0 : i32
    %dma_start3A_45 = tpu.memref_slice %arg6[%dma_start3A_34, %dma_start3A_43, %dma_start3A_44] : memref<3x256x128xf32, #tpu.memory_space<vmem>> -> memref<1x256x128xf32, #tpu.memory_space<vmem>>
    %dma_start3A_46 = tpu.memref_squeeze %dma_start3A_45 : memref<1x256x128xf32, #tpu.memory_space<vmem>> -> memref<256x128xf32, #tpu.memory_space<vmem>>
    tpu.enqueue_dma source(%dma_start3A_46 : memref<256x128xf32, #tpu.memory_space<vmem>>) target(%dma_start3A_42 : memref<256x128xf32, #tpu.memory_space<hbm>>) target_semaphore(%arg8 : memref<!tpu.dma_semaphore, #tpu.memory_space<semaphore_mem>>)
    %dma_start3A_47 = arith.constant 2 : i32
    %dma_start3A_48 = arith.constant 0 : i32
    %dma_start3A_49 = arith.constant 0 : i32
    %dma_start3A_50 = tpu.memref_slice %arg6[%dma_start3A_47, %dma_start3A_48, %dma_start3A_49] : memref<3x256x128xf32, #tpu.memory_space<vmem>> -> memref<1x256x128xf32, #tpu.memory_space<vmem>>
    %dma_start3A_51 = tpu.memref_squeeze %dma_start3A_50 : memref<1x256x128xf32, #tpu.memory_space<vmem>> -> memref<256x128xf32, #tpu.memory_space<vmem>>
    %dma_start3A_52 = arith.constant 512 : i32
    %dma_start3A_53 = tpu.memref_slice %arg5[%dma_start3A_52] : memref<2560xi32, #tpu.memory_space<vmem>> -> memref<256xi32, #tpu.memory_space<vmem>>
    %dma_start3A_54 = arith.constant 0 : i32
    %dma_start3A_55 = arith.constant 0 : i32
    %dma_start3A_56 = tpu.memref_slice %arg2[%dma_start3A_54, %dma_start3A_55] : memref<10240x128xf32, #tpu.memory_space<hbm>> -> memref<10240x128xf32, #tpu.memory_space<hbm>>
    tpu.enqueue_indirect_dma source(%dma_start3A_56 : memref<10240x128xf32, #tpu.memory_space<hbm>>) target(%dma_start3A_51 : memref<256x128xf32, #tpu.memory_space<vmem>>) offsets(%dma_start3A_53 : memref<256xi32, #tpu.memory_space<vmem>>) semaphore(%arg7 : memref<!tpu.dma_semaphore, #tpu.memory_space<semaphore_mem>>)
    %dma_wait3A_57 = arith.constant 1 : i32
    %dma_wait3A_58 = arith.constant 0 : i32
    %dma_wait3A_59 = arith.constant 0 : i32
    %dma_wait3A_60 = tpu.memref_slice %arg6[%dma_wait3A_57, %dma_wait3A_58, %dma_wait3A_59] : memref<3x256x128xf32, #tpu.memory_space<vmem>> -> memref<1x256x128xf32, #tpu.memory_space<vmem>>
    %dma_wait3A_61 = tpu.memref_squeeze %dma_wait3A_60 : memref<1x256x128xf32, #tpu.memory_space<vmem>> -> memref<256x128xf32, #tpu.memory_space<vmem>>
    %dma_wait3A_62 = arith.constant 256 : i32
    %dma_wait3A_63 = tpu.memref_slice %arg5[%dma_wait3A_62] : memref<2560xi32, #tpu.memory_space<vmem>> -> memref<256xi32, #tpu.memory_space<vmem>>
    %dma_wait3A_64 = arith.constant 0 : i32
    %dma_wait3A_65 = arith.constant 0 : i32
    %dma_wait3A_66 = tpu.memref_slice %arg2[%dma_wait3A_64, %dma_wait3A_65] : memref<10240x128xf32, #tpu.memory_space<hbm>> -> memref<10240x128xf32, #tpu.memory_space<hbm>>
    tpu.wait_indirect_dma semaphore(%arg7 : memref<!tpu.dma_semaphore, #tpu.memory_space<semaphore_mem>>) src(%dma_wait3A_66 : memref<10240x128xf32, #tpu.memory_space<hbm>>) dst(%dma_wait3A_61 : memref<256x128xf32, #tpu.memory_space<vmem>>)
    %add3A_67 = arith.constant 256 : i32
    %add3A_68 = arith.addi %mul3A_2, %add3A_67 : i32
    %multiple_of3A_69 = tpu.assume_multiple %add3A_68, 8 : i32
    %dma_start3A_70 = arith.constant 1 : i32
    %dma_start3A_71 = arith.constant 0 : i32
    %dma_start3A_72 = arith.constant 0 : i32
    %dma_start3A_73 = tpu.memref_slice %arg6[%dma_start3A_70, %dma_start3A_71, %dma_start3A_72] : memref<3x256x128xf32, #tpu.memory_space<vmem>> -> memref<1x256x128xf32, #tpu.memory_space<vmem>>
    %dma_start3A_74 = tpu.memref_squeeze %dma_start3A_73 : memref<1x256x128xf32, #tpu.memory_space<vmem>> -> memref<256x128xf32, #tpu.memory_space<vmem>>
    %dma_start3A_75 = arith.constant 0 : i32
    %dma_start3A_76 = tpu.memref_slice %arg4[%multiple_of3A_69, %dma_start3A_75] : memref<81920x128xf32, #tpu.memory_space<hbm>> -> memref<256x128xf32, #tpu.memory_space<hbm>>
    %dma_start3A_77 = arith.constant 0 : i32
    %dma_start3A_78 = tpu.memref_slice %arg4[%multiple_of3A_69, %dma_start3A_77] : memref<81920x128xf32, #tpu.memory_space<hbm>> -> memref<256x128xf32, #tpu.memory_space<hbm>>
    %dma_start3A_79 = arith.constant 0 : i32
    %dma_start3A_80 = arith.constant 0 : i32
    %dma_start3A_81 = tpu.memref_slice %arg6[%dma_start3A_70, %dma_start3A_79, %dma_start3A_80] : memref<3x256x128xf32, #tpu.memory_space<vmem>> -> memref<1x256x128xf32, #tpu.memory_space<vmem>>
    %dma_start3A_82 = tpu.memref_squeeze %dma_start3A_81 : memref<1x256x128xf32, #tpu.memory_space<vmem>> -> memref<256x128xf32, #tpu.memory_space<vmem>>
    tpu.enqueue_dma source(%dma_start3A_82 : memref<256x128xf32, #tpu.memory_space<vmem>>) target(%dma_start3A_78 : memref<256x128xf32, #tpu.memory_space<hbm>>) target_semaphore(%arg9 : memref<!tpu.dma_semaphore, #tpu.memory_space<semaphore_mem>>)
    %add3A_83 = arith.constant 0 : i32
    %add3A_84 = arith.addi %mul3A_2, %add3A_83 : i32
    %multiple_of3A_85 = tpu.assume_multiple %add3A_84, 8 : i32
    %dma_wait3A_86 = arith.constant 0 : i32
    %dma_wait3A_87 = arith.constant 0 : i32
    %dma_wait3A_88 = arith.constant 0 : i32
    %dma_wait3A_89 = tpu.memref_slice %arg6[%dma_wait3A_86, %dma_wait3A_87, %dma_wait3A_88] : memref<3x256x128xf32, #tpu.memory_space<vmem>> -> memref<1x256x128xf32, #tpu.memory_space<vmem>>
    %dma_wait3A_90 = tpu.memref_squeeze %dma_wait3A_89 : memref<1x256x128xf32, #tpu.memory_space<vmem>> -> memref<256x128xf32, #tpu.memory_space<vmem>>
    %dma_wait3A_91 = arith.constant 0 : i32
    %dma_wait3A_92 = tpu.memref_slice %arg4[%multiple_of3A_85, %dma_wait3A_91] : memref<81920x128xf32, #tpu.memory_space<hbm>> -> memref<256x128xf32, #tpu.memory_space<hbm>>
    %dma_wait3A_93 = arith.constant 0 : i32
    %dma_wait3A_94 = tpu.memref_slice %arg4[%multiple_of3A_85, %dma_wait3A_93] : memref<81920x128xf32, #tpu.memory_space<hbm>> -> memref<256x128xf32, #tpu.memory_space<hbm>>
    %dma_wait3A_95 = arith.constant 0 : i32
    %dma_wait3A_96 = arith.constant 0 : i32
    %dma_wait3A_97 = tpu.memref_slice %arg6[%dma_wait3A_86, %dma_wait3A_95, %dma_wait3A_96] : memref<3x256x128xf32, #tpu.memory_space<vmem>> -> memref<1x256x128xf32, #tpu.memory_space<vmem>>
    %dma_wait3A_98 = tpu.memref_squeeze %dma_wait3A_97 : memref<1x256x128xf32, #tpu.memory_space<vmem>> -> memref<256x128xf32, #tpu.memory_space<vmem>>
    tpu.wait_dma2 semaphore(%arg8 : memref<!tpu.dma_semaphore, #tpu.memory_space<semaphore_mem>>) src(%dma_wait3A_98 : memref<256x128xf32, #tpu.memory_space<vmem>>) dst(%dma_wait3A_94 : memref<256x128xf32, #tpu.memory_space<hbm>>)
    %dma_start3A_99 = arith.constant 0 : i32
    %dma_start3A_100 = arith.constant 0 : i32
    %dma_start3A_101 = arith.constant 0 : i32
    %dma_start3A_102 = tpu.memref_slice %arg6[%dma_start3A_99, %dma_start3A_100, %dma_start3A_101] : memref<3x256x128xf32, #tpu.memory_space<vmem>> -> memref<1x256x128xf32, #tpu.memory_space<vmem>>
    %dma_start3A_103 = tpu.memref_squeeze %dma_start3A_102 : memref<1x256x128xf32, #tpu.memory_space<vmem>> -> memref<256x128xf32, #tpu.memory_space<vmem>>
    %dma_start3A_104 = arith.constant 768 : i32
    %dma_start3A_105 = tpu.memref_slice %arg5[%dma_start3A_104] : memref<2560xi32, #tpu.memory_space<vmem>> -> memref<256xi32, #tpu.memory_space<vmem>>
    %dma_start3A_106 = arith.constant 0 : i32
    %dma_start3A_107 = arith.constant 0 : i32
    %dma_start3A_108 = tpu.memref_slice %arg2[%dma_start3A_106, %dma_start3A_107] : memref<10240x128xf32, #tpu.memory_space<hbm>> -> memref<10240x128xf32, #tpu.memory_space<hbm>>
    tpu.enqueue_indirect_dma source(%dma_start3A_108 : memref<10240x128xf32, #tpu.memory_space<hbm>>) target(%dma_start3A_103 : memref<256x128xf32, #tpu.memory_space<vmem>>) offsets(%dma_start3A_105 : memref<256xi32, #tpu.memory_space<vmem>>) semaphore(%arg7 : memref<!tpu.dma_semaphore, #tpu.memory_space<semaphore_mem>>)
    %dma_wait3A_109 = arith.constant 2 : i32
    %dma_wait3A_110 = arith.constant 0 : i32
    %dma_wait3A_111 = arith.constant 0 : i32
    %dma_wait3A_112 = tpu.memref_slice %arg6[%dma_wait3A_109, %dma_wait3A_110, %dma_wait3A_111] : memref<3x256x128xf32, #tpu.memory_space<vmem>> -> memref<1x256x128xf32, #tpu.memory_space<vmem>>
    %dma_wait3A_113 = tpu.memref_squeeze %dma_wait3A_112 : memref<1x256x128xf32, #tpu.memory_space<vmem>> -> memref<256x128xf32, #tpu.memory_space<vmem>>
    %dma_wait3A_114 = arith.constant 512 : i32
    %dma_wait3A_115 = tpu.memref_slice %arg5[%dma_wait3A_114] : memref<2560xi32, #tpu.memory_space<vmem>> -> memref<256xi32, #tpu.memory_space<vmem>>
    %dma_wait3A_116 = arith.constant 0 : i32
    %dma_wait3A_117 = arith.constant 0 : i32
    %dma_wait3A_118 = tpu.memref_slice %arg2[%dma_wait3A_116, %dma_wait3A_117] : memref<10240x128xf32, #tpu.memory_space<hbm>> -> memref<10240x128xf32, #tpu.memory_space<hbm>>
    tpu.wait_indirect_dma semaphore(%arg7 : memref<!tpu.dma_semaphore, #tpu.memory_space<semaphore_mem>>) src(%dma_wait3A_118 : memref<10240x128xf32, #tpu.memory_space<hbm>>) dst(%dma_wait3A_113 : memref<256x128xf32, #tpu.memory_space<vmem>>)
    %add3A_119 = arith.constant 512 : i32
    %add3A_120 = arith.addi %mul3A_2, %add3A_119 : i32
    %multiple_of3A_121 = tpu.assume_multiple %add3A_120, 8 : i32
    %dma_start3A_122 = arith.constant 2 : i32
    %dma_start3A_123 = arith.constant 0 : i32
    %dma_start3A_124 = arith.constant 0 : i32
    %dma_start3A_125 = tpu.memref_slice %arg6[%dma_start3A_122, %dma_start3A_123, %dma_start3A_124] : memref<3x256x128xf32, #tpu.memory_space<vmem>> -> memref<1x256x128xf32, #tpu.memory_space<vmem>>
    %dma_start3A_126 = tpu.memref_squeeze %dma_start3A_125 : memref<1x256x128xf32, #tpu.memory_space<vmem>> -> memref<256x128xf32, #tpu.memory_space<vmem>>
    %dma_start3A_127 = arith.constant 0 : i32
    %dma_start3A_128 = tpu.memref_slice %arg4[%multiple_of3A_121, %dma_start3A_127] : memref<81920x128xf32, #tpu.memory_space<hbm>> -> memref<256x128xf32, #tpu.memory_space<hbm>>
    %dma_start3A_129 = arith.constant 0 : i32
    %dma_start3A_130 = tpu.memref_slice %arg4[%multiple_of3A_121, %dma_start3A_129] : memref<81920x128xf32, #tpu.memory_space<hbm>> -> memref<256x128xf32, #tpu.memory_space<hbm>>
    %dma_start3A_131 = arith.constant 0 : i32
    %dma_start3A_132 = arith.constant 0 : i32
    %dma_start3A_133 = tpu.memref_slice %arg6[%dma_start3A_122, %dma_start3A_131, %dma_start3A_132] : memref<3x256x128xf32, #tpu.memory_space<vmem>> -> memref<1x256x128xf32, #tpu.memory_space<vmem>>
    %dma_start3A_134 = tpu.memref_squeeze %dma_start3A_133 : memref<1x256x128xf32, #tpu.memory_space<vmem>> -> memref<256x128xf32, #tpu.memory_space<vmem>>
    tpu.enqueue_dma source(%dma_start3A_134 : memref<256x128xf32, #tpu.memory_space<vmem>>) target(%dma_start3A_130 : memref<256x128xf32, #tpu.memory_space<hbm>>) target_semaphore(%arg10 : memref<!tpu.dma_semaphore, #tpu.memory_space<semaphore_mem>>)
    %add3A_135 = arith.constant 256 : i32
    %add3A_136 = arith.addi %mul3A_2, %add3A_135 : i32
    %multiple_of3A_137 = tpu.assume_multiple %add3A_136, 8 : i32
    %dma_wait3A_138 = arith.constant 1 : i32
    %dma_wait3A_139 = arith.constant 0 : i32
    %dma_wait3A_140 = arith.constant 0 : i32
    %dma_wait3A_141 = tpu.memref_slice %arg6[%dma_wait3A_138, %dma_wait3A_139, %dma_wait3A_140] : memref<3x256x128xf32, #tpu.memory_space<vmem>> -> memref<1x256x128xf32, #tpu.memory_space<vmem>>
    %dma_wait3A_142 = tpu.memref_squeeze %dma_wait3A_141 : memref<1x256x128xf32, #tpu.memory_space<vmem>> -> memref<256x128xf32, #tpu.memory_space<vmem>>
    %dma_wait3A_143 = arith.constant 0 : i32
    %dma_wait3A_144 = tpu.memref_slice %arg4[%multiple_of3A_137, %dma_wait3A_143] : memref<81920x128xf32, #tpu.memory_space<hbm>> -> memref<256x128xf32, #tpu.memory_space<hbm>>
    %dma_wait3A_145 = arith.constant 0 : i32
    %dma_wait3A_146 = tpu.memref_slice %arg4[%multiple_of3A_137, %dma_wait3A_145] : memref<81920x128xf32, #tpu.memory_space<hbm>> -> memref<256x128xf32, #tpu.memory_space<hbm>>
    %dma_wait3A_147 = arith.constant 0 : i32
    %dma_wait3A_148 = arith.constant 0 : i32
    %dma_wait3A_149 = tpu.memref_slice %arg6[%dma_wait3A_138, %dma_wait3A_147, %dma_wait3A_148] : memref<3x256x128xf32, #tpu.memory_space<vmem>> -> memref<1x256x128xf32, #tpu.memory_space<vmem>>
    %dma_wait3A_150 = tpu.memref_squeeze %dma_wait3A_149 : memref<1x256x128xf32, #tpu.memory_space<vmem>> -> memref<256x128xf32, #tpu.memory_space<vmem>>
    tpu.wait_dma2 semaphore(%arg9 : memref<!tpu.dma_semaphore, #tpu.memory_space<semaphore_mem>>) src(%dma_wait3A_150 : memref<256x128xf32, #tpu.memory_space<vmem>>) dst(%dma_wait3A_146 : memref<256x128xf32, #tpu.memory_space<hbm>>)
    %dma_start3A_151 = arith.constant 1 : i32
    %dma_start3A_152 = arith.constant 0 : i32
    %dma_start3A_153 = arith.constant 0 : i32
    %dma_start3A_154 = tpu.memref_slice %arg6[%dma_start3A_151, %dma_start3A_152, %dma_start3A_153] : memref<3x256x128xf32, #tpu.memory_space<vmem>> -> memref<1x256x128xf32, #tpu.memory_space<vmem>>
    %dma_start3A_155 = tpu.memref_squeeze %dma_start3A_154 : memref<1x256x128xf32, #tpu.memory_space<vmem>> -> memref<256x128xf32, #tpu.memory_space<vmem>>
    %dma_start3A_156 = arith.constant 1024 : i32
    %dma_start3A_157 = tpu.memref_slice %arg5[%dma_start3A_156] : memref<2560xi32, #tpu.memory_space<vmem>> -> memref<256xi32, #tpu.memory_space<vmem>>
    %dma_start3A_158 = arith.constant 0 : i32
    %dma_start3A_159 = arith.constant 0 : i32
    %dma_start3A_160 = tpu.memref_slice %arg2[%dma_start3A_158, %dma_start3A_159] : memref<10240x128xf32, #tpu.memory_space<hbm>> -> memref<10240x128xf32, #tpu.memory_space<hbm>>
    tpu.enqueue_indirect_dma source(%dma_start3A_160 : memref<10240x128xf32, #tpu.memory_space<hbm>>) target(%dma_start3A_155 : memref<256x128xf32, #tpu.memory_space<vmem>>) offsets(%dma_start3A_157 : memref<256xi32, #tpu.memory_space<vmem>>) semaphore(%arg7 : memref<!tpu.dma_semaphore, #tpu.memory_space<semaphore_mem>>)
    %dma_wait3A_161 = arith.constant 0 : i32
    %dma_wait3A_162 = arith.constant 0 : i32
    %dma_wait3A_163 = arith.constant 0 : i32
    %dma_wait3A_164 = tpu.memref_slice %arg6[%dma_wait3A_161, %dma_wait3A_162, %dma_wait3A_163] : memref<3x256x128xf32, #tpu.memory_space<vmem>> -> memref<1x256x128xf32, #tpu.memory_space<vmem>>
    %dma_wait3A_165 = tpu.memref_squeeze %dma_wait3A_164 : memref<1x256x128xf32, #tpu.memory_space<vmem>> -> memref<256x128xf32, #tpu.memory_space<vmem>>
    %dma_wait3A_166 = arith.constant 768 : i32
    %dma_wait3A_167 = tpu.memref_slice %arg5[%dma_wait3A_166] : memref<2560xi32, #tpu.memory_space<vmem>> -> memref<256xi32, #tpu.memory_space<vmem>>
    %dma_wait3A_168 = arith.constant 0 : i32
    %dma_wait3A_169 = arith.constant 0 : i32
    %dma_wait3A_170 = tpu.memref_slice %arg2[%dma_wait3A_168, %dma_wait3A_169] : memref<10240x128xf32, #tpu.memory_space<hbm>> -> memref<10240x128xf32, #tpu.memory_space<hbm>>
    tpu.wait_indirect_dma semaphore(%arg7 : memref<!tpu.dma_semaphore, #tpu.memory_space<semaphore_mem>>) src(%dma_wait3A_170 : memref<10240x128xf32, #tpu.memory_space<hbm>>) dst(%dma_wait3A_165 : memref<256x128xf32, #tpu.memory_space<vmem>>)
    %add3A_171 = arith.constant 768 : i32
    %add3A_172 = arith.addi %mul3A_2, %add3A_171 : i32
    %multiple_of3A_173 = tpu.assume_multiple %add3A_172, 8 : i32
    %dma_start3A_174 = arith.constant 0 : i32
    %dma_start3A_175 = arith.constant 0 : i32
    %dma_start3A_176 = arith.constant 0 : i32
    %dma_start3A_177 = tpu.memref_slice %arg6[%dma_start3A_174, %dma_start3A_175, %dma_start3A_176] : memref<3x256x128xf32, #tpu.memory_space<vmem>> -> memref<1x256x128xf32, #tpu.memory_space<vmem>>
    %dma_start3A_178 = tpu.memref_squeeze %dma_start3A_177 : memref<1x256x128xf32, #tpu.memory_space<vmem>> -> memref<256x128xf32, #tpu.memory_space<vmem>>
    %dma_start3A_179 = arith.constant 0 : i32
    %dma_start3A_180 = tpu.memref_slice %arg4[%multiple_of3A_173, %dma_start3A_179] : memref<81920x128xf32, #tpu.memory_space<hbm>> -> memref<256x128xf32, #tpu.memory_space<hbm>>
    %dma_start3A_181 = arith.constant 0 : i32
    %dma_start3A_182 = tpu.memref_slice %arg4[%multiple_of3A_173, %dma_start3A_181] : memref<81920x128xf32, #tpu.memory_space<hbm>> -> memref<256x128xf32, #tpu.memory_space<hbm>>
    %dma_start3A_183 = arith.constant 0 : i32
    %dma_start3A_184 = arith.constant 0 : i32
    %dma_start3A_185 = tpu.memref_slice %arg6[%dma_start3A_174, %dma_start3A_183, %dma_start3A_184] : memref<3x256x128xf32, #tpu.memory_space<vmem>> -> memref<1x256x128xf32, #tpu.memory_space<vmem>>
    %dma_start3A_186 = tpu.memref_squeeze %dma_start3A_185 : memref<1x256x128xf32, #tpu.memory_space<vmem>> -> memref<256x128xf32, #tpu.memory_space<vmem>>
    tpu.enqueue_dma source(%dma_start3A_186 : memref<256x128xf32, #tpu.memory_space<vmem>>) target(%dma_start3A_182 : memref<256x128xf32, #tpu.memory_space<hbm>>) target_semaphore(%arg8 : memref<!tpu.dma_semaphore, #tpu.memory_space<semaphore_mem>>)
    %add3A_187 = arith.constant 512 : i32
    %add3A_188 = arith.addi %mul3A_2, %add3A_187 : i32
    %multiple_of3A_189 = tpu.assume_multiple %add3A_188, 8 : i32
    %dma_wait3A_190 = arith.constant 2 : i32
    %dma_wait3A_191 = arith.constant 0 : i32
    %dma_wait3A_192 = arith.constant 0 : i32
    %dma_wait3A_193 = tpu.memref_slice %arg6[%dma_wait3A_190, %dma_wait3A_191, %dma_wait3A_192] : memref<3x256x128xf32, #tpu.memory_space<vmem>> -> memref<1x256x128xf32, #tpu.memory_space<vmem>>
    %dma_wait3A_194 = tpu.memref_squeeze %dma_wait3A_193 : memref<1x256x128xf32, #tpu.memory_space<vmem>> -> memref<256x128xf32, #tpu.memory_space<vmem>>
    %dma_wait3A_195 = arith.constant 0 : i32
    %dma_wait3A_196 = tpu.memref_slice %arg4[%multiple_of3A_189, %dma_wait3A_195] : memref<81920x128xf32, #tpu.memory_space<hbm>> -> memref<256x128xf32, #tpu.memory_space<hbm>>
    %dma_wait3A_197 = arith.constant 0 : i32
    %dma_wait3A_198 = tpu.memref_slice %arg4[%multiple_of3A_189, %dma_wait3A_197] : memref<81920x128xf32, #tpu.memory_space<hbm>> -> memref<256x128xf32, #tpu.memory_space<hbm>>
    %dma_wait3A_199 = arith.constant 0 : i32
    %dma_wait3A_200 = arith.constant 0 : i32
    %dma_wait3A_201 = tpu.memref_slice %arg6[%dma_wait3A_190, %dma_wait3A_199, %dma_wait3A_200] : memref<3x256x128xf32, #tpu.memory_space<vmem>> -> memref<1x256x128xf32, #tpu.memory_space<vmem>>
    %dma_wait3A_202 = tpu.memref_squeeze %dma_wait3A_201 : memref<1x256x128xf32, #tpu.memory_space<vmem>> -> memref<256x128xf32, #tpu.memory_space<vmem>>
    tpu.wait_dma2 semaphore(%arg10 : memref<!tpu.dma_semaphore, #tpu.memory_space<semaphore_mem>>) src(%dma_wait3A_202 : memref<256x128xf32, #tpu.memory_space<vmem>>) dst(%dma_wait3A_198 : memref<256x128xf32, #tpu.memory_space<hbm>>)
    %dma_start3A_203 = arith.constant 2 : i32
    %dma_start3A_204 = arith.constant 0 : i32
    %dma_start3A_205 = arith.constant 0 : i32
    %dma_start3A_206 = tpu.memref_slice %arg6[%dma_start3A_203, %dma_start3A_204, %dma_start3A_205] : memref<3x256x128xf32, #tpu.memory_space<vmem>> -> memref<1x256x128xf32, #tpu.memory_space<vmem>>
    %dma_start3A_207 = tpu.memref_squeeze %dma_start3A_206 : memref<1x256x128xf32, #tpu.memory_space<vmem>> -> memref<256x128xf32, #tpu.memory_space<vmem>>
    %dma_start3A_208 = arith.constant 1280 : i32
    %dma_start3A_209 = tpu.memref_slice %arg5[%dma_start3A_208] : memref<2560xi32, #tpu.memory_space<vmem>> -> memref<256xi32, #tpu.memory_space<vmem>>
    %dma_start3A_210 = arith.constant 0 : i32
    %dma_start3A_211 = arith.constant 0 : i32
    %dma_start3A_212 = tpu.memref_slice %arg2[%dma_start3A_210, %dma_start3A_211] : memref<10240x128xf32, #tpu.memory_space<hbm>> -> memref<10240x128xf32, #tpu.memory_space<hbm>>
    tpu.enqueue_indirect_dma source(%dma_start3A_212 : memref<10240x128xf32, #tpu.memory_space<hbm>>) target(%dma_start3A_207 : memref<256x128xf32, #tpu.memory_space<vmem>>) offsets(%dma_start3A_209 : memref<256xi32, #tpu.memory_space<vmem>>) semaphore(%arg7 : memref<!tpu.dma_semaphore, #tpu.memory_space<semaphore_mem>>)
    %dma_wait3A_213 = arith.constant 1 : i32
    %dma_wait3A_214 = arith.constant 0 : i32
    %dma_wait3A_215 = arith.constant 0 : i32
    %dma_wait3A_216 = tpu.memref_slice %arg6[%dma_wait3A_213, %dma_wait3A_214, %dma_wait3A_215] : memref<3x256x128xf32, #tpu.memory_space<vmem>> -> memref<1x256x128xf32, #tpu.memory_space<vmem>>
    %dma_wait3A_217 = tpu.memref_squeeze %dma_wait3A_216 : memref<1x256x128xf32, #tpu.memory_space<vmem>> -> memref<256x128xf32, #tpu.memory_space<vmem>>
    %dma_wait3A_218 = arith.constant 1024 : i32
    %dma_wait3A_219 = tpu.memref_slice %arg5[%dma_wait3A_218] : memref<2560xi32, #tpu.memory_space<vmem>> -> memref<256xi32, #tpu.memory_space<vmem>>
    %dma_wait3A_220 = arith.constant 0 : i32
    %dma_wait3A_221 = arith.constant 0 : i32
    %dma_wait3A_222 = tpu.memref_slice %arg2[%dma_wait3A_220, %dma_wait3A_221] : memref<10240x128xf32, #tpu.memory_space<hbm>> -> memref<10240x128xf32, #tpu.memory_space<hbm>>
    tpu.wait_indirect_dma semaphore(%arg7 : memref<!tpu.dma_semaphore, #tpu.memory_space<semaphore_mem>>) src(%dma_wait3A_222 : memref<10240x128xf32, #tpu.memory_space<hbm>>) dst(%dma_wait3A_217 : memref<256x128xf32, #tpu.memory_space<vmem>>)
    %add3A_223 = arith.constant 1024 : i32
    %add3A_224 = arith.addi %mul3A_2, %add3A_223 : i32
    %multiple_of3A_225 = tpu.assume_multiple %add3A_224, 8 : i32
    %dma_start3A_226 = arith.constant 1 : i32
    %dma_start3A_227 = arith.constant 0 : i32
    %dma_start3A_228 = arith.constant 0 : i32
    %dma_start3A_229 = tpu.memref_slice %arg6[%dma_start3A_226, %dma_start3A_227, %dma_start3A_228] : memref<3x256x128xf32, #tpu.memory_space<vmem>> -> memref<1x256x128xf32, #tpu.memory_space<vmem>>
    %dma_start3A_230 = tpu.memref_squeeze %dma_start3A_229 : memref<1x256x128xf32, #tpu.memory_space<vmem>> -> memref<256x128xf32, #tpu.memory_space<vmem>>
    %dma_start3A_231 = arith.constant 0 : i32
    %dma_start3A_232 = tpu.memref_slice %arg4[%multiple_of3A_225, %dma_start3A_231] : memref<81920x128xf32, #tpu.memory_space<hbm>> -> memref<256x128xf32, #tpu.memory_space<hbm>>
    %dma_start3A_233 = arith.constant 0 : i32
    %dma_start3A_234 = tpu.memref_slice %arg4[%multiple_of3A_225, %dma_start3A_233] : memref<81920x128xf32, #tpu.memory_space<hbm>> -> memref<256x128xf32, #tpu.memory_space<hbm>>
    %dma_start3A_235 = arith.constant 0 : i32
    %dma_start3A_236 = arith.constant 0 : i32
    %dma_start3A_237 = tpu.memref_slice %arg6[%dma_start3A_226, %dma_start3A_235, %dma_start3A_236] : memref<3x256x128xf32, #tpu.memory_space<vmem>> -> memref<1x256x128xf32, #tpu.memory_space<vmem>>
    %dma_start3A_238 = tpu.memref_squeeze %dma_start3A_237 : memref<1x256x128xf32, #tpu.memory_space<vmem>> -> memref<256x128xf32, #tpu.memory_space<vmem>>
    tpu.enqueue_dma source(%dma_start3A_238 : memref<256x128xf32, #tpu.memory_space<vmem>>) target(%dma_start3A_234 : memref<256x128xf32, #tpu.memory_space<hbm>>) target_semaphore(%arg9 : memref<!tpu.dma_semaphore, #tpu.memory_space<semaphore_mem>>)
    %add3A_239 = arith.constant 768 : i32
    %add3A_240 = arith.addi %mul3A_2, %add3A_239 : i32
    %multiple_of3A_241 = tpu.assume_multiple %add3A_240, 8 : i32
    %dma_wait3A_242 = arith.constant 0 : i32
    %dma_wait3A_243 = arith.constant 0 : i32
    %dma_wait3A_244 = arith.constant 0 : i32
    %dma_wait3A_245 = tpu.memref_slice %arg6[%dma_wait3A_242, %dma_wait3A_243, %dma_wait3A_244] : memref<3x256x128xf32, #tpu.memory_space<vmem>> -> memref<1x256x128xf32, #tpu.memory_space<vmem>>
    %dma_wait3A_246 = tpu.memref_squeeze %dma_wait3A_245 : memref<1x256x128xf32, #tpu.memory_space<vmem>> -> memref<256x128xf32, #tpu.memory_space<vmem>>
    %dma_wait3A_247 = arith.constant 0 : i32
    %dma_wait3A_248 = tpu.memref_slice %arg4[%multiple_of3A_241, %dma_wait3A_247] : memref<81920x128xf32, #tpu.memory_space<hbm>> -> memref<256x128xf32, #tpu.memory_space<hbm>>
    %dma_wait3A_249 = arith.constant 0 : i32
    %dma_wait3A_250 = tpu.memref_slice %arg4[%multiple_of3A_241, %dma_wait3A_249] : memref<81920x128xf32, #tpu.memory_space<hbm>> -> memref<256x128xf32, #tpu.memory_space<hbm>>
    %dma_wait3A_251 = arith.constant 0 : i32
    %dma_wait3A_252 = arith.constant 0 : i32
    %dma_wait3A_253 = tpu.memref_slice %arg6[%dma_wait3A_242, %dma_wait3A_251, %dma_wait3A_252] : memref<3x256x128xf32, #tpu.memory_space<vmem>> -> memref<1x256x128xf32, #tpu.memory_space<vmem>>
    %dma_wait3A_254 = tpu.memref_squeeze %dma_wait3A_253 : memref<1x256x128xf32, #tpu.memory_space<vmem>> -> memref<256x128xf32, #tpu.memory_space<vmem>>
    tpu.wait_dma2 semaphore(%arg8 : memref<!tpu.dma_semaphore, #tpu.memory_space<semaphore_mem>>) src(%dma_wait3A_254 : memref<256x128xf32, #tpu.memory_space<vmem>>) dst(%dma_wait3A_250 : memref<256x128xf32, #tpu.memory_space<hbm>>)
    %dma_start3A_255 = arith.constant 0 : i32
    %dma_start3A_256 = arith.constant 0 : i32
    %dma_start3A_257 = arith.constant 0 : i32
    %dma_start3A_258 = tpu.memref_slice %arg6[%dma_start3A_255, %dma_start3A_256, %dma_start3A_257] : memref<3x256x128xf32, #tpu.memory_space<vmem>> -> memref<1x256x128xf32, #tpu.memory_space<vmem>>
    %dma_start3A_259 = tpu.memref_squeeze %dma_start3A_258 : memref<1x256x128xf32, #tpu.memory_space<vmem>> -> memref<256x128xf32, #tpu.memory_space<vmem>>
    %dma_start3A_260 = arith.constant 1536 : i32
    %dma_start3A_261 = tpu.memref_slice %arg5[%dma_start3A_260] : memref<2560xi32, #tpu.memory_space<vmem>> -> memref<256xi32, #tpu.memory_space<vmem>>
    %dma_start3A_262 = arith.constant 0 : i32
    %dma_start3A_263 = arith.constant 0 : i32
    %dma_start3A_264 = tpu.memref_slice %arg2[%dma_start3A_262, %dma_start3A_263] : memref<10240x128xf32, #tpu.memory_space<hbm>> -> memref<10240x128xf32, #tpu.memory_space<hbm>>
    tpu.enqueue_indirect_dma source(%dma_start3A_264 : memref<10240x128xf32, #tpu.memory_space<hbm>>) target(%dma_start3A_259 : memref<256x128xf32, #tpu.memory_space<vmem>>) offsets(%dma_start3A_261 : memref<256xi32, #tpu.memory_space<vmem>>) semaphore(%arg7 : memref<!tpu.dma_semaphore, #tpu.memory_space<semaphore_mem>>)
    %dma_wait3A_265 = arith.constant 2 : i32
    %dma_wait3A_266 = arith.constant 0 : i32
    %dma_wait3A_267 = arith.constant 0 : i32
    %dma_wait3A_268 = tpu.memref_slice %arg6[%dma_wait3A_265, %dma_wait3A_266, %dma_wait3A_267] : memref<3x256x128xf32, #tpu.memory_space<vmem>> -> memref<1x256x128xf32, #tpu.memory_space<vmem>>
    %dma_wait3A_269 = tpu.memref_squeeze %dma_wait3A_268 : memref<1x256x128xf32, #tpu.memory_space<vmem>> -> memref<256x128xf32, #tpu.memory_space<vmem>>
    %dma_wait3A_270 = arith.constant 1280 : i32
    %dma_wait3A_271 = tpu.memref_slice %arg5[%dma_wait3A_270] : memref<2560xi32, #tpu.memory_space<vmem>> -> memref<256xi32, #tpu.memory_space<vmem>>
    %dma_wait3A_272 = arith.constant 0 : i32
    %dma_wait3A_273 = arith.constant 0 : i32
    %dma_wait3A_274 = tpu.memref_slice %arg2[%dma_wait3A_272, %dma_wait3A_273] : memref<10240x128xf32, #tpu.memory_space<hbm>> -> memref<10240x128xf32, #tpu.memory_space<hbm>>
    tpu.wait_indirect_dma semaphore(%arg7 : memref<!tpu.dma_semaphore, #tpu.memory_space<semaphore_mem>>) src(%dma_wait3A_274 : memref<10240x128xf32, #tpu.memory_space<hbm>>) dst(%dma_wait3A_269 : memref<256x128xf32, #tpu.memory_space<vmem>>)
    %add3A_275 = arith.constant 1280 : i32
    %add3A_276 = arith.addi %mul3A_2, %add3A_275 : i32
    %multiple_of3A_277 = tpu.assume_multiple %add3A_276, 8 : i32
    %dma_start3A_278 = arith.constant 2 : i32
    %dma_start3A_279 = arith.constant 0 : i32
    %dma_start3A_280 = arith.constant 0 : i32
    %dma_start3A_281 = tpu.memref_slice %arg6[%dma_start3A_278, %dma_start3A_279, %dma_start3A_280] : memref<3x256x128xf32, #tpu.memory_space<vmem>> -> memref<1x256x128xf32, #tpu.memory_space<vmem>>
    %dma_start3A_282 = tpu.memref_squeeze %dma_start3A_281 : memref<1x256x128xf32, #tpu.memory_space<vmem>> -> memref<256x128xf32, #tpu.memory_space<vmem>>
    %dma_start3A_283 = arith.constant 0 : i32
    %dma_start3A_284 = tpu.memref_slice %arg4[%multiple_of3A_277, %dma_start3A_283] : memref<81920x128xf32, #tpu.memory_space<hbm>> -> memref<256x128xf32, #tpu.memory_space<hbm>>
    %dma_start3A_285 = arith.constant 0 : i32
    %dma_start3A_286 = tpu.memref_slice %arg4[%multiple_of3A_277, %dma_start3A_285] : memref<81920x128xf32, #tpu.memory_space<hbm>> -> memref<256x128xf32, #tpu.memory_space<hbm>>
    %dma_start3A_287 = arith.constant 0 : i32
    %dma_start3A_288 = arith.constant 0 : i32
    %dma_start3A_289 = tpu.memref_slice %arg6[%dma_start3A_278, %dma_start3A_287, %dma_start3A_288] : memref<3x256x128xf32, #tpu.memory_space<vmem>> -> memref<1x256x128xf32, #tpu.memory_space<vmem>>
    %dma_start3A_290 = tpu.memref_squeeze %dma_start3A_289 : memref<1x256x128xf32, #tpu.memory_space<vmem>> -> memref<256x128xf32, #tpu.memory_space<vmem>>
    tpu.enqueue_dma source(%dma_start3A_290 : memref<256x128xf32, #tpu.memory_space<vmem>>) target(%dma_start3A_286 : memref<256x128xf32, #tpu.memory_space<hbm>>) target_semaphore(%arg10 : memref<!tpu.dma_semaphore, #tpu.memory_space<semaphore_mem>>)
    %add3A_291 = arith.constant 1024 : i32
    %add3A_292 = arith.addi %mul3A_2, %add3A_291 : i32
    %multiple_of3A_293 = tpu.assume_multiple %add3A_292, 8 : i32
    %dma_wait3A_294 = arith.constant 1 : i32
    %dma_wait3A_295 = arith.constant 0 : i32
    %dma_wait3A_296 = arith.constant 0 : i32
    %dma_wait3A_297 = tpu.memref_slice %arg6[%dma_wait3A_294, %dma_wait3A_295, %dma_wait3A_296] : memref<3x256x128xf32, #tpu.memory_space<vmem>> -> memref<1x256x128xf32, #tpu.memory_space<vmem>>
    %dma_wait3A_298 = tpu.memref_squeeze %dma_wait3A_297 : memref<1x256x128xf32, #tpu.memory_space<vmem>> -> memref<256x128xf32, #tpu.memory_space<vmem>>
    %dma_wait3A_299 = arith.constant 0 : i32
    %dma_wait3A_300 = tpu.memref_slice %arg4[%multiple_of3A_293, %dma_wait3A_299] : memref<81920x128xf32, #tpu.memory_space<hbm>> -> memref<256x128xf32, #tpu.memory_space<hbm>>
    %dma_wait3A_301 = arith.constant 0 : i32
    %dma_wait3A_302 = tpu.memref_slice %arg4[%multiple_of3A_293, %dma_wait3A_301] : memref<81920x128xf32, #tpu.memory_space<hbm>> -> memref<256x128xf32, #tpu.memory_space<hbm>>
    %dma_wait3A_303 = arith.constant 0 : i32
    %dma_wait3A_304 = arith.constant 0 : i32
    %dma_wait3A_305 = tpu.memref_slice %arg6[%dma_wait3A_294, %dma_wait3A_303, %dma_wait3A_304] : memref<3x256x128xf32, #tpu.memory_space<vmem>> -> memref<1x256x128xf32, #tpu.memory_space<vmem>>
    %dma_wait3A_306 = tpu.memref_squeeze %dma_wait3A_305 : memref<1x256x128xf32, #tpu.memory_space<vmem>> -> memref<256x128xf32, #tpu.memory_space<vmem>>
    tpu.wait_dma2 semaphore(%arg9 : memref<!tpu.dma_semaphore, #tpu.memory_space<semaphore_mem>>) src(%dma_wait3A_306 : memref<256x128xf32, #tpu.memory_space<vmem>>) dst(%dma_wait3A_302 : memref<256x128xf32, #tpu.memory_space<hbm>>)
    %dma_start3A_307 = arith.constant 1 : i32
    %dma_start3A_308 = arith.constant 0 : i32
    %dma_start3A_309 = arith.constant 0 : i32
    %dma_start3A_310 = tpu.memref_slice %arg6[%dma_start3A_307, %dma_start3A_308, %dma_start3A_309] : memref<3x256x128xf32, #tpu.memory_space<vmem>> -> memref<1x256x128xf32, #tpu.memory_space<vmem>>
    %dma_start3A_311 = tpu.memref_squeeze %dma_start3A_310 : memref<1x256x128xf32, #tpu.memory_space<vmem>> -> memref<256x128xf32, #tpu.memory_space<vmem>>
    %dma_start3A_312 = arith.constant 1792 : i32
    %dma_start3A_313 = tpu.memref_slice %arg5[%dma_start3A_312] : memref<2560xi32, #tpu.memory_space<vmem>> -> memref<256xi32, #tpu.memory_space<vmem>>
    %dma_start3A_314 = arith.constant 0 : i32
    %dma_start3A_315 = arith.constant 0 : i32
    %dma_start3A_316 = tpu.memref_slice %arg2[%dma_start3A_314, %dma_start3A_315] : memref<10240x128xf32, #tpu.memory_space<hbm>> -> memref<10240x128xf32, #tpu.memory_space<hbm>>
    tpu.enqueue_indirect_dma source(%dma_start3A_316 : memref<10240x128xf32, #tpu.memory_space<hbm>>) target(%dma_start3A_311 : memref<256x128xf32, #tpu.memory_space<vmem>>) offsets(%dma_start3A_313 : memref<256xi32, #tpu.memory_space<vmem>>) semaphore(%arg7 : memref<!tpu.dma_semaphore, #tpu.memory_space<semaphore_mem>>)
    %dma_wait3A_317 = arith.constant 0 : i32
    %dma_wait3A_318 = arith.constant 0 : i32
    %dma_wait3A_319 = arith.constant 0 : i32
    %dma_wait3A_320 = tpu.memref_slice %arg6[%dma_wait3A_317, %dma_wait3A_318, %dma_wait3A_319] : memref<3x256x128xf32, #tpu.memory_space<vmem>> -> memref<1x256x128xf32, #tpu.memory_space<vmem>>
    %dma_wait3A_321 = tpu.memref_squeeze %dma_wait3A_320 : memref<1x256x128xf32, #tpu.memory_space<vmem>> -> memref<256x128xf32, #tpu.memory_space<vmem>>
    %dma_wait3A_322 = arith.constant 1536 : i32
    %dma_wait3A_323 = tpu.memref_slice %arg5[%dma_wait3A_322] : memref<2560xi32, #tpu.memory_space<vmem>> -> memref<256xi32, #tpu.memory_space<vmem>>
    %dma_wait3A_324 = arith.constant 0 : i32
    %dma_wait3A_325 = arith.constant 0 : i32
    %dma_wait3A_326 = tpu.memref_slice %arg2[%dma_wait3A_324, %dma_wait3A_325] : memref<10240x128xf32, #tpu.memory_space<hbm>> -> memref<10240x128xf32, #tpu.memory_space<hbm>>
    tpu.wait_indirect_dma semaphore(%arg7 : memref<!tpu.dma_semaphore, #tpu.memory_space<semaphore_mem>>) src(%dma_wait3A_326 : memref<10240x128xf32, #tpu.memory_space<hbm>>) dst(%dma_wait3A_321 : memref<256x128xf32, #tpu.memory_space<vmem>>)
    %add3A_327 = arith.constant 1536 : i32
    %add3A_328 = arith.addi %mul3A_2, %add3A_327 : i32
    %multiple_of3A_329 = tpu.assume_multiple %add3A_328, 8 : i32
    %dma_start3A_330 = arith.constant 0 : i32
    %dma_start3A_331 = arith.constant 0 : i32
    %dma_start3A_332 = arith.constant 0 : i32
    %dma_start3A_333 = tpu.memref_slice %arg6[%dma_start3A_330, %dma_start3A_331, %dma_start3A_332] : memref<3x256x128xf32, #tpu.memory_space<vmem>> -> memref<1x256x128xf32, #tpu.memory_space<vmem>>
    %dma_start3A_334 = tpu.memref_squeeze %dma_start3A_333 : memref<1x256x128xf32, #tpu.memory_space<vmem>> -> memref<256x128xf32, #tpu.memory_space<vmem>>
    %dma_start3A_335 = arith.constant 0 : i32
    %dma_start3A_336 = tpu.memref_slice %arg4[%multiple_of3A_329, %dma_start3A_335] : memref<81920x128xf32, #tpu.memory_space<hbm>> -> memref<256x128xf32, #tpu.memory_space<hbm>>
    %dma_start3A_337 = arith.constant 0 : i32
    %dma_start3A_338 = tpu.memref_slice %arg4[%multiple_of3A_329, %dma_start3A_337] : memref<81920x128xf32, #tpu.memory_space<hbm>> -> memref<256x128xf32, #tpu.memory_space<hbm>>
    %dma_start3A_339 = arith.constant 0 : i32
    %dma_start3A_340 = arith.constant 0 : i32
    %dma_start3A_341 = tpu.memref_slice %arg6[%dma_start3A_330, %dma_start3A_339, %dma_start3A_340] : memref<3x256x128xf32, #tpu.memory_space<vmem>> -> memref<1x256x128xf32, #tpu.memory_space<vmem>>
    %dma_start3A_342 = tpu.memref_squeeze %dma_start3A_341 : memref<1x256x128xf32, #tpu.memory_space<vmem>> -> memref<256x128xf32, #tpu.memory_space<vmem>>
    tpu.enqueue_dma source(%dma_start3A_342 : memref<256x128xf32, #tpu.memory_space<vmem>>) target(%dma_start3A_338 : memref<256x128xf32, #tpu.memory_space<hbm>>) target_semaphore(%arg8 : memref<!tpu.dma_semaphore, #tpu.memory_space<semaphore_mem>>)
    %add3A_343 = arith.constant 1280 : i32
    %add3A_344 = arith.addi %mul3A_2, %add3A_343 : i32
    %multiple_of3A_345 = tpu.assume_multiple %add3A_344, 8 : i32
    %dma_wait3A_346 = arith.constant 2 : i32
    %dma_wait3A_347 = arith.constant 0 : i32
    %dma_wait3A_348 = arith.constant 0 : i32
    %dma_wait3A_349 = tpu.memref_slice %arg6[%dma_wait3A_346, %dma_wait3A_347, %dma_wait3A_348] : memref<3x256x128xf32, #tpu.memory_space<vmem>> -> memref<1x256x128xf32, #tpu.memory_space<vmem>>
    %dma_wait3A_350 = tpu.memref_squeeze %dma_wait3A_349 : memref<1x256x128xf32, #tpu.memory_space<vmem>> -> memref<256x128xf32, #tpu.memory_space<vmem>>
    %dma_wait3A_351 = arith.constant 0 : i32
    %dma_wait3A_352 = tpu.memref_slice %arg4[%multiple_of3A_345, %dma_wait3A_351] : memref<81920x128xf32, #tpu.memory_space<hbm>> -> memref<256x128xf32, #tpu.memory_space<hbm>>
    %dma_wait3A_353 = arith.constant 0 : i32
    %dma_wait3A_354 = tpu.memref_slice %arg4[%multiple_of3A_345, %dma_wait3A_353] : memref<81920x128xf32, #tpu.memory_space<hbm>> -> memref<256x128xf32, #tpu.memory_space<hbm>>
    %dma_wait3A_355 = arith.constant 0 : i32
    %dma_wait3A_356 = arith.constant 0 : i32
    %dma_wait3A_357 = tpu.memref_slice %arg6[%dma_wait3A_346, %dma_wait3A_355, %dma_wait3A_356] : memref<3x256x128xf32, #tpu.memory_space<vmem>> -> memref<1x256x128xf32, #tpu.memory_space<vmem>>
    %dma_wait3A_358 = tpu.memref_squeeze %dma_wait3A_357 : memref<1x256x128xf32, #tpu.memory_space<vmem>> -> memref<256x128xf32, #tpu.memory_space<vmem>>
    tpu.wait_dma2 semaphore(%arg10 : memref<!tpu.dma_semaphore, #tpu.memory_space<semaphore_mem>>) src(%dma_wait3A_358 : memref<256x128xf32, #tpu.memory_space<vmem>>) dst(%dma_wait3A_354 : memref<256x128xf32, #tpu.memory_space<hbm>>)
    %dma_start3A_359 = arith.constant 2 : i32
    %dma_start3A_360 = arith.constant 0 : i32
    %dma_start3A_361 = arith.constant 0 : i32
    %dma_start3A_362 = tpu.memref_slice %arg6[%dma_start3A_359, %dma_start3A_360, %dma_start3A_361] : memref<3x256x128xf32, #tpu.memory_space<vmem>> -> memref<1x256x128xf32, #tpu.memory_space<vmem>>
    %dma_start3A_363 = tpu.memref_squeeze %dma_start3A_362 : memref<1x256x128xf32, #tpu.memory_space<vmem>> -> memref<256x128xf32, #tpu.memory_space<vmem>>
    %dma_start3A_364 = arith.constant 2048 : i32
    %dma_start3A_365 = tpu.memref_slice %arg5[%dma_start3A_364] : memref<2560xi32, #tpu.memory_space<vmem>> -> memref<256xi32, #tpu.memory_space<vmem>>
    %dma_start3A_366 = arith.constant 0 : i32
    %dma_start3A_367 = arith.constant 0 : i32
    %dma_start3A_368 = tpu.memref_slice %arg2[%dma_start3A_366, %dma_start3A_367] : memref<10240x128xf32, #tpu.memory_space<hbm>> -> memref<10240x128xf32, #tpu.memory_space<hbm>>
    tpu.enqueue_indirect_dma source(%dma_start3A_368 : memref<10240x128xf32, #tpu.memory_space<hbm>>) target(%dma_start3A_363 : memref<256x128xf32, #tpu.memory_space<vmem>>) offsets(%dma_start3A_365 : memref<256xi32, #tpu.memory_space<vmem>>) semaphore(%arg7 : memref<!tpu.dma_semaphore, #tpu.memory_space<semaphore_mem>>)
    %dma_wait3A_369 = arith.constant 1 : i32
    %dma_wait3A_370 = arith.constant 0 : i32
    %dma_wait3A_371 = arith.constant 0 : i32
    %dma_wait3A_372 = tpu.memref_slice %arg6[%dma_wait3A_369, %dma_wait3A_370, %dma_wait3A_371] : memref<3x256x128xf32, #tpu.memory_space<vmem>> -> memref<1x256x128xf32, #tpu.memory_space<vmem>>
    %dma_wait3A_373 = tpu.memref_squeeze %dma_wait3A_372 : memref<1x256x128xf32, #tpu.memory_space<vmem>> -> memref<256x128xf32, #tpu.memory_space<vmem>>
    %dma_wait3A_374 = arith.constant 1792 : i32
    %dma_wait3A_375 = tpu.memref_slice %arg5[%dma_wait3A_374] : memref<2560xi32, #tpu.memory_space<vmem>> -> memref<256xi32, #tpu.memory_space<vmem>>
    %dma_wait3A_376 = arith.constant 0 : i32
    %dma_wait3A_377 = arith.constant 0 : i32
    %dma_wait3A_378 = tpu.memref_slice %arg2[%dma_wait3A_376, %dma_wait3A_377] : memref<10240x128xf32, #tpu.memory_space<hbm>> -> memref<10240x128xf32, #tpu.memory_space<hbm>>
    tpu.wait_indirect_dma semaphore(%arg7 : memref<!tpu.dma_semaphore, #tpu.memory_space<semaphore_mem>>) src(%dma_wait3A_378 : memref<10240x128xf32, #tpu.memory_space<hbm>>) dst(%dma_wait3A_373 : memref<256x128xf32, #tpu.memory_space<vmem>>)
    %add3A_379 = arith.constant 1792 : i32
    %add3A_380 = arith.addi %mul3A_2, %add3A_379 : i32
    %multiple_of3A_381 = tpu.assume_multiple %add3A_380, 8 : i32
    %dma_start3A_382 = arith.constant 1 : i32
    %dma_start3A_383 = arith.constant 0 : i32
    %dma_start3A_384 = arith.constant 0 : i32
    %dma_start3A_385 = tpu.memref_slice %arg6[%dma_start3A_382, %dma_start3A_383, %dma_start3A_384] : memref<3x256x128xf32, #tpu.memory_space<vmem>> -> memref<1x256x128xf32, #tpu.memory_space<vmem>>
    %dma_start3A_386 = tpu.memref_squeeze %dma_start3A_385 : memref<1x256x128xf32, #tpu.memory_space<vmem>> -> memref<256x128xf32, #tpu.memory_space<vmem>>
    %dma_start3A_387 = arith.constant 0 : i32
    %dma_start3A_388 = tpu.memref_slice %arg4[%multiple_of3A_381, %dma_start3A_387] : memref<81920x128xf32, #tpu.memory_space<hbm>> -> memref<256x128xf32, #tpu.memory_space<hbm>>
    %dma_start3A_389 = arith.constant 0 : i32
    %dma_start3A_390 = tpu.memref_slice %arg4[%multiple_of3A_381, %dma_start3A_389] : memref<81920x128xf32, #tpu.memory_space<hbm>> -> memref<256x128xf32, #tpu.memory_space<hbm>>
    %dma_start3A_391 = arith.constant 0 : i32
    %dma_start3A_392 = arith.constant 0 : i32
    %dma_start3A_393 = tpu.memref_slice %arg6[%dma_start3A_382, %dma_start3A_391, %dma_start3A_392] : memref<3x256x128xf32, #tpu.memory_space<vmem>> -> memref<1x256x128xf32, #tpu.memory_space<vmem>>
    %dma_start3A_394 = tpu.memref_squeeze %dma_start3A_393 : memref<1x256x128xf32, #tpu.memory_space<vmem>> -> memref<256x128xf32, #tpu.memory_space<vmem>>
    tpu.enqueue_dma source(%dma_start3A_394 : memref<256x128xf32, #tpu.memory_space<vmem>>) target(%dma_start3A_390 : memref<256x128xf32, #tpu.memory_space<hbm>>) target_semaphore(%arg9 : memref<!tpu.dma_semaphore, #tpu.memory_space<semaphore_mem>>)
    %add3A_395 = arith.constant 1536 : i32
    %add3A_396 = arith.addi %mul3A_2, %add3A_395 : i32
    %multiple_of3A_397 = tpu.assume_multiple %add3A_396, 8 : i32
    %dma_wait3A_398 = arith.constant 0 : i32
    %dma_wait3A_399 = arith.constant 0 : i32
    %dma_wait3A_400 = arith.constant 0 : i32
    %dma_wait3A_401 = tpu.memref_slice %arg6[%dma_wait3A_398, %dma_wait3A_399, %dma_wait3A_400] : memref<3x256x128xf32, #tpu.memory_space<vmem>> -> memref<1x256x128xf32, #tpu.memory_space<vmem>>
    %dma_wait3A_402 = tpu.memref_squeeze %dma_wait3A_401 : memref<1x256x128xf32, #tpu.memory_space<vmem>> -> memref<256x128xf32, #tpu.memory_space<vmem>>
    %dma_wait3A_403 = arith.constant 0 : i32
    %dma_wait3A_404 = tpu.memref_slice %arg4[%multiple_of3A_397, %dma_wait3A_403] : memref<81920x128xf32, #tpu.memory_space<hbm>> -> memref<256x128xf32, #tpu.memory_space<hbm>>
    %dma_wait3A_405 = arith.constant 0 : i32
    %dma_wait3A_406 = tpu.memref_slice %arg4[%multiple_of3A_397, %dma_wait3A_405] : memref<81920x128xf32, #tpu.memory_space<hbm>> -> memref<256x128xf32, #tpu.memory_space<hbm>>
    %dma_wait3A_407 = arith.constant 0 : i32
    %dma_wait3A_408 = arith.constant 0 : i32
    %dma_wait3A_409 = tpu.memref_slice %arg6[%dma_wait3A_398, %dma_wait3A_407, %dma_wait3A_408] : memref<3x256x128xf32, #tpu.memory_space<vmem>> -> memref<1x256x128xf32, #tpu.memory_space<vmem>>
    %dma_wait3A_410 = tpu.memref_squeeze %dma_wait3A_409 : memref<1x256x128xf32, #tpu.memory_space<vmem>> -> memref<256x128xf32, #tpu.memory_space<vmem>>
    tpu.wait_dma2 semaphore(%arg8 : memref<!tpu.dma_semaphore, #tpu.memory_space<semaphore_mem>>) src(%dma_wait3A_410 : memref<256x128xf32, #tpu.memory_space<vmem>>) dst(%dma_wait3A_406 : memref<256x128xf32, #tpu.memory_space<hbm>>)
    %dma_start3A_411 = arith.constant 0 : i32
    %dma_start3A_412 = arith.constant 0 : i32
    %dma_start3A_413 = arith.constant 0 : i32
    %dma_start3A_414 = tpu.memref_slice %arg6[%dma_start3A_411, %dma_start3A_412, %dma_start3A_413] : memref<3x256x128xf32, #tpu.memory_space<vmem>> -> memref<1x256x128xf32, #tpu.memory_space<vmem>>
    %dma_start3A_415 = tpu.memref_squeeze %dma_start3A_414 : memref<1x256x128xf32, #tpu.memory_space<vmem>> -> memref<256x128xf32, #tpu.memory_space<vmem>>
    %dma_start3A_416 = arith.constant 2304 : i32
    %dma_start3A_417 = tpu.memref_slice %arg5[%dma_start3A_416] : memref<2560xi32, #tpu.memory_space<vmem>> -> memref<256xi32, #tpu.memory_space<vmem>>
    %dma_start3A_418 = arith.constant 0 : i32
    %dma_start3A_419 = arith.constant 0 : i32
    %dma_start3A_420 = tpu.memref_slice %arg2[%dma_start3A_418, %dma_start3A_419] : memref<10240x128xf32, #tpu.memory_space<hbm>> -> memref<10240x128xf32, #tpu.memory_space<hbm>>
    tpu.enqueue_indirect_dma source(%dma_start3A_420 : memref<10240x128xf32, #tpu.memory_space<hbm>>) target(%dma_start3A_415 : memref<256x128xf32, #tpu.memory_space<vmem>>) offsets(%dma_start3A_417 : memref<256xi32, #tpu.memory_space<vmem>>) semaphore(%arg7 : memref<!tpu.dma_semaphore, #tpu.memory_space<semaphore_mem>>)
    %dma_wait3A_421 = arith.constant 2 : i32
    %dma_wait3A_422 = arith.constant 0 : i32
    %dma_wait3A_423 = arith.constant 0 : i32
    %dma_wait3A_424 = tpu.memref_slice %arg6[%dma_wait3A_421, %dma_wait3A_422, %dma_wait3A_423] : memref<3x256x128xf32, #tpu.memory_space<vmem>> -> memref<1x256x128xf32, #tpu.memory_space<vmem>>
    %dma_wait3A_425 = tpu.memref_squeeze %dma_wait3A_424 : memref<1x256x128xf32, #tpu.memory_space<vmem>> -> memref<256x128xf32, #tpu.memory_space<vmem>>
    %dma_wait3A_426 = arith.constant 2048 : i32
    %dma_wait3A_427 = tpu.memref_slice %arg5[%dma_wait3A_426] : memref<2560xi32, #tpu.memory_space<vmem>> -> memref<256xi32, #tpu.memory_space<vmem>>
    %dma_wait3A_428 = arith.constant 0 : i32
    %dma_wait3A_429 = arith.constant 0 : i32
    %dma_wait3A_430 = tpu.memref_slice %arg2[%dma_wait3A_428, %dma_wait3A_429] : memref<10240x128xf32, #tpu.memory_space<hbm>> -> memref<10240x128xf32, #tpu.memory_space<hbm>>
    tpu.wait_indirect_dma semaphore(%arg7 : memref<!tpu.dma_semaphore, #tpu.memory_space<semaphore_mem>>) src(%dma_wait3A_430 : memref<10240x128xf32, #tpu.memory_space<hbm>>) dst(%dma_wait3A_425 : memref<256x128xf32, #tpu.memory_space<vmem>>)
    %add3A_431 = arith.constant 2048 : i32
    %add3A_432 = arith.addi %mul3A_2, %add3A_431 : i32
    %multiple_of3A_433 = tpu.assume_multiple %add3A_432, 8 : i32
    %dma_start3A_434 = arith.constant 2 : i32
    %dma_start3A_435 = arith.constant 0 : i32
    %dma_start3A_436 = arith.constant 0 : i32
    %dma_start3A_437 = tpu.memref_slice %arg6[%dma_start3A_434, %dma_start3A_435, %dma_start3A_436] : memref<3x256x128xf32, #tpu.memory_space<vmem>> -> memref<1x256x128xf32, #tpu.memory_space<vmem>>
    %dma_start3A_438 = tpu.memref_squeeze %dma_start3A_437 : memref<1x256x128xf32, #tpu.memory_space<vmem>> -> memref<256x128xf32, #tpu.memory_space<vmem>>
    %dma_start3A_439 = arith.constant 0 : i32
    %dma_start3A_440 = tpu.memref_slice %arg4[%multiple_of3A_433, %dma_start3A_439] : memref<81920x128xf32, #tpu.memory_space<hbm>> -> memref<256x128xf32, #tpu.memory_space<hbm>>
    %dma_start3A_441 = arith.constant 0 : i32
    %dma_start3A_442 = tpu.memref_slice %arg4[%multiple_of3A_433, %dma_start3A_441] : memref<81920x128xf32, #tpu.memory_space<hbm>> -> memref<256x128xf32, #tpu.memory_space<hbm>>
    %dma_start3A_443 = arith.constant 0 : i32
    %dma_start3A_444 = arith.constant 0 : i32
    %dma_start3A_445 = tpu.memref_slice %arg6[%dma_start3A_434, %dma_start3A_443, %dma_start3A_444] : memref<3x256x128xf32, #tpu.memory_space<vmem>> -> memref<1x256x128xf32, #tpu.memory_space<vmem>>
    %dma_start3A_446 = tpu.memref_squeeze %dma_start3A_445 : memref<1x256x128xf32, #tpu.memory_space<vmem>> -> memref<256x128xf32, #tpu.memory_space<vmem>>
    tpu.enqueue_dma source(%dma_start3A_446 : memref<256x128xf32, #tpu.memory_space<vmem>>) target(%dma_start3A_442 : memref<256x128xf32, #tpu.memory_space<hbm>>) target_semaphore(%arg10 : memref<!tpu.dma_semaphore, #tpu.memory_space<semaphore_mem>>)
    %dma_wait3A_447 = arith.constant 0 : i32
    %dma_wait3A_448 = arith.constant 0 : i32
    %dma_wait3A_449 = arith.constant 0 : i32
    %dma_wait3A_450 = tpu.memref_slice %arg6[%dma_wait3A_447, %dma_wait3A_448, %dma_wait3A_449] : memref<3x256x128xf32, #tpu.memory_space<vmem>> -> memref<1x256x128xf32, #tpu.memory_space<vmem>>
    %dma_wait3A_451 = tpu.memref_squeeze %dma_wait3A_450 : memref<1x256x128xf32, #tpu.memory_space<vmem>> -> memref<256x128xf32, #tpu.memory_space<vmem>>
    %dma_wait3A_452 = arith.constant 2304 : i32
    %dma_wait3A_453 = tpu.memref_slice %arg5[%dma_wait3A_452] : memref<2560xi32, #tpu.memory_space<vmem>> -> memref<256xi32, #tpu.memory_space<vmem>>
    %dma_wait3A_454 = arith.constant 0 : i32
    %dma_wait3A_455 = arith.constant 0 : i32
    %dma_wait3A_456 = tpu.memref_slice %arg2[%dma_wait3A_454, %dma_wait3A_455] : memref<10240x128xf32, #tpu.memory_space<hbm>> -> memref<10240x128xf32, #tpu.memory_space<hbm>>
    tpu.wait_indirect_dma semaphore(%arg7 : memref<!tpu.dma_semaphore, #tpu.memory_space<semaphore_mem>>) src(%dma_wait3A_456 : memref<10240x128xf32, #tpu.memory_space<hbm>>) dst(%dma_wait3A_451 : memref<256x128xf32, #tpu.memory_space<vmem>>)
    %add3A_457 = arith.constant 2304 : i32
    %add3A_458 = arith.addi %mul3A_2, %add3A_457 : i32
    %multiple_of3A_459 = tpu.assume_multiple %add3A_458, 8 : i32
    %dma_start3A_460 = arith.constant 0 : i32
    %dma_start3A_461 = arith.constant 0 : i32
    %dma_start3A_462 = arith.constant 0 : i32
    %dma_start3A_463 = tpu.memref_slice %arg6[%dma_start3A_460, %dma_start3A_461, %dma_start3A_462] : memref<3x256x128xf32, #tpu.memory_space<vmem>> -> memref<1x256x128xf32, #tpu.memory_space<vmem>>
    %dma_start3A_464 = tpu.memref_squeeze %dma_start3A_463 : memref<1x256x128xf32, #tpu.memory_space<vmem>> -> memref<256x128xf32, #tpu.memory_space<vmem>>
    %dma_start3A_465 = arith.constant 0 : i32
    %dma_start3A_466 = tpu.memref_slice %arg4[%multiple_of3A_459, %dma_start3A_465] : memref<81920x128xf32, #tpu.memory_space<hbm>> -> memref<256x128xf32, #tpu.memory_space<hbm>>
    %dma_start3A_467 = arith.constant 0 : i32
    %dma_start3A_468 = tpu.memref_slice %arg4[%multiple_of3A_459, %dma_start3A_467] : memref<81920x128xf32, #tpu.memory_space<hbm>> -> memref<256x128xf32, #tpu.memory_space<hbm>>
    %dma_start3A_469 = arith.constant 0 : i32
    %dma_start3A_470 = arith.constant 0 : i32
    %dma_start3A_471 = tpu.memref_slice %arg6[%dma_start3A_460, %dma_start3A_469, %dma_start3A_470] : memref<3x256x128xf32, #tpu.memory_space<vmem>> -> memref<1x256x128xf32, #tpu.memory_space<vmem>>
    %dma_start3A_472 = tpu.memref_squeeze %dma_start3A_471 : memref<1x256x128xf32, #tpu.memory_space<vmem>> -> memref<256x128xf32, #tpu.memory_space<vmem>>
    tpu.enqueue_dma source(%dma_start3A_472 : memref<256x128xf32, #tpu.memory_space<vmem>>) target(%dma_start3A_468 : memref<256x128xf32, #tpu.memory_space<hbm>>) target_semaphore(%arg8 : memref<!tpu.dma_semaphore, #tpu.memory_space<semaphore_mem>>)
    %add3A_473 = arith.constant 1792 : i32
    %add3A_474 = arith.addi %mul3A_2, %add3A_473 : i32
    %multiple_of3A_475 = tpu.assume_multiple %add3A_474, 8 : i32
    %dma_wait3A_476 = arith.constant 1 : i32
    %dma_wait3A_477 = arith.constant 0 : i32
    %dma_wait3A_478 = arith.constant 0 : i32
    %dma_wait3A_479 = tpu.memref_slice %arg6[%dma_wait3A_476, %dma_wait3A_477, %dma_wait3A_478] : memref<3x256x128xf32, #tpu.memory_space<vmem>> -> memref<1x256x128xf32, #tpu.memory_space<vmem>>
    %dma_wait3A_480 = tpu.memref_squeeze %dma_wait3A_479 : memref<1x256x128xf32, #tpu.memory_space<vmem>> -> memref<256x128xf32, #tpu.memory_space<vmem>>
    %dma_wait3A_481 = arith.constant 0 : i32
    %dma_wait3A_482 = tpu.memref_slice %arg4[%multiple_of3A_475, %dma_wait3A_481] : memref<81920x128xf32, #tpu.memory_space<hbm>> -> memref<256x128xf32, #tpu.memory_space<hbm>>
    %dma_wait3A_483 = arith.constant 0 : i32
    %dma_wait3A_484 = tpu.memref_slice %arg4[%multiple_of3A_475, %dma_wait3A_483] : memref<81920x128xf32, #tpu.memory_space<hbm>> -> memref<256x128xf32, #tpu.memory_space<hbm>>
    %dma_wait3A_485 = arith.constant 0 : i32
    %dma_wait3A_486 = arith.constant 0 : i32
    %dma_wait3A_487 = tpu.memref_slice %arg6[%dma_wait3A_476, %dma_wait3A_485, %dma_wait3A_486] : memref<3x256x128xf32, #tpu.memory_space<vmem>> -> memref<1x256x128xf32, #tpu.memory_space<vmem>>
    %dma_wait3A_488 = tpu.memref_squeeze %dma_wait3A_487 : memref<1x256x128xf32, #tpu.memory_space<vmem>> -> memref<256x128xf32, #tpu.memory_space<vmem>>
    tpu.wait_dma2 semaphore(%arg9 : memref<!tpu.dma_semaphore, #tpu.memory_space<semaphore_mem>>) src(%dma_wait3A_488 : memref<256x128xf32, #tpu.memory_space<vmem>>) dst(%dma_wait3A_484 : memref<256x128xf32, #tpu.memory_space<hbm>>)
    %add3A_489 = arith.constant 2048 : i32
    %add3A_490 = arith.addi %mul3A_2, %add3A_489 : i32
    %multiple_of3A_491 = tpu.assume_multiple %add3A_490, 8 : i32
    %dma_wait3A_492 = arith.constant 2 : i32
    %dma_wait3A_493 = arith.constant 0 : i32
    %dma_wait3A_494 = arith.constant 0 : i32
    %dma_wait3A_495 = tpu.memref_slice %arg6[%dma_wait3A_492, %dma_wait3A_493, %dma_wait3A_494] : memref<3x256x128xf32, #tpu.memory_space<vmem>> -> memref<1x256x128xf32, #tpu.memory_space<vmem>>
    %dma_wait3A_496 = tpu.memref_squeeze %dma_wait3A_495 : memref<1x256x128xf32, #tpu.memory_space<vmem>> -> memref<256x128xf32, #tpu.memory_space<vmem>>
    %dma_wait3A_497 = arith.constant 0 : i32
    %dma_wait3A_498 = tpu.memref_slice %arg4[%multiple_of3A_491, %dma_wait3A_497] : memref<81920x128xf32, #tpu.memory_space<hbm>> -> memref<256x128xf32, #tpu.memory_space<hbm>>
    %dma_wait3A_499 = arith.constant 0 : i32
    %dma_wait3A_500 = tpu.memref_slice %arg4[%multiple_of3A_491, %dma_wait3A_499] : memref<81920x128xf32, #tpu.memory_space<hbm>> -> memref<256x128xf32, #tpu.memory_space<hbm>>
    %dma_wait3A_501 = arith.constant 0 : i32
    %dma_wait3A_502 = arith.constant 0 : i32
    %dma_wait3A_503 = tpu.memref_slice %arg6[%dma_wait3A_492, %dma_wait3A_501, %dma_wait3A_502] : memref<3x256x128xf32, #tpu.memory_space<vmem>> -> memref<1x256x128xf32, #tpu.memory_space<vmem>>
    %dma_wait3A_504 = tpu.memref_squeeze %dma_wait3A_503 : memref<1x256x128xf32, #tpu.memory_space<vmem>> -> memref<256x128xf32, #tpu.memory_space<vmem>>
    tpu.wait_dma2 semaphore(%arg10 : memref<!tpu.dma_semaphore, #tpu.memory_space<semaphore_mem>>) src(%dma_wait3A_504 : memref<256x128xf32, #tpu.memory_space<vmem>>) dst(%dma_wait3A_500 : memref<256x128xf32, #tpu.memory_space<hbm>>)
    %add3A_505 = arith.constant 2304 : i32
    %add3A_506 = arith.addi %mul3A_2, %add3A_505 : i32
    %multiple_of3A_507 = tpu.assume_multiple %add3A_506, 8 : i32
    %dma_wait3A_508 = arith.constant 0 : i32
    %dma_wait3A_509 = arith.constant 0 : i32
    %dma_wait3A_510 = arith.constant 0 : i32
    %dma_wait3A_511 = tpu.memref_slice %arg6[%dma_wait3A_508, %dma_wait3A_509, %dma_wait3A_510] : memref<3x256x128xf32, #tpu.memory_space<vmem>> -> memref<1x256x128xf32, #tpu.memory_space<vmem>>
    %dma_wait3A_512 = tpu.memref_squeeze %dma_wait3A_511 : memref<1x256x128xf32, #tpu.memory_space<vmem>> -> memref<256x128xf32, #tpu.memory_space<vmem>>
    %dma_wait3A_513 = arith.constant 0 : i32
    %dma_wait3A_514 = tpu.memref_slice %arg4[%multiple_of3A_507, %dma_wait3A_513] : memref<81920x128xf32, #tpu.memory_space<hbm>> -> memref<256x128xf32, #tpu.memory_space<hbm>>
    %dma_wait3A_515 = arith.constant 0 : i32
    %dma_wait3A_516 = tpu.memref_slice %arg4[%multiple_of3A_507, %dma_wait3A_515] : memref<81920x128xf32, #tpu.memory_space<hbm>> -> memref<256x128xf32, #tpu.memory_space<hbm>>
    %dma_wait3A_517 = arith.constant 0 : i32
    %dma_wait3A_518 = arith.constant 0 : i32
    %dma_wait3A_519 = tpu.memref_slice %arg6[%dma_wait3A_508, %dma_wait3A_517, %dma_wait3A_518] : memref<3x256x128xf32, #tpu.memory_space<vmem>> -> memref<1x256x128xf32, #tpu.memory_space<vmem>>
    %dma_wait3A_520 = tpu.memref_squeeze %dma_wait3A_519 : memref<1x256x128xf32, #tpu.memory_space<vmem>> -> memref<256x128xf32, #tpu.memory_space<vmem>>
    tpu.wait_dma2 semaphore(%arg8 : memref<!tpu.dma_semaphore, #tpu.memory_space<semaphore_mem>>) src(%dma_wait3A_520 : memref<256x128xf32, #tpu.memory_space<vmem>>) dst(%dma_wait3A_516 : memref<256x128xf32, #tpu.memory_space<hbm>>)
    return
  }
}

#map = affine_map<(d0, d1) -> (0, 0)>
#map1 = affine_map<(d0, d1) -> (0)>
module attributes {stable_mosaic.version = 14 : i64} {
  func.func @k(%arg0: i32, %arg1: i32, %arg2: memref<10240x128xf32, #tpu.memory_space<hbm>>, %arg3: memref<10240xi32, #tpu.memory_space<hbm>>, %arg4: memref<10240x128xf32, #tpu.memory_space<hbm>>, %arg5: memref<320xi32, #tpu.memory_space<vmem>>, %arg6: memref<3x256x128xf32, #tpu.memory_space<vmem>>, %arg7: memref<!tpu.dma_semaphore, #tpu.memory_space<semaphore_mem>>, %arg8: memref<!tpu.dma_semaphore, #tpu.memory_space<semaphore_mem>>, %arg9: memref<!tpu.dma_semaphore, #tpu.memory_space<semaphore_mem>>, %arg10: memref<!tpu.dma_semaphore, #tpu.memory_space<semaphore_mem>>) attributes {dimension_semantics = [#tpu.dimension_semantics<core_parallel>, #tpu.dimension_semantics<subcore_parallel>], iteration_bounds = array<i64: 2, 16>, scalar_prefetch = 0 : i64, scratch_operands = 6 : i64, tpu.core_type = #tpu.core_type<sc_vector_subcore>, window_params = [{transform_indices = #map}, {transform_indices = #map1}, {transform_indices = #map}]} {
    %mul3A = arith.constant 2 : i32
    %mul3A_0 = arith.muli %arg1, %mul3A : i32
    %add3A = arith.addi %mul3A_0, %arg0 : i32
    %mul3A_1 = arith.constant 320 : i32
    %mul3A_2 = arith.muli %add3A, %mul3A_1 : i32
    %multiple_of3A = tpu.assume_multiple %mul3A_2, 8 : i32
    "tpu.region"() ({
      %run_scoped3A = tpu.sem_alloc : memref<!tpu.dma_semaphore, #tpu.memory_space<semaphore_mem>>
      %dma_start3A_53 = tpu.memref_slice %arg3[%multiple_of3A] : memref<10240xi32, #tpu.memory_space<hbm>> -> memref<320xi32, #tpu.memory_space<hbm>>
      %dma_start3A_54 = tpu.memref_slice %arg3[%multiple_of3A] : memref<10240xi32, #tpu.memory_space<hbm>> -> memref<320xi32, #tpu.memory_space<hbm>>
      tpu.enqueue_dma source(%dma_start3A_54 : memref<320xi32, #tpu.memory_space<hbm>>) target(%arg5 : memref<320xi32, #tpu.memory_space<vmem>>) target_semaphore(%run_scoped3A : memref<!tpu.dma_semaphore, #tpu.memory_space<semaphore_mem>>)
      %dma_wait3A_55 = tpu.memref_slice %arg3[%multiple_of3A] : memref<10240xi32, #tpu.memory_space<hbm>> -> memref<320xi32, #tpu.memory_space<hbm>>
      %dma_wait3A_56 = tpu.memref_slice %arg3[%multiple_of3A] : memref<10240xi32, #tpu.memory_space<hbm>> -> memref<320xi32, #tpu.memory_space<hbm>>
      tpu.wait_dma2 semaphore(%run_scoped3A : memref<!tpu.dma_semaphore, #tpu.memory_space<semaphore_mem>>) src(%dma_wait3A_56 : memref<320xi32, #tpu.memory_space<hbm>>) dst(%arg5 : memref<320xi32, #tpu.memory_space<vmem>>)
      tpu.yield
    }) : () -> ()
    %dma_start3A = arith.constant 0 : i32
    %dma_start3A_3 = arith.constant 0 : i32
    %dma_start3A_4 = arith.constant 0 : i32
    %dma_start3A_5 = tpu.memref_slice %arg6[%dma_start3A, %dma_start3A_3, %dma_start3A_4] : memref<3x256x128xf32, #tpu.memory_space<vmem>> -> memref<1x256x128xf32, #tpu.memory_space<vmem>>
    %dma_start3A_6 = tpu.memref_squeeze %dma_start3A_5 : memref<1x256x128xf32, #tpu.memory_space<vmem>> -> memref<256x128xf32, #tpu.memory_space<vmem>>
    %dma_start3A_7 = arith.constant 0 : i32
    %dma_start3A_8 = tpu.memref_slice %arg5[%dma_start3A_7] : memref<320xi32, #tpu.memory_space<vmem>> -> memref<256xi32, #tpu.memory_space<vmem>>
    %dma_start3A_9 = arith.constant 0 : i32
    %dma_start3A_10 = arith.constant 0 : i32
    %dma_start3A_11 = tpu.memref_slice %arg2[%dma_start3A_9, %dma_start3A_10] : memref<10240x128xf32, #tpu.memory_space<hbm>> -> memref<10240x128xf32, #tpu.memory_space<hbm>>
    tpu.enqueue_indirect_dma source(%dma_start3A_11 : memref<10240x128xf32, #tpu.memory_space<hbm>>) target(%dma_start3A_6 : memref<256x128xf32, #tpu.memory_space<vmem>>) offsets(%dma_start3A_8 : memref<256xi32, #tpu.memory_space<vmem>>) semaphore(%arg7 : memref<!tpu.dma_semaphore, #tpu.memory_space<semaphore_mem>>)
    %dma_wait3A = arith.constant 0 : i32
    %dma_wait3A_12 = arith.constant 0 : i32
    %dma_wait3A_13 = arith.constant 0 : i32
    %dma_wait3A_14 = tpu.memref_slice %arg6[%dma_wait3A, %dma_wait3A_12, %dma_wait3A_13] : memref<3x256x128xf32, #tpu.memory_space<vmem>> -> memref<1x256x128xf32, #tpu.memory_space<vmem>>
    %dma_wait3A_15 = tpu.memref_squeeze %dma_wait3A_14 : memref<1x256x128xf32, #tpu.memory_space<vmem>> -> memref<256x128xf32, #tpu.memory_space<vmem>>
    %dma_wait3A_16 = arith.constant 0 : i32
    %dma_wait3A_17 = tpu.memref_slice %arg5[%dma_wait3A_16] : memref<320xi32, #tpu.memory_space<vmem>> -> memref<256xi32, #tpu.memory_space<vmem>>
    %dma_wait3A_18 = arith.constant 0 : i32
    %dma_wait3A_19 = arith.constant 0 : i32
    %dma_wait3A_20 = tpu.memref_slice %arg2[%dma_wait3A_18, %dma_wait3A_19] : memref<10240x128xf32, #tpu.memory_space<hbm>> -> memref<10240x128xf32, #tpu.memory_space<hbm>>
    tpu.wait_indirect_dma semaphore(%arg7 : memref<!tpu.dma_semaphore, #tpu.memory_space<semaphore_mem>>) src(%dma_wait3A_20 : memref<10240x128xf32, #tpu.memory_space<hbm>>) dst(%dma_wait3A_15 : memref<256x128xf32, #tpu.memory_space<vmem>>)
    %add3A_21 = arith.constant 0 : i32
    %add3A_22 = arith.addi %mul3A_2, %add3A_21 : i32
    %multiple_of3A_23 = tpu.assume_multiple %add3A_22, 8 : i32
    %dma_start3A_24 = arith.constant 0 : i32
    %dma_start3A_25 = arith.constant 0 : i32
    %dma_start3A_26 = arith.constant 0 : i32
    %dma_start3A_27 = tpu.memref_slice %arg6[%dma_start3A_24, %dma_start3A_25, %dma_start3A_26] : memref<3x256x128xf32, #tpu.memory_space<vmem>> -> memref<1x256x128xf32, #tpu.memory_space<vmem>>
    %dma_start3A_28 = tpu.memref_squeeze %dma_start3A_27 : memref<1x256x128xf32, #tpu.memory_space<vmem>> -> memref<256x128xf32, #tpu.memory_space<vmem>>
    %dma_start3A_29 = arith.constant 0 : i32
    %dma_start3A_30 = tpu.memref_slice %arg4[%multiple_of3A_23, %dma_start3A_29] : memref<10240x128xf32, #tpu.memory_space<hbm>> -> memref<256x128xf32, #tpu.memory_space<hbm>>
    %dma_start3A_31 = arith.constant 0 : i32
    %dma_start3A_32 = tpu.memref_slice %arg4[%multiple_of3A_23, %dma_start3A_31] : memref<10240x128xf32, #tpu.memory_space<hbm>> -> memref<256x128xf32, #tpu.memory_space<hbm>>
    %dma_start3A_33 = arith.constant 0 : i32
    %dma_start3A_34 = arith.constant 0 : i32
    %dma_start3A_35 = tpu.memref_slice %arg6[%dma_start3A_24, %dma_start3A_33, %dma_start3A_34] : memref<3x256x128xf32, #tpu.memory_space<vmem>> -> memref<1x256x128xf32, #tpu.memory_space<vmem>>
    %dma_start3A_36 = tpu.memref_squeeze %dma_start3A_35 : memref<1x256x128xf32, #tpu.memory_space<vmem>> -> memref<256x128xf32, #tpu.memory_space<vmem>>
    tpu.enqueue_dma source(%dma_start3A_36 : memref<256x128xf32, #tpu.memory_space<vmem>>) target(%dma_start3A_32 : memref<256x128xf32, #tpu.memory_space<hbm>>) target_semaphore(%arg8 : memref<!tpu.dma_semaphore, #tpu.memory_space<semaphore_mem>>)
    %add3A_37 = arith.constant 0 : i32
    %add3A_38 = arith.addi %mul3A_2, %add3A_37 : i32
    %multiple_of3A_39 = tpu.assume_multiple %add3A_38, 8 : i32
    %dma_wait3A_40 = arith.constant 0 : i32
    %dma_wait3A_41 = arith.constant 0 : i32
    %dma_wait3A_42 = arith.constant 0 : i32
    %dma_wait3A_43 = tpu.memref_slice %arg6[%dma_wait3A_40, %dma_wait3A_41, %dma_wait3A_42] : memref<3x256x128xf32, #tpu.memory_space<vmem>> -> memref<1x256x128xf32, #tpu.memory_space<vmem>>
    %dma_wait3A_44 = tpu.memref_squeeze %dma_wait3A_43 : memref<1x256x128xf32, #tpu.memory_space<vmem>> -> memref<256x128xf32, #tpu.memory_space<vmem>>
    %dma_wait3A_45 = arith.constant 0 : i32
    %dma_wait3A_46 = tpu.memref_slice %arg4[%multiple_of3A_39, %dma_wait3A_45] : memref<10240x128xf32, #tpu.memory_space<hbm>> -> memref<256x128xf32, #tpu.memory_space<hbm>>
    %dma_wait3A_47 = arith.constant 0 : i32
    %dma_wait3A_48 = tpu.memref_slice %arg4[%multiple_of3A_39, %dma_wait3A_47] : memref<10240x128xf32, #tpu.memory_space<hbm>> -> memref<256x128xf32, #tpu.memory_space<hbm>>
    %dma_wait3A_49 = arith.constant 0 : i32
    %dma_wait3A_50 = arith.constant 0 : i32
    %dma_wait3A_51 = tpu.memref_slice %arg6[%dma_wait3A_40, %dma_wait3A_49, %dma_wait3A_50] : memref<3x256x128xf32, #tpu.memory_space<vmem>> -> memref<1x256x128xf32, #tpu.memory_space<vmem>>
    %dma_wait3A_52 = tpu.memref_squeeze %dma_wait3A_51 : memref<1x256x128xf32, #tpu.memory_space<vmem>> -> memref<256x128xf32, #tpu.memory_space<vmem>>
    tpu.wait_dma2 semaphore(%arg8 : memref<!tpu.dma_semaphore, #tpu.memory_space<semaphore_mem>>) src(%dma_wait3A_52 : memref<256x128xf32, #tpu.memory_space<vmem>>) dst(%dma_wait3A_48 : memref<256x128xf32, #tpu.memory_space<hbm>>)
    return
  }
}

module attributes {stable_mosaic.version = 14 : i64} {
  func.func @_mlp_body(%arg0: memref<10240x4xf32, #tpu.memory_space<vmem>>, %arg1: memref<10240x1xf32, #tpu.memory_space<vmem>>, %arg2: memref<1x4xf32, #tpu.memory_space<vmem>>, %arg3: memref<4x32xf32, #tpu.memory_space<vmem>>, %arg4: memref<1x32xf32, #tpu.memory_space<vmem>>, %arg5: memref<32x64xf32, #tpu.memory_space<vmem>>, %arg6: memref<1x64xf32, #tpu.memory_space<vmem>>, %arg7: memref<10240x128xf32, #tpu.memory_space<vmem>>) attributes {dimension_semantics = [], scalar_prefetch = 0 : i64, scratch_operands = 0 : i64, tpu.core_type = #tpu.core_type<tc>} {
    %get3A = arith.constant 0 : index
    %get3A_0 = arith.constant 0 : index
    %get3A_1 = vector.load %arg0[%get3A, %get3A_0] : memref<10240x4xf32, #tpu.memory_space<vmem>>, vector<10240x4xf32>
    %get3A_2 = arith.constant 0 : index
    %get3A_3 = arith.constant 0 : index
    %get3A_4 = vector.load %arg2[%get3A_2, %get3A_3] : memref<1x4xf32, #tpu.memory_space<vmem>>, vector<1x4xf32>
    %mul3A = vector.broadcast %get3A_4 : vector<1x4xf32> to vector<10240x4xf32>
    %mul3A_5 = arith.mulf %get3A_1, %mul3A : vector<10240x4xf32>
    %get3A_6 = arith.constant 0 : index
    %get3A_7 = arith.constant 0 : index
    %get3A_8 = vector.load %arg3[%get3A_6, %get3A_7] : memref<4x32xf32, #tpu.memory_space<vmem>>, vector<4x32xf32>
    %dot_general3A = arith.constant dense<0.000000e+00> : vector<10240x32xf32>
    %dot_general3A_9 = tpu.matmul %mul3A_5, %get3A_8, %dot_general3A {dimension_numbers = #tpu.dot_dimension_numbers<[1], [0], [0], [1], [0, 0, 1, 1], [], []>, transpose_lhs_hint = false} : vector<10240x4xf32>, vector<4x32xf32>, vector<10240x32xf32> -> vector<10240x32xf32>
    %get3A_10 = arith.constant 0 : index
    %get3A_11 = arith.constant 0 : index
    %get3A_12 = vector.load %arg4[%get3A_10, %get3A_11] : memref<1x32xf32, #tpu.memory_space<vmem>>, vector<1x32xf32>
    %add3A = vector.broadcast %get3A_12 : vector<1x32xf32> to vector<10240x32xf32>
    %add3A_13 = arith.addf %dot_general3A_9, %add3A : vector<10240x32xf32>
    %gt3A = arith.constant 0.000000e+00 : f32
    %gt3A_14 = vector.broadcast %gt3A : f32 to vector<10240x32xf32>
    %gt3A_15 = arith.cmpf ogt, %add3A_13, %gt3A_14 : vector<10240x32xf32>
    %exp3A = math.exp %add3A_13 : vector<10240x32xf32>
    %sub3A = arith.constant 1.000000e+00 : f32
    %sub3A_16 = vector.broadcast %sub3A : f32 to vector<10240x32xf32>
    %sub3A_17 = arith.subf %exp3A, %sub3A_16 : vector<10240x32xf32>
    %select_n3A = arith.select %gt3A_15, %add3A_13, %sub3A_17 : vector<10240x32xi1>, vector<10240x32xf32>
    %get3A_18 = arith.constant 0 : index
    %get3A_19 = arith.constant 0 : index
    %get3A_20 = vector.load %arg5[%get3A_18, %get3A_19] : memref<32x64xf32, #tpu.memory_space<vmem>>, vector<32x64xf32>
    %dot_general3A_21 = arith.constant dense<0.000000e+00> : vector<10240x64xf32>
    %dot_general3A_22 = tpu.matmul %select_n3A, %get3A_20, %dot_general3A_21 {dimension_numbers = #tpu.dot_dimension_numbers<[1], [0], [0], [1], [0, 0, 1, 1], [], []>, transpose_lhs_hint = false} : vector<10240x32xf32>, vector<32x64xf32>, vector<10240x64xf32> -> vector<10240x64xf32>
    %get3A_23 = arith.constant 0 : index
    %get3A_24 = arith.constant 0 : index
    %get3A_25 = vector.load %arg6[%get3A_23, %get3A_24] : memref<1x64xf32, #tpu.memory_space<vmem>>, vector<1x64xf32>
    %add3A_26 = vector.broadcast %get3A_25 : vector<1x64xf32> to vector<10240x64xf32>
    %add3A_27 = arith.addf %dot_general3A_22, %add3A_26 : vector<10240x64xf32>
    %gt3A_28 = arith.constant 0.000000e+00 : f32
    %gt3A_29 = vector.broadcast %gt3A_28 : f32 to vector<10240x64xf32>
    %gt3A_30 = arith.cmpf ogt, %add3A_27, %gt3A_29 : vector<10240x64xf32>
    %exp3A_31 = math.exp %add3A_27 : vector<10240x64xf32>
    %sub3A_32 = arith.constant 1.000000e+00 : f32
    %sub3A_33 = vector.broadcast %sub3A_32 : f32 to vector<10240x64xf32>
    %sub3A_34 = arith.subf %exp3A_31, %sub3A_33 : vector<10240x64xf32>
    %select_n3A_35 = arith.select %gt3A_30, %add3A_27, %sub3A_34 : vector<10240x64xi1>, vector<10240x64xf32>
    %iota3A = tpu.iota {dimensions = array<i32: 0>} : vector<10240x1xi32>
    %lt3A = arith.constant 10000 : i32
    %lt3A_36 = vector.broadcast %lt3A : i32 to vector<10240x1xi32>
    %lt3A_37 = arith.cmpi slt, %iota3A, %lt3A_36 : vector<10240x1xi32>
    %jit3A = arith.constant 1.000000e+00 : f32
    %jit3A_38 = arith.constant 0.000000e+00 : f32
    %broadcast_in_dim3A = vector.broadcast %jit3A : f32 to vector<10240x1xf32>
    %broadcast_in_dim3A_39 = vector.broadcast %jit3A_38 : f32 to vector<10240x1xf32>
    %select_n3A_40 = arith.select %lt3A_37, %broadcast_in_dim3A, %broadcast_in_dim3A_39 : vector<10240x1xi1>, vector<10240x1xf32>
    %lt3A_41 = arith.constant 10000 : i32
    %lt3A_42 = vector.broadcast %lt3A_41 : i32 to vector<10240x1xi32>
    %lt3A_43 = arith.cmpi slt, %iota3A, %lt3A_42 : vector<10240x1xi32>
    %get3A_44 = arith.constant 0 : index
    %get3A_45 = arith.constant 0 : index
    %get3A_46 = vector.load %arg1[%get3A_44, %get3A_45] : memref<10240x1xf32, #tpu.memory_space<vmem>>, vector<10240x1xf32>
    %convert_element_type3A = arith.sitofp %iota3A : vector<10240x1xi32> to vector<10240x1xf32>
    %add3A_47 = arith.constant 1.000000e+03 : f32
    %add3A_48 = vector.broadcast %add3A_47 : f32 to vector<10240x1xf32>
    %add3A_49 = arith.addf %add3A_48, %convert_element_type3A : vector<10240x1xf32>
    %select_n3A_50 = arith.select %lt3A_43, %get3A_46, %add3A_49 : vector<10240x1xi1>, vector<10240x1xf32>
    %get3A_51 = arith.constant 0 : index
    %get3A_52 = arith.constant 0 : index
    %get3A_53 = vector.load %arg1[%get3A_51, %get3A_52] : memref<10240x1xf32, #tpu.memory_space<vmem>>, vector<10240x1xf32>
    %broadcast_in_dim3A_54 = arith.constant 0.000000e+00 : f32
    %broadcast_in_dim3A_55 = vector.broadcast %broadcast_in_dim3A_54 : f32 to vector<10240x61xf32>
    %concatenate3A = tpu.concatenate %select_n3A_35, %select_n3A_40, %get3A_53, %select_n3A_50, %broadcast_in_dim3A_55 in 1 : vector<10240x64xf32>, vector<10240x1xf32>, vector<10240x1xf32>, vector<10240x1xf32>, vector<10240x61xf32> -> vector<10240x128xf32>
    %swap3A = arith.constant 0 : index
    %swap3A_56 = arith.constant 0 : index
    %swap3A_57 = vector.load %arg7[%swap3A, %swap3A_56] : memref<10240x128xf32, #tpu.memory_space<vmem>>, vector<10240x128xf32>
    tpu.vector_store %arg7[%swap3A, %swap3A_56], %concatenate3A {strides = array<i32>} : memref<10240x128xf32, #tpu.memory_space<vmem>>, vector<10240x128xf32>,
    return
  }
}

module attributes {stable_mosaic.version = 14 : i64} {
  func.func @_knn_body(%arg0: i32, %arg1: memref<128x128xf32, #tpu.memory_space<vmem>>, %arg2: memref<10240x128xf32, #tpu.memory_space<vmem>>, %arg3: memref<8x10240xf32, #tpu.memory_space<vmem>>, %arg4: memref<128x128xi32, #tpu.memory_space<vmem>>, %arg5: memref<8x10240xf32, #tpu.memory_space<vmem>>) attributes {dimension_semantics = [#tpu.dimension_semantics<arbitrary>], iteration_bounds = array<i64: 80>, scalar_prefetch = 0 : i64, scratch_operands = 0 : i64, tpu.core_type = #tpu.core_type<tc>, window_params = [{transform_indices = @transform_0, window_bounds = array<i64: 128, 128>}, {pipeline_mode = #tpu.pipeline_mode<synchronous>, transform_indices = @transform_1, window_bounds = array<i64: 10240, 128>}, {pipeline_mode = #tpu.pipeline_mode<synchronous>, transform_indices = @transform_2, window_bounds = array<i64: 8, 10240>}, {transform_indices = @transform_3, window_bounds = array<i64: 128, 128>}, {pipeline_mode = #tpu.pipeline_mode<synchronous>, transform_indices = @transform_4, window_bounds = array<i64: 8, 10240>}]} {
    %get3A = arith.constant 0 : index
    %get3A_0 = arith.constant 0 : index
    %get3A_1 = vector.load %arg1[%get3A, %get3A_0] : memref<128x128xf32, #tpu.memory_space<vmem>>, vector<128x64xf32>
    %get3A_2 = arith.constant 0 : index
    %get3A_3 = arith.constant 66 : index
    %get3A_4 = vector.load %arg1[%get3A_2, %get3A_3] : memref<128x128xf32, #tpu.memory_space<vmem>>, vector<128x1xf32>
    %get3A_5 = arith.constant 0 : index
    %get3A_6 = arith.constant 0 : index
    %get3A_7 = vector.load %arg2[%get3A_5, %get3A_6] : memref<10240x128xf32, #tpu.memory_space<vmem>>, vector<10240x64xf32>
    %get3A_8 = arith.constant 0 : index
    %get3A_9 = arith.constant 0 : index
    %get3A_10 = vector.load %arg3[%get3A_8, %get3A_9] : memref<8x10240xf32, #tpu.memory_space<vmem>>, vector<1x10240xf32>
    %mul3A = arith.mulf %get3A_1, %get3A_1 : vector<128x64xf32>
    %reduce_sum3A = arith.constant dense<0.000000e+00> : vector<128xf32>
    %reduce_sum3A_11 = vector.multi_reduction <add>, %mul3A, %reduce_sum3A [1] : vector<128x64xf32> to vector<128xf32>
    %broadcast_in_dim3A = vector.shape_cast %reduce_sum3A_11 : vector<128xf32> to vector<128x1xf32>
    %broadcast_in_dim3A_12 = arith.constant 1.000000e+00 : f32
    %broadcast_in_dim3A_13 = vector.broadcast %broadcast_in_dim3A_12 : f32 to vector<8x64xf32>
    %mul3A_14 = arith.mulf %get3A_7, %get3A_7 : vector<10240x64xf32>
    %dot_general3A = arith.constant dense<0.000000e+00> : vector<8x10240xf32>
    %dot_general3A_15 = tpu.matmul %broadcast_in_dim3A_13, %mul3A_14, %dot_general3A {dimension_numbers = #tpu.dot_dimension_numbers<[1], [1], [0], [0], [0, 0, 1, 0], [], []>, transpose_lhs_hint = false} : vector<8x64xf32>, vector<10240x64xf32>, vector<8x10240xf32> -> vector<8x10240xf32>
    %slice3A = vector.extract_strided_slice %dot_general3A_15 {offsets = [0, 0], sizes = [1, 10240], strides = [1, 1]} : vector<8x10240xf32> to vector<1x10240xf32>
    %add3A = vector.broadcast %broadcast_in_dim3A : vector<128x1xf32> to vector<128x10240xf32>
    %add3A_16 = vector.broadcast %slice3A : vector<1x10240xf32> to vector<128x10240xf32>
    %add3A_17 = arith.addf %add3A, %add3A_16 : vector<128x10240xf32>
    %dot_general3A_18 = arith.constant dense<0.000000e+00> : vector<128x10240xf32>
    %dot_general3A_19 = tpu.matmul %get3A_1, %get3A_7, %dot_general3A_18 {dimension_numbers = #tpu.dot_dimension_numbers<[1], [1], [0], [0], [0, 0, 1, 0], [], []>, transpose_lhs_hint = false} : vector<128x64xf32>, vector<10240x64xf32>, vector<128x10240xf32> -> vector<128x10240xf32>
    %mul3A_20 = arith.constant 2.000000e+00 : f32
    %mul3A_21 = vector.broadcast %mul3A_20 : f32 to vector<128x10240xf32>
    %mul3A_22 = arith.mulf %mul3A_21, %dot_general3A_19 : vector<128x10240xf32>
    %sub3A = arith.subf %add3A_17, %mul3A_22 : vector<128x10240xf32>
    %iota3A = tpu.iota {dimensions = array<i32: 0>} : vector<128x1xi32>
    %mul3A_23 = arith.constant 128 : i32
    %mul3A_24 = arith.muli %arg0, %mul3A_23 : i32
    %add3A_25 = vector.broadcast %mul3A_24 : i32 to vector<128x1xi32>
    %add3A_26 = arith.addi %iota3A, %add3A_25 : vector<128x1xi32>
    %iota3A_27 = tpu.iota {dimensions = array<i32: 1>} : vector<1x10240xi32>
    %ne3A = vector.broadcast %get3A_4 : vector<128x1xf32> to vector<128x10240xf32>
    %ne3A_28 = vector.broadcast %get3A_10 : vector<1x10240xf32> to vector<128x10240xf32>
    %ne3A_29 = arith.cmpf one, %ne3A, %ne3A_28 : vector<128x10240xf32>
    %eq3A = vector.broadcast %add3A_26 : vector<128x1xi32> to vector<128x10240xi32>
    %eq3A_30 = vector.broadcast %iota3A_27 : vector<1x10240xi32> to vector<128x10240xi32>
    %eq3A_31 = arith.cmpi eq, %eq3A, %eq3A_30 : vector<128x10240xi32>
    %or3A = arith.ori %ne3A_29, %eq3A_31 : vector<128x10240xi1>
    %jit3A = arith.constant 9.99999984E+17 : f32
    %broadcast_in_dim3A_32 = vector.broadcast %jit3A : f32 to vector<128x10240xf32>
    %select_n3A = arith.select %or3A, %broadcast_in_dim3A_32, %sub3A : vector<128x10240xi1>, vector<128x10240xf32>
    %iota3A_33 = tpu.iota {dimensions = array<i32: 1>} : vector<128x10240xi32>
    %reduce_min3A = arith.constant dense<0x7F800000> : vector<128xf32>
    %reduce_min3A_34 = vector.multi_reduction <minimumf>, %select_n3A, %reduce_min3A [1] : vector<128x10240xf32> to vector<128xf32>
    %broadcast_in_dim3A_35 = vector.shape_cast %reduce_min3A_34 : vector<128xf32> to vector<128x1xf32>
    %eq3A_36 = vector.broadcast %broadcast_in_dim3A_35 : vector<128x1xf32> to vector<128x10240xf32>
    %eq3A_37 = arith.cmpf oeq, %select_n3A, %eq3A_36 : vector<128x10240xf32>
    %jit3A_38 = arith.constant 1073741824 : i32
    %broadcast_in_dim3A_39 = vector.broadcast %jit3A_38 : i32 to vector<128x10240xi32>
    %select_n3A_40 = arith.select %eq3A_37, %iota3A_33, %broadcast_in_dim3A_39 : vector<128x10240xi1>, vector<128x10240xi32>
    %reduce_min3A_41 = arith.constant dense<2147483647> : vector<128xi32>
    %reduce_min3A_42 = vector.multi_reduction <minsi>, %select_n3A_40, %reduce_min3A_41 [1] : vector<128x10240xi32> to vector<128xi32>
    %broadcast_in_dim3A_43 = vector.shape_cast %reduce_min3A_42 : vector<128xi32> to vector<128x1xi32>
    %swap3A = arith.constant 0 : index
    %swap3A_44 = arith.constant 0 : index
    %swap3A_45 = vector.load %arg4[%swap3A, %swap3A_44] : memref<128x128xi32, #tpu.memory_space<vmem>>, vector<128x1xi32>
    tpu.vector_store %arg4[%swap3A, %swap3A_44], %broadcast_in_dim3A_43 {strides = array<i32>} : memref<128x128xi32, #tpu.memory_space<vmem>>, vector<128x1xi32>,
    %eq3A_46 = vector.broadcast %broadcast_in_dim3A_43 : vector<128x1xi32> to vector<128x10240xi32>
    %eq3A_47 = arith.cmpi eq, %iota3A_33, %eq3A_46 : vector<128x10240xi32>
    %jit3A_48 = arith.constant 0x7F800000 : f32
    %broadcast_in_dim3A_49 = vector.broadcast %jit3A_48 : f32 to vector<128x10240xf32>
    %select_n3A_50 = arith.select %eq3A_47, %broadcast_in_dim3A_49, %select_n3A : vector<128x10240xi1>, vector<128x10240xf32>
    %reduce_min3A_51 = arith.constant dense<0x7F800000> : vector<128xf32>
    %reduce_min3A_52 = vector.multi_reduction <minimumf>, %select_n3A_50, %reduce_min3A_51 [1] : vector<128x10240xf32> to vector<128xf32>
    %broadcast_in_dim3A_53 = vector.shape_cast %reduce_min3A_52 : vector<128xf32> to vector<128x1xf32>
    %eq3A_54 = vector.broadcast %broadcast_in_dim3A_53 : vector<128x1xf32> to vector<128x10240xf32>
    %eq3A_55 = arith.cmpf oeq, %select_n3A_50, %eq3A_54 : vector<128x10240xf32>
    %jit3A_56 = arith.constant 1073741824 : i32
    %broadcast_in_dim3A_57 = vector.broadcast %jit3A_56 : i32 to vector<128x10240xi32>
    %select_n3A_58 = arith.select %eq3A_55, %iota3A_33, %broadcast_in_dim3A_57 : vector<128x10240xi1>, vector<128x10240xi32>
    %reduce_min3A_59 = arith.constant dense<2147483647> : vector<128xi32>
    %reduce_min3A_60 = vector.multi_reduction <minsi>, %select_n3A_58, %reduce_min3A_59 [1] : vector<128x10240xi32> to vector<128xi32>
    %broadcast_in_dim3A_61 = vector.shape_cast %reduce_min3A_60 : vector<128xi32> to vector<128x1xi32>
    %swap3A_62 = arith.constant 0 : index
    %swap3A_63 = arith.constant 1 : index
    %swap3A_64 = vector.load %arg4[%swap3A_62, %swap3A_63] : memref<128x128xi32, #tpu.memory_space<vmem>>, vector<128x1xi32>
    tpu.vector_store %arg4[%swap3A_62, %swap3A_63], %broadcast_in_dim3A_61 {strides = array<i32>} : memref<128x128xi32, #tpu.memory_space<vmem>>, vector<128x1xi32>,
    %eq3A_65 = vector.broadcast %broadcast_in_dim3A_61 : vector<128x1xi32> to vector<128x10240xi32>
    %eq3A_66 = arith.cmpi eq, %iota3A_33, %eq3A_65 : vector<128x10240xi32>
    %jit3A_67 = arith.constant 0x7F800000 : f32
    %broadcast_in_dim3A_68 = vector.broadcast %jit3A_67 : f32 to vector<128x10240xf32>
    %select_n3A_69 = arith.select %eq3A_66, %broadcast_in_dim3A_68, %select_n3A_50 : vector<128x10240xi1>, vector<128x10240xf32>
    %reduce_min3A_70 = arith.constant dense<0x7F800000> : vector<128xf32>
    %reduce_min3A_71 = vector.multi_reduction <minimumf>, %select_n3A_69, %reduce_min3A_70 [1] : vector<128x10240xf32> to vector<128xf32>
    %broadcast_in_dim3A_72 = vector.shape_cast %reduce_min3A_71 : vector<128xf32> to vector<128x1xf32>
    %eq3A_73 = vector.broadcast %broadcast_in_dim3A_72 : vector<128x1xf32> to vector<128x10240xf32>
    %eq3A_74 = arith.cmpf oeq, %select_n3A_69, %eq3A_73 : vector<128x10240xf32>
    %jit3A_75 = arith.constant 1073741824 : i32
    %broadcast_in_dim3A_76 = vector.broadcast %jit3A_75 : i32 to vector<128x10240xi32>
    %select_n3A_77 = arith.select %eq3A_74, %iota3A_33, %broadcast_in_dim3A_76 : vector<128x10240xi1>, vector<128x10240xi32>
    %reduce_min3A_78 = arith.constant dense<2147483647> : vector<128xi32>
    %reduce_min3A_79 = vector.multi_reduction <minsi>, %select_n3A_77, %reduce_min3A_78 [1] : vector<128x10240xi32> to vector<128xi32>
    %broadcast_in_dim3A_80 = vector.shape_cast %reduce_min3A_79 : vector<128xi32> to vector<128x1xi32>
    %swap3A_81 = arith.constant 0 : index
    %swap3A_82 = arith.constant 2 : index
    %swap3A_83 = vector.load %arg4[%swap3A_81, %swap3A_82] : memref<128x128xi32, #tpu.memory_space<vmem>>, vector<128x1xi32>
    tpu.vector_store %arg4[%swap3A_81, %swap3A_82], %broadcast_in_dim3A_80 {strides = array<i32>} : memref<128x128xi32, #tpu.memory_space<vmem>>, vector<128x1xi32>,
    %eq3A_84 = vector.broadcast %broadcast_in_dim3A_80 : vector<128x1xi32> to vector<128x10240xi32>
    %eq3A_85 = arith.cmpi eq, %iota3A_33, %eq3A_84 : vector<128x10240xi32>
    %jit3A_86 = arith.constant 0x7F800000 : f32
    %broadcast_in_dim3A_87 = vector.broadcast %jit3A_86 : f32 to vector<128x10240xf32>
    %select_n3A_88 = arith.select %eq3A_85, %broadcast_in_dim3A_87, %select_n3A_69 : vector<128x10240xi1>, vector<128x10240xf32>
    %reduce_min3A_89 = arith.constant dense<0x7F800000> : vector<128xf32>
    %reduce_min3A_90 = vector.multi_reduction <minimumf>, %select_n3A_88, %reduce_min3A_89 [1] : vector<128x10240xf32> to vector<128xf32>
    %broadcast_in_dim3A_91 = vector.shape_cast %reduce_min3A_90 : vector<128xf32> to vector<128x1xf32>
    %eq3A_92 = vector.broadcast %broadcast_in_dim3A_91 : vector<128x1xf32> to vector<128x10240xf32>
    %eq3A_93 = arith.cmpf oeq, %select_n3A_88, %eq3A_92 : vector<128x10240xf32>
    %jit3A_94 = arith.constant 1073741824 : i32
    %broadcast_in_dim3A_95 = vector.broadcast %jit3A_94 : i32 to vector<128x10240xi32>
    %select_n3A_96 = arith.select %eq3A_93, %iota3A_33, %broadcast_in_dim3A_95 : vector<128x10240xi1>, vector<128x10240xi32>
    %reduce_min3A_97 = arith.constant dense<2147483647> : vector<128xi32>
    %reduce_min3A_98 = vector.multi_reduction <minsi>, %select_n3A_96, %reduce_min3A_97 [1] : vector<128x10240xi32> to vector<128xi32>
    %broadcast_in_dim3A_99 = vector.shape_cast %reduce_min3A_98 : vector<128xi32> to vector<128x1xi32>
    %swap3A_100 = arith.constant 0 : index
    %swap3A_101 = arith.constant 3 : index
    %swap3A_102 = vector.load %arg4[%swap3A_100, %swap3A_101] : memref<128x128xi32, #tpu.memory_space<vmem>>, vector<128x1xi32>
    tpu.vector_store %arg4[%swap3A_100, %swap3A_101], %broadcast_in_dim3A_99 {strides = array<i32>} : memref<128x128xi32, #tpu.memory_space<vmem>>, vector<128x1xi32>,
    %eq3A_103 = vector.broadcast %broadcast_in_dim3A_99 : vector<128x1xi32> to vector<128x10240xi32>
    %eq3A_104 = arith.cmpi eq, %iota3A_33, %eq3A_103 : vector<128x10240xi32>
    %jit3A_105 = arith.constant 0x7F800000 : f32
    %broadcast_in_dim3A_106 = vector.broadcast %jit3A_105 : f32 to vector<128x10240xf32>
    %select_n3A_107 = arith.select %eq3A_104, %broadcast_in_dim3A_106, %select_n3A_88 : vector<128x10240xi1>, vector<128x10240xf32>
    %reduce_min3A_108 = arith.constant dense<0x7F800000> : vector<128xf32>
    %reduce_min3A_109 = vector.multi_reduction <minimumf>, %select_n3A_107, %reduce_min3A_108 [1] : vector<128x10240xf32> to vector<128xf32>
    %broadcast_in_dim3A_110 = vector.shape_cast %reduce_min3A_109 : vector<128xf32> to vector<128x1xf32>
    %eq3A_111 = vector.broadcast %broadcast_in_dim3A_110 : vector<128x1xf32> to vector<128x10240xf32>
    %eq3A_112 = arith.cmpf oeq, %select_n3A_107, %eq3A_111 : vector<128x10240xf32>
    %jit3A_113 = arith.constant 1073741824 : i32
    %broadcast_in_dim3A_114 = vector.broadcast %jit3A_113 : i32 to vector<128x10240xi32>
    %select_n3A_115 = arith.select %eq3A_112, %iota3A_33, %broadcast_in_dim3A_114 : vector<128x10240xi1>, vector<128x10240xi32>
    %reduce_min3A_116 = arith.constant dense<2147483647> : vector<128xi32>
    %reduce_min3A_117 = vector.multi_reduction <minsi>, %select_n3A_115, %reduce_min3A_116 [1] : vector<128x10240xi32> to vector<128xi32>
    %broadcast_in_dim3A_118 = vector.shape_cast %reduce_min3A_117 : vector<128xi32> to vector<128x1xi32>
    %swap3A_119 = arith.constant 0 : index
    %swap3A_120 = arith.constant 4 : index
    %swap3A_121 = vector.load %arg4[%swap3A_119, %swap3A_120] : memref<128x128xi32, #tpu.memory_space<vmem>>, vector<128x1xi32>
    tpu.vector_store %arg4[%swap3A_119, %swap3A_120], %broadcast_in_dim3A_118 {strides = array<i32>} : memref<128x128xi32, #tpu.memory_space<vmem>>, vector<128x1xi32>,
    %eq3A_122 = vector.broadcast %broadcast_in_dim3A_118 : vector<128x1xi32> to vector<128x10240xi32>
    %eq3A_123 = arith.cmpi eq, %iota3A_33, %eq3A_122 : vector<128x10240xi32>
    %jit3A_124 = arith.constant 0x7F800000 : f32
    %broadcast_in_dim3A_125 = vector.broadcast %jit3A_124 : f32 to vector<128x10240xf32>
    %select_n3A_126 = arith.select %eq3A_123, %broadcast_in_dim3A_125, %select_n3A_107 : vector<128x10240xi1>, vector<128x10240xf32>
    %reduce_min3A_127 = arith.constant dense<0x7F800000> : vector<128xf32>
    %reduce_min3A_128 = vector.multi_reduction <minimumf>, %select_n3A_126, %reduce_min3A_127 [1] : vector<128x10240xf32> to vector<128xf32>
    %broadcast_in_dim3A_129 = vector.shape_cast %reduce_min3A_128 : vector<128xf32> to vector<128x1xf32>
    %eq3A_130 = vector.broadcast %broadcast_in_dim3A_129 : vector<128x1xf32> to vector<128x10240xf32>
    %eq3A_131 = arith.cmpf oeq, %select_n3A_126, %eq3A_130 : vector<128x10240xf32>
    %jit3A_132 = arith.constant 1073741824 : i32
    %broadcast_in_dim3A_133 = vector.broadcast %jit3A_132 : i32 to vector<128x10240xi32>
    %select_n3A_134 = arith.select %eq3A_131, %iota3A_33, %broadcast_in_dim3A_133 : vector<128x10240xi1>, vector<128x10240xi32>
    %reduce_min3A_135 = arith.constant dense<2147483647> : vector<128xi32>
    %reduce_min3A_136 = vector.multi_reduction <minsi>, %select_n3A_134, %reduce_min3A_135 [1] : vector<128x10240xi32> to vector<128xi32>
    %broadcast_in_dim3A_137 = vector.shape_cast %reduce_min3A_136 : vector<128xi32> to vector<128x1xi32>
    %swap3A_138 = arith.constant 0 : index
    %swap3A_139 = arith.constant 5 : index
    %swap3A_140 = vector.load %arg4[%swap3A_138, %swap3A_139] : memref<128x128xi32, #tpu.memory_space<vmem>>, vector<128x1xi32>
    tpu.vector_store %arg4[%swap3A_138, %swap3A_139], %broadcast_in_dim3A_137 {strides = array<i32>} : memref<128x128xi32, #tpu.memory_space<vmem>>, vector<128x1xi32>,
    %eq3A_141 = vector.broadcast %broadcast_in_dim3A_137 : vector<128x1xi32> to vector<128x10240xi32>
    %eq3A_142 = arith.cmpi eq, %iota3A_33, %eq3A_141 : vector<128x10240xi32>
    %jit3A_143 = arith.constant 0x7F800000 : f32
    %broadcast_in_dim3A_144 = vector.broadcast %jit3A_143 : f32 to vector<128x10240xf32>
    %select_n3A_145 = arith.select %eq3A_142, %broadcast_in_dim3A_144, %select_n3A_126 : vector<128x10240xi1>, vector<128x10240xf32>
    %reduce_min3A_146 = arith.constant dense<0x7F800000> : vector<128xf32>
    %reduce_min3A_147 = vector.multi_reduction <minimumf>, %select_n3A_145, %reduce_min3A_146 [1] : vector<128x10240xf32> to vector<128xf32>
    %broadcast_in_dim3A_148 = vector.shape_cast %reduce_min3A_147 : vector<128xf32> to vector<128x1xf32>
    %eq3A_149 = vector.broadcast %broadcast_in_dim3A_148 : vector<128x1xf32> to vector<128x10240xf32>
    %eq3A_150 = arith.cmpf oeq, %select_n3A_145, %eq3A_149 : vector<128x10240xf32>
    %jit3A_151 = arith.constant 1073741824 : i32
    %broadcast_in_dim3A_152 = vector.broadcast %jit3A_151 : i32 to vector<128x10240xi32>
    %select_n3A_153 = arith.select %eq3A_150, %iota3A_33, %broadcast_in_dim3A_152 : vector<128x10240xi1>, vector<128x10240xi32>
    %reduce_min3A_154 = arith.constant dense<2147483647> : vector<128xi32>
    %reduce_min3A_155 = vector.multi_reduction <minsi>, %select_n3A_153, %reduce_min3A_154 [1] : vector<128x10240xi32> to vector<128xi32>
    %broadcast_in_dim3A_156 = vector.shape_cast %reduce_min3A_155 : vector<128xi32> to vector<128x1xi32>
    %swap3A_157 = arith.constant 0 : index
    %swap3A_158 = arith.constant 6 : index
    %swap3A_159 = vector.load %arg4[%swap3A_157, %swap3A_158] : memref<128x128xi32, #tpu.memory_space<vmem>>, vector<128x1xi32>
    tpu.vector_store %arg4[%swap3A_157, %swap3A_158], %broadcast_in_dim3A_156 {strides = array<i32>} : memref<128x128xi32, #tpu.memory_space<vmem>>, vector<128x1xi32>,
    %eq3A_160 = vector.broadcast %broadcast_in_dim3A_156 : vector<128x1xi32> to vector<128x10240xi32>
    %eq3A_161 = arith.cmpi eq, %iota3A_33, %eq3A_160 : vector<128x10240xi32>
    %jit3A_162 = arith.constant 0x7F800000 : f32
    %broadcast_in_dim3A_163 = vector.broadcast %jit3A_162 : f32 to vector<128x10240xf32>
    %select_n3A_164 = arith.select %eq3A_161, %broadcast_in_dim3A_163, %select_n3A_145 : vector<128x10240xi1>, vector<128x10240xf32>
    %reduce_min3A_165 = arith.constant dense<0x7F800000> : vector<128xf32>
    %reduce_min3A_166 = vector.multi_reduction <minimumf>, %select_n3A_164, %reduce_min3A_165 [1] : vector<128x10240xf32> to vector<128xf32>
    %broadcast_in_dim3A_167 = vector.shape_cast %reduce_min3A_166 : vector<128xf32> to vector<128x1xf32>
    %eq3A_168 = vector.broadcast %broadcast_in_dim3A_167 : vector<128x1xf32> to vector<128x10240xf32>
    %eq3A_169 = arith.cmpf oeq, %select_n3A_164, %eq3A_168 : vector<128x10240xf32>
    %jit3A_170 = arith.constant 1073741824 : i32
    %broadcast_in_dim3A_171 = vector.broadcast %jit3A_170 : i32 to vector<128x10240xi32>
    %select_n3A_172 = arith.select %eq3A_169, %iota3A_33, %broadcast_in_dim3A_171 : vector<128x10240xi1>, vector<128x10240xi32>
    %reduce_min3A_173 = arith.constant dense<2147483647> : vector<128xi32>
    %reduce_min3A_174 = vector.multi_reduction <minsi>, %select_n3A_172, %reduce_min3A_173 [1] : vector<128x10240xi32> to vector<128xi32>
    %broadcast_in_dim3A_175 = vector.shape_cast %reduce_min3A_174 : vector<128xi32> to vector<128x1xi32>
    %swap3A_176 = arith.constant 0 : index
    %swap3A_177 = arith.constant 7 : index
    %swap3A_178 = vector.load %arg4[%swap3A_176, %swap3A_177] : memref<128x128xi32, #tpu.memory_space<vmem>>, vector<128x1xi32>
    tpu.vector_store %arg4[%swap3A_176, %swap3A_177], %broadcast_in_dim3A_175 {strides = array<i32>} : memref<128x128xi32, #tpu.memory_space<vmem>>, vector<128x1xi32>,
    %eq3A_179 = vector.broadcast %broadcast_in_dim3A_175 : vector<128x1xi32> to vector<128x10240xi32>
    %eq3A_180 = arith.cmpi eq, %iota3A_33, %eq3A_179 : vector<128x10240xi32>
    %jit3A_181 = arith.constant 0x7F800000 : f32
    %broadcast_in_dim3A_182 = vector.broadcast %jit3A_181 : f32 to vector<128x10240xf32>
    %select_n3A_183 = arith.select %eq3A_180, %broadcast_in_dim3A_182, %select_n3A_164 : vector<128x10240xi1>, vector<128x10240xf32>
    %abs3A = math.absf %select_n3A_183 : vector<128x10240xf32>
    %eq3A_184 = arith.constant 0x7F800000 : f32
    %eq3A_185 = vector.broadcast %eq3A_184 : f32 to vector<128x10240xf32>
    %eq3A_186 = arith.cmpf oeq, %abs3A, %eq3A_185 : vector<128x10240xf32>
    %lt3A = arith.constant 10000 : i32
    %lt3A_187 = vector.broadcast %lt3A : i32 to vector<128x1xi32>
    %lt3A_188 = arith.cmpi slt, %add3A_26, %lt3A_187 : vector<128x1xi32>
    %and3A = vector.broadcast %lt3A_188 : vector<128x1xi1> to vector<128x10240xi1>
    %and3A_189 = arith.andi %eq3A_186, %and3A : vector<128x10240xi1>
    %convert_element_type3A = arith.extui %and3A_189 : vector<128x10240xi1> to vector<128x10240xi32>
    %convert_element_type3A_190 = arith.sitofp %convert_element_type3A : vector<128x10240xi32> to vector<128x10240xf32>
    %reduce_sum3A_191 = arith.constant dense<0.000000e+00> : vector<10240xf32>
    %reduce_sum3A_192 = vector.multi_reduction <add>, %convert_element_type3A_190, %reduce_sum3A_191 [0] : vector<128x10240xf32> to vector<10240xf32>
    %broadcast_in_dim3A_193 = vector.shape_cast %reduce_sum3A_192 : vector<10240xf32> to vector<1x10240xf32>
    %eq3A_194 = arith.constant 0 : i32
    %eq3A_195 = arith.cmpi eq, %arg0, %eq3A_194 : i32
    %convert_element_type3A_196 = arith.extui %eq3A_195 : i1 to i32
    %cond3A = arith.constant 0 : i32
    %cond3A_197 = arith.cmpi ne, %convert_element_type3A_196, %cond3A : i32
    scf.if %cond3A_197 {
      %broadcast_in_dim3A_205 = arith.constant 8.000000e+00 : f32
      %broadcast_in_dim3A_206 = vector.broadcast %broadcast_in_dim3A_205 : f32 to vector<8x10240xf32>
      %swap3A_207 = arith.constant 0 : index
      %swap3A_208 = arith.constant 0 : index
      %swap3A_209 = vector.load %arg5[%swap3A_207, %swap3A_208] : memref<8x10240xf32, #tpu.memory_space<vmem>>, vector<8x10240xf32>
      tpu.vector_store %arg5[%swap3A_207, %swap3A_208], %broadcast_in_dim3A_206 {strides = array<i32>} : memref<8x10240xf32, #tpu.memory_space<vmem>>, vector<8x10240xf32>,
    } else {
    }
    %get3A_198 = arith.constant 0 : index
    %get3A_199 = arith.constant 0 : index
    %get3A_200 = vector.load %arg5[%get3A_198, %get3A_199] : memref<8x10240xf32, #tpu.memory_space<vmem>>, vector<1x10240xf32>
    %add3A_201 = arith.addf %get3A_200, %broadcast_in_dim3A_193 : vector<1x10240xf32>
    %swap3A_202 = arith.constant 0 : index
    %swap3A_203 = arith.constant 0 : index
    %swap3A_204 = vector.load %arg5[%swap3A_202, %swap3A_203] : memref<8x10240xf32, #tpu.memory_space<vmem>>, vector<1x10240xf32>
    tpu.vector_store %arg5[%swap3A_202, %swap3A_203], %add3A_201 {strides = array<i32>} : memref<8x10240xf32, #tpu.memory_space<vmem>>, vector<1x10240xf32>,
    return
  }
  func.func @transform_0(%arg0: i32) -> (i32, i32) {
    %c0_i32 = arith.constant 0 : i32
    %c0_i32_0 = arith.constant 0 : i32
    return %arg0, %c0_i32 : i32, i32
  }
  func.func @transform_1(%arg0: i32) -> (i32, i32) {
    %c0_i32 = arith.constant 0 : i32
    %c0_i32_0 = arith.constant 0 : i32
    %c0_i32_1 = arith.constant 0 : i32
    return %c0_i32, %c0_i32_0 : i32, i32
  }
  func.func @transform_2(%arg0: i32) -> (i32, i32) {
    %c0_i32 = arith.constant 0 : i32
    %c0_i32_0 = arith.constant 0 : i32
    %c0_i32_1 = arith.constant 0 : i32
    return %c0_i32, %c0_i32_0 : i32, i32
  }
  func.func @transform_3(%arg0: i32) -> (i32, i32) {
    %c0_i32 = arith.constant 0 : i32
    %c0_i32_0 = arith.constant 0 : i32
    return %arg0, %c0_i32 : i32, i32
  }
  func.func @transform_4(%arg0: i32) -> (i32, i32) {
    %c0_i32 = arith.constant 0 : i32
    %c0_i32_0 = arith.constant 0 : i32
    %c0_i32_1 = arith.constant 0 : i32
    return %c0_i32, %c0_i32_0 : i32, i32
  }
}

module attributes {stable_mosaic.version = 14 : i64} {
  func.func @_conv_body(%arg0: i32, %arg1: memref<128x128xf32, #tpu.memory_space<vmem>>, %arg2: memref<128x128xf32, #tpu.memory_space<vmem>>, %arg3: memref<128x128xf32, #tpu.memory_space<vmem>>, %arg4: memref<128x128xf32, #tpu.memory_space<vmem>>, %arg5: memref<128x128xf32, #tpu.memory_space<vmem>>, %arg6: memref<128x128xf32, #tpu.memory_space<vmem>>, %arg7: memref<128x128xf32, #tpu.memory_space<vmem>>, %arg8: memref<128x128xf32, #tpu.memory_space<vmem>>, %arg9: memref<128x128xf32, #tpu.memory_space<vmem>>, %arg10: memref<128x96xf32, #tpu.memory_space<vmem>>, %arg11: memref<1x96xf32, #tpu.memory_space<vmem>>, %arg12: memref<96x64xf32, #tpu.memory_space<vmem>>, %arg13: memref<1x64xf32, #tpu.memory_space<vmem>>, %arg14: memref<128x64xf32, #tpu.memory_space<vmem>>, %arg15: memref<128x64xf32, #tpu.memory_space<vmem>>, %arg16: memref<128x64xf32, #tpu.memory_space<vmem>>, %arg17: memref<128x64xf32, #tpu.memory_space<vmem>>, %arg18: memref<128x64xf32, #tpu.memory_space<vmem>>, %arg19: memref<128x64xf32, #tpu.memory_space<vmem>>, %arg20: memref<128x64xf32, #tpu.memory_space<vmem>>, %arg21: memref<128x64xf32, #tpu.memory_space<vmem>>, %arg22: memref<128x64xf32, #tpu.memory_space<vmem>>) attributes {dimension_semantics = [#tpu.dimension_semantics<arbitrary>], iteration_bounds = array<i64: 80>, scalar_prefetch = 0 : i64, scratch_operands = 0 : i64, tpu.core_type = #tpu.core_type<tc>, window_params = [{transform_indices = @transform_0, window_bounds = array<i64: 128, 128>}, {transform_indices = @transform_1, window_bounds = array<i64: 128, 128>}, {transform_indices = @transform_2, window_bounds = array<i64: 128, 128>}, {transform_indices = @transform_3, window_bounds = array<i64: 128, 128>}, {transform_indices = @transform_4, window_bounds = array<i64: 128, 128>}, {transform_indices = @transform_5, window_bounds = array<i64: 128, 128>}, {transform_indices = @transform_6, window_bounds = array<i64: 128, 128>}, {transform_indices = @transform_7, window_bounds = array<i64: 128, 128>}, {transform_indices = @transform_8, window_bounds = array<i64: 128, 128>}, {pipeline_mode = #tpu.pipeline_mode<synchronous>, transform_indices = @transform_9, window_bounds = array<i64: 128, 96>}, {pipeline_mode = #tpu.pipeline_mode<synchronous>, transform_indices = @transform_10, window_bounds = array<i64: 1, 96>}, {pipeline_mode = #tpu.pipeline_mode<synchronous>, transform_indices = @transform_11, window_bounds = array<i64: 96, 64>}, {pipeline_mode = #tpu.pipeline_mode<synchronous>, transform_indices = @transform_12, window_bounds = array<i64: 1, 64>}, {transform_indices = @transform_13, window_bounds = array<i64: 128, 64>}, {transform_indices = @transform_14, window_bounds = array<i64: 128, 64>}, {transform_indices = @transform_15, window_bounds = array<i64: 128, 64>}, {transform_indices = @transform_16, window_bounds = array<i64: 128, 64>}, {transform_indices = @transform_17, window_bounds = array<i64: 128, 64>}, {transform_indices = @transform_18, window_bounds = array<i64: 128, 64>}, {transform_indices = @transform_19, window_bounds = array<i64: 128, 64>}, {transform_indices = @transform_20, window_bounds = array<i64: 128, 64>}, {transform_indices = @transform_21, window_bounds = array<i64: 128, 64>}]} {
    %get3A = arith.constant 0 : index
    %get3A_0 = arith.constant 0 : index
    %get3A_1 = vector.load %arg1[%get3A, %get3A_0] : memref<128x128xf32, #tpu.memory_space<vmem>>, vector<128x64xf32>
    %get3A_2 = arith.constant 0 : index
    %get3A_3 = arith.constant 64 : index
    %get3A_4 = vector.load %arg1[%get3A_2, %get3A_3] : memref<128x128xf32, #tpu.memory_space<vmem>>, vector<128x1xf32>
    %get3A_5 = arith.constant 0 : index
    %get3A_6 = arith.constant 0 : index
    %get3A_7 = vector.load %arg2[%get3A_5, %get3A_6] : memref<128x128xf32, #tpu.memory_space<vmem>>, vector<128x64xf32>
    %get3A_8 = arith.constant 0 : index
    %get3A_9 = arith.constant 64 : index
    %get3A_10 = vector.load %arg2[%get3A_8, %get3A_9] : memref<128x128xf32, #tpu.memory_space<vmem>>, vector<128x1xf32>
    %sub3A = arith.subf %get3A_7, %get3A_1 : vector<128x64xf32>
    %concatenate3A = tpu.concatenate %get3A_1, %sub3A in 1 : vector<128x64xf32>, vector<128x64xf32> -> vector<128x128xf32>
    %gt3A = arith.constant 5.000000e-01 : f32
    %gt3A_11 = vector.broadcast %gt3A : f32 to vector<128x1xf32>
    %gt3A_12 = arith.cmpf ogt, %get3A_4, %gt3A_11 : vector<128x1xf32>
    %gt3A_13 = arith.constant 5.000000e-01 : f32
    %gt3A_14 = vector.broadcast %gt3A_13 : f32 to vector<128x1xf32>
    %gt3A_15 = arith.cmpf ogt, %get3A_10, %gt3A_14 : vector<128x1xf32>
    %and3A = arith.andi %gt3A_12, %gt3A_15 : vector<128x1xi1>
    %get3A_16 = arith.constant 0 : index
    %get3A_17 = arith.constant 0 : index
    %get3A_18 = vector.load %arg3[%get3A_16, %get3A_17] : memref<128x128xf32, #tpu.memory_space<vmem>>, vector<128x64xf32>
    %get3A_19 = arith.constant 0 : index
    %get3A_20 = arith.constant 64 : index
    %get3A_21 = vector.load %arg3[%get3A_19, %get3A_20] : memref<128x128xf32, #tpu.memory_space<vmem>>, vector<128x1xf32>
    %sub3A_22 = arith.subf %get3A_18, %get3A_1 : vector<128x64xf32>
    %concatenate3A_23 = tpu.concatenate %get3A_1, %sub3A_22 in 1 : vector<128x64xf32>, vector<128x64xf32> -> vector<128x128xf32>
    %gt3A_24 = arith.constant 5.000000e-01 : f32
    %gt3A_25 = vector.broadcast %gt3A_24 : f32 to vector<128x1xf32>
    %gt3A_26 = arith.cmpf ogt, %get3A_4, %gt3A_25 : vector<128x1xf32>
    %gt3A_27 = arith.constant 5.000000e-01 : f32
    %gt3A_28 = vector.broadcast %gt3A_27 : f32 to vector<128x1xf32>
    %gt3A_29 = arith.cmpf ogt, %get3A_21, %gt3A_28 : vector<128x1xf32>
    %and3A_30 = arith.andi %gt3A_26, %gt3A_29 : vector<128x1xi1>
    %get3A_31 = arith.constant 0 : index
    %get3A_32 = arith.constant 0 : index
    %get3A_33 = vector.load %arg4[%get3A_31, %get3A_32] : memref<128x128xf32, #tpu.memory_space<vmem>>, vector<128x64xf32>
    %get3A_34 = arith.constant 0 : index
    %get3A_35 = arith.constant 64 : index
    %get3A_36 = vector.load %arg4[%get3A_34, %get3A_35] : memref<128x128xf32, #tpu.memory_space<vmem>>, vector<128x1xf32>
    %sub3A_37 = arith.subf %get3A_33, %get3A_1 : vector<128x64xf32>
    %concatenate3A_38 = tpu.concatenate %get3A_1, %sub3A_37 in 1 : vector<128x64xf32>, vector<128x64xf32> -> vector<128x128xf32>
    %gt3A_39 = arith.constant 5.000000e-01 : f32
    %gt3A_40 = vector.broadcast %gt3A_39 : f32 to vector<128x1xf32>
    %gt3A_41 = arith.cmpf ogt, %get3A_4, %gt3A_40 : vector<128x1xf32>
    %gt3A_42 = arith.constant 5.000000e-01 : f32
    %gt3A_43 = vector.broadcast %gt3A_42 : f32 to vector<128x1xf32>
    %gt3A_44 = arith.cmpf ogt, %get3A_36, %gt3A_43 : vector<128x1xf32>
    %and3A_45 = arith.andi %gt3A_41, %gt3A_44 : vector<128x1xi1>
    %get3A_46 = arith.constant 0 : index
    %get3A_47 = arith.constant 0 : index
    %get3A_48 = vector.load %arg5[%get3A_46, %get3A_47] : memref<128x128xf32, #tpu.memory_space<vmem>>, vector<128x64xf32>
    %get3A_49 = arith.constant 0 : index
    %get3A_50 = arith.constant 64 : index
    %get3A_51 = vector.load %arg5[%get3A_49, %get3A_50] : memref<128x128xf32, #tpu.memory_space<vmem>>, vector<128x1xf32>
    %sub3A_52 = arith.subf %get3A_48, %get3A_1 : vector<128x64xf32>
    %concatenate3A_53 = tpu.concatenate %get3A_1, %sub3A_52 in 1 : vector<128x64xf32>, vector<128x64xf32> -> vector<128x128xf32>
    %gt3A_54 = arith.constant 5.000000e-01 : f32
    %gt3A_55 = vector.broadcast %gt3A_54 : f32 to vector<128x1xf32>
    %gt3A_56 = arith.cmpf ogt, %get3A_4, %gt3A_55 : vector<128x1xf32>
    %gt3A_57 = arith.constant 5.000000e-01 : f32
    %gt3A_58 = vector.broadcast %gt3A_57 : f32 to vector<128x1xf32>
    %gt3A_59 = arith.cmpf ogt, %get3A_51, %gt3A_58 : vector<128x1xf32>
    %and3A_60 = arith.andi %gt3A_56, %gt3A_59 : vector<128x1xi1>
    %get3A_61 = arith.constant 0 : index
    %get3A_62 = arith.constant 0 : index
    %get3A_63 = vector.load %arg6[%get3A_61, %get3A_62] : memref<128x128xf32, #tpu.memory_space<vmem>>, vector<128x64xf32>
    %get3A_64 = arith.constant 0 : index
    %get3A_65 = arith.constant 64 : index
    %get3A_66 = vector.load %arg6[%get3A_64, %get3A_65] : memref<128x128xf32, #tpu.memory_space<vmem>>, vector<128x1xf32>
    %sub3A_67 = arith.subf %get3A_63, %get3A_1 : vector<128x64xf32>
    %concatenate3A_68 = tpu.concatenate %get3A_1, %sub3A_67 in 1 : vector<128x64xf32>, vector<128x64xf32> -> vector<128x128xf32>
    %gt3A_69 = arith.constant 5.000000e-01 : f32
    %gt3A_70 = vector.broadcast %gt3A_69 : f32 to vector<128x1xf32>
    %gt3A_71 = arith.cmpf ogt, %get3A_4, %gt3A_70 : vector<128x1xf32>
    %gt3A_72 = arith.constant 5.000000e-01 : f32
    %gt3A_73 = vector.broadcast %gt3A_72 : f32 to vector<128x1xf32>
    %gt3A_74 = arith.cmpf ogt, %get3A_66, %gt3A_73 : vector<128x1xf32>
    %and3A_75 = arith.andi %gt3A_71, %gt3A_74 : vector<128x1xi1>
    %get3A_76 = arith.constant 0 : index
    %get3A_77 = arith.constant 0 : index
    %get3A_78 = vector.load %arg7[%get3A_76, %get3A_77] : memref<128x128xf32, #tpu.memory_space<vmem>>, vector<128x64xf32>
    %get3A_79 = arith.constant 0 : index
    %get3A_80 = arith.constant 64 : index
    %get3A_81 = vector.load %arg7[%get3A_79, %get3A_80] : memref<128x128xf32, #tpu.memory_space<vmem>>, vector<128x1xf32>
    %sub3A_82 = arith.subf %get3A_78, %get3A_1 : vector<128x64xf32>
    %concatenate3A_83 = tpu.concatenate %get3A_1, %sub3A_82 in 1 : vector<128x64xf32>, vector<128x64xf32> -> vector<128x128xf32>
    %gt3A_84 = arith.constant 5.000000e-01 : f32
    %gt3A_85 = vector.broadcast %gt3A_84 : f32 to vector<128x1xf32>
    %gt3A_86 = arith.cmpf ogt, %get3A_4, %gt3A_85 : vector<128x1xf32>
    %gt3A_87 = arith.constant 5.000000e-01 : f32
    %gt3A_88 = vector.broadcast %gt3A_87 : f32 to vector<128x1xf32>
    %gt3A_89 = arith.cmpf ogt, %get3A_81, %gt3A_88 : vector<128x1xf32>
    %and3A_90 = arith.andi %gt3A_86, %gt3A_89 : vector<128x1xi1>
    %get3A_91 = arith.constant 0 : index
    %get3A_92 = arith.constant 0 : index
    %get3A_93 = vector.load %arg8[%get3A_91, %get3A_92] : memref<128x128xf32, #tpu.memory_space<vmem>>, vector<128x64xf32>
    %get3A_94 = arith.constant 0 : index
    %get3A_95 = arith.constant 64 : index
    %get3A_96 = vector.load %arg8[%get3A_94, %get3A_95] : memref<128x128xf32, #tpu.memory_space<vmem>>, vector<128x1xf32>
    %sub3A_97 = arith.subf %get3A_93, %get3A_1 : vector<128x64xf32>
    %concatenate3A_98 = tpu.concatenate %get3A_1, %sub3A_97 in 1 : vector<128x64xf32>, vector<128x64xf32> -> vector<128x128xf32>
    %gt3A_99 = arith.constant 5.000000e-01 : f32
    %gt3A_100 = vector.broadcast %gt3A_99 : f32 to vector<128x1xf32>
    %gt3A_101 = arith.cmpf ogt, %get3A_4, %gt3A_100 : vector<128x1xf32>
    %gt3A_102 = arith.constant 5.000000e-01 : f32
    %gt3A_103 = vector.broadcast %gt3A_102 : f32 to vector<128x1xf32>
    %gt3A_104 = arith.cmpf ogt, %get3A_96, %gt3A_103 : vector<128x1xf32>
    %and3A_105 = arith.andi %gt3A_101, %gt3A_104 : vector<128x1xi1>
    %get3A_106 = arith.constant 0 : index
    %get3A_107 = arith.constant 0 : index
    %get3A_108 = vector.load %arg9[%get3A_106, %get3A_107] : memref<128x128xf32, #tpu.memory_space<vmem>>, vector<128x64xf32>
    %get3A_109 = arith.constant 0 : index
    %get3A_110 = arith.constant 64 : index
    %get3A_111 = vector.load %arg9[%get3A_109, %get3A_110] : memref<128x128xf32, #tpu.memory_space<vmem>>, vector<128x1xf32>
    %sub3A_112 = arith.subf %get3A_108, %get3A_1 : vector<128x64xf32>
    %concatenate3A_113 = tpu.concatenate %get3A_1, %sub3A_112 in 1 : vector<128x64xf32>, vector<128x64xf32> -> vector<128x128xf32>
    %gt3A_114 = arith.constant 5.000000e-01 : f32
    %gt3A_115 = vector.broadcast %gt3A_114 : f32 to vector<128x1xf32>
    %gt3A_116 = arith.cmpf ogt, %get3A_4, %gt3A_115 : vector<128x1xf32>
    %gt3A_117 = arith.constant 5.000000e-01 : f32
    %gt3A_118 = vector.broadcast %gt3A_117 : f32 to vector<128x1xf32>
    %gt3A_119 = arith.cmpf ogt, %get3A_111, %gt3A_118 : vector<128x1xf32>
    %and3A_120 = arith.andi %gt3A_116, %gt3A_119 : vector<128x1xi1>
    %get3A_121 = arith.constant 0 : index
    %get3A_122 = arith.constant 0 : index
    %get3A_123 = vector.load %arg2[%get3A_121, %get3A_122] : memref<128x128xf32, #tpu.memory_space<vmem>>, vector<128x64xf32>
    %sub3A_124 = arith.subf %get3A_1, %get3A_123 : vector<128x64xf32>
    %concatenate3A_125 = tpu.concatenate %get3A_123, %sub3A_124 in 1 : vector<128x64xf32>, vector<128x64xf32> -> vector<128x128xf32>
    %get3A_126 = arith.constant 0 : index
    %get3A_127 = arith.constant 0 : index
    %get3A_128 = vector.load %arg3[%get3A_126, %get3A_127] : memref<128x128xf32, #tpu.memory_space<vmem>>, vector<128x64xf32>
    %sub3A_129 = arith.subf %get3A_1, %get3A_128 : vector<128x64xf32>
    %concatenate3A_130 = tpu.concatenate %get3A_128, %sub3A_129 in 1 : vector<128x64xf32>, vector<128x64xf32> -> vector<128x128xf32>
    %get3A_131 = arith.constant 0 : index
    %get3A_132 = arith.constant 0 : index
    %get3A_133 = vector.load %arg4[%get3A_131, %get3A_132] : memref<128x128xf32, #tpu.memory_space<vmem>>, vector<128x64xf32>
    %sub3A_134 = arith.subf %get3A_1, %get3A_133 : vector<128x64xf32>
    %concatenate3A_135 = tpu.concatenate %get3A_133, %sub3A_134 in 1 : vector<128x64xf32>, vector<128x64xf32> -> vector<128x128xf32>
    %get3A_136 = arith.constant 0 : index
    %get3A_137 = arith.constant 0 : index
    %get3A_138 = vector.load %arg5[%get3A_136, %get3A_137] : memref<128x128xf32, #tpu.memory_space<vmem>>, vector<128x64xf32>
    %sub3A_139 = arith.subf %get3A_1, %get3A_138 : vector<128x64xf32>
    %concatenate3A_140 = tpu.concatenate %get3A_138, %sub3A_139 in 1 : vector<128x64xf32>, vector<128x64xf32> -> vector<128x128xf32>
    %get3A_141 = arith.constant 0 : index
    %get3A_142 = arith.constant 0 : index
    %get3A_143 = vector.load %arg6[%get3A_141, %get3A_142] : memref<128x128xf32, #tpu.memory_space<vmem>>, vector<128x64xf32>
    %sub3A_144 = arith.subf %get3A_1, %get3A_143 : vector<128x64xf32>
    %concatenate3A_145 = tpu.concatenate %get3A_143, %sub3A_144 in 1 : vector<128x64xf32>, vector<128x64xf32> -> vector<128x128xf32>
    %get3A_146 = arith.constant 0 : index
    %get3A_147 = arith.constant 0 : index
    %get3A_148 = vector.load %arg7[%get3A_146, %get3A_147] : memref<128x128xf32, #tpu.memory_space<vmem>>, vector<128x64xf32>
    %sub3A_149 = arith.subf %get3A_1, %get3A_148 : vector<128x64xf32>
    %concatenate3A_150 = tpu.concatenate %get3A_148, %sub3A_149 in 1 : vector<128x64xf32>, vector<128x64xf32> -> vector<128x128xf32>
    %get3A_151 = arith.constant 0 : index
    %get3A_152 = arith.constant 0 : index
    %get3A_153 = vector.load %arg8[%get3A_151, %get3A_152] : memref<128x128xf32, #tpu.memory_space<vmem>>, vector<128x64xf32>
    %sub3A_154 = arith.subf %get3A_1, %get3A_153 : vector<128x64xf32>
    %concatenate3A_155 = tpu.concatenate %get3A_153, %sub3A_154 in 1 : vector<128x64xf32>, vector<128x64xf32> -> vector<128x128xf32>
    %get3A_156 = arith.constant 0 : index
    %get3A_157 = arith.constant 0 : index
    %get3A_158 = vector.load %arg9[%get3A_156, %get3A_157] : memref<128x128xf32, #tpu.memory_space<vmem>>, vector<128x64xf32>
    %sub3A_159 = arith.subf %get3A_1, %get3A_158 : vector<128x64xf32>
    %concatenate3A_160 = tpu.concatenate %get3A_158, %sub3A_159 in 1 : vector<128x64xf32>, vector<128x64xf32> -> vector<128x128xf32>
    %concatenate3A_161 = tpu.concatenate %concatenate3A, %concatenate3A_23, %concatenate3A_38, %concatenate3A_53, %concatenate3A_68, %concatenate3A_83, %concatenate3A_98, %concatenate3A_113, %concatenate3A_125, %concatenate3A_130, %concatenate3A_135, %concatenate3A_140, %concatenate3A_145, %concatenate3A_150, %concatenate3A_155, %concatenate3A_160 in 0 : vector<128x128xf32>, vector<128x128xf32>, vector<128x128xf32>, vector<128x128xf32>, vector<128x128xf32>, vector<128x128xf32>, vector<128x128xf32>, vector<128x128xf32>, vector<128x128xf32>, vector<128x128xf32>, vector<128x128xf32>, vector<128x128xf32>, vector<128x128xf32>, vector<128x128xf32>, vector<128x128xf32>, vector<128x128xf32> -> vector<2048x128xf32>
    %get3A_162 = arith.constant 0 : index
    %get3A_163 = arith.constant 0 : index
    %get3A_164 = vector.load %arg10[%get3A_162, %get3A_163] : memref<128x96xf32, #tpu.memory_space<vmem>>, vector<128x96xf32>
    %dot_general3A = arith.constant dense<0.000000e+00> : vector<2048x96xf32>
    %dot_general3A_165 = tpu.matmul %concatenate3A_161, %get3A_164, %dot_general3A {dimension_numbers = #tpu.dot_dimension_numbers<[1], [0], [0], [1], [0, 0, 1, 1], [], []>, transpose_lhs_hint = false} : vector<2048x128xf32>, vector<128x96xf32>, vector<2048x96xf32> -> vector<2048x96xf32>
    %get3A_166 = arith.constant 0 : index
    %get3A_167 = arith.constant 0 : index
    %get3A_168 = vector.load %arg11[%get3A_166, %get3A_167] : memref<1x96xf32, #tpu.memory_space<vmem>>, vector<1x96xf32>
    %add3A = vector.broadcast %get3A_168 : vector<1x96xf32> to vector<2048x96xf32>
    %add3A_169 = arith.addf %dot_general3A_165, %add3A : vector<2048x96xf32>
    %gt3A_170 = arith.constant 0.000000e+00 : f32
    %gt3A_171 = vector.broadcast %gt3A_170 : f32 to vector<2048x96xf32>
    %gt3A_172 = arith.cmpf ogt, %add3A_169, %gt3A_171 : vector<2048x96xf32>
    %exp3A = math.exp %add3A_169 : vector<2048x96xf32>
    %sub3A_173 = arith.constant 1.000000e+00 : f32
    %sub3A_174 = vector.broadcast %sub3A_173 : f32 to vector<2048x96xf32>
    %sub3A_175 = arith.subf %exp3A, %sub3A_174 : vector<2048x96xf32>
    %select_n3A = arith.select %gt3A_172, %add3A_169, %sub3A_175 : vector<2048x96xi1>, vector<2048x96xf32>
    %get3A_176 = arith.constant 0 : index
    %get3A_177 = arith.constant 0 : index
    %get3A_178 = vector.load %arg12[%get3A_176, %get3A_177] : memref<96x64xf32, #tpu.memory_space<vmem>>, vector<96x64xf32>
    %dot_general3A_179 = arith.constant dense<0.000000e+00> : vector<2048x64xf32>
    %dot_general3A_180 = tpu.matmul %select_n3A, %get3A_178, %dot_general3A_179 {dimension_numbers = #tpu.dot_dimension_numbers<[1], [0], [0], [1], [0, 0, 1, 1], [], []>, transpose_lhs_hint = false} : vector<2048x96xf32>, vector<96x64xf32>, vector<2048x64xf32> -> vector<2048x64xf32>
    %get3A_181 = arith.constant 0 : index
    %get3A_182 = arith.constant 0 : index
    %get3A_183 = vector.load %arg13[%get3A_181, %get3A_182] : memref<1x64xf32, #tpu.memory_space<vmem>>, vector<1x64xf32>
    %add3A_184 = vector.broadcast %get3A_183 : vector<1x64xf32> to vector<2048x64xf32>
    %add3A_185 = arith.addf %dot_general3A_180, %add3A_184 : vector<2048x64xf32>
    %gt3A_186 = arith.constant 0.000000e+00 : f32
    %gt3A_187 = vector.broadcast %gt3A_186 : f32 to vector<2048x64xf32>
    %gt3A_188 = arith.cmpf ogt, %add3A_185, %gt3A_187 : vector<2048x64xf32>
    %exp3A_189 = math.exp %add3A_185 : vector<2048x64xf32>
    %sub3A_190 = arith.constant 1.000000e+00 : f32
    %sub3A_191 = vector.broadcast %sub3A_190 : f32 to vector<2048x64xf32>
    %sub3A_192 = arith.subf %exp3A_189, %sub3A_191 : vector<2048x64xf32>
    %select_n3A_193 = arith.select %gt3A_188, %add3A_185, %sub3A_192 : vector<2048x64xi1>, vector<2048x64xf32>
    %broadcast_in_dim3A = arith.constant -9.99999984E+17 : f32
    %broadcast_in_dim3A_194 = vector.broadcast %broadcast_in_dim3A : f32 to vector<128x64xf32>
    %slice3A = vector.extract_strided_slice %select_n3A_193 {offsets = [0, 0], sizes = [128, 64], strides = [1, 1]} : vector<2048x64xf32> to vector<128x64xf32>
    %jit3A = arith.constant -9.99999984E+17 : f32
    %broadcast_in_dim3A_195 = vector.shape_cast %and3A : vector<128x1xi1> to vector<128x1xi1>
    %broadcast_in_dim3A_196 = vector.broadcast %broadcast_in_dim3A_195 : vector<128x1xi1> to vector<128x64xi1>
    %broadcast_in_dim3A_197 = vector.broadcast %jit3A : f32 to vector<128x64xf32>
    %select_n3A_198 = arith.select %broadcast_in_dim3A_196, %slice3A, %broadcast_in_dim3A_197 : vector<128x64xi1>, vector<128x64xf32>
    %max3A = arith.maximumf %broadcast_in_dim3A_194, %select_n3A_198 : vector<128x64xf32>
    %slice3A_199 = vector.extract_strided_slice %select_n3A_193 {offsets = [128, 0], sizes = [128, 64], strides = [1, 1]} : vector<2048x64xf32> to vector<128x64xf32>
    %jit3A_200 = arith.constant -9.99999984E+17 : f32
    %broadcast_in_dim3A_201 = vector.shape_cast %and3A_30 : vector<128x1xi1> to vector<128x1xi1>
    %broadcast_in_dim3A_202 = vector.broadcast %broadcast_in_dim3A_201 : vector<128x1xi1> to vector<128x64xi1>
    %broadcast_in_dim3A_203 = vector.broadcast %jit3A_200 : f32 to vector<128x64xf32>
    %select_n3A_204 = arith.select %broadcast_in_dim3A_202, %slice3A_199, %broadcast_in_dim3A_203 : vector<128x64xi1>, vector<128x64xf32>
    %max3A_205 = arith.maximumf %max3A, %select_n3A_204 : vector<128x64xf32>
    %slice3A_206 = vector.extract_strided_slice %select_n3A_193 {offsets = [256, 0], sizes = [128, 64], strides = [1, 1]} : vector<2048x64xf32> to vector<128x64xf32>
    %jit3A_207 = arith.constant -9.99999984E+17 : f32
    %broadcast_in_dim3A_208 = vector.shape_cast %and3A_45 : vector<128x1xi1> to vector<128x1xi1>
    %broadcast_in_dim3A_209 = vector.broadcast %broadcast_in_dim3A_208 : vector<128x1xi1> to vector<128x64xi1>
    %broadcast_in_dim3A_210 = vector.broadcast %jit3A_207 : f32 to vector<128x64xf32>
    %select_n3A_211 = arith.select %broadcast_in_dim3A_209, %slice3A_206, %broadcast_in_dim3A_210 : vector<128x64xi1>, vector<128x64xf32>
    %max3A_212 = arith.maximumf %max3A_205, %select_n3A_211 : vector<128x64xf32>
    %slice3A_213 = vector.extract_strided_slice %select_n3A_193 {offsets = [384, 0], sizes = [128, 64], strides = [1, 1]} : vector<2048x64xf32> to vector<128x64xf32>
    %jit3A_214 = arith.constant -9.99999984E+17 : f32
    %broadcast_in_dim3A_215 = vector.shape_cast %and3A_60 : vector<128x1xi1> to vector<128x1xi1>
    %broadcast_in_dim3A_216 = vector.broadcast %broadcast_in_dim3A_215 : vector<128x1xi1> to vector<128x64xi1>
    %broadcast_in_dim3A_217 = vector.broadcast %jit3A_214 : f32 to vector<128x64xf32>
    %select_n3A_218 = arith.select %broadcast_in_dim3A_216, %slice3A_213, %broadcast_in_dim3A_217 : vector<128x64xi1>, vector<128x64xf32>
    %max3A_219 = arith.maximumf %max3A_212, %select_n3A_218 : vector<128x64xf32>
    %slice3A_220 = vector.extract_strided_slice %select_n3A_193 {offsets = [512, 0], sizes = [128, 64], strides = [1, 1]} : vector<2048x64xf32> to vector<128x64xf32>
    %jit3A_221 = arith.constant -9.99999984E+17 : f32
    %broadcast_in_dim3A_222 = vector.shape_cast %and3A_75 : vector<128x1xi1> to vector<128x1xi1>
    %broadcast_in_dim3A_223 = vector.broadcast %broadcast_in_dim3A_222 : vector<128x1xi1> to vector<128x64xi1>
    %broadcast_in_dim3A_224 = vector.broadcast %jit3A_221 : f32 to vector<128x64xf32>
    %select_n3A_225 = arith.select %broadcast_in_dim3A_223, %slice3A_220, %broadcast_in_dim3A_224 : vector<128x64xi1>, vector<128x64xf32>
    %max3A_226 = arith.maximumf %max3A_219, %select_n3A_225 : vector<128x64xf32>
    %slice3A_227 = vector.extract_strided_slice %select_n3A_193 {offsets = [640, 0], sizes = [128, 64], strides = [1, 1]} : vector<2048x64xf32> to vector<128x64xf32>
    %jit3A_228 = arith.constant -9.99999984E+17 : f32
    %broadcast_in_dim3A_229 = vector.shape_cast %and3A_90 : vector<128x1xi1> to vector<128x1xi1>
    %broadcast_in_dim3A_230 = vector.broadcast %broadcast_in_dim3A_229 : vector<128x1xi1> to vector<128x64xi1>
    %broadcast_in_dim3A_231 = vector.broadcast %jit3A_228 : f32 to vector<128x64xf32>
    %select_n3A_232 = arith.select %broadcast_in_dim3A_230, %slice3A_227, %broadcast_in_dim3A_231 : vector<128x64xi1>, vector<128x64xf32>
    %max3A_233 = arith.maximumf %max3A_226, %select_n3A_232 : vector<128x64xf32>
    %slice3A_234 = vector.extract_strided_slice %select_n3A_193 {offsets = [768, 0], sizes = [128, 64], strides = [1, 1]} : vector<2048x64xf32> to vector<128x64xf32>
    %jit3A_235 = arith.constant -9.99999984E+17 : f32
    %broadcast_in_dim3A_236 = vector.shape_cast %and3A_105 : vector<128x1xi1> to vector<128x1xi1>
    %broadcast_in_dim3A_237 = vector.broadcast %broadcast_in_dim3A_236 : vector<128x1xi1> to vector<128x64xi1>
    %broadcast_in_dim3A_238 = vector.broadcast %jit3A_235 : f32 to vector<128x64xf32>
    %select_n3A_239 = arith.select %broadcast_in_dim3A_237, %slice3A_234, %broadcast_in_dim3A_238 : vector<128x64xi1>, vector<128x64xf32>
    %max3A_240 = arith.maximumf %max3A_233, %select_n3A_239 : vector<128x64xf32>
    %slice3A_241 = vector.extract_strided_slice %select_n3A_193 {offsets = [896, 0], sizes = [128, 64], strides = [1, 1]} : vector<2048x64xf32> to vector<128x64xf32>
    %jit3A_242 = arith.constant -9.99999984E+17 : f32
    %broadcast_in_dim3A_243 = vector.shape_cast %and3A_120 : vector<128x1xi1> to vector<128x1xi1>
    %broadcast_in_dim3A_244 = vector.broadcast %broadcast_in_dim3A_243 : vector<128x1xi1> to vector<128x64xi1>
    %broadcast_in_dim3A_245 = vector.broadcast %jit3A_242 : f32 to vector<128x64xf32>
    %select_n3A_246 = arith.select %broadcast_in_dim3A_244, %slice3A_241, %broadcast_in_dim3A_245 : vector<128x64xi1>, vector<128x64xf32>
    %max3A_247 = arith.maximumf %max3A_240, %select_n3A_246 : vector<128x64xf32>
    %swap3A = arith.constant 0 : index
    %swap3A_248 = arith.constant 0 : index
    %swap3A_249 = vector.load %arg14[%swap3A, %swap3A_248] : memref<128x64xf32, #tpu.memory_space<vmem>>, vector<128x64xf32>
    tpu.vector_store %arg14[%swap3A, %swap3A_248], %max3A_247 {strides = array<i32>} : memref<128x64xf32, #tpu.memory_space<vmem>>, vector<128x64xf32>,
    %slice3A_250 = vector.extract_strided_slice %select_n3A_193 {offsets = [1024, 0], sizes = [128, 64], strides = [1, 1]} : vector<2048x64xf32> to vector<128x64xf32>
    %jit3A_251 = arith.constant -9.99999984E+17 : f32
    %broadcast_in_dim3A_252 = vector.shape_cast %and3A : vector<128x1xi1> to vector<128x1xi1>
    %broadcast_in_dim3A_253 = vector.broadcast %broadcast_in_dim3A_252 : vector<128x1xi1> to vector<128x64xi1>
    %broadcast_in_dim3A_254 = vector.broadcast %jit3A_251 : f32 to vector<128x64xf32>
    %select_n3A_255 = arith.select %broadcast_in_dim3A_253, %slice3A_250, %broadcast_in_dim3A_254 : vector<128x64xi1>, vector<128x64xf32>
    %swap3A_256 = arith.constant 0 : index
    %swap3A_257 = arith.constant 0 : index
    %swap3A_258 = vector.load %arg15[%swap3A_256, %swap3A_257] : memref<128x64xf32, #tpu.memory_space<vmem>>, vector<128x64xf32>
    tpu.vector_store %arg15[%swap3A_256, %swap3A_257], %select_n3A_255 {strides = array<i32>} : memref<128x64xf32, #tpu.memory_space<vmem>>, vector<128x64xf32>,
    %slice3A_259 = vector.extract_strided_slice %select_n3A_193 {offsets = [1152, 0], sizes = [128, 64], strides = [1, 1]} : vector<2048x64xf32> to vector<128x64xf32>
    %jit3A_260 = arith.constant -9.99999984E+17 : f32
    %broadcast_in_dim3A_261 = vector.shape_cast %and3A_30 : vector<128x1xi1> to vector<128x1xi1>
    %broadcast_in_dim3A_262 = vector.broadcast %broadcast_in_dim3A_261 : vector<128x1xi1> to vector<128x64xi1>
    %broadcast_in_dim3A_263 = vector.broadcast %jit3A_260 : f32 to vector<128x64xf32>
    %select_n3A_264 = arith.select %broadcast_in_dim3A_262, %slice3A_259, %broadcast_in_dim3A_263 : vector<128x64xi1>, vector<128x64xf32>
    %swap3A_265 = arith.constant 0 : index
    %swap3A_266 = arith.constant 0 : index
    %swap3A_267 = vector.load %arg16[%swap3A_265, %swap3A_266] : memref<128x64xf32, #tpu.memory_space<vmem>>, vector<128x64xf32>
    tpu.vector_store %arg16[%swap3A_265, %swap3A_266], %select_n3A_264 {strides = array<i32>} : memref<128x64xf32, #tpu.memory_space<vmem>>, vector<128x64xf32>,
    %slice3A_268 = vector.extract_strided_slice %select_n3A_193 {offsets = [1280, 0], sizes = [128, 64], strides = [1, 1]} : vector<2048x64xf32> to vector<128x64xf32>
    %jit3A_269 = arith.constant -9.99999984E+17 : f32
    %broadcast_in_dim3A_270 = vector.shape_cast %and3A_45 : vector<128x1xi1> to vector<128x1xi1>
    %broadcast_in_dim3A_271 = vector.broadcast %broadcast_in_dim3A_270 : vector<128x1xi1> to vector<128x64xi1>
    %broadcast_in_dim3A_272 = vector.broadcast %jit3A_269 : f32 to vector<128x64xf32>
    %select_n3A_273 = arith.select %broadcast_in_dim3A_271, %slice3A_268, %broadcast_in_dim3A_272 : vector<128x64xi1>, vector<128x64xf32>
    %swap3A_274 = arith.constant 0 : index
    %swap3A_275 = arith.constant 0 : index
    %swap3A_276 = vector.load %arg17[%swap3A_274, %swap3A_275] : memref<128x64xf32, #tpu.memory_space<vmem>>, vector<128x64xf32>
    tpu.vector_store %arg17[%swap3A_274, %swap3A_275], %select_n3A_273 {strides = array<i32>} : memref<128x64xf32, #tpu.memory_space<vmem>>, vector<128x64xf32>,
    %slice3A_277 = vector.extract_strided_slice %select_n3A_193 {offsets = [1408, 0], sizes = [128, 64], strides = [1, 1]} : vector<2048x64xf32> to vector<128x64xf32>
    %jit3A_278 = arith.constant -9.99999984E+17 : f32
    %broadcast_in_dim3A_279 = vector.shape_cast %and3A_60 : vector<128x1xi1> to vector<128x1xi1>
    %broadcast_in_dim3A_280 = vector.broadcast %broadcast_in_dim3A_279 : vector<128x1xi1> to vector<128x64xi1>
    %broadcast_in_dim3A_281 = vector.broadcast %jit3A_278 : f32 to vector<128x64xf32>
    %select_n3A_282 = arith.select %broadcast_in_dim3A_280, %slice3A_277, %broadcast_in_dim3A_281 : vector<128x64xi1>, vector<128x64xf32>
    %swap3A_283 = arith.constant 0 : index
    %swap3A_284 = arith.constant 0 : index
    %swap3A_285 = vector.load %arg18[%swap3A_283, %swap3A_284] : memref<128x64xf32, #tpu.memory_space<vmem>>, vector<128x64xf32>
    tpu.vector_store %arg18[%swap3A_283, %swap3A_284], %select_n3A_282 {strides = array<i32>} : memref<128x64xf32, #tpu.memory_space<vmem>>, vector<128x64xf32>,
    %slice3A_286 = vector.extract_strided_slice %select_n3A_193 {offsets = [1536, 0], sizes = [128, 64], strides = [1, 1]} : vector<2048x64xf32> to vector<128x64xf32>
    %jit3A_287 = arith.constant -9.99999984E+17 : f32
    %broadcast_in_dim3A_288 = vector.shape_cast %and3A_75 : vector<128x1xi1> to vector<128x1xi1>
    %broadcast_in_dim3A_289 = vector.broadcast %broadcast_in_dim3A_288 : vector<128x1xi1> to vector<128x64xi1>
    %broadcast_in_dim3A_290 = vector.broadcast %jit3A_287 : f32 to vector<128x64xf32>
    %select_n3A_291 = arith.select %broadcast_in_dim3A_289, %slice3A_286, %broadcast_in_dim3A_290 : vector<128x64xi1>, vector<128x64xf32>
    %swap3A_292 = arith.constant 0 : index
    %swap3A_293 = arith.constant 0 : index
    %swap3A_294 = vector.load %arg19[%swap3A_292, %swap3A_293] : memref<128x64xf32, #tpu.memory_space<vmem>>, vector<128x64xf32>
    tpu.vector_store %arg19[%swap3A_292, %swap3A_293], %select_n3A_291 {strides = array<i32>} : memref<128x64xf32, #tpu.memory_space<vmem>>, vector<128x64xf32>,
    %slice3A_295 = vector.extract_strided_slice %select_n3A_193 {offsets = [1664, 0], sizes = [128, 64], strides = [1, 1]} : vector<2048x64xf32> to vector<128x64xf32>
    %jit3A_296 = arith.constant -9.99999984E+17 : f32
    %broadcast_in_dim3A_297 = vector.shape_cast %and3A_90 : vector<128x1xi1> to vector<128x1xi1>
    %broadcast_in_dim3A_298 = vector.broadcast %broadcast_in_dim3A_297 : vector<128x1xi1> to vector<128x64xi1>
    %broadcast_in_dim3A_299 = vector.broadcast %jit3A_296 : f32 to vector<128x64xf32>
    %select_n3A_300 = arith.select %broadcast_in_dim3A_298, %slice3A_295, %broadcast_in_dim3A_299 : vector<128x64xi1>, vector<128x64xf32>
    %swap3A_301 = arith.constant 0 : index
    %swap3A_302 = arith.constant 0 : index
    %swap3A_303 = vector.load %arg20[%swap3A_301, %swap3A_302] : memref<128x64xf32, #tpu.memory_space<vmem>>, vector<128x64xf32>
    tpu.vector_store %arg20[%swap3A_301, %swap3A_302], %select_n3A_300 {strides = array<i32>} : memref<128x64xf32, #tpu.memory_space<vmem>>, vector<128x64xf32>,
    %slice3A_304 = vector.extract_strided_slice %select_n3A_193 {offsets = [1792, 0], sizes = [128, 64], strides = [1, 1]} : vector<2048x64xf32> to vector<128x64xf32>
    %jit3A_305 = arith.constant -9.99999984E+17 : f32
    %broadcast_in_dim3A_306 = vector.shape_cast %and3A_105 : vector<128x1xi1> to vector<128x1xi1>
    %broadcast_in_dim3A_307 = vector.broadcast %broadcast_in_dim3A_306 : vector<128x1xi1> to vector<128x64xi1>
    %broadcast_in_dim3A_308 = vector.broadcast %jit3A_305 : f32 to vector<128x64xf32>
    %select_n3A_309 = arith.select %broadcast_in_dim3A_307, %slice3A_304, %broadcast_in_dim3A_308 : vector<128x64xi1>, vector<128x64xf32>
    %swap3A_310 = arith.constant 0 : index
    %swap3A_311 = arith.constant 0 : index
    %swap3A_312 = vector.load %arg21[%swap3A_310, %swap3A_311] : memref<128x64xf32, #tpu.memory_space<vmem>>, vector<128x64xf32>
    tpu.vector_store %arg21[%swap3A_310, %swap3A_311], %select_n3A_309 {strides = array<i32>} : memref<128x64xf32, #tpu.memory_space<vmem>>, vector<128x64xf32>,
    %slice3A_313 = vector.extract_strided_slice %select_n3A_193 {offsets = [1920, 0], sizes = [128, 64], strides = [1, 1]} : vector<2048x64xf32> to vector<128x64xf32>
    %jit3A_314 = arith.constant -9.99999984E+17 : f32
    %broadcast_in_dim3A_315 = vector.shape_cast %and3A_120 : vector<128x1xi1> to vector<128x1xi1>
    %broadcast_in_dim3A_316 = vector.broadcast %broadcast_in_dim3A_315 : vector<128x1xi1> to vector<128x64xi1>
    %broadcast_in_dim3A_317 = vector.broadcast %jit3A_314 : f32 to vector<128x64xf32>
    %select_n3A_318 = arith.select %broadcast_in_dim3A_316, %slice3A_313, %broadcast_in_dim3A_317 : vector<128x64xi1>, vector<128x64xf32>
    %swap3A_319 = arith.constant 0 : index
    %swap3A_320 = arith.constant 0 : index
    %swap3A_321 = vector.load %arg22[%swap3A_319, %swap3A_320] : memref<128x64xf32, #tpu.memory_space<vmem>>, vector<128x64xf32>
    tpu.vector_store %arg22[%swap3A_319, %swap3A_320], %select_n3A_318 {strides = array<i32>} : memref<128x64xf32, #tpu.memory_space<vmem>>, vector<128x64xf32>,
    return
  }
  func.func @transform_0(%arg0: i32) -> (i32, i32) {
    %c0_i32 = arith.constant 0 : i32
    %c0_i32_0 = arith.constant 0 : i32
    return %arg0, %c0_i32 : i32, i32
  }
  func.func @transform_1(%arg0: i32) -> (i32, i32) {
    %add3A = arith.constant 0 : i32
    %add3A_0 = arith.addi %add3A, %arg0 : i32
    %c0_i32 = arith.constant 0 : i32
    %c0_i32_1 = arith.constant 0 : i32
    return %add3A_0, %c0_i32 : i32, i32
  }
  func.func @transform_2(%arg0: i32) -> (i32, i32) {
    %add3A = arith.constant 80 : i32
    %add3A_0 = arith.addi %add3A, %arg0 : i32
    %c0_i32 = arith.constant 0 : i32
    %c0_i32_1 = arith.constant 0 : i32
    return %add3A_0, %c0_i32 : i32, i32
  }
  func.func @transform_3(%arg0: i32) -> (i32, i32) {
    %add3A = arith.constant 160 : i32
    %add3A_0 = arith.addi %add3A, %arg0 : i32
    %c0_i32 = arith.constant 0 : i32
    %c0_i32_1 = arith.constant 0 : i32
    return %add3A_0, %c0_i32 : i32, i32
  }
  func.func @transform_4(%arg0: i32) -> (i32, i32) {
    %add3A = arith.constant 240 : i32
    %add3A_0 = arith.addi %add3A, %arg0 : i32
    %c0_i32 = arith.constant 0 : i32
    %c0_i32_1 = arith.constant 0 : i32
    return %add3A_0, %c0_i32 : i32, i32
  }
  func.func @transform_5(%arg0: i32) -> (i32, i32) {
    %add3A = arith.constant 320 : i32
    %add3A_0 = arith.addi %add3A, %arg0 : i32
    %c0_i32 = arith.constant 0 : i32
    %c0_i32_1 = arith.constant 0 : i32
    return %add3A_0, %c0_i32 : i32, i32
  }
  func.func @transform_6(%arg0: i32) -> (i32, i32) {
    %add3A = arith.constant 400 : i32
    %add3A_0 = arith.addi %add3A, %arg0 : i32
    %c0_i32 = arith.constant 0 : i32
    %c0_i32_1 = arith.constant 0 : i32
    return %add3A_0, %c0_i32 : i32, i32
  }
  func.func @transform_7(%arg0: i32) -> (i32, i32) {
    %add3A = arith.constant 480 : i32
    %add3A_0 = arith.addi %add3A, %arg0 : i32
    %c0_i32 = arith.constant 0 : i32
    %c0_i32_1 = arith.constant 0 : i32
    return %add3A_0, %c0_i32 : i32, i32
  }
  func.func @transform_8(%arg0: i32) -> (i32, i32) {
    %add3A = arith.constant 560 : i32
    %add3A_0 = arith.addi %add3A, %arg0 : i32
    %c0_i32 = arith.constant 0 : i32
    %c0_i32_1 = arith.constant 0 : i32
    return %add3A_0, %c0_i32 : i32, i32
  }
  func.func @transform_9(%arg0: i32) -> (i32, i32) {
    %c0_i32 = arith.constant 0 : i32
    %c0_i32_0 = arith.constant 0 : i32
    %c0_i32_1 = arith.constant 0 : i32
    return %c0_i32, %c0_i32_0 : i32, i32
  }
  func.func @transform_10(%arg0: i32) -> (i32, i32) {
    %c0_i32 = arith.constant 0 : i32
    %c0_i32_0 = arith.constant 0 : i32
    %c0_i32_1 = arith.constant 0 : i32
    return %c0_i32, %c0_i32_0 : i32, i32
  }
  func.func @transform_11(%arg0: i32) -> (i32, i32) {
    %c0_i32 = arith.constant 0 : i32
    %c0_i32_0 = arith.constant 0 : i32
    %c0_i32_1 = arith.constant 0 : i32
    return %c0_i32, %c0_i32_0 : i32, i32
  }
  func.func @transform_12(%arg0: i32) -> (i32, i32) {
    %c0_i32 = arith.constant 0 : i32
    %c0_i32_0 = arith.constant 0 : i32
    %c0_i32_1 = arith.constant 0 : i32
    return %c0_i32, %c0_i32_0 : i32, i32
  }
  func.func @transform_13(%arg0: i32) -> (i32, i32) {
    %c0_i32 = arith.constant 0 : i32
    %c0_i32_0 = arith.constant 0 : i32
    return %arg0, %c0_i32 : i32, i32
  }
  func.func @transform_14(%arg0: i32) -> (i32, i32) {
    %c0_i32 = arith.constant 0 : i32
    %c0_i32_0 = arith.constant 0 : i32
    return %arg0, %c0_i32 : i32, i32
  }
  func.func @transform_15(%arg0: i32) -> (i32, i32) {
    %c0_i32 = arith.constant 0 : i32
    %c0_i32_0 = arith.constant 0 : i32
    return %arg0, %c0_i32 : i32, i32
  }
  func.func @transform_16(%arg0: i32) -> (i32, i32) {
    %c0_i32 = arith.constant 0 : i32
    %c0_i32_0 = arith.constant 0 : i32
    return %arg0, %c0_i32 : i32, i32
  }
  func.func @transform_17(%arg0: i32) -> (i32, i32) {
    %c0_i32 = arith.constant 0 : i32
    %c0_i32_0 = arith.constant 0 : i32
    return %arg0, %c0_i32 : i32, i32
  }
  func.func @transform_18(%arg0: i32) -> (i32, i32) {
    %c0_i32 = arith.constant 0 : i32
    %c0_i32_0 = arith.constant 0 : i32
    return %arg0, %c0_i32 : i32, i32
  }
  func.func @transform_19(%arg0: i32) -> (i32, i32) {
    %c0_i32 = arith.constant 0 : i32
    %c0_i32_0 = arith.constant 0 : i32
    return %arg0, %c0_i32 : i32, i32
  }
  func.func @transform_20(%arg0: i32) -> (i32, i32) {
    %c0_i32 = arith.constant 0 : i32
    %c0_i32_0 = arith.constant 0 : i32
    return %arg0, %c0_i32 : i32, i32
  }
  func.func @transform_21(%arg0: i32) -> (i32, i32) {
    %c0_i32 = arith.constant 0 : i32
    %c0_i32_0 = arith.constant 0 : i32
    return %arg0, %c0_i32 : i32, i32
  }
}

module attributes {stable_mosaic.version = 14 : i64} {
  func.func @_scatter_body(%arg0: i32, %arg1: memref<128x8xi32, #tpu.memory_space<smem>>, %arg2: memref<128x64xf32, #tpu.memory_space<vmem>>, %arg3: memref<128x64xf32, #tpu.memory_space<vmem>>, %arg4: memref<128x64xf32, #tpu.memory_space<vmem>>, %arg5: memref<128x64xf32, #tpu.memory_space<vmem>>, %arg6: memref<128x64xf32, #tpu.memory_space<vmem>>, %arg7: memref<128x64xf32, #tpu.memory_space<vmem>>, %arg8: memref<128x64xf32, #tpu.memory_space<vmem>>, %arg9: memref<128x64xf32, #tpu.memory_space<vmem>>, %arg10: memref<10240x64xf32, #tpu.memory_space<vmem>>, %arg11: memref<10240x128xf32, #tpu.memory_space<vmem>>, %arg12: memref<10240x64xf32, #tpu.memory_space<vmem>>) attributes {dimension_semantics = [#tpu.dimension_semantics<arbitrary>], iteration_bounds = array<i64: 80>, scalar_prefetch = 0 : i64, scratch_operands = 0 : i64, tpu.core_type = #tpu.core_type<tc>, window_params = [{transform_indices = @transform_0, window_bounds = array<i64: 128, 8>}, {transform_indices = @transform_1, window_bounds = array<i64: 128, 64>}, {transform_indices = @transform_2, window_bounds = array<i64: 128, 64>}, {transform_indices = @transform_3, window_bounds = array<i64: 128, 64>}, {transform_indices = @transform_4, window_bounds = array<i64: 128, 64>}, {transform_indices = @transform_5, window_bounds = array<i64: 128, 64>}, {transform_indices = @transform_6, window_bounds = array<i64: 128, 64>}, {transform_indices = @transform_7, window_bounds = array<i64: 128, 64>}, {transform_indices = @transform_8, window_bounds = array<i64: 128, 64>}, {pipeline_mode = #tpu.pipeline_mode<synchronous>, transform_indices = @transform_9, window_bounds = array<i64: 10240, 64>}, {pipeline_mode = #tpu.pipeline_mode<synchronous>, transform_indices = @transform_10, window_bounds = array<i64: 10240, 128>}, {pipeline_mode = #tpu.pipeline_mode<synchronous>, transform_indices = @transform_11, window_bounds = array<i64: 10240, 64>}]} {
    %eq3A = arith.constant 0 : i32
    %eq3A_0 = arith.cmpi eq, %arg0, %eq3A : i32
    %convert_element_type3A = arith.extui %eq3A_0 : i1 to i32
    %cond3A = arith.constant 0 : i32
    %cond3A_1 = arith.cmpi ne, %convert_element_type3A, %cond3A : i32
    scf.if %cond3A_1 {
      %get3A = arith.constant 0 : index
      %get3A_11 = arith.constant 0 : index
      %get3A_12 = vector.load %arg10[%get3A, %get3A_11] : memref<10240x64xf32, #tpu.memory_space<vmem>>, vector<10240x64xf32>
      %swap3A = arith.constant 0 : index
      %swap3A_13 = arith.constant 0 : index
      %swap3A_14 = vector.load %arg12[%swap3A, %swap3A_13] : memref<10240x64xf32, #tpu.memory_space<vmem>>, vector<10240x64xf32>
      tpu.vector_store %arg12[%swap3A, %swap3A_13], %get3A_12 {strides = array<i32>} : memref<10240x64xf32, #tpu.memory_space<vmem>>, vector<10240x64xf32>,
    } else {
    }
    %scan3A = arith.constant 0 : i32
    %scan3A_2 = arith.constant 128 : i32
    %scan3A_3 = arith.addi %scan3A, %scan3A_2 : i32
    %scan3A_4 = arith.constant 1 : i32
    scf.for %scan3A_11 = %scan3A to %scan3A_3 step %scan3A_4  : i32 {
      %get3A = arith.index_cast %scan3A_11 : i32 to index
      %get3A_12 = arith.constant 0 : index
      %get3A_13 = memref.load %arg1[%get3A, %get3A_12] : memref<128x8xi32, #tpu.memory_space<smem>>
      %get3A_14 = arith.index_cast %scan3A_11 : i32 to index
      %get3A_15 = arith.constant 1 : index
      %get3A_16 = memref.load %arg1[%get3A_14, %get3A_15] : memref<128x8xi32, #tpu.memory_space<smem>>
      %get3A_17 = arith.index_cast %scan3A_11 : i32 to index
      %get3A_18 = arith.constant 2 : index
      %get3A_19 = memref.load %arg1[%get3A_17, %get3A_18] : memref<128x8xi32, #tpu.memory_space<smem>>
      %get3A_20 = arith.index_cast %scan3A_11 : i32 to index
      %get3A_21 = arith.constant 3 : index
      %get3A_22 = memref.load %arg1[%get3A_20, %get3A_21] : memref<128x8xi32, #tpu.memory_space<smem>>
      %get3A_23 = arith.index_cast %scan3A_11 : i32 to index
      %get3A_24 = arith.constant 4 : index
      %get3A_25 = memref.load %arg1[%get3A_23, %get3A_24] : memref<128x8xi32, #tpu.memory_space<smem>>
      %get3A_26 = arith.index_cast %scan3A_11 : i32 to index
      %get3A_27 = arith.constant 5 : index
      %get3A_28 = memref.load %arg1[%get3A_26, %get3A_27] : memref<128x8xi32, #tpu.memory_space<smem>>
      %get3A_29 = arith.index_cast %scan3A_11 : i32 to index
      %get3A_30 = arith.constant 6 : index
      %get3A_31 = memref.load %arg1[%get3A_29, %get3A_30] : memref<128x8xi32, #tpu.memory_space<smem>>
      %get3A_32 = arith.index_cast %scan3A_11 : i32 to index
      %get3A_33 = arith.constant 7 : index
      %get3A_34 = memref.load %arg1[%get3A_32, %get3A_33] : memref<128x8xi32, #tpu.memory_space<smem>>
      %get3A_35 = arith.index_cast %get3A_13 : i32 to index
      %get3A_36 = arith.constant 0 : index
      %get3A_37 = vector.load %arg12[%get3A_35, %get3A_36] : memref<10240x64xf32, #tpu.memory_space<vmem>>, vector<1x64xf32>
      %get3A_38 = arith.index_cast %get3A_16 : i32 to index
      %get3A_39 = arith.constant 0 : index
      %get3A_40 = vector.load %arg12[%get3A_38, %get3A_39] : memref<10240x64xf32, #tpu.memory_space<vmem>>, vector<1x64xf32>
      %get3A_41 = arith.index_cast %get3A_19 : i32 to index
      %get3A_42 = arith.constant 0 : index
      %get3A_43 = vector.load %arg12[%get3A_41, %get3A_42] : memref<10240x64xf32, #tpu.memory_space<vmem>>, vector<1x64xf32>
      %get3A_44 = arith.index_cast %get3A_22 : i32 to index
      %get3A_45 = arith.constant 0 : index
      %get3A_46 = vector.load %arg12[%get3A_44, %get3A_45] : memref<10240x64xf32, #tpu.memory_space<vmem>>, vector<1x64xf32>
      %get3A_47 = arith.index_cast %get3A_25 : i32 to index
      %get3A_48 = arith.constant 0 : index
      %get3A_49 = vector.load %arg12[%get3A_47, %get3A_48] : memref<10240x64xf32, #tpu.memory_space<vmem>>, vector<1x64xf32>
      %get3A_50 = arith.index_cast %get3A_28 : i32 to index
      %get3A_51 = arith.constant 0 : index
      %get3A_52 = vector.load %arg12[%get3A_50, %get3A_51] : memref<10240x64xf32, #tpu.memory_space<vmem>>, vector<1x64xf32>
      %get3A_53 = arith.index_cast %get3A_31 : i32 to index
      %get3A_54 = arith.constant 0 : index
      %get3A_55 = vector.load %arg12[%get3A_53, %get3A_54] : memref<10240x64xf32, #tpu.memory_space<vmem>>, vector<1x64xf32>
      %get3A_56 = arith.index_cast %get3A_34 : i32 to index
      %get3A_57 = arith.constant 0 : index
      %get3A_58 = vector.load %arg12[%get3A_56, %get3A_57] : memref<10240x64xf32, #tpu.memory_space<vmem>>, vector<1x64xf32>
      %get3A_59 = arith.index_cast %scan3A_11 : i32 to index
      %get3A_60 = arith.constant 0 : index
      %get3A_61 = vector.load %arg2[%get3A_59, %get3A_60] : memref<128x64xf32, #tpu.memory_space<vmem>>, vector<1x64xf32>
      %max3A = arith.maximumf %get3A_37, %get3A_61 : vector<1x64xf32>
      %get3A_62 = arith.index_cast %scan3A_11 : i32 to index
      %get3A_63 = arith.constant 0 : index
      %get3A_64 = vector.load %arg3[%get3A_62, %get3A_63] : memref<128x64xf32, #tpu.memory_space<vmem>>, vector<1x64xf32>
      %max3A_65 = arith.maximumf %get3A_40, %get3A_64 : vector<1x64xf32>
      %get3A_66 = arith.index_cast %scan3A_11 : i32 to index
      %get3A_67 = arith.constant 0 : index
      %get3A_68 = vector.load %arg4[%get3A_66, %get3A_67] : memref<128x64xf32, #tpu.memory_space<vmem>>, vector<1x64xf32>
      %max3A_69 = arith.maximumf %get3A_43, %get3A_68 : vector<1x64xf32>
      %get3A_70 = arith.index_cast %scan3A_11 : i32 to index
      %get3A_71 = arith.constant 0 : index
      %get3A_72 = vector.load %arg5[%get3A_70, %get3A_71] : memref<128x64xf32, #tpu.memory_space<vmem>>, vector<1x64xf32>
      %max3A_73 = arith.maximumf %get3A_46, %get3A_72 : vector<1x64xf32>
      %get3A_74 = arith.index_cast %scan3A_11 : i32 to index
      %get3A_75 = arith.constant 0 : index
      %get3A_76 = vector.load %arg6[%get3A_74, %get3A_75] : memref<128x64xf32, #tpu.memory_space<vmem>>, vector<1x64xf32>
      %max3A_77 = arith.maximumf %get3A_49, %get3A_76 : vector<1x64xf32>
      %get3A_78 = arith.index_cast %scan3A_11 : i32 to index
      %get3A_79 = arith.constant 0 : index
      %get3A_80 = vector.load %arg7[%get3A_78, %get3A_79] : memref<128x64xf32, #tpu.memory_space<vmem>>, vector<1x64xf32>
      %max3A_81 = arith.maximumf %get3A_52, %get3A_80 : vector<1x64xf32>
      %get3A_82 = arith.index_cast %scan3A_11 : i32 to index
      %get3A_83 = arith.constant 0 : index
      %get3A_84 = vector.load %arg8[%get3A_82, %get3A_83] : memref<128x64xf32, #tpu.memory_space<vmem>>, vector<1x64xf32>
      %max3A_85 = arith.maximumf %get3A_55, %get3A_84 : vector<1x64xf32>
      %get3A_86 = arith.index_cast %scan3A_11 : i32 to index
      %get3A_87 = arith.constant 0 : index
      %get3A_88 = vector.load %arg9[%get3A_86, %get3A_87] : memref<128x64xf32, #tpu.memory_space<vmem>>, vector<1x64xf32>
      %max3A_89 = arith.maximumf %get3A_58, %get3A_88 : vector<1x64xf32>
      %swap3A = arith.index_cast %get3A_13 : i32 to index
      %swap3A_90 = arith.constant 0 : index
      %swap3A_91 = vector.load %arg12[%swap3A, %swap3A_90] : memref<10240x64xf32, #tpu.memory_space<vmem>>, vector<1x64xf32>
      tpu.vector_store %arg12[%swap3A, %swap3A_90], %max3A {strides = array<i32>} : memref<10240x64xf32, #tpu.memory_space<vmem>>, vector<1x64xf32>,
      %swap3A_92 = arith.index_cast %get3A_16 : i32 to index
      %swap3A_93 = arith.constant 0 : index
      %swap3A_94 = vector.load %arg12[%swap3A_92, %swap3A_93] : memref<10240x64xf32, #tpu.memory_space<vmem>>, vector<1x64xf32>
      tpu.vector_store %arg12[%swap3A_92, %swap3A_93], %max3A_65 {strides = array<i32>} : memref<10240x64xf32, #tpu.memory_space<vmem>>, vector<1x64xf32>,
      %swap3A_95 = arith.index_cast %get3A_19 : i32 to index
      %swap3A_96 = arith.constant 0 : index
      %swap3A_97 = vector.load %arg12[%swap3A_95, %swap3A_96] : memref<10240x64xf32, #tpu.memory_space<vmem>>, vector<1x64xf32>
      tpu.vector_store %arg12[%swap3A_95, %swap3A_96], %max3A_69 {strides = array<i32>} : memref<10240x64xf32, #tpu.memory_space<vmem>>, vector<1x64xf32>,
      %swap3A_98 = arith.index_cast %get3A_22 : i32 to index
      %swap3A_99 = arith.constant 0 : index
      %swap3A_100 = vector.load %arg12[%swap3A_98, %swap3A_99] : memref<10240x64xf32, #tpu.memory_space<vmem>>, vector<1x64xf32>
      tpu.vector_store %arg12[%swap3A_98, %swap3A_99], %max3A_73 {strides = array<i32>} : memref<10240x64xf32, #tpu.memory_space<vmem>>, vector<1x64xf32>,
      %swap3A_101 = arith.index_cast %get3A_25 : i32 to index
      %swap3A_102 = arith.constant 0 : index
      %swap3A_103 = vector.load %arg12[%swap3A_101, %swap3A_102] : memref<10240x64xf32, #tpu.memory_space<vmem>>, vector<1x64xf32>
      tpu.vector_store %arg12[%swap3A_101, %swap3A_102], %max3A_77 {strides = array<i32>} : memref<10240x64xf32, #tpu.memory_space<vmem>>, vector<1x64xf32>,
      %swap3A_104 = arith.index_cast %get3A_28 : i32 to index
      %swap3A_105 = arith.constant 0 : index
      %swap3A_106 = vector.load %arg12[%swap3A_104, %swap3A_105] : memref<10240x64xf32, #tpu.memory_space<vmem>>, vector<1x64xf32>
      tpu.vector_store %arg12[%swap3A_104, %swap3A_105], %max3A_81 {strides = array<i32>} : memref<10240x64xf32, #tpu.memory_space<vmem>>, vector<1x64xf32>,
      %swap3A_107 = arith.index_cast %get3A_31 : i32 to index
      %swap3A_108 = arith.constant 0 : index
      %swap3A_109 = vector.load %arg12[%swap3A_107, %swap3A_108] : memref<10240x64xf32, #tpu.memory_space<vmem>>, vector<1x64xf32>
      tpu.vector_store %arg12[%swap3A_107, %swap3A_108], %max3A_85 {strides = array<i32>} : memref<10240x64xf32, #tpu.memory_space<vmem>>, vector<1x64xf32>,
      %swap3A_110 = arith.index_cast %get3A_34 : i32 to index
      %swap3A_111 = arith.constant 0 : index
      %swap3A_112 = vector.load %arg12[%swap3A_110, %swap3A_111] : memref<10240x64xf32, #tpu.memory_space<vmem>>, vector<1x64xf32>
      tpu.vector_store %arg12[%swap3A_110, %swap3A_111], %max3A_89 {strides = array<i32>} : memref<10240x64xf32, #tpu.memory_space<vmem>>, vector<1x64xf32>,
    }
    %scan3A_5 = arith.constant 128 : i32
    %eq3A_6 = arith.constant 79 : i32
    %eq3A_7 = arith.cmpi eq, %arg0, %eq3A_6 : i32
    %convert_element_type3A_8 = arith.extui %eq3A_7 : i1 to i32
    %cond3A_9 = arith.constant 0 : i32
    %cond3A_10 = arith.cmpi ne, %convert_element_type3A_8, %cond3A_9 : i32
    scf.if %cond3A_10 {
      %get3A = arith.constant 0 : index
      %get3A_11 = arith.constant 64 : index
      %get3A_12 = vector.load %arg11[%get3A, %get3A_11] : memref<10240x128xf32, #tpu.memory_space<vmem>>, vector<10240x1xf32>
      %gt3A = arith.constant 5.000000e-01 : f32
      %gt3A_13 = vector.broadcast %gt3A : f32 to vector<10240x1xf32>
      %gt3A_14 = arith.cmpf ogt, %get3A_12, %gt3A_13 : vector<10240x1xf32>
      %get3A_15 = arith.constant 0 : index
      %get3A_16 = arith.constant 0 : index
      %get3A_17 = vector.load %arg12[%get3A_15, %get3A_16] : memref<10240x64xf32, #tpu.memory_space<vmem>>, vector<10240x64xf32>
      %jit3A = arith.constant 0.000000e+00 : f32
      %broadcast_in_dim3A = vector.shape_cast %gt3A_14 : vector<10240x1xi1> to vector<10240x1xi1>
      %broadcast_in_dim3A_18 = vector.broadcast %broadcast_in_dim3A : vector<10240x1xi1> to vector<10240x64xi1>
      %broadcast_in_dim3A_19 = vector.broadcast %jit3A : f32 to vector<10240x64xf32>
      %select_n3A = arith.select %broadcast_in_dim3A_18, %get3A_17, %broadcast_in_dim3A_19 : vector<10240x64xi1>, vector<10240x64xf32>
      %swap3A = arith.constant 0 : index
      %swap3A_20 = arith.constant 0 : index
      %swap3A_21 = vector.load %arg12[%swap3A, %swap3A_20] : memref<10240x64xf32, #tpu.memory_space<vmem>>, vector<10240x64xf32>
      tpu.vector_store %arg12[%swap3A, %swap3A_20], %select_n3A {strides = array<i32>} : memref<10240x64xf32, #tpu.memory_space<vmem>>, vector<10240x64xf32>,
    } else {
    }
    return
  }
  func.func @transform_0(%arg0: i32) -> (i32, i32) {
    %c0_i32 = arith.constant 0 : i32
    %c0_i32_0 = arith.constant 0 : i32
    return %arg0, %c0_i32 : i32, i32
  }
  func.func @transform_1(%arg0: i32) -> (i32, i32) {
    %add3A = arith.constant 0 : i32
    %add3A_0 = arith.addi %add3A, %arg0 : i32
    %c0_i32 = arith.constant 0 : i32
    %c0_i32_1 = arith.constant 0 : i32
    return %add3A_0, %c0_i32 : i32, i32
  }
  func.func @transform_2(%arg0: i32) -> (i32, i32) {
    %add3A = arith.constant 80 : i32
    %add3A_0 = arith.addi %add3A, %arg0 : i32
    %c0_i32 = arith.constant 0 : i32
    %c0_i32_1 = arith.constant 0 : i32
    return %add3A_0, %c0_i32 : i32, i32
  }
  func.func @transform_3(%arg0: i32) -> (i32, i32) {
    %add3A = arith.constant 160 : i32
    %add3A_0 = arith.addi %add3A, %arg0 : i32
    %c0_i32 = arith.constant 0 : i32
    %c0_i32_1 = arith.constant 0 : i32
    return %add3A_0, %c0_i32 : i32, i32
  }
  func.func @transform_4(%arg0: i32) -> (i32, i32) {
    %add3A = arith.constant 240 : i32
    %add3A_0 = arith.addi %add3A, %arg0 : i32
    %c0_i32 = arith.constant 0 : i32
    %c0_i32_1 = arith.constant 0 : i32
    return %add3A_0, %c0_i32 : i32, i32
  }
  func.func @transform_5(%arg0: i32) -> (i32, i32) {
    %add3A = arith.constant 320 : i32
    %add3A_0 = arith.addi %add3A, %arg0 : i32
    %c0_i32 = arith.constant 0 : i32
    %c0_i32_1 = arith.constant 0 : i32
    return %add3A_0, %c0_i32 : i32, i32
  }
  func.func @transform_6(%arg0: i32) -> (i32, i32) {
    %add3A = arith.constant 400 : i32
    %add3A_0 = arith.addi %add3A, %arg0 : i32
    %c0_i32 = arith.constant 0 : i32
    %c0_i32_1 = arith.constant 0 : i32
    return %add3A_0, %c0_i32 : i32, i32
  }
  func.func @transform_7(%arg0: i32) -> (i32, i32) {
    %add3A = arith.constant 480 : i32
    %add3A_0 = arith.addi %add3A, %arg0 : i32
    %c0_i32 = arith.constant 0 : i32
    %c0_i32_1 = arith.constant 0 : i32
    return %add3A_0, %c0_i32 : i32, i32
  }
  func.func @transform_8(%arg0: i32) -> (i32, i32) {
    %add3A = arith.constant 560 : i32
    %add3A_0 = arith.addi %add3A, %arg0 : i32
    %c0_i32 = arith.constant 0 : i32
    %c0_i32_1 = arith.constant 0 : i32
    return %add3A_0, %c0_i32 : i32, i32
  }
  func.func @transform_9(%arg0: i32) -> (i32, i32) {
    %c0_i32 = arith.constant 0 : i32
    %c0_i32_0 = arith.constant 0 : i32
    %c0_i32_1 = arith.constant 0 : i32
    return %c0_i32, %c0_i32_0 : i32, i32
  }
  func.func @transform_10(%arg0: i32) -> (i32, i32) {
    %c0_i32 = arith.constant 0 : i32
    %c0_i32_0 = arith.constant 0 : i32
    %c0_i32_1 = arith.constant 0 : i32
    return %c0_i32, %c0_i32_0 : i32, i32
  }
  func.func @transform_11(%arg0: i32) -> (i32, i32) {
    %c0_i32 = arith.constant 0 : i32
    %c0_i32_0 = arith.constant 0 : i32
    %c0_i32_1 = arith.constant 0 : i32
    return %c0_i32, %c0_i32_0 : i32, i32
  }
}

module attributes {stable_mosaic.version = 14 : i64} {
  func.func @_grac1_body(%arg0: i32, %arg1: memref<128x128xf32, #tpu.memory_space<vmem>>, %arg2: memref<128x128xf32, #tpu.memory_space<vmem>>, %arg3: memref<128x128xf32, #tpu.memory_space<vmem>>, %arg4: memref<128x128xf32, #tpu.memory_space<vmem>>, %arg5: memref<128x128xf32, #tpu.memory_space<vmem>>, %arg6: memref<128x128xf32, #tpu.memory_space<vmem>>, %arg7: memref<128x128xf32, #tpu.memory_space<vmem>>, %arg8: memref<128x128xf32, #tpu.memory_space<vmem>>, %arg9: memref<128x128xf32, #tpu.memory_space<vmem>>, %arg10: memref<128x128xf32, #tpu.memory_space<vmem>>) attributes {dimension_semantics = [#tpu.dimension_semantics<arbitrary>], iteration_bounds = array<i64: 80>, scalar_prefetch = 0 : i64, scratch_operands = 0 : i64, tpu.core_type = #tpu.core_type<tc>, window_params = [{transform_indices = @transform_0, window_bounds = array<i64: 128, 128>}, {transform_indices = @transform_1, window_bounds = array<i64: 128, 128>}, {transform_indices = @transform_2, window_bounds = array<i64: 128, 128>}, {transform_indices = @transform_3, window_bounds = array<i64: 128, 128>}, {transform_indices = @transform_4, window_bounds = array<i64: 128, 128>}, {transform_indices = @transform_5, window_bounds = array<i64: 128, 128>}, {transform_indices = @transform_6, window_bounds = array<i64: 128, 128>}, {transform_indices = @transform_7, window_bounds = array<i64: 128, 128>}, {transform_indices = @transform_8, window_bounds = array<i64: 128, 128>}, {transform_indices = @transform_9, window_bounds = array<i64: 128, 128>}]} {
    %get3A = arith.constant 0 : index
    %get3A_0 = arith.constant 0 : index
    %get3A_1 = vector.load %arg1[%get3A, %get3A_0] : memref<128x128xf32, #tpu.memory_space<vmem>>, vector<128x64xf32>
    %get3A_2 = arith.constant 0 : index
    %get3A_3 = arith.constant 64 : index
    %get3A_4 = vector.load %arg1[%get3A_2, %get3A_3] : memref<128x128xf32, #tpu.memory_space<vmem>>, vector<128x1xf32>
    %get3A_5 = arith.constant 0 : index
    %get3A_6 = arith.constant 0 : index
    %get3A_7 = vector.load %arg2[%get3A_5, %get3A_6] : memref<128x128xf32, #tpu.memory_space<vmem>>, vector<128x64xf32>
    %get3A_8 = arith.constant 0 : index
    %get3A_9 = arith.constant 64 : index
    %get3A_10 = vector.load %arg2[%get3A_8, %get3A_9] : memref<128x128xf32, #tpu.memory_space<vmem>>, vector<128x1xf32>
    %get3A_11 = arith.constant 0 : index
    %get3A_12 = arith.constant 65 : index
    %get3A_13 = vector.load %arg2[%get3A_11, %get3A_12] : memref<128x128xf32, #tpu.memory_space<vmem>>, vector<128x1xf32>
    %sub3A = arith.subf %get3A_7, %get3A_1 : vector<128x64xf32>
    %mul3A = arith.mulf %sub3A, %sub3A : vector<128x64xf32>
    %reduce_sum3A = arith.constant dense<0.000000e+00> : vector<128xf32>
    %reduce_sum3A_14 = vector.multi_reduction <add>, %mul3A, %reduce_sum3A [1] : vector<128x64xf32> to vector<128xf32>
    %broadcast_in_dim3A = vector.shape_cast %reduce_sum3A_14 : vector<128xf32> to vector<128x1xf32>
    %add3A = arith.constant 9.99999996E-13 : f32
    %add3A_15 = vector.broadcast %add3A : f32 to vector<128x1xf32>
    %add3A_16 = arith.addf %broadcast_in_dim3A, %add3A_15 : vector<128x1xf32>
    %sqrt3A = math.sqrt %add3A_16 : vector<128x1xf32>
    %div3A = arith.constant 1.000000e+00 : f32
    %div3A_17 = vector.broadcast %div3A : f32 to vector<128x1xf32>
    %div3A_18 = arith.divf %div3A_17, %get3A_4 : vector<128x1xf32>
    %div3A_19 = arith.constant 1.000000e+00 : f32
    %div3A_20 = vector.broadcast %div3A_19 : f32 to vector<128x1xf32>
    %div3A_21 = arith.divf %div3A_20, %get3A_10 : vector<128x1xf32>
    %add3A_22 = arith.addf %div3A_18, %div3A_21 : vector<128x1xf32>
    %mul3A_23 = arith.mulf %sqrt3A, %add3A_22 : vector<128x1xf32>
    %get3A_24 = arith.constant 0 : index
    %get3A_25 = arith.constant 0 : index
    %get3A_26 = vector.load %arg3[%get3A_24, %get3A_25] : memref<128x128xf32, #tpu.memory_space<vmem>>, vector<128x64xf32>
    %get3A_27 = arith.constant 0 : index
    %get3A_28 = arith.constant 64 : index
    %get3A_29 = vector.load %arg3[%get3A_27, %get3A_28] : memref<128x128xf32, #tpu.memory_space<vmem>>, vector<128x1xf32>
    %get3A_30 = arith.constant 0 : index
    %get3A_31 = arith.constant 65 : index
    %get3A_32 = vector.load %arg3[%get3A_30, %get3A_31] : memref<128x128xf32, #tpu.memory_space<vmem>>, vector<128x1xf32>
    %sub3A_33 = arith.subf %get3A_26, %get3A_1 : vector<128x64xf32>
    %mul3A_34 = arith.mulf %sub3A_33, %sub3A_33 : vector<128x64xf32>
    %reduce_sum3A_35 = arith.constant dense<0.000000e+00> : vector<128xf32>
    %reduce_sum3A_36 = vector.multi_reduction <add>, %mul3A_34, %reduce_sum3A_35 [1] : vector<128x64xf32> to vector<128xf32>
    %broadcast_in_dim3A_37 = vector.shape_cast %reduce_sum3A_36 : vector<128xf32> to vector<128x1xf32>
    %add3A_38 = arith.constant 9.99999996E-13 : f32
    %add3A_39 = vector.broadcast %add3A_38 : f32 to vector<128x1xf32>
    %add3A_40 = arith.addf %broadcast_in_dim3A_37, %add3A_39 : vector<128x1xf32>
    %sqrt3A_41 = math.sqrt %add3A_40 : vector<128x1xf32>
    %div3A_42 = arith.constant 1.000000e+00 : f32
    %div3A_43 = vector.broadcast %div3A_42 : f32 to vector<128x1xf32>
    %div3A_44 = arith.divf %div3A_43, %get3A_4 : vector<128x1xf32>
    %div3A_45 = arith.constant 1.000000e+00 : f32
    %div3A_46 = vector.broadcast %div3A_45 : f32 to vector<128x1xf32>
    %div3A_47 = arith.divf %div3A_46, %get3A_29 : vector<128x1xf32>
    %add3A_48 = arith.addf %div3A_44, %div3A_47 : vector<128x1xf32>
    %mul3A_49 = arith.mulf %sqrt3A_41, %add3A_48 : vector<128x1xf32>
    %get3A_50 = arith.constant 0 : index
    %get3A_51 = arith.constant 0 : index
    %get3A_52 = vector.load %arg4[%get3A_50, %get3A_51] : memref<128x128xf32, #tpu.memory_space<vmem>>, vector<128x64xf32>
    %get3A_53 = arith.constant 0 : index
    %get3A_54 = arith.constant 64 : index
    %get3A_55 = vector.load %arg4[%get3A_53, %get3A_54] : memref<128x128xf32, #tpu.memory_space<vmem>>, vector<128x1xf32>
    %get3A_56 = arith.constant 0 : index
    %get3A_57 = arith.constant 65 : index
    %get3A_58 = vector.load %arg4[%get3A_56, %get3A_57] : memref<128x128xf32, #tpu.memory_space<vmem>>, vector<128x1xf32>
    %sub3A_59 = arith.subf %get3A_52, %get3A_1 : vector<128x64xf32>
    %mul3A_60 = arith.mulf %sub3A_59, %sub3A_59 : vector<128x64xf32>
    %reduce_sum3A_61 = arith.constant dense<0.000000e+00> : vector<128xf32>
    %reduce_sum3A_62 = vector.multi_reduction <add>, %mul3A_60, %reduce_sum3A_61 [1] : vector<128x64xf32> to vector<128xf32>
    %broadcast_in_dim3A_63 = vector.shape_cast %reduce_sum3A_62 : vector<128xf32> to vector<128x1xf32>
    %add3A_64 = arith.constant 9.99999996E-13 : f32
    %add3A_65 = vector.broadcast %add3A_64 : f32 to vector<128x1xf32>
    %add3A_66 = arith.addf %broadcast_in_dim3A_63, %add3A_65 : vector<128x1xf32>
    %sqrt3A_67 = math.sqrt %add3A_66 : vector<128x1xf32>
    %div3A_68 = arith.constant 1.000000e+00 : f32
    %div3A_69 = vector.broadcast %div3A_68 : f32 to vector<128x1xf32>
    %div3A_70 = arith.divf %div3A_69, %get3A_4 : vector<128x1xf32>
    %div3A_71 = arith.constant 1.000000e+00 : f32
    %div3A_72 = vector.broadcast %div3A_71 : f32 to vector<128x1xf32>
    %div3A_73 = arith.divf %div3A_72, %get3A_55 : vector<128x1xf32>
    %add3A_74 = arith.addf %div3A_70, %div3A_73 : vector<128x1xf32>
    %mul3A_75 = arith.mulf %sqrt3A_67, %add3A_74 : vector<128x1xf32>
    %get3A_76 = arith.constant 0 : index
    %get3A_77 = arith.constant 0 : index
    %get3A_78 = vector.load %arg5[%get3A_76, %get3A_77] : memref<128x128xf32, #tpu.memory_space<vmem>>, vector<128x64xf32>
    %get3A_79 = arith.constant 0 : index
    %get3A_80 = arith.constant 64 : index
    %get3A_81 = vector.load %arg5[%get3A_79, %get3A_80] : memref<128x128xf32, #tpu.memory_space<vmem>>, vector<128x1xf32>
    %get3A_82 = arith.constant 0 : index
    %get3A_83 = arith.constant 65 : index
    %get3A_84 = vector.load %arg5[%get3A_82, %get3A_83] : memref<128x128xf32, #tpu.memory_space<vmem>>, vector<128x1xf32>
    %sub3A_85 = arith.subf %get3A_78, %get3A_1 : vector<128x64xf32>
    %mul3A_86 = arith.mulf %sub3A_85, %sub3A_85 : vector<128x64xf32>
    %reduce_sum3A_87 = arith.constant dense<0.000000e+00> : vector<128xf32>
    %reduce_sum3A_88 = vector.multi_reduction <add>, %mul3A_86, %reduce_sum3A_87 [1] : vector<128x64xf32> to vector<128xf32>
    %broadcast_in_dim3A_89 = vector.shape_cast %reduce_sum3A_88 : vector<128xf32> to vector<128x1xf32>
    %add3A_90 = arith.constant 9.99999996E-13 : f32
    %add3A_91 = vector.broadcast %add3A_90 : f32 to vector<128x1xf32>
    %add3A_92 = arith.addf %broadcast_in_dim3A_89, %add3A_91 : vector<128x1xf32>
    %sqrt3A_93 = math.sqrt %add3A_92 : vector<128x1xf32>
    %div3A_94 = arith.constant 1.000000e+00 : f32
    %div3A_95 = vector.broadcast %div3A_94 : f32 to vector<128x1xf32>
    %div3A_96 = arith.divf %div3A_95, %get3A_4 : vector<128x1xf32>
    %div3A_97 = arith.constant 1.000000e+00 : f32
    %div3A_98 = vector.broadcast %div3A_97 : f32 to vector<128x1xf32>
    %div3A_99 = arith.divf %div3A_98, %get3A_81 : vector<128x1xf32>
    %add3A_100 = arith.addf %div3A_96, %div3A_99 : vector<128x1xf32>
    %mul3A_101 = arith.mulf %sqrt3A_93, %add3A_100 : vector<128x1xf32>
    %get3A_102 = arith.constant 0 : index
    %get3A_103 = arith.constant 0 : index
    %get3A_104 = vector.load %arg6[%get3A_102, %get3A_103] : memref<128x128xf32, #tpu.memory_space<vmem>>, vector<128x64xf32>
    %get3A_105 = arith.constant 0 : index
    %get3A_106 = arith.constant 64 : index
    %get3A_107 = vector.load %arg6[%get3A_105, %get3A_106] : memref<128x128xf32, #tpu.memory_space<vmem>>, vector<128x1xf32>
    %get3A_108 = arith.constant 0 : index
    %get3A_109 = arith.constant 65 : index
    %get3A_110 = vector.load %arg6[%get3A_108, %get3A_109] : memref<128x128xf32, #tpu.memory_space<vmem>>, vector<128x1xf32>
    %sub3A_111 = arith.subf %get3A_104, %get3A_1 : vector<128x64xf32>
    %mul3A_112 = arith.mulf %sub3A_111, %sub3A_111 : vector<128x64xf32>
    %reduce_sum3A_113 = arith.constant dense<0.000000e+00> : vector<128xf32>
    %reduce_sum3A_114 = vector.multi_reduction <add>, %mul3A_112, %reduce_sum3A_113 [1] : vector<128x64xf32> to vector<128xf32>
    %broadcast_in_dim3A_115 = vector.shape_cast %reduce_sum3A_114 : vector<128xf32> to vector<128x1xf32>
    %add3A_116 = arith.constant 9.99999996E-13 : f32
    %add3A_117 = vector.broadcast %add3A_116 : f32 to vector<128x1xf32>
    %add3A_118 = arith.addf %broadcast_in_dim3A_115, %add3A_117 : vector<128x1xf32>
    %sqrt3A_119 = math.sqrt %add3A_118 : vector<128x1xf32>
    %div3A_120 = arith.constant 1.000000e+00 : f32
    %div3A_121 = vector.broadcast %div3A_120 : f32 to vector<128x1xf32>
    %div3A_122 = arith.divf %div3A_121, %get3A_4 : vector<128x1xf32>
    %div3A_123 = arith.constant 1.000000e+00 : f32
    %div3A_124 = vector.broadcast %div3A_123 : f32 to vector<128x1xf32>
    %div3A_125 = arith.divf %div3A_124, %get3A_107 : vector<128x1xf32>
    %add3A_126 = arith.addf %div3A_122, %div3A_125 : vector<128x1xf32>
    %mul3A_127 = arith.mulf %sqrt3A_119, %add3A_126 : vector<128x1xf32>
    %get3A_128 = arith.constant 0 : index
    %get3A_129 = arith.constant 0 : index
    %get3A_130 = vector.load %arg7[%get3A_128, %get3A_129] : memref<128x128xf32, #tpu.memory_space<vmem>>, vector<128x64xf32>
    %get3A_131 = arith.constant 0 : index
    %get3A_132 = arith.constant 64 : index
    %get3A_133 = vector.load %arg7[%get3A_131, %get3A_132] : memref<128x128xf32, #tpu.memory_space<vmem>>, vector<128x1xf32>
    %get3A_134 = arith.constant 0 : index
    %get3A_135 = arith.constant 65 : index
    %get3A_136 = vector.load %arg7[%get3A_134, %get3A_135] : memref<128x128xf32, #tpu.memory_space<vmem>>, vector<128x1xf32>
    %sub3A_137 = arith.subf %get3A_130, %get3A_1 : vector<128x64xf32>
    %mul3A_138 = arith.mulf %sub3A_137, %sub3A_137 : vector<128x64xf32>
    %reduce_sum3A_139 = arith.constant dense<0.000000e+00> : vector<128xf32>
    %reduce_sum3A_140 = vector.multi_reduction <add>, %mul3A_138, %reduce_sum3A_139 [1] : vector<128x64xf32> to vector<128xf32>
    %broadcast_in_dim3A_141 = vector.shape_cast %reduce_sum3A_140 : vector<128xf32> to vector<128x1xf32>
    %add3A_142 = arith.constant 9.99999996E-13 : f32
    %add3A_143 = vector.broadcast %add3A_142 : f32 to vector<128x1xf32>
    %add3A_144 = arith.addf %broadcast_in_dim3A_141, %add3A_143 : vector<128x1xf32>
    %sqrt3A_145 = math.sqrt %add3A_144 : vector<128x1xf32>
    %div3A_146 = arith.constant 1.000000e+00 : f32
    %div3A_147 = vector.broadcast %div3A_146 : f32 to vector<128x1xf32>
    %div3A_148 = arith.divf %div3A_147, %get3A_4 : vector<128x1xf32>
    %div3A_149 = arith.constant 1.000000e+00 : f32
    %div3A_150 = vector.broadcast %div3A_149 : f32 to vector<128x1xf32>
    %div3A_151 = arith.divf %div3A_150, %get3A_133 : vector<128x1xf32>
    %add3A_152 = arith.addf %div3A_148, %div3A_151 : vector<128x1xf32>
    %mul3A_153 = arith.mulf %sqrt3A_145, %add3A_152 : vector<128x1xf32>
    %get3A_154 = arith.constant 0 : index
    %get3A_155 = arith.constant 0 : index
    %get3A_156 = vector.load %arg8[%get3A_154, %get3A_155] : memref<128x128xf32, #tpu.memory_space<vmem>>, vector<128x64xf32>
    %get3A_157 = arith.constant 0 : index
    %get3A_158 = arith.constant 64 : index
    %get3A_159 = vector.load %arg8[%get3A_157, %get3A_158] : memref<128x128xf32, #tpu.memory_space<vmem>>, vector<128x1xf32>
    %get3A_160 = arith.constant 0 : index
    %get3A_161 = arith.constant 65 : index
    %get3A_162 = vector.load %arg8[%get3A_160, %get3A_161] : memref<128x128xf32, #tpu.memory_space<vmem>>, vector<128x1xf32>
    %sub3A_163 = arith.subf %get3A_156, %get3A_1 : vector<128x64xf32>
    %mul3A_164 = arith.mulf %sub3A_163, %sub3A_163 : vector<128x64xf32>
    %reduce_sum3A_165 = arith.constant dense<0.000000e+00> : vector<128xf32>
    %reduce_sum3A_166 = vector.multi_reduction <add>, %mul3A_164, %reduce_sum3A_165 [1] : vector<128x64xf32> to vector<128xf32>
    %broadcast_in_dim3A_167 = vector.shape_cast %reduce_sum3A_166 : vector<128xf32> to vector<128x1xf32>
    %add3A_168 = arith.constant 9.99999996E-13 : f32
    %add3A_169 = vector.broadcast %add3A_168 : f32 to vector<128x1xf32>
    %add3A_170 = arith.addf %broadcast_in_dim3A_167, %add3A_169 : vector<128x1xf32>
    %sqrt3A_171 = math.sqrt %add3A_170 : vector<128x1xf32>
    %div3A_172 = arith.constant 1.000000e+00 : f32
    %div3A_173 = vector.broadcast %div3A_172 : f32 to vector<128x1xf32>
    %div3A_174 = arith.divf %div3A_173, %get3A_4 : vector<128x1xf32>
    %div3A_175 = arith.constant 1.000000e+00 : f32
    %div3A_176 = vector.broadcast %div3A_175 : f32 to vector<128x1xf32>
    %div3A_177 = arith.divf %div3A_176, %get3A_159 : vector<128x1xf32>
    %add3A_178 = arith.addf %div3A_174, %div3A_177 : vector<128x1xf32>
    %mul3A_179 = arith.mulf %sqrt3A_171, %add3A_178 : vector<128x1xf32>
    %get3A_180 = arith.constant 0 : index
    %get3A_181 = arith.constant 0 : index
    %get3A_182 = vector.load %arg9[%get3A_180, %get3A_181] : memref<128x128xf32, #tpu.memory_space<vmem>>, vector<128x64xf32>
    %get3A_183 = arith.constant 0 : index
    %get3A_184 = arith.constant 64 : index
    %get3A_185 = vector.load %arg9[%get3A_183, %get3A_184] : memref<128x128xf32, #tpu.memory_space<vmem>>, vector<128x1xf32>
    %get3A_186 = arith.constant 0 : index
    %get3A_187 = arith.constant 65 : index
    %get3A_188 = vector.load %arg9[%get3A_186, %get3A_187] : memref<128x128xf32, #tpu.memory_space<vmem>>, vector<128x1xf32>
    %sub3A_189 = arith.subf %get3A_182, %get3A_1 : vector<128x64xf32>
    %mul3A_190 = arith.mulf %sub3A_189, %sub3A_189 : vector<128x64xf32>
    %reduce_sum3A_191 = arith.constant dense<0.000000e+00> : vector<128xf32>
    %reduce_sum3A_192 = vector.multi_reduction <add>, %mul3A_190, %reduce_sum3A_191 [1] : vector<128x64xf32> to vector<128xf32>
    %broadcast_in_dim3A_193 = vector.shape_cast %reduce_sum3A_192 : vector<128xf32> to vector<128x1xf32>
    %add3A_194 = arith.constant 9.99999996E-13 : f32
    %add3A_195 = vector.broadcast %add3A_194 : f32 to vector<128x1xf32>
    %add3A_196 = arith.addf %broadcast_in_dim3A_193, %add3A_195 : vector<128x1xf32>
    %sqrt3A_197 = math.sqrt %add3A_196 : vector<128x1xf32>
    %div3A_198 = arith.constant 1.000000e+00 : f32
    %div3A_199 = vector.broadcast %div3A_198 : f32 to vector<128x1xf32>
    %div3A_200 = arith.divf %div3A_199, %get3A_4 : vector<128x1xf32>
    %div3A_201 = arith.constant 1.000000e+00 : f32
    %div3A_202 = vector.broadcast %div3A_201 : f32 to vector<128x1xf32>
    %div3A_203 = arith.divf %div3A_202, %get3A_185 : vector<128x1xf32>
    %add3A_204 = arith.addf %div3A_200, %div3A_203 : vector<128x1xf32>
    %mul3A_205 = arith.mulf %sqrt3A_197, %add3A_204 : vector<128x1xf32>
    %concatenate3A = tpu.concatenate %mul3A_23, %mul3A_49, %mul3A_75, %mul3A_101, %mul3A_127, %mul3A_153, %mul3A_179, %mul3A_205 in 1 : vector<128x1xf32>, vector<128x1xf32>, vector<128x1xf32>, vector<128x1xf32>, vector<128x1xf32>, vector<128x1xf32>, vector<128x1xf32>, vector<128x1xf32> -> vector<128x8xf32>
    %concatenate3A_206 = tpu.concatenate %get3A_13, %get3A_32, %get3A_58, %get3A_84, %get3A_110, %get3A_136, %get3A_162, %get3A_188 in 1 : vector<128x1xf32>, vector<128x1xf32>, vector<128x1xf32>, vector<128x1xf32>, vector<128x1xf32>, vector<128x1xf32>, vector<128x1xf32>, vector<128x1xf32> -> vector<128x8xf32>
    %reduce_max3A = arith.constant dense<0xFF800000> : vector<128xf32>
    %reduce_max3A_207 = vector.multi_reduction <maximumf>, %concatenate3A, %reduce_max3A [1] : vector<128x8xf32> to vector<128xf32>
    %broadcast_in_dim3A_208 = vector.shape_cast %reduce_max3A_207 : vector<128xf32> to vector<128x1xf32>
    %iota3A = tpu.iota {dimensions = array<i32: 1>} : vector<128x8xi32>
    %eq3A = vector.broadcast %broadcast_in_dim3A_208 : vector<128x1xf32> to vector<128x8xf32>
    %eq3A_209 = arith.cmpf oeq, %concatenate3A, %eq3A : vector<128x8xf32>
    %jit3A = arith.constant 99 : i32
    %broadcast_in_dim3A_210 = vector.broadcast %jit3A : i32 to vector<128x8xi32>
    %select_n3A = arith.select %eq3A_209, %iota3A, %broadcast_in_dim3A_210 : vector<128x8xi1>, vector<128x8xi32>
    %reduce_min3A = arith.constant dense<2147483647> : vector<128xi32>
    %reduce_min3A_211 = vector.multi_reduction <minsi>, %select_n3A, %reduce_min3A [1] : vector<128x8xi32> to vector<128xi32>
    %broadcast_in_dim3A_212 = vector.shape_cast %reduce_min3A_211 : vector<128xi32> to vector<128x1xi32>
    %eq3A_213 = vector.broadcast %broadcast_in_dim3A_212 : vector<128x1xi32> to vector<128x8xi32>
    %eq3A_214 = arith.cmpi eq, %iota3A, %eq3A_213 : vector<128x8xi32>
    %jit3A_215 = arith.constant 0.000000e+00 : f32
    %broadcast_in_dim3A_216 = vector.broadcast %jit3A_215 : f32 to vector<128x8xf32>
    %select_n3A_217 = arith.select %eq3A_214, %concatenate3A_206, %broadcast_in_dim3A_216 : vector<128x8xi1>, vector<128x8xf32>
    %reduce_sum3A_218 = arith.constant dense<0.000000e+00> : vector<128xf32>
    %reduce_sum3A_219 = vector.multi_reduction <add>, %select_n3A_217, %reduce_sum3A_218 [1] : vector<128x8xf32> to vector<128xf32>
    %broadcast_in_dim3A_220 = vector.shape_cast %reduce_sum3A_219 : vector<128xf32> to vector<128x1xf32>
    %broadcast_in_dim3A_221 = vector.shape_cast %broadcast_in_dim3A_220 : vector<128x1xf32> to vector<128x1xf32>
    %broadcast_in_dim3A_222 = vector.broadcast %broadcast_in_dim3A_221 : vector<128x1xf32> to vector<128x128xf32>
    %swap3A = arith.constant 0 : index
    %swap3A_223 = arith.constant 0 : index
    %swap3A_224 = vector.load %arg10[%swap3A, %swap3A_223] : memref<128x128xf32, #tpu.memory_space<vmem>>, vector<128x128xf32>
    tpu.vector_store %arg10[%swap3A, %swap3A_223], %broadcast_in_dim3A_222 {strides = array<i32>} : memref<128x128xf32, #tpu.memory_space<vmem>>, vector<128x128xf32>,
    return
  }
  func.func @transform_0(%arg0: i32) -> (i32, i32) {
    %c0_i32 = arith.constant 0 : i32
    %c0_i32_0 = arith.constant 0 : i32
    return %arg0, %c0_i32 : i32, i32
  }
  func.func @transform_1(%arg0: i32) -> (i32, i32) {
    %add3A = arith.constant 0 : i32
    %add3A_0 = arith.addi %add3A, %arg0 : i32
    %c0_i32 = arith.constant 0 : i32
    %c0_i32_1 = arith.constant 0 : i32
    return %add3A_0, %c0_i32 : i32, i32
  }
  func.func @transform_2(%arg0: i32) -> (i32, i32) {
    %add3A = arith.constant 80 : i32
    %add3A_0 = arith.addi %add3A, %arg0 : i32
    %c0_i32 = arith.constant 0 : i32
    %c0_i32_1 = arith.constant 0 : i32
    return %add3A_0, %c0_i32 : i32, i32
  }
  func.func @transform_3(%arg0: i32) -> (i32, i32) {
    %add3A = arith.constant 160 : i32
    %add3A_0 = arith.addi %add3A, %arg0 : i32
    %c0_i32 = arith.constant 0 : i32
    %c0_i32_1 = arith.constant 0 : i32
    return %add3A_0, %c0_i32 : i32, i32
  }
  func.func @transform_4(%arg0: i32) -> (i32, i32) {
    %add3A = arith.constant 240 : i32
    %add3A_0 = arith.addi %add3A, %arg0 : i32
    %c0_i32 = arith.constant 0 : i32
    %c0_i32_1 = arith.constant 0 : i32
    return %add3A_0, %c0_i32 : i32, i32
  }
  func.func @transform_5(%arg0: i32) -> (i32, i32) {
    %add3A = arith.constant 320 : i32
    %add3A_0 = arith.addi %add3A, %arg0 : i32
    %c0_i32 = arith.constant 0 : i32
    %c0_i32_1 = arith.constant 0 : i32
    return %add3A_0, %c0_i32 : i32, i32
  }
  func.func @transform_6(%arg0: i32) -> (i32, i32) {
    %add3A = arith.constant 400 : i32
    %add3A_0 = arith.addi %add3A, %arg0 : i32
    %c0_i32 = arith.constant 0 : i32
    %c0_i32_1 = arith.constant 0 : i32
    return %add3A_0, %c0_i32 : i32, i32
  }
  func.func @transform_7(%arg0: i32) -> (i32, i32) {
    %add3A = arith.constant 480 : i32
    %add3A_0 = arith.addi %add3A, %arg0 : i32
    %c0_i32 = arith.constant 0 : i32
    %c0_i32_1 = arith.constant 0 : i32
    return %add3A_0, %c0_i32 : i32, i32
  }
  func.func @transform_8(%arg0: i32) -> (i32, i32) {
    %add3A = arith.constant 560 : i32
    %add3A_0 = arith.addi %add3A, %arg0 : i32
    %c0_i32 = arith.constant 0 : i32
    %c0_i32_1 = arith.constant 0 : i32
    return %add3A_0, %c0_i32 : i32, i32
  }
  func.func @transform_9(%arg0: i32) -> (i32, i32) {
    %c0_i32 = arith.constant 0 : i32
    %c0_i32_0 = arith.constant 0 : i32
    return %arg0, %c0_i32 : i32, i32
  }
}

module attributes {stable_mosaic.version = 14 : i64} {
  func.func @_grac2_body(%arg0: i32, %arg1: memref<128x128xf32, #tpu.memory_space<vmem>>, %arg2: memref<128x128xf32, #tpu.memory_space<vmem>>, %arg3: memref<128x128xf32, #tpu.memory_space<vmem>>) attributes {dimension_semantics = [#tpu.dimension_semantics<arbitrary>], iteration_bounds = array<i64: 80>, scalar_prefetch = 0 : i64, scratch_operands = 0 : i64, tpu.core_type = #tpu.core_type<tc>, window_params = [{transform_indices = @transform_0, window_bounds = array<i64: 128, 128>}, {transform_indices = @transform_1, window_bounds = array<i64: 128, 128>}, {transform_indices = @transform_2, window_bounds = array<i64: 128, 128>}]} {
    %get3A = arith.constant 0 : index
    %get3A_0 = arith.constant 0 : index
    %get3A_1 = vector.load %arg1[%get3A, %get3A_0] : memref<128x128xf32, #tpu.memory_space<vmem>>, vector<128x64xf32>
    %get3A_2 = arith.constant 0 : index
    %get3A_3 = arith.constant 64 : index
    %get3A_4 = vector.load %arg1[%get3A_2, %get3A_3] : memref<128x128xf32, #tpu.memory_space<vmem>>, vector<128x1xf32>
    %get3A_5 = arith.constant 0 : index
    %get3A_6 = arith.constant 65 : index
    %get3A_7 = vector.load %arg1[%get3A_5, %get3A_6] : memref<128x128xf32, #tpu.memory_space<vmem>>, vector<128x1xf32>
    %get3A_8 = arith.constant 0 : index
    %get3A_9 = arith.constant 0 : index
    %get3A_10 = vector.load %arg2[%get3A_8, %get3A_9] : memref<128x128xf32, #tpu.memory_space<vmem>>, vector<128x64xf32>
    %get3A_11 = arith.constant 0 : index
    %get3A_12 = arith.constant 64 : index
    %get3A_13 = vector.load %arg2[%get3A_11, %get3A_12] : memref<128x128xf32, #tpu.memory_space<vmem>>, vector<128x1xf32>
    %get3A_14 = arith.constant 0 : index
    %get3A_15 = arith.constant 65 : index
    %get3A_16 = vector.load %arg2[%get3A_14, %get3A_15] : memref<128x128xf32, #tpu.memory_space<vmem>>, vector<128x1xf32>
    %iota3A = tpu.iota {dimensions = array<i32: 0>} : vector<128x1xi32>
    %mul3A = arith.constant 128 : i32
    %mul3A_17 = arith.muli %arg0, %mul3A : i32
    %add3A = vector.broadcast %mul3A_17 : i32 to vector<128x1xi32>
    %add3A_18 = arith.addi %iota3A, %add3A : vector<128x1xi32>
    %convert_element_type3A = arith.sitofp %add3A_18 : vector<128x1xi32> to vector<128x1xf32>
    %lt3A = arith.constant 1.000000e+04 : f32
    %lt3A_19 = vector.broadcast %lt3A : f32 to vector<128x1xf32>
    %lt3A_20 = arith.cmpf olt, %convert_element_type3A, %lt3A_19 : vector<128x1xf32>
    %eq3A = arith.cmpf oeq, %get3A_13, %convert_element_type3A : vector<128x1xf32>
    %and3A = arith.andi %eq3A, %lt3A_20 : vector<128x1xi1>
    %lt3A_21 = arith.cmpf olt, %get3A_4, %convert_element_type3A : vector<128x1xf32>
    %and3A_22 = arith.andi %and3A, %lt3A_21 : vector<128x1xi1>
    %not3A = arith.constant dense<true> : vector<128x1xi1>
    %not3A_23 = arith.xori %and3A_22, %not3A : vector<128x1xi1>
    %and3A_24 = arith.andi %not3A_23, %lt3A_20 : vector<128x1xi1>
    %max3A = arith.maximumf %get3A_1, %get3A_10 : vector<128x64xf32>
    %broadcast_in_dim3A = vector.shape_cast %and3A : vector<128x1xi1> to vector<128x1xi1>
    %broadcast_in_dim3A_25 = vector.broadcast %broadcast_in_dim3A : vector<128x1xi1> to vector<128x64xi1>
    %select_n3A = arith.select %broadcast_in_dim3A_25, %max3A, %get3A_1 : vector<128x64xi1>, vector<128x64xf32>
    %jit3A = arith.constant 0.000000e+00 : f32
    %broadcast_in_dim3A_26 = vector.shape_cast %and3A_24 : vector<128x1xi1> to vector<128x1xi1>
    %broadcast_in_dim3A_27 = vector.broadcast %broadcast_in_dim3A_26 : vector<128x1xi1> to vector<128x64xi1>
    %broadcast_in_dim3A_28 = vector.broadcast %jit3A : f32 to vector<128x64xf32>
    %select_n3A_29 = arith.select %broadcast_in_dim3A_27, %select_n3A, %broadcast_in_dim3A_28 : vector<128x64xi1>, vector<128x64xf32>
    %max3A_30 = arith.maximumf %get3A_7, %get3A_16 : vector<128x1xf32>
    %select_n3A_31 = arith.select %and3A, %max3A_30, %get3A_7 : vector<128x1xi1>, vector<128x1xf32>
    %jit3A_32 = arith.constant 0.000000e+00 : f32
    %broadcast_in_dim3A_33 = vector.broadcast %jit3A_32 : f32 to vector<128x1xf32>
    %select_n3A_34 = arith.select %and3A_24, %select_n3A_31, %broadcast_in_dim3A_33 : vector<128x1xi1>, vector<128x1xf32>
    %jit3A_35 = arith.constant 1.000000e+00 : f32
    %jit3A_36 = arith.constant 0.000000e+00 : f32
    %broadcast_in_dim3A_37 = vector.broadcast %jit3A_35 : f32 to vector<128x1xf32>
    %broadcast_in_dim3A_38 = vector.broadcast %jit3A_36 : f32 to vector<128x1xf32>
    %select_n3A_39 = arith.select %and3A_24, %broadcast_in_dim3A_37, %broadcast_in_dim3A_38 : vector<128x1xi1>, vector<128x1xf32>
    %add3A_40 = arith.constant 1.000000e+03 : f32
    %add3A_41 = vector.broadcast %add3A_40 : f32 to vector<128x1xf32>
    %add3A_42 = arith.addf %add3A_41, %convert_element_type3A : vector<128x1xf32>
    %select_n3A_43 = arith.select %and3A_24, %select_n3A_34, %add3A_42 : vector<128x1xi1>, vector<128x1xf32>
    %broadcast_in_dim3A_44 = arith.constant 0.000000e+00 : f32
    %broadcast_in_dim3A_45 = vector.broadcast %broadcast_in_dim3A_44 : f32 to vector<128x61xf32>
    %concatenate3A = tpu.concatenate %select_n3A_29, %select_n3A_39, %select_n3A_34, %select_n3A_43, %broadcast_in_dim3A_45 in 1 : vector<128x64xf32>, vector<128x1xf32>, vector<128x1xf32>, vector<128x1xf32>, vector<128x61xf32> -> vector<128x128xf32>
    %swap3A = arith.constant 0 : index
    %swap3A_46 = arith.constant 0 : index
    %swap3A_47 = vector.load %arg3[%swap3A, %swap3A_46] : memref<128x128xf32, #tpu.memory_space<vmem>>, vector<128x128xf32>
    tpu.vector_store %arg3[%swap3A, %swap3A_46], %concatenate3A {strides = array<i32>} : memref<128x128xf32, #tpu.memory_space<vmem>>, vector<128x128xf32>,
    return
  }
  func.func @transform_0(%arg0: i32) -> (i32, i32) {
    %c0_i32 = arith.constant 0 : i32
    %c0_i32_0 = arith.constant 0 : i32
    return %arg0, %c0_i32 : i32, i32
  }
  func.func @transform_1(%arg0: i32) -> (i32, i32) {
    %c0_i32 = arith.constant 0 : i32
    %c0_i32_0 = arith.constant 0 : i32
    return %arg0, %c0_i32 : i32, i32
  }
  func.func @transform_2(%arg0: i32) -> (i32, i32) {
    %c0_i32 = arith.constant 0 : i32
    %c0_i32_0 = arith.constant 0 : i32
    return %arg0, %c0_i32 : i32, i32
  }
}

module attributes {stable_mosaic.version = 14 : i64} {
  func.func @_knn_body(%arg0: i32, %arg1: memref<128x128xf32, #tpu.memory_space<vmem>>, %arg2: memref<10240x128xf32, #tpu.memory_space<vmem>>, %arg3: memref<8x10240xf32, #tpu.memory_space<vmem>>, %arg4: memref<128x128xi32, #tpu.memory_space<vmem>>, %arg5: memref<8x10240xf32, #tpu.memory_space<vmem>>) attributes {dimension_semantics = [#tpu.dimension_semantics<arbitrary>], iteration_bounds = array<i64: 80>, scalar_prefetch = 0 : i64, scratch_operands = 0 : i64, tpu.core_type = #tpu.core_type<tc>, window_params = [{transform_indices = @transform_0, window_bounds = array<i64: 128, 128>}, {pipeline_mode = #tpu.pipeline_mode<synchronous>, transform_indices = @transform_1, window_bounds = array<i64: 10240, 128>}, {pipeline_mode = #tpu.pipeline_mode<synchronous>, transform_indices = @transform_2, window_bounds = array<i64: 8, 10240>}, {transform_indices = @transform_3, window_bounds = array<i64: 128, 128>}, {pipeline_mode = #tpu.pipeline_mode<synchronous>, transform_indices = @transform_4, window_bounds = array<i64: 8, 10240>}]} {
    %get3A = arith.constant 0 : index
    %get3A_0 = arith.constant 0 : index
    %get3A_1 = vector.load %arg1[%get3A, %get3A_0] : memref<128x128xf32, #tpu.memory_space<vmem>>, vector<128x64xf32>
    %get3A_2 = arith.constant 0 : index
    %get3A_3 = arith.constant 66 : index
    %get3A_4 = vector.load %arg1[%get3A_2, %get3A_3] : memref<128x128xf32, #tpu.memory_space<vmem>>, vector<128x1xf32>
    %get3A_5 = arith.constant 0 : index
    %get3A_6 = arith.constant 0 : index
    %get3A_7 = vector.load %arg2[%get3A_5, %get3A_6] : memref<10240x128xf32, #tpu.memory_space<vmem>>, vector<10240x64xf32>
    %get3A_8 = arith.constant 0 : index
    %get3A_9 = arith.constant 0 : index
    %get3A_10 = vector.load %arg3[%get3A_8, %get3A_9] : memref<8x10240xf32, #tpu.memory_space<vmem>>, vector<1x10240xf32>
    %mul3A = arith.mulf %get3A_1, %get3A_1 : vector<128x64xf32>
    %reduce_sum3A = arith.constant dense<0.000000e+00> : vector<128xf32>
    %reduce_sum3A_11 = vector.multi_reduction <add>, %mul3A, %reduce_sum3A [1] : vector<128x64xf32> to vector<128xf32>
    %broadcast_in_dim3A = vector.shape_cast %reduce_sum3A_11 : vector<128xf32> to vector<128x1xf32>
    %broadcast_in_dim3A_12 = arith.constant 1.000000e+00 : f32
    %broadcast_in_dim3A_13 = vector.broadcast %broadcast_in_dim3A_12 : f32 to vector<8x64xf32>
    %mul3A_14 = arith.mulf %get3A_7, %get3A_7 : vector<10240x64xf32>
    %dot_general3A = arith.constant dense<0.000000e+00> : vector<8x10240xf32>
    %dot_general3A_15 = tpu.matmul %broadcast_in_dim3A_13, %mul3A_14, %dot_general3A {dimension_numbers = #tpu.dot_dimension_numbers<[1], [1], [0], [0], [0, 0, 1, 0], [], []>, transpose_lhs_hint = false} : vector<8x64xf32>, vector<10240x64xf32>, vector<8x10240xf32> -> vector<8x10240xf32>
    %slice3A = vector.extract_strided_slice %dot_general3A_15 {offsets = [0, 0], sizes = [1, 10240], strides = [1, 1]} : vector<8x10240xf32> to vector<1x10240xf32>
    %add3A = vector.broadcast %broadcast_in_dim3A : vector<128x1xf32> to vector<128x10240xf32>
    %add3A_16 = vector.broadcast %slice3A : vector<1x10240xf32> to vector<128x10240xf32>
    %add3A_17 = arith.addf %add3A, %add3A_16 : vector<128x10240xf32>
    %dot_general3A_18 = arith.constant dense<0.000000e+00> : vector<128x10240xf32>
    %dot_general3A_19 = tpu.matmul %get3A_1, %get3A_7, %dot_general3A_18 {dimension_numbers = #tpu.dot_dimension_numbers<[1], [1], [0], [0], [0, 0, 1, 0], [], []>, transpose_lhs_hint = false} : vector<128x64xf32>, vector<10240x64xf32>, vector<128x10240xf32> -> vector<128x10240xf32>
    %mul3A_20 = arith.constant 2.000000e+00 : f32
    %mul3A_21 = vector.broadcast %mul3A_20 : f32 to vector<128x10240xf32>
    %mul3A_22 = arith.mulf %mul3A_21, %dot_general3A_19 : vector<128x10240xf32>
    %sub3A = arith.subf %add3A_17, %mul3A_22 : vector<128x10240xf32>
    %iota3A = tpu.iota {dimensions = array<i32: 0>} : vector<128x1xi32>
    %mul3A_23 = arith.constant 128 : i32
    %mul3A_24 = arith.muli %arg0, %mul3A_23 : i32
    %add3A_25 = vector.broadcast %mul3A_24 : i32 to vector<128x1xi32>
    %add3A_26 = arith.addi %iota3A, %add3A_25 : vector<128x1xi32>
    %iota3A_27 = tpu.iota {dimensions = array<i32: 1>} : vector<1x10240xi32>
    %ne3A = vector.broadcast %get3A_4 : vector<128x1xf32> to vector<128x10240xf32>
    %ne3A_28 = vector.broadcast %get3A_10 : vector<1x10240xf32> to vector<128x10240xf32>
    %ne3A_29 = arith.cmpf one, %ne3A, %ne3A_28 : vector<128x10240xf32>
    %eq3A = vector.broadcast %add3A_26 : vector<128x1xi32> to vector<128x10240xi32>
    %eq3A_30 = vector.broadcast %iota3A_27 : vector<1x10240xi32> to vector<128x10240xi32>
    %eq3A_31 = arith.cmpi eq, %eq3A, %eq3A_30 : vector<128x10240xi32>
    %or3A = arith.ori %ne3A_29, %eq3A_31 : vector<128x10240xi1>
    %jit3A = arith.constant 9.99999984E+17 : f32
    %broadcast_in_dim3A_32 = vector.broadcast %jit3A : f32 to vector<128x10240xf32>
    %select_n3A = arith.select %or3A, %broadcast_in_dim3A_32, %sub3A : vector<128x10240xi1>, vector<128x10240xf32>
    %iota3A_33 = tpu.iota {dimensions = array<i32: 1>} : vector<128x10240xi32>
    %reduce_min3A = arith.constant dense<0x7F800000> : vector<128xf32>
    %reduce_min3A_34 = vector.multi_reduction <minimumf>, %select_n3A, %reduce_min3A [1] : vector<128x10240xf32> to vector<128xf32>
    %broadcast_in_dim3A_35 = vector.shape_cast %reduce_min3A_34 : vector<128xf32> to vector<128x1xf32>
    %eq3A_36 = vector.broadcast %broadcast_in_dim3A_35 : vector<128x1xf32> to vector<128x10240xf32>
    %eq3A_37 = arith.cmpf oeq, %select_n3A, %eq3A_36 : vector<128x10240xf32>
    %jit3A_38 = arith.constant 1073741824 : i32
    %broadcast_in_dim3A_39 = vector.broadcast %jit3A_38 : i32 to vector<128x10240xi32>
    %select_n3A_40 = arith.select %eq3A_37, %iota3A_33, %broadcast_in_dim3A_39 : vector<128x10240xi1>, vector<128x10240xi32>
    %reduce_min3A_41 = arith.constant dense<2147483647> : vector<128xi32>
    %reduce_min3A_42 = vector.multi_reduction <minsi>, %select_n3A_40, %reduce_min3A_41 [1] : vector<128x10240xi32> to vector<128xi32>
    %broadcast_in_dim3A_43 = vector.shape_cast %reduce_min3A_42 : vector<128xi32> to vector<128x1xi32>
    %swap3A = arith.constant 0 : index
    %swap3A_44 = arith.constant 0 : index
    %swap3A_45 = vector.load %arg4[%swap3A, %swap3A_44] : memref<128x128xi32, #tpu.memory_space<vmem>>, vector<128x1xi32>
    tpu.vector_store %arg4[%swap3A, %swap3A_44], %broadcast_in_dim3A_43 {strides = array<i32>} : memref<128x128xi32, #tpu.memory_space<vmem>>, vector<128x1xi32>,
    %eq3A_46 = vector.broadcast %broadcast_in_dim3A_43 : vector<128x1xi32> to vector<128x10240xi32>
    %eq3A_47 = arith.cmpi eq, %iota3A_33, %eq3A_46 : vector<128x10240xi32>
    %jit3A_48 = arith.constant 0x7F800000 : f32
    %broadcast_in_dim3A_49 = vector.broadcast %jit3A_48 : f32 to vector<128x10240xf32>
    %select_n3A_50 = arith.select %eq3A_47, %broadcast_in_dim3A_49, %select_n3A : vector<128x10240xi1>, vector<128x10240xf32>
    %reduce_min3A_51 = arith.constant dense<0x7F800000> : vector<128xf32>
    %reduce_min3A_52 = vector.multi_reduction <minimumf>, %select_n3A_50, %reduce_min3A_51 [1] : vector<128x10240xf32> to vector<128xf32>
    %broadcast_in_dim3A_53 = vector.shape_cast %reduce_min3A_52 : vector<128xf32> to vector<128x1xf32>
    %eq3A_54 = vector.broadcast %broadcast_in_dim3A_53 : vector<128x1xf32> to vector<128x10240xf32>
    %eq3A_55 = arith.cmpf oeq, %select_n3A_50, %eq3A_54 : vector<128x10240xf32>
    %jit3A_56 = arith.constant 1073741824 : i32
    %broadcast_in_dim3A_57 = vector.broadcast %jit3A_56 : i32 to vector<128x10240xi32>
    %select_n3A_58 = arith.select %eq3A_55, %iota3A_33, %broadcast_in_dim3A_57 : vector<128x10240xi1>, vector<128x10240xi32>
    %reduce_min3A_59 = arith.constant dense<2147483647> : vector<128xi32>
    %reduce_min3A_60 = vector.multi_reduction <minsi>, %select_n3A_58, %reduce_min3A_59 [1] : vector<128x10240xi32> to vector<128xi32>
    %broadcast_in_dim3A_61 = vector.shape_cast %reduce_min3A_60 : vector<128xi32> to vector<128x1xi32>
    %swap3A_62 = arith.constant 0 : index
    %swap3A_63 = arith.constant 1 : index
    %swap3A_64 = vector.load %arg4[%swap3A_62, %swap3A_63] : memref<128x128xi32, #tpu.memory_space<vmem>>, vector<128x1xi32>
    tpu.vector_store %arg4[%swap3A_62, %swap3A_63], %broadcast_in_dim3A_61 {strides = array<i32>} : memref<128x128xi32, #tpu.memory_space<vmem>>, vector<128x1xi32>,
    %eq3A_65 = vector.broadcast %broadcast_in_dim3A_61 : vector<128x1xi32> to vector<128x10240xi32>
    %eq3A_66 = arith.cmpi eq, %iota3A_33, %eq3A_65 : vector<128x10240xi32>
    %jit3A_67 = arith.constant 0x7F800000 : f32
    %broadcast_in_dim3A_68 = vector.broadcast %jit3A_67 : f32 to vector<128x10240xf32>
    %select_n3A_69 = arith.select %eq3A_66, %broadcast_in_dim3A_68, %select_n3A_50 : vector<128x10240xi1>, vector<128x10240xf32>
    %reduce_min3A_70 = arith.constant dense<0x7F800000> : vector<128xf32>
    %reduce_min3A_71 = vector.multi_reduction <minimumf>, %select_n3A_69, %reduce_min3A_70 [1] : vector<128x10240xf32> to vector<128xf32>
    %broadcast_in_dim3A_72 = vector.shape_cast %reduce_min3A_71 : vector<128xf32> to vector<128x1xf32>
    %eq3A_73 = vector.broadcast %broadcast_in_dim3A_72 : vector<128x1xf32> to vector<128x10240xf32>
    %eq3A_74 = arith.cmpf oeq, %select_n3A_69, %eq3A_73 : vector<128x10240xf32>
    %jit3A_75 = arith.constant 1073741824 : i32
    %broadcast_in_dim3A_76 = vector.broadcast %jit3A_75 : i32 to vector<128x10240xi32>
    %select_n3A_77 = arith.select %eq3A_74, %iota3A_33, %broadcast_in_dim3A_76 : vector<128x10240xi1>, vector<128x10240xi32>
    %reduce_min3A_78 = arith.constant dense<2147483647> : vector<128xi32>
    %reduce_min3A_79 = vector.multi_reduction <minsi>, %select_n3A_77, %reduce_min3A_78 [1] : vector<128x10240xi32> to vector<128xi32>
    %broadcast_in_dim3A_80 = vector.shape_cast %reduce_min3A_79 : vector<128xi32> to vector<128x1xi32>
    %swap3A_81 = arith.constant 0 : index
    %swap3A_82 = arith.constant 2 : index
    %swap3A_83 = vector.load %arg4[%swap3A_81, %swap3A_82] : memref<128x128xi32, #tpu.memory_space<vmem>>, vector<128x1xi32>
    tpu.vector_store %arg4[%swap3A_81, %swap3A_82], %broadcast_in_dim3A_80 {strides = array<i32>} : memref<128x128xi32, #tpu.memory_space<vmem>>, vector<128x1xi32>,
    %eq3A_84 = vector.broadcast %broadcast_in_dim3A_80 : vector<128x1xi32> to vector<128x10240xi32>
    %eq3A_85 = arith.cmpi eq, %iota3A_33, %eq3A_84 : vector<128x10240xi32>
    %jit3A_86 = arith.constant 0x7F800000 : f32
    %broadcast_in_dim3A_87 = vector.broadcast %jit3A_86 : f32 to vector<128x10240xf32>
    %select_n3A_88 = arith.select %eq3A_85, %broadcast_in_dim3A_87, %select_n3A_69 : vector<128x10240xi1>, vector<128x10240xf32>
    %reduce_min3A_89 = arith.constant dense<0x7F800000> : vector<128xf32>
    %reduce_min3A_90 = vector.multi_reduction <minimumf>, %select_n3A_88, %reduce_min3A_89 [1] : vector<128x10240xf32> to vector<128xf32>
    %broadcast_in_dim3A_91 = vector.shape_cast %reduce_min3A_90 : vector<128xf32> to vector<128x1xf32>
    %eq3A_92 = vector.broadcast %broadcast_in_dim3A_91 : vector<128x1xf32> to vector<128x10240xf32>
    %eq3A_93 = arith.cmpf oeq, %select_n3A_88, %eq3A_92 : vector<128x10240xf32>
    %jit3A_94 = arith.constant 1073741824 : i32
    %broadcast_in_dim3A_95 = vector.broadcast %jit3A_94 : i32 to vector<128x10240xi32>
    %select_n3A_96 = arith.select %eq3A_93, %iota3A_33, %broadcast_in_dim3A_95 : vector<128x10240xi1>, vector<128x10240xi32>
    %reduce_min3A_97 = arith.constant dense<2147483647> : vector<128xi32>
    %reduce_min3A_98 = vector.multi_reduction <minsi>, %select_n3A_96, %reduce_min3A_97 [1] : vector<128x10240xi32> to vector<128xi32>
    %broadcast_in_dim3A_99 = vector.shape_cast %reduce_min3A_98 : vector<128xi32> to vector<128x1xi32>
    %swap3A_100 = arith.constant 0 : index
    %swap3A_101 = arith.constant 3 : index
    %swap3A_102 = vector.load %arg4[%swap3A_100, %swap3A_101] : memref<128x128xi32, #tpu.memory_space<vmem>>, vector<128x1xi32>
    tpu.vector_store %arg4[%swap3A_100, %swap3A_101], %broadcast_in_dim3A_99 {strides = array<i32>} : memref<128x128xi32, #tpu.memory_space<vmem>>, vector<128x1xi32>,
    %eq3A_103 = vector.broadcast %broadcast_in_dim3A_99 : vector<128x1xi32> to vector<128x10240xi32>
    %eq3A_104 = arith.cmpi eq, %iota3A_33, %eq3A_103 : vector<128x10240xi32>
    %jit3A_105 = arith.constant 0x7F800000 : f32
    %broadcast_in_dim3A_106 = vector.broadcast %jit3A_105 : f32 to vector<128x10240xf32>
    %select_n3A_107 = arith.select %eq3A_104, %broadcast_in_dim3A_106, %select_n3A_88 : vector<128x10240xi1>, vector<128x10240xf32>
    %reduce_min3A_108 = arith.constant dense<0x7F800000> : vector<128xf32>
    %reduce_min3A_109 = vector.multi_reduction <minimumf>, %select_n3A_107, %reduce_min3A_108 [1] : vector<128x10240xf32> to vector<128xf32>
    %broadcast_in_dim3A_110 = vector.shape_cast %reduce_min3A_109 : vector<128xf32> to vector<128x1xf32>
    %eq3A_111 = vector.broadcast %broadcast_in_dim3A_110 : vector<128x1xf32> to vector<128x10240xf32>
    %eq3A_112 = arith.cmpf oeq, %select_n3A_107, %eq3A_111 : vector<128x10240xf32>
    %jit3A_113 = arith.constant 1073741824 : i32
    %broadcast_in_dim3A_114 = vector.broadcast %jit3A_113 : i32 to vector<128x10240xi32>
    %select_n3A_115 = arith.select %eq3A_112, %iota3A_33, %broadcast_in_dim3A_114 : vector<128x10240xi1>, vector<128x10240xi32>
    %reduce_min3A_116 = arith.constant dense<2147483647> : vector<128xi32>
    %reduce_min3A_117 = vector.multi_reduction <minsi>, %select_n3A_115, %reduce_min3A_116 [1] : vector<128x10240xi32> to vector<128xi32>
    %broadcast_in_dim3A_118 = vector.shape_cast %reduce_min3A_117 : vector<128xi32> to vector<128x1xi32>
    %swap3A_119 = arith.constant 0 : index
    %swap3A_120 = arith.constant 4 : index
    %swap3A_121 = vector.load %arg4[%swap3A_119, %swap3A_120] : memref<128x128xi32, #tpu.memory_space<vmem>>, vector<128x1xi32>
    tpu.vector_store %arg4[%swap3A_119, %swap3A_120], %broadcast_in_dim3A_118 {strides = array<i32>} : memref<128x128xi32, #tpu.memory_space<vmem>>, vector<128x1xi32>,
    %eq3A_122 = vector.broadcast %broadcast_in_dim3A_118 : vector<128x1xi32> to vector<128x10240xi32>
    %eq3A_123 = arith.cmpi eq, %iota3A_33, %eq3A_122 : vector<128x10240xi32>
    %jit3A_124 = arith.constant 0x7F800000 : f32
    %broadcast_in_dim3A_125 = vector.broadcast %jit3A_124 : f32 to vector<128x10240xf32>
    %select_n3A_126 = arith.select %eq3A_123, %broadcast_in_dim3A_125, %select_n3A_107 : vector<128x10240xi1>, vector<128x10240xf32>
    %reduce_min3A_127 = arith.constant dense<0x7F800000> : vector<128xf32>
    %reduce_min3A_128 = vector.multi_reduction <minimumf>, %select_n3A_126, %reduce_min3A_127 [1] : vector<128x10240xf32> to vector<128xf32>
    %broadcast_in_dim3A_129 = vector.shape_cast %reduce_min3A_128 : vector<128xf32> to vector<128x1xf32>
    %eq3A_130 = vector.broadcast %broadcast_in_dim3A_129 : vector<128x1xf32> to vector<128x10240xf32>
    %eq3A_131 = arith.cmpf oeq, %select_n3A_126, %eq3A_130 : vector<128x10240xf32>
    %jit3A_132 = arith.constant 1073741824 : i32
    %broadcast_in_dim3A_133 = vector.broadcast %jit3A_132 : i32 to vector<128x10240xi32>
    %select_n3A_134 = arith.select %eq3A_131, %iota3A_33, %broadcast_in_dim3A_133 : vector<128x10240xi1>, vector<128x10240xi32>
    %reduce_min3A_135 = arith.constant dense<2147483647> : vector<128xi32>
    %reduce_min3A_136 = vector.multi_reduction <minsi>, %select_n3A_134, %reduce_min3A_135 [1] : vector<128x10240xi32> to vector<128xi32>
    %broadcast_in_dim3A_137 = vector.shape_cast %reduce_min3A_136 : vector<128xi32> to vector<128x1xi32>
    %swap3A_138 = arith.constant 0 : index
    %swap3A_139 = arith.constant 5 : index
    %swap3A_140 = vector.load %arg4[%swap3A_138, %swap3A_139] : memref<128x128xi32, #tpu.memory_space<vmem>>, vector<128x1xi32>
    tpu.vector_store %arg4[%swap3A_138, %swap3A_139], %broadcast_in_dim3A_137 {strides = array<i32>} : memref<128x128xi32, #tpu.memory_space<vmem>>, vector<128x1xi32>,
    %eq3A_141 = vector.broadcast %broadcast_in_dim3A_137 : vector<128x1xi32> to vector<128x10240xi32>
    %eq3A_142 = arith.cmpi eq, %iota3A_33, %eq3A_141 : vector<128x10240xi32>
    %jit3A_143 = arith.constant 0x7F800000 : f32
    %broadcast_in_dim3A_144 = vector.broadcast %jit3A_143 : f32 to vector<128x10240xf32>
    %select_n3A_145 = arith.select %eq3A_142, %broadcast_in_dim3A_144, %select_n3A_126 : vector<128x10240xi1>, vector<128x10240xf32>
    %reduce_min3A_146 = arith.constant dense<0x7F800000> : vector<128xf32>
    %reduce_min3A_147 = vector.multi_reduction <minimumf>, %select_n3A_145, %reduce_min3A_146 [1] : vector<128x10240xf32> to vector<128xf32>
    %broadcast_in_dim3A_148 = vector.shape_cast %reduce_min3A_147 : vector<128xf32> to vector<128x1xf32>
    %eq3A_149 = vector.broadcast %broadcast_in_dim3A_148 : vector<128x1xf32> to vector<128x10240xf32>
    %eq3A_150 = arith.cmpf oeq, %select_n3A_145, %eq3A_149 : vector<128x10240xf32>
    %jit3A_151 = arith.constant 1073741824 : i32
    %broadcast_in_dim3A_152 = vector.broadcast %jit3A_151 : i32 to vector<128x10240xi32>
    %select_n3A_153 = arith.select %eq3A_150, %iota3A_33, %broadcast_in_dim3A_152 : vector<128x10240xi1>, vector<128x10240xi32>
    %reduce_min3A_154 = arith.constant dense<2147483647> : vector<128xi32>
    %reduce_min3A_155 = vector.multi_reduction <minsi>, %select_n3A_153, %reduce_min3A_154 [1] : vector<128x10240xi32> to vector<128xi32>
    %broadcast_in_dim3A_156 = vector.shape_cast %reduce_min3A_155 : vector<128xi32> to vector<128x1xi32>
    %swap3A_157 = arith.constant 0 : index
    %swap3A_158 = arith.constant 6 : index
    %swap3A_159 = vector.load %arg4[%swap3A_157, %swap3A_158] : memref<128x128xi32, #tpu.memory_space<vmem>>, vector<128x1xi32>
    tpu.vector_store %arg4[%swap3A_157, %swap3A_158], %broadcast_in_dim3A_156 {strides = array<i32>} : memref<128x128xi32, #tpu.memory_space<vmem>>, vector<128x1xi32>,
    %eq3A_160 = vector.broadcast %broadcast_in_dim3A_156 : vector<128x1xi32> to vector<128x10240xi32>
    %eq3A_161 = arith.cmpi eq, %iota3A_33, %eq3A_160 : vector<128x10240xi32>
    %jit3A_162 = arith.constant 0x7F800000 : f32
    %broadcast_in_dim3A_163 = vector.broadcast %jit3A_162 : f32 to vector<128x10240xf32>
    %select_n3A_164 = arith.select %eq3A_161, %broadcast_in_dim3A_163, %select_n3A_145 : vector<128x10240xi1>, vector<128x10240xf32>
    %reduce_min3A_165 = arith.constant dense<0x7F800000> : vector<128xf32>
    %reduce_min3A_166 = vector.multi_reduction <minimumf>, %select_n3A_164, %reduce_min3A_165 [1] : vector<128x10240xf32> to vector<128xf32>
    %broadcast_in_dim3A_167 = vector.shape_cast %reduce_min3A_166 : vector<128xf32> to vector<128x1xf32>
    %eq3A_168 = vector.broadcast %broadcast_in_dim3A_167 : vector<128x1xf32> to vector<128x10240xf32>
    %eq3A_169 = arith.cmpf oeq, %select_n3A_164, %eq3A_168 : vector<128x10240xf32>
    %jit3A_170 = arith.constant 1073741824 : i32
    %broadcast_in_dim3A_171 = vector.broadcast %jit3A_170 : i32 to vector<128x10240xi32>
    %select_n3A_172 = arith.select %eq3A_169, %iota3A_33, %broadcast_in_dim3A_171 : vector<128x10240xi1>, vector<128x10240xi32>
    %reduce_min3A_173 = arith.constant dense<2147483647> : vector<128xi32>
    %reduce_min3A_174 = vector.multi_reduction <minsi>, %select_n3A_172, %reduce_min3A_173 [1] : vector<128x10240xi32> to vector<128xi32>
    %broadcast_in_dim3A_175 = vector.shape_cast %reduce_min3A_174 : vector<128xi32> to vector<128x1xi32>
    %swap3A_176 = arith.constant 0 : index
    %swap3A_177 = arith.constant 7 : index
    %swap3A_178 = vector.load %arg4[%swap3A_176, %swap3A_177] : memref<128x128xi32, #tpu.memory_space<vmem>>, vector<128x1xi32>
    tpu.vector_store %arg4[%swap3A_176, %swap3A_177], %broadcast_in_dim3A_175 {strides = array<i32>} : memref<128x128xi32, #tpu.memory_space<vmem>>, vector<128x1xi32>,
    %eq3A_179 = vector.broadcast %broadcast_in_dim3A_175 : vector<128x1xi32> to vector<128x10240xi32>
    %eq3A_180 = arith.cmpi eq, %iota3A_33, %eq3A_179 : vector<128x10240xi32>
    %jit3A_181 = arith.constant 0x7F800000 : f32
    %broadcast_in_dim3A_182 = vector.broadcast %jit3A_181 : f32 to vector<128x10240xf32>
    %select_n3A_183 = arith.select %eq3A_180, %broadcast_in_dim3A_182, %select_n3A_164 : vector<128x10240xi1>, vector<128x10240xf32>
    %abs3A = math.absf %select_n3A_183 : vector<128x10240xf32>
    %eq3A_184 = arith.constant 0x7F800000 : f32
    %eq3A_185 = vector.broadcast %eq3A_184 : f32 to vector<128x10240xf32>
    %eq3A_186 = arith.cmpf oeq, %abs3A, %eq3A_185 : vector<128x10240xf32>
    %lt3A = arith.constant 10000 : i32
    %lt3A_187 = vector.broadcast %lt3A : i32 to vector<128x1xi32>
    %lt3A_188 = arith.cmpi slt, %add3A_26, %lt3A_187 : vector<128x1xi32>
    %and3A = vector.broadcast %lt3A_188 : vector<128x1xi1> to vector<128x10240xi1>
    %and3A_189 = arith.andi %eq3A_186, %and3A : vector<128x10240xi1>
    %convert_element_type3A = arith.extui %and3A_189 : vector<128x10240xi1> to vector<128x10240xi32>
    %convert_element_type3A_190 = arith.sitofp %convert_element_type3A : vector<128x10240xi32> to vector<128x10240xf32>
    %reduce_sum3A_191 = arith.constant dense<0.000000e+00> : vector<10240xf32>
    %reduce_sum3A_192 = vector.multi_reduction <add>, %convert_element_type3A_190, %reduce_sum3A_191 [0] : vector<128x10240xf32> to vector<10240xf32>
    %broadcast_in_dim3A_193 = vector.shape_cast %reduce_sum3A_192 : vector<10240xf32> to vector<1x10240xf32>
    %eq3A_194 = arith.constant 0 : i32
    %eq3A_195 = arith.cmpi eq, %arg0, %eq3A_194 : i32
    %convert_element_type3A_196 = arith.extui %eq3A_195 : i1 to i32
    %cond3A = arith.constant 0 : i32
    %cond3A_197 = arith.cmpi ne, %convert_element_type3A_196, %cond3A : i32
    scf.if %cond3A_197 {
      %broadcast_in_dim3A_205 = arith.constant 8.000000e+00 : f32
      %broadcast_in_dim3A_206 = vector.broadcast %broadcast_in_dim3A_205 : f32 to vector<8x10240xf32>
      %swap3A_207 = arith.constant 0 : index
      %swap3A_208 = arith.constant 0 : index
      %swap3A_209 = vector.load %arg5[%swap3A_207, %swap3A_208] : memref<8x10240xf32, #tpu.memory_space<vmem>>, vector<8x10240xf32>
      tpu.vector_store %arg5[%swap3A_207, %swap3A_208], %broadcast_in_dim3A_206 {strides = array<i32>} : memref<8x10240xf32, #tpu.memory_space<vmem>>, vector<8x10240xf32>,
    } else {
    }
    %get3A_198 = arith.constant 0 : index
    %get3A_199 = arith.constant 0 : index
    %get3A_200 = vector.load %arg5[%get3A_198, %get3A_199] : memref<8x10240xf32, #tpu.memory_space<vmem>>, vector<1x10240xf32>
    %add3A_201 = arith.addf %get3A_200, %broadcast_in_dim3A_193 : vector<1x10240xf32>
    %swap3A_202 = arith.constant 0 : index
    %swap3A_203 = arith.constant 0 : index
    %swap3A_204 = vector.load %arg5[%swap3A_202, %swap3A_203] : memref<8x10240xf32, #tpu.memory_space<vmem>>, vector<1x10240xf32>
    tpu.vector_store %arg5[%swap3A_202, %swap3A_203], %add3A_201 {strides = array<i32>} : memref<8x10240xf32, #tpu.memory_space<vmem>>, vector<1x10240xf32>,
    return
  }
  func.func @transform_0(%arg0: i32) -> (i32, i32) {
    %c0_i32 = arith.constant 0 : i32
    %c0_i32_0 = arith.constant 0 : i32
    return %arg0, %c0_i32 : i32, i32
  }
  func.func @transform_1(%arg0: i32) -> (i32, i32) {
    %c0_i32 = arith.constant 0 : i32
    %c0_i32_0 = arith.constant 0 : i32
    %c0_i32_1 = arith.constant 0 : i32
    return %c0_i32, %c0_i32_0 : i32, i32
  }
  func.func @transform_2(%arg0: i32) -> (i32, i32) {
    %c0_i32 = arith.constant 0 : i32
    %c0_i32_0 = arith.constant 0 : i32
    %c0_i32_1 = arith.constant 0 : i32
    return %c0_i32, %c0_i32_0 : i32, i32
  }
  func.func @transform_3(%arg0: i32) -> (i32, i32) {
    %c0_i32 = arith.constant 0 : i32
    %c0_i32_0 = arith.constant 0 : i32
    return %arg0, %c0_i32 : i32, i32
  }
  func.func @transform_4(%arg0: i32) -> (i32, i32) {
    %c0_i32 = arith.constant 0 : i32
    %c0_i32_0 = arith.constant 0 : i32
    %c0_i32_1 = arith.constant 0 : i32
    return %c0_i32, %c0_i32_0 : i32, i32
  }
}

module attributes {stable_mosaic.version = 14 : i64} {
  func.func @_final_body(%arg0: i32, %arg1: memref<128x128xf32, #tpu.memory_space<vmem>>, %arg2: memref<128x64xf32, #tpu.memory_space<vmem>>, %arg3: memref<64x64xf32, #tpu.memory_space<vmem>>, %arg4: memref<1x64xf32, #tpu.memory_space<vmem>>, %arg5: memref<64x32xf32, #tpu.memory_space<vmem>>, %arg6: memref<1x32xf32, #tpu.memory_space<vmem>>, %arg7: memref<32x8xf32, #tpu.memory_space<vmem>>, %arg8: memref<1x8xf32, #tpu.memory_space<vmem>>, %arg9: memref<56x128xf32, #tpu.memory_space<vmem>>, %arg10: memref<56x64xf32, #tpu.memory_space<vmem>>) attributes {dimension_semantics = [#tpu.dimension_semantics<arbitrary>], iteration_bounds = array<i64: 80>, scalar_prefetch = 0 : i64, scratch_operands = 1 : i64, tpu.core_type = #tpu.core_type<tc>, window_params = [{transform_indices = @transform_0, window_bounds = array<i64: 128, 128>}, {transform_indices = @transform_1, window_bounds = array<i64: 128, 64>}, {pipeline_mode = #tpu.pipeline_mode<synchronous>, transform_indices = @transform_2, window_bounds = array<i64: 64, 64>}, {pipeline_mode = #tpu.pipeline_mode<synchronous>, transform_indices = @transform_3, window_bounds = array<i64: 1, 64>}, {pipeline_mode = #tpu.pipeline_mode<synchronous>, transform_indices = @transform_4, window_bounds = array<i64: 64, 32>}, {pipeline_mode = #tpu.pipeline_mode<synchronous>, transform_indices = @transform_5, window_bounds = array<i64: 1, 32>}, {pipeline_mode = #tpu.pipeline_mode<synchronous>, transform_indices = @transform_6, window_bounds = array<i64: 32, 8>}, {pipeline_mode = #tpu.pipeline_mode<synchronous>, transform_indices = @transform_7, window_bounds = array<i64: 1, 8>}, {pipeline_mode = #tpu.pipeline_mode<synchronous>, transform_indices = @transform_8, window_bounds = array<i64: 56, 128>}]} {
    %eq3A = arith.constant 0 : i32
    %eq3A_0 = arith.cmpi eq, %arg0, %eq3A : i32
    %convert_element_type3A = arith.extui %eq3A_0 : i1 to i32
    %cond3A = arith.constant 0 : i32
    %cond3A_1 = arith.cmpi ne, %convert_element_type3A, %cond3A : i32
    scf.if %cond3A_1 {
      %broadcast_in_dim3A_925 = arith.constant 0xFF800000 : f32
      %broadcast_in_dim3A_926 = vector.broadcast %broadcast_in_dim3A_925 : f32 to vector<56x64xf32>
      %swap3A_927 = arith.constant 0 : index
      %swap3A_928 = arith.constant 0 : index
      %swap3A_929 = vector.load %arg10[%swap3A_927, %swap3A_928] : memref<56x64xf32, #tpu.memory_space<vmem>>, vector<56x64xf32>
      tpu.vector_store %arg10[%swap3A_927, %swap3A_928], %broadcast_in_dim3A_926 {strides = array<i32>} : memref<56x64xf32, #tpu.memory_space<vmem>>, vector<56x64xf32>,
    } else {
    }
    %get3A = arith.constant 0 : index
    %get3A_2 = arith.constant 64 : index
    %get3A_3 = vector.load %arg1[%get3A, %get3A_2] : memref<128x128xf32, #tpu.memory_space<vmem>>, vector<128x1xf32>
    %get3A_4 = arith.constant 0 : index
    %get3A_5 = arith.constant 65 : index
    %get3A_6 = vector.load %arg1[%get3A_4, %get3A_5] : memref<128x128xf32, #tpu.memory_space<vmem>>, vector<128x1xf32>
    %iota3A = tpu.iota {dimensions = array<i32: 0>} : vector<128x1xi32>
    %mul3A = arith.constant 128 : i32
    %mul3A_7 = arith.muli %arg0, %mul3A : i32
    %add3A = vector.broadcast %mul3A_7 : i32 to vector<128x1xi32>
    %add3A_8 = arith.addi %iota3A, %add3A : vector<128x1xi32>
    %gt3A = arith.constant 5.000000e-01 : f32
    %gt3A_9 = vector.broadcast %gt3A : f32 to vector<128x1xf32>
    %gt3A_10 = arith.cmpf ogt, %get3A_3, %gt3A_9 : vector<128x1xf32>
    %get3A_11 = arith.constant 0 : index
    %get3A_12 = arith.constant 0 : index
    %get3A_13 = vector.load %arg2[%get3A_11, %get3A_12] : memref<128x64xf32, #tpu.memory_space<vmem>>, vector<128x64xf32>
    %jit3A = arith.constant -9.99999984E+17 : f32
    %broadcast_in_dim3A = vector.shape_cast %gt3A_10 : vector<128x1xi1> to vector<128x1xi1>
    %broadcast_in_dim3A_14 = vector.broadcast %broadcast_in_dim3A : vector<128x1xi1> to vector<128x64xi1>
    %broadcast_in_dim3A_15 = vector.broadcast %jit3A : f32 to vector<128x64xf32>
    %select_n3A = arith.select %broadcast_in_dim3A_14, %get3A_13, %broadcast_in_dim3A_15 : vector<128x64xi1>, vector<128x64xf32>
    %lt3A = arith.constant 10000 : i32
    %lt3A_16 = vector.broadcast %lt3A : i32 to vector<128x1xi32>
    %lt3A_17 = arith.cmpi slt, %add3A_8, %lt3A_16 : vector<128x1xi32>
    %jit3A_18 = arith.constant 0xFF800000 : f32
    %broadcast_in_dim3A_19 = vector.shape_cast %lt3A_17 : vector<128x1xi1> to vector<128x1xi1>
    %broadcast_in_dim3A_20 = vector.broadcast %broadcast_in_dim3A_19 : vector<128x1xi1> to vector<128x64xi1>
    %broadcast_in_dim3A_21 = vector.broadcast %jit3A_18 : f32 to vector<128x64xf32>
    %select_n3A_22 = arith.select %broadcast_in_dim3A_20, %select_n3A, %broadcast_in_dim3A_21 : vector<128x64xi1>, vector<128x64xf32>
    %eq3A_23 = arith.constant 0.000000e+00 : f32
    %eq3A_24 = vector.broadcast %eq3A_23 : f32 to vector<128x1xf32>
    %eq3A_25 = arith.cmpf oeq, %get3A_6, %eq3A_24 : vector<128x1xf32>
    %jit3A_26 = arith.constant 0xFF800000 : f32
    %broadcast_in_dim3A_27 = vector.shape_cast %eq3A_25 : vector<128x1xi1> to vector<128x1xi1>
    %broadcast_in_dim3A_28 = vector.broadcast %broadcast_in_dim3A_27 : vector<128x1xi1> to vector<128x64xi1>
    %broadcast_in_dim3A_29 = vector.broadcast %jit3A_26 : f32 to vector<128x64xf32>
    %select_n3A_30 = arith.select %broadcast_in_dim3A_28, %select_n3A_22, %broadcast_in_dim3A_29 : vector<128x64xi1>, vector<128x64xf32>
    %reduce_max3A = arith.constant dense<0xFF800000> : vector<64xf32>
    %reduce_max3A_31 = vector.multi_reduction <maximumf>, %select_n3A_30, %reduce_max3A [0] : vector<128x64xf32> to vector<64xf32>
    %broadcast_in_dim3A_32 = vector.shape_cast %reduce_max3A_31 : vector<64xf32> to vector<1x64xf32>
    %get3A_33 = arith.constant 0 : index
    %get3A_34 = arith.constant 0 : index
    %get3A_35 = vector.load %arg10[%get3A_33, %get3A_34] : memref<56x64xf32, #tpu.memory_space<vmem>>, vector<1x64xf32>
    %max3A = arith.maximumf %get3A_35, %broadcast_in_dim3A_32 : vector<1x64xf32>
    %swap3A = arith.constant 0 : index
    %swap3A_36 = arith.constant 0 : index
    %swap3A_37 = vector.load %arg10[%swap3A, %swap3A_36] : memref<56x64xf32, #tpu.memory_space<vmem>>, vector<1x64xf32>
    tpu.vector_store %arg10[%swap3A, %swap3A_36], %max3A {strides = array<i32>} : memref<56x64xf32, #tpu.memory_space<vmem>>, vector<1x64xf32>,
    %eq3A_38 = arith.constant 1.000000e+00 : f32
    %eq3A_39 = vector.broadcast %eq3A_38 : f32 to vector<128x1xf32>
    %eq3A_40 = arith.cmpf oeq, %get3A_6, %eq3A_39 : vector<128x1xf32>
    %jit3A_41 = arith.constant 0xFF800000 : f32
    %broadcast_in_dim3A_42 = vector.shape_cast %eq3A_40 : vector<128x1xi1> to vector<128x1xi1>
    %broadcast_in_dim3A_43 = vector.broadcast %broadcast_in_dim3A_42 : vector<128x1xi1> to vector<128x64xi1>
    %broadcast_in_dim3A_44 = vector.broadcast %jit3A_41 : f32 to vector<128x64xf32>
    %select_n3A_45 = arith.select %broadcast_in_dim3A_43, %select_n3A_22, %broadcast_in_dim3A_44 : vector<128x64xi1>, vector<128x64xf32>
    %reduce_max3A_46 = arith.constant dense<0xFF800000> : vector<64xf32>
    %reduce_max3A_47 = vector.multi_reduction <maximumf>, %select_n3A_45, %reduce_max3A_46 [0] : vector<128x64xf32> to vector<64xf32>
    %broadcast_in_dim3A_48 = vector.shape_cast %reduce_max3A_47 : vector<64xf32> to vector<1x64xf32>
    %get3A_49 = arith.constant 1 : index
    %get3A_50 = arith.constant 0 : index
    %get3A_51 = vector.load %arg10[%get3A_49, %get3A_50] : memref<56x64xf32, #tpu.memory_space<vmem>>, vector<1x64xf32>
    %max3A_52 = arith.maximumf %get3A_51, %broadcast_in_dim3A_48 : vector<1x64xf32>
    %swap3A_53 = arith.constant 1 : index
    %swap3A_54 = arith.constant 0 : index
    %swap3A_55 = vector.load %arg10[%swap3A_53, %swap3A_54] : memref<56x64xf32, #tpu.memory_space<vmem>>, vector<1x64xf32>
    tpu.vector_store %arg10[%swap3A_53, %swap3A_54], %max3A_52 {strides = array<i32>} : memref<56x64xf32, #tpu.memory_space<vmem>>, vector<1x64xf32>,
    %eq3A_56 = arith.constant 2.000000e+00 : f32
    %eq3A_57 = vector.broadcast %eq3A_56 : f32 to vector<128x1xf32>
    %eq3A_58 = arith.cmpf oeq, %get3A_6, %eq3A_57 : vector<128x1xf32>
    %jit3A_59 = arith.constant 0xFF800000 : f32
    %broadcast_in_dim3A_60 = vector.shape_cast %eq3A_58 : vector<128x1xi1> to vector<128x1xi1>
    %broadcast_in_dim3A_61 = vector.broadcast %broadcast_in_dim3A_60 : vector<128x1xi1> to vector<128x64xi1>
    %broadcast_in_dim3A_62 = vector.broadcast %jit3A_59 : f32 to vector<128x64xf32>
    %select_n3A_63 = arith.select %broadcast_in_dim3A_61, %select_n3A_22, %broadcast_in_dim3A_62 : vector<128x64xi1>, vector<128x64xf32>
    %reduce_max3A_64 = arith.constant dense<0xFF800000> : vector<64xf32>
    %reduce_max3A_65 = vector.multi_reduction <maximumf>, %select_n3A_63, %reduce_max3A_64 [0] : vector<128x64xf32> to vector<64xf32>
    %broadcast_in_dim3A_66 = vector.shape_cast %reduce_max3A_65 : vector<64xf32> to vector<1x64xf32>
    %get3A_67 = arith.constant 2 : index
    %get3A_68 = arith.constant 0 : index
    %get3A_69 = vector.load %arg10[%get3A_67, %get3A_68] : memref<56x64xf32, #tpu.memory_space<vmem>>, vector<1x64xf32>
    %max3A_70 = arith.maximumf %get3A_69, %broadcast_in_dim3A_66 : vector<1x64xf32>
    %swap3A_71 = arith.constant 2 : index
    %swap3A_72 = arith.constant 0 : index
    %swap3A_73 = vector.load %arg10[%swap3A_71, %swap3A_72] : memref<56x64xf32, #tpu.memory_space<vmem>>, vector<1x64xf32>
    tpu.vector_store %arg10[%swap3A_71, %swap3A_72], %max3A_70 {strides = array<i32>} : memref<56x64xf32, #tpu.memory_space<vmem>>, vector<1x64xf32>,
    %eq3A_74 = arith.constant 3.000000e+00 : f32
    %eq3A_75 = vector.broadcast %eq3A_74 : f32 to vector<128x1xf32>
    %eq3A_76 = arith.cmpf oeq, %get3A_6, %eq3A_75 : vector<128x1xf32>
    %jit3A_77 = arith.constant 0xFF800000 : f32
    %broadcast_in_dim3A_78 = vector.shape_cast %eq3A_76 : vector<128x1xi1> to vector<128x1xi1>
    %broadcast_in_dim3A_79 = vector.broadcast %broadcast_in_dim3A_78 : vector<128x1xi1> to vector<128x64xi1>
    %broadcast_in_dim3A_80 = vector.broadcast %jit3A_77 : f32 to vector<128x64xf32>
    %select_n3A_81 = arith.select %broadcast_in_dim3A_79, %select_n3A_22, %broadcast_in_dim3A_80 : vector<128x64xi1>, vector<128x64xf32>
    %reduce_max3A_82 = arith.constant dense<0xFF800000> : vector<64xf32>
    %reduce_max3A_83 = vector.multi_reduction <maximumf>, %select_n3A_81, %reduce_max3A_82 [0] : vector<128x64xf32> to vector<64xf32>
    %broadcast_in_dim3A_84 = vector.shape_cast %reduce_max3A_83 : vector<64xf32> to vector<1x64xf32>
    %get3A_85 = arith.constant 3 : index
    %get3A_86 = arith.constant 0 : index
    %get3A_87 = vector.load %arg10[%get3A_85, %get3A_86] : memref<56x64xf32, #tpu.memory_space<vmem>>, vector<1x64xf32>
    %max3A_88 = arith.maximumf %get3A_87, %broadcast_in_dim3A_84 : vector<1x64xf32>
    %swap3A_89 = arith.constant 3 : index
    %swap3A_90 = arith.constant 0 : index
    %swap3A_91 = vector.load %arg10[%swap3A_89, %swap3A_90] : memref<56x64xf32, #tpu.memory_space<vmem>>, vector<1x64xf32>
    tpu.vector_store %arg10[%swap3A_89, %swap3A_90], %max3A_88 {strides = array<i32>} : memref<56x64xf32, #tpu.memory_space<vmem>>, vector<1x64xf32>,
    %eq3A_92 = arith.constant 4.000000e+00 : f32
    %eq3A_93 = vector.broadcast %eq3A_92 : f32 to vector<128x1xf32>
    %eq3A_94 = arith.cmpf oeq, %get3A_6, %eq3A_93 : vector<128x1xf32>
    %jit3A_95 = arith.constant 0xFF800000 : f32
    %broadcast_in_dim3A_96 = vector.shape_cast %eq3A_94 : vector<128x1xi1> to vector<128x1xi1>
    %broadcast_in_dim3A_97 = vector.broadcast %broadcast_in_dim3A_96 : vector<128x1xi1> to vector<128x64xi1>
    %broadcast_in_dim3A_98 = vector.broadcast %jit3A_95 : f32 to vector<128x64xf32>
    %select_n3A_99 = arith.select %broadcast_in_dim3A_97, %select_n3A_22, %broadcast_in_dim3A_98 : vector<128x64xi1>, vector<128x64xf32>
    %reduce_max3A_100 = arith.constant dense<0xFF800000> : vector<64xf32>
    %reduce_max3A_101 = vector.multi_reduction <maximumf>, %select_n3A_99, %reduce_max3A_100 [0] : vector<128x64xf32> to vector<64xf32>
    %broadcast_in_dim3A_102 = vector.shape_cast %reduce_max3A_101 : vector<64xf32> to vector<1x64xf32>
    %get3A_103 = arith.constant 4 : index
    %get3A_104 = arith.constant 0 : index
    %get3A_105 = vector.load %arg10[%get3A_103, %get3A_104] : memref<56x64xf32, #tpu.memory_space<vmem>>, vector<1x64xf32>
    %max3A_106 = arith.maximumf %get3A_105, %broadcast_in_dim3A_102 : vector<1x64xf32>
    %swap3A_107 = arith.constant 4 : index
    %swap3A_108 = arith.constant 0 : index
    %swap3A_109 = vector.load %arg10[%swap3A_107, %swap3A_108] : memref<56x64xf32, #tpu.memory_space<vmem>>, vector<1x64xf32>
    tpu.vector_store %arg10[%swap3A_107, %swap3A_108], %max3A_106 {strides = array<i32>} : memref<56x64xf32, #tpu.memory_space<vmem>>, vector<1x64xf32>,
    %eq3A_110 = arith.constant 5.000000e+00 : f32
    %eq3A_111 = vector.broadcast %eq3A_110 : f32 to vector<128x1xf32>
    %eq3A_112 = arith.cmpf oeq, %get3A_6, %eq3A_111 : vector<128x1xf32>
    %jit3A_113 = arith.constant 0xFF800000 : f32
    %broadcast_in_dim3A_114 = vector.shape_cast %eq3A_112 : vector<128x1xi1> to vector<128x1xi1>
    %broadcast_in_dim3A_115 = vector.broadcast %broadcast_in_dim3A_114 : vector<128x1xi1> to vector<128x64xi1>
    %broadcast_in_dim3A_116 = vector.broadcast %jit3A_113 : f32 to vector<128x64xf32>
    %select_n3A_117 = arith.select %broadcast_in_dim3A_115, %select_n3A_22, %broadcast_in_dim3A_116 : vector<128x64xi1>, vector<128x64xf32>
    %reduce_max3A_118 = arith.constant dense<0xFF800000> : vector<64xf32>
    %reduce_max3A_119 = vector.multi_reduction <maximumf>, %select_n3A_117, %reduce_max3A_118 [0] : vector<128x64xf32> to vector<64xf32>
    %broadcast_in_dim3A_120 = vector.shape_cast %reduce_max3A_119 : vector<64xf32> to vector<1x64xf32>
    %get3A_121 = arith.constant 5 : index
    %get3A_122 = arith.constant 0 : index
    %get3A_123 = vector.load %arg10[%get3A_121, %get3A_122] : memref<56x64xf32, #tpu.memory_space<vmem>>, vector<1x64xf32>
    %max3A_124 = arith.maximumf %get3A_123, %broadcast_in_dim3A_120 : vector<1x64xf32>
    %swap3A_125 = arith.constant 5 : index
    %swap3A_126 = arith.constant 0 : index
    %swap3A_127 = vector.load %arg10[%swap3A_125, %swap3A_126] : memref<56x64xf32, #tpu.memory_space<vmem>>, vector<1x64xf32>
    tpu.vector_store %arg10[%swap3A_125, %swap3A_126], %max3A_124 {strides = array<i32>} : memref<56x64xf32, #tpu.memory_space<vmem>>, vector<1x64xf32>,
    %eq3A_128 = arith.constant 6.000000e+00 : f32
    %eq3A_129 = vector.broadcast %eq3A_128 : f32 to vector<128x1xf32>
    %eq3A_130 = arith.cmpf oeq, %get3A_6, %eq3A_129 : vector<128x1xf32>
    %jit3A_131 = arith.constant 0xFF800000 : f32
    %broadcast_in_dim3A_132 = vector.shape_cast %eq3A_130 : vector<128x1xi1> to vector<128x1xi1>
    %broadcast_in_dim3A_133 = vector.broadcast %broadcast_in_dim3A_132 : vector<128x1xi1> to vector<128x64xi1>
    %broadcast_in_dim3A_134 = vector.broadcast %jit3A_131 : f32 to vector<128x64xf32>
    %select_n3A_135 = arith.select %broadcast_in_dim3A_133, %select_n3A_22, %broadcast_in_dim3A_134 : vector<128x64xi1>, vector<128x64xf32>
    %reduce_max3A_136 = arith.constant dense<0xFF800000> : vector<64xf32>
    %reduce_max3A_137 = vector.multi_reduction <maximumf>, %select_n3A_135, %reduce_max3A_136 [0] : vector<128x64xf32> to vector<64xf32>
    %broadcast_in_dim3A_138 = vector.shape_cast %reduce_max3A_137 : vector<64xf32> to vector<1x64xf32>
    %get3A_139 = arith.constant 6 : index
    %get3A_140 = arith.constant 0 : index
    %get3A_141 = vector.load %arg10[%get3A_139, %get3A_140] : memref<56x64xf32, #tpu.memory_space<vmem>>, vector<1x64xf32>
    %max3A_142 = arith.maximumf %get3A_141, %broadcast_in_dim3A_138 : vector<1x64xf32>
    %swap3A_143 = arith.constant 6 : index
    %swap3A_144 = arith.constant 0 : index
    %swap3A_145 = vector.load %arg10[%swap3A_143, %swap3A_144] : memref<56x64xf32, #tpu.memory_space<vmem>>, vector<1x64xf32>
    tpu.vector_store %arg10[%swap3A_143, %swap3A_144], %max3A_142 {strides = array<i32>} : memref<56x64xf32, #tpu.memory_space<vmem>>, vector<1x64xf32>,
    %eq3A_146 = arith.constant 7.000000e+00 : f32
    %eq3A_147 = vector.broadcast %eq3A_146 : f32 to vector<128x1xf32>
    %eq3A_148 = arith.cmpf oeq, %get3A_6, %eq3A_147 : vector<128x1xf32>
    %jit3A_149 = arith.constant 0xFF800000 : f32
    %broadcast_in_dim3A_150 = vector.shape_cast %eq3A_148 : vector<128x1xi1> to vector<128x1xi1>
    %broadcast_in_dim3A_151 = vector.broadcast %broadcast_in_dim3A_150 : vector<128x1xi1> to vector<128x64xi1>
    %broadcast_in_dim3A_152 = vector.broadcast %jit3A_149 : f32 to vector<128x64xf32>
    %select_n3A_153 = arith.select %broadcast_in_dim3A_151, %select_n3A_22, %broadcast_in_dim3A_152 : vector<128x64xi1>, vector<128x64xf32>
    %reduce_max3A_154 = arith.constant dense<0xFF800000> : vector<64xf32>
    %reduce_max3A_155 = vector.multi_reduction <maximumf>, %select_n3A_153, %reduce_max3A_154 [0] : vector<128x64xf32> to vector<64xf32>
    %broadcast_in_dim3A_156 = vector.shape_cast %reduce_max3A_155 : vector<64xf32> to vector<1x64xf32>
    %get3A_157 = arith.constant 7 : index
    %get3A_158 = arith.constant 0 : index
    %get3A_159 = vector.load %arg10[%get3A_157, %get3A_158] : memref<56x64xf32, #tpu.memory_space<vmem>>, vector<1x64xf32>
    %max3A_160 = arith.maximumf %get3A_159, %broadcast_in_dim3A_156 : vector<1x64xf32>
    %swap3A_161 = arith.constant 7 : index
    %swap3A_162 = arith.constant 0 : index
    %swap3A_163 = vector.load %arg10[%swap3A_161, %swap3A_162] : memref<56x64xf32, #tpu.memory_space<vmem>>, vector<1x64xf32>
    tpu.vector_store %arg10[%swap3A_161, %swap3A_162], %max3A_160 {strides = array<i32>} : memref<56x64xf32, #tpu.memory_space<vmem>>, vector<1x64xf32>,
    %eq3A_164 = arith.constant 8.000000e+00 : f32
    %eq3A_165 = vector.broadcast %eq3A_164 : f32 to vector<128x1xf32>
    %eq3A_166 = arith.cmpf oeq, %get3A_6, %eq3A_165 : vector<128x1xf32>
    %jit3A_167 = arith.constant 0xFF800000 : f32
    %broadcast_in_dim3A_168 = vector.shape_cast %eq3A_166 : vector<128x1xi1> to vector<128x1xi1>
    %broadcast_in_dim3A_169 = vector.broadcast %broadcast_in_dim3A_168 : vector<128x1xi1> to vector<128x64xi1>
    %broadcast_in_dim3A_170 = vector.broadcast %jit3A_167 : f32 to vector<128x64xf32>
    %select_n3A_171 = arith.select %broadcast_in_dim3A_169, %select_n3A_22, %broadcast_in_dim3A_170 : vector<128x64xi1>, vector<128x64xf32>
    %reduce_max3A_172 = arith.constant dense<0xFF800000> : vector<64xf32>
    %reduce_max3A_173 = vector.multi_reduction <maximumf>, %select_n3A_171, %reduce_max3A_172 [0] : vector<128x64xf32> to vector<64xf32>
    %broadcast_in_dim3A_174 = vector.shape_cast %reduce_max3A_173 : vector<64xf32> to vector<1x64xf32>
    %get3A_175 = arith.constant 8 : index
    %get3A_176 = arith.constant 0 : index
    %get3A_177 = vector.load %arg10[%get3A_175, %get3A_176] : memref<56x64xf32, #tpu.memory_space<vmem>>, vector<1x64xf32>
    %max3A_178 = arith.maximumf %get3A_177, %broadcast_in_dim3A_174 : vector<1x64xf32>
    %swap3A_179 = arith.constant 8 : index
    %swap3A_180 = arith.constant 0 : index
    %swap3A_181 = vector.load %arg10[%swap3A_179, %swap3A_180] : memref<56x64xf32, #tpu.memory_space<vmem>>, vector<1x64xf32>
    tpu.vector_store %arg10[%swap3A_179, %swap3A_180], %max3A_178 {strides = array<i32>} : memref<56x64xf32, #tpu.memory_space<vmem>>, vector<1x64xf32>,
    %eq3A_182 = arith.constant 9.000000e+00 : f32
    %eq3A_183 = vector.broadcast %eq3A_182 : f32 to vector<128x1xf32>
    %eq3A_184 = arith.cmpf oeq, %get3A_6, %eq3A_183 : vector<128x1xf32>
    %jit3A_185 = arith.constant 0xFF800000 : f32
    %broadcast_in_dim3A_186 = vector.shape_cast %eq3A_184 : vector<128x1xi1> to vector<128x1xi1>
    %broadcast_in_dim3A_187 = vector.broadcast %broadcast_in_dim3A_186 : vector<128x1xi1> to vector<128x64xi1>
    %broadcast_in_dim3A_188 = vector.broadcast %jit3A_185 : f32 to vector<128x64xf32>
    %select_n3A_189 = arith.select %broadcast_in_dim3A_187, %select_n3A_22, %broadcast_in_dim3A_188 : vector<128x64xi1>, vector<128x64xf32>
    %reduce_max3A_190 = arith.constant dense<0xFF800000> : vector<64xf32>
    %reduce_max3A_191 = vector.multi_reduction <maximumf>, %select_n3A_189, %reduce_max3A_190 [0] : vector<128x64xf32> to vector<64xf32>
    %broadcast_in_dim3A_192 = vector.shape_cast %reduce_max3A_191 : vector<64xf32> to vector<1x64xf32>
    %get3A_193 = arith.constant 9 : index
    %get3A_194 = arith.constant 0 : index
    %get3A_195 = vector.load %arg10[%get3A_193, %get3A_194] : memref<56x64xf32, #tpu.memory_space<vmem>>, vector<1x64xf32>
    %max3A_196 = arith.maximumf %get3A_195, %broadcast_in_dim3A_192 : vector<1x64xf32>
    %swap3A_197 = arith.constant 9 : index
    %swap3A_198 = arith.constant 0 : index
    %swap3A_199 = vector.load %arg10[%swap3A_197, %swap3A_198] : memref<56x64xf32, #tpu.memory_space<vmem>>, vector<1x64xf32>
    tpu.vector_store %arg10[%swap3A_197, %swap3A_198], %max3A_196 {strides = array<i32>} : memref<56x64xf32, #tpu.memory_space<vmem>>, vector<1x64xf32>,
    %eq3A_200 = arith.constant 1.000000e+01 : f32
    %eq3A_201 = vector.broadcast %eq3A_200 : f32 to vector<128x1xf32>
    %eq3A_202 = arith.cmpf oeq, %get3A_6, %eq3A_201 : vector<128x1xf32>
    %jit3A_203 = arith.constant 0xFF800000 : f32
    %broadcast_in_dim3A_204 = vector.shape_cast %eq3A_202 : vector<128x1xi1> to vector<128x1xi1>
    %broadcast_in_dim3A_205 = vector.broadcast %broadcast_in_dim3A_204 : vector<128x1xi1> to vector<128x64xi1>
    %broadcast_in_dim3A_206 = vector.broadcast %jit3A_203 : f32 to vector<128x64xf32>
    %select_n3A_207 = arith.select %broadcast_in_dim3A_205, %select_n3A_22, %broadcast_in_dim3A_206 : vector<128x64xi1>, vector<128x64xf32>
    %reduce_max3A_208 = arith.constant dense<0xFF800000> : vector<64xf32>
    %reduce_max3A_209 = vector.multi_reduction <maximumf>, %select_n3A_207, %reduce_max3A_208 [0] : vector<128x64xf32> to vector<64xf32>
    %broadcast_in_dim3A_210 = vector.shape_cast %reduce_max3A_209 : vector<64xf32> to vector<1x64xf32>
    %get3A_211 = arith.constant 10 : index
    %get3A_212 = arith.constant 0 : index
    %get3A_213 = vector.load %arg10[%get3A_211, %get3A_212] : memref<56x64xf32, #tpu.memory_space<vmem>>, vector<1x64xf32>
    %max3A_214 = arith.maximumf %get3A_213, %broadcast_in_dim3A_210 : vector<1x64xf32>
    %swap3A_215 = arith.constant 10 : index
    %swap3A_216 = arith.constant 0 : index
    %swap3A_217 = vector.load %arg10[%swap3A_215, %swap3A_216] : memref<56x64xf32, #tpu.memory_space<vmem>>, vector<1x64xf32>
    tpu.vector_store %arg10[%swap3A_215, %swap3A_216], %max3A_214 {strides = array<i32>} : memref<56x64xf32, #tpu.memory_space<vmem>>, vector<1x64xf32>,
    %eq3A_218 = arith.constant 1.100000e+01 : f32
    %eq3A_219 = vector.broadcast %eq3A_218 : f32 to vector<128x1xf32>
    %eq3A_220 = arith.cmpf oeq, %get3A_6, %eq3A_219 : vector<128x1xf32>
    %jit3A_221 = arith.constant 0xFF800000 : f32
    %broadcast_in_dim3A_222 = vector.shape_cast %eq3A_220 : vector<128x1xi1> to vector<128x1xi1>
    %broadcast_in_dim3A_223 = vector.broadcast %broadcast_in_dim3A_222 : vector<128x1xi1> to vector<128x64xi1>
    %broadcast_in_dim3A_224 = vector.broadcast %jit3A_221 : f32 to vector<128x64xf32>
    %select_n3A_225 = arith.select %broadcast_in_dim3A_223, %select_n3A_22, %broadcast_in_dim3A_224 : vector<128x64xi1>, vector<128x64xf32>
    %reduce_max3A_226 = arith.constant dense<0xFF800000> : vector<64xf32>
    %reduce_max3A_227 = vector.multi_reduction <maximumf>, %select_n3A_225, %reduce_max3A_226 [0] : vector<128x64xf32> to vector<64xf32>
    %broadcast_in_dim3A_228 = vector.shape_cast %reduce_max3A_227 : vector<64xf32> to vector<1x64xf32>
    %get3A_229 = arith.constant 11 : index
    %get3A_230 = arith.constant 0 : index
    %get3A_231 = vector.load %arg10[%get3A_229, %get3A_230] : memref<56x64xf32, #tpu.memory_space<vmem>>, vector<1x64xf32>
    %max3A_232 = arith.maximumf %get3A_231, %broadcast_in_dim3A_228 : vector<1x64xf32>
    %swap3A_233 = arith.constant 11 : index
    %swap3A_234 = arith.constant 0 : index
    %swap3A_235 = vector.load %arg10[%swap3A_233, %swap3A_234] : memref<56x64xf32, #tpu.memory_space<vmem>>, vector<1x64xf32>
    tpu.vector_store %arg10[%swap3A_233, %swap3A_234], %max3A_232 {strides = array<i32>} : memref<56x64xf32, #tpu.memory_space<vmem>>, vector<1x64xf32>,
    %eq3A_236 = arith.constant 1.200000e+01 : f32
    %eq3A_237 = vector.broadcast %eq3A_236 : f32 to vector<128x1xf32>
    %eq3A_238 = arith.cmpf oeq, %get3A_6, %eq3A_237 : vector<128x1xf32>
    %jit3A_239 = arith.constant 0xFF800000 : f32
    %broadcast_in_dim3A_240 = vector.shape_cast %eq3A_238 : vector<128x1xi1> to vector<128x1xi1>
    %broadcast_in_dim3A_241 = vector.broadcast %broadcast_in_dim3A_240 : vector<128x1xi1> to vector<128x64xi1>
    %broadcast_in_dim3A_242 = vector.broadcast %jit3A_239 : f32 to vector<128x64xf32>
    %select_n3A_243 = arith.select %broadcast_in_dim3A_241, %select_n3A_22, %broadcast_in_dim3A_242 : vector<128x64xi1>, vector<128x64xf32>
    %reduce_max3A_244 = arith.constant dense<0xFF800000> : vector<64xf32>
    %reduce_max3A_245 = vector.multi_reduction <maximumf>, %select_n3A_243, %reduce_max3A_244 [0] : vector<128x64xf32> to vector<64xf32>
    %broadcast_in_dim3A_246 = vector.shape_cast %reduce_max3A_245 : vector<64xf32> to vector<1x64xf32>
    %get3A_247 = arith.constant 12 : index
    %get3A_248 = arith.constant 0 : index
    %get3A_249 = vector.load %arg10[%get3A_247, %get3A_248] : memref<56x64xf32, #tpu.memory_space<vmem>>, vector<1x64xf32>
    %max3A_250 = arith.maximumf %get3A_249, %broadcast_in_dim3A_246 : vector<1x64xf32>
    %swap3A_251 = arith.constant 12 : index
    %swap3A_252 = arith.constant 0 : index
    %swap3A_253 = vector.load %arg10[%swap3A_251, %swap3A_252] : memref<56x64xf32, #tpu.memory_space<vmem>>, vector<1x64xf32>
    tpu.vector_store %arg10[%swap3A_251, %swap3A_252], %max3A_250 {strides = array<i32>} : memref<56x64xf32, #tpu.memory_space<vmem>>, vector<1x64xf32>,
    %eq3A_254 = arith.constant 1.300000e+01 : f32
    %eq3A_255 = vector.broadcast %eq3A_254 : f32 to vector<128x1xf32>
    %eq3A_256 = arith.cmpf oeq, %get3A_6, %eq3A_255 : vector<128x1xf32>
    %jit3A_257 = arith.constant 0xFF800000 : f32
    %broadcast_in_dim3A_258 = vector.shape_cast %eq3A_256 : vector<128x1xi1> to vector<128x1xi1>
    %broadcast_in_dim3A_259 = vector.broadcast %broadcast_in_dim3A_258 : vector<128x1xi1> to vector<128x64xi1>
    %broadcast_in_dim3A_260 = vector.broadcast %jit3A_257 : f32 to vector<128x64xf32>
    %select_n3A_261 = arith.select %broadcast_in_dim3A_259, %select_n3A_22, %broadcast_in_dim3A_260 : vector<128x64xi1>, vector<128x64xf32>
    %reduce_max3A_262 = arith.constant dense<0xFF800000> : vector<64xf32>
    %reduce_max3A_263 = vector.multi_reduction <maximumf>, %select_n3A_261, %reduce_max3A_262 [0] : vector<128x64xf32> to vector<64xf32>
    %broadcast_in_dim3A_264 = vector.shape_cast %reduce_max3A_263 : vector<64xf32> to vector<1x64xf32>
    %get3A_265 = arith.constant 13 : index
    %get3A_266 = arith.constant 0 : index
    %get3A_267 = vector.load %arg10[%get3A_265, %get3A_266] : memref<56x64xf32, #tpu.memory_space<vmem>>, vector<1x64xf32>
    %max3A_268 = arith.maximumf %get3A_267, %broadcast_in_dim3A_264 : vector<1x64xf32>
    %swap3A_269 = arith.constant 13 : index
    %swap3A_270 = arith.constant 0 : index
    %swap3A_271 = vector.load %arg10[%swap3A_269, %swap3A_270] : memref<56x64xf32, #tpu.memory_space<vmem>>, vector<1x64xf32>
    tpu.vector_store %arg10[%swap3A_269, %swap3A_270], %max3A_268 {strides = array<i32>} : memref<56x64xf32, #tpu.memory_space<vmem>>, vector<1x64xf32>,
    %eq3A_272 = arith.constant 1.400000e+01 : f32
    %eq3A_273 = vector.broadcast %eq3A_272 : f32 to vector<128x1xf32>
    %eq3A_274 = arith.cmpf oeq, %get3A_6, %eq3A_273 : vector<128x1xf32>
    %jit3A_275 = arith.constant 0xFF800000 : f32
    %broadcast_in_dim3A_276 = vector.shape_cast %eq3A_274 : vector<128x1xi1> to vector<128x1xi1>
    %broadcast_in_dim3A_277 = vector.broadcast %broadcast_in_dim3A_276 : vector<128x1xi1> to vector<128x64xi1>
    %broadcast_in_dim3A_278 = vector.broadcast %jit3A_275 : f32 to vector<128x64xf32>
    %select_n3A_279 = arith.select %broadcast_in_dim3A_277, %select_n3A_22, %broadcast_in_dim3A_278 : vector<128x64xi1>, vector<128x64xf32>
    %reduce_max3A_280 = arith.constant dense<0xFF800000> : vector<64xf32>
    %reduce_max3A_281 = vector.multi_reduction <maximumf>, %select_n3A_279, %reduce_max3A_280 [0] : vector<128x64xf32> to vector<64xf32>
    %broadcast_in_dim3A_282 = vector.shape_cast %reduce_max3A_281 : vector<64xf32> to vector<1x64xf32>
    %get3A_283 = arith.constant 14 : index
    %get3A_284 = arith.constant 0 : index
    %get3A_285 = vector.load %arg10[%get3A_283, %get3A_284] : memref<56x64xf32, #tpu.memory_space<vmem>>, vector<1x64xf32>
    %max3A_286 = arith.maximumf %get3A_285, %broadcast_in_dim3A_282 : vector<1x64xf32>
    %swap3A_287 = arith.constant 14 : index
    %swap3A_288 = arith.constant 0 : index
    %swap3A_289 = vector.load %arg10[%swap3A_287, %swap3A_288] : memref<56x64xf32, #tpu.memory_space<vmem>>, vector<1x64xf32>
    tpu.vector_store %arg10[%swap3A_287, %swap3A_288], %max3A_286 {strides = array<i32>} : memref<56x64xf32, #tpu.memory_space<vmem>>, vector<1x64xf32>,
    %eq3A_290 = arith.constant 1.500000e+01 : f32
    %eq3A_291 = vector.broadcast %eq3A_290 : f32 to vector<128x1xf32>
    %eq3A_292 = arith.cmpf oeq, %get3A_6, %eq3A_291 : vector<128x1xf32>
    %jit3A_293 = arith.constant 0xFF800000 : f32
    %broadcast_in_dim3A_294 = vector.shape_cast %eq3A_292 : vector<128x1xi1> to vector<128x1xi1>
    %broadcast_in_dim3A_295 = vector.broadcast %broadcast_in_dim3A_294 : vector<128x1xi1> to vector<128x64xi1>
    %broadcast_in_dim3A_296 = vector.broadcast %jit3A_293 : f32 to vector<128x64xf32>
    %select_n3A_297 = arith.select %broadcast_in_dim3A_295, %select_n3A_22, %broadcast_in_dim3A_296 : vector<128x64xi1>, vector<128x64xf32>
    %reduce_max3A_298 = arith.constant dense<0xFF800000> : vector<64xf32>
    %reduce_max3A_299 = vector.multi_reduction <maximumf>, %select_n3A_297, %reduce_max3A_298 [0] : vector<128x64xf32> to vector<64xf32>
    %broadcast_in_dim3A_300 = vector.shape_cast %reduce_max3A_299 : vector<64xf32> to vector<1x64xf32>
    %get3A_301 = arith.constant 15 : index
    %get3A_302 = arith.constant 0 : index
    %get3A_303 = vector.load %arg10[%get3A_301, %get3A_302] : memref<56x64xf32, #tpu.memory_space<vmem>>, vector<1x64xf32>
    %max3A_304 = arith.maximumf %get3A_303, %broadcast_in_dim3A_300 : vector<1x64xf32>
    %swap3A_305 = arith.constant 15 : index
    %swap3A_306 = arith.constant 0 : index
    %swap3A_307 = vector.load %arg10[%swap3A_305, %swap3A_306] : memref<56x64xf32, #tpu.memory_space<vmem>>, vector<1x64xf32>
    tpu.vector_store %arg10[%swap3A_305, %swap3A_306], %max3A_304 {strides = array<i32>} : memref<56x64xf32, #tpu.memory_space<vmem>>, vector<1x64xf32>,
    %eq3A_308 = arith.constant 1.600000e+01 : f32
    %eq3A_309 = vector.broadcast %eq3A_308 : f32 to vector<128x1xf32>
    %eq3A_310 = arith.cmpf oeq, %get3A_6, %eq3A_309 : vector<128x1xf32>
    %jit3A_311 = arith.constant 0xFF800000 : f32
    %broadcast_in_dim3A_312 = vector.shape_cast %eq3A_310 : vector<128x1xi1> to vector<128x1xi1>
    %broadcast_in_dim3A_313 = vector.broadcast %broadcast_in_dim3A_312 : vector<128x1xi1> to vector<128x64xi1>
    %broadcast_in_dim3A_314 = vector.broadcast %jit3A_311 : f32 to vector<128x64xf32>
    %select_n3A_315 = arith.select %broadcast_in_dim3A_313, %select_n3A_22, %broadcast_in_dim3A_314 : vector<128x64xi1>, vector<128x64xf32>
    %reduce_max3A_316 = arith.constant dense<0xFF800000> : vector<64xf32>
    %reduce_max3A_317 = vector.multi_reduction <maximumf>, %select_n3A_315, %reduce_max3A_316 [0] : vector<128x64xf32> to vector<64xf32>
    %broadcast_in_dim3A_318 = vector.shape_cast %reduce_max3A_317 : vector<64xf32> to vector<1x64xf32>
    %get3A_319 = arith.constant 16 : index
    %get3A_320 = arith.constant 0 : index
    %get3A_321 = vector.load %arg10[%get3A_319, %get3A_320] : memref<56x64xf32, #tpu.memory_space<vmem>>, vector<1x64xf32>
    %max3A_322 = arith.maximumf %get3A_321, %broadcast_in_dim3A_318 : vector<1x64xf32>
    %swap3A_323 = arith.constant 16 : index
    %swap3A_324 = arith.constant 0 : index
    %swap3A_325 = vector.load %arg10[%swap3A_323, %swap3A_324] : memref<56x64xf32, #tpu.memory_space<vmem>>, vector<1x64xf32>
    tpu.vector_store %arg10[%swap3A_323, %swap3A_324], %max3A_322 {strides = array<i32>} : memref<56x64xf32, #tpu.memory_space<vmem>>, vector<1x64xf32>,
    %eq3A_326 = arith.constant 1.700000e+01 : f32
    %eq3A_327 = vector.broadcast %eq3A_326 : f32 to vector<128x1xf32>
    %eq3A_328 = arith.cmpf oeq, %get3A_6, %eq3A_327 : vector<128x1xf32>
    %jit3A_329 = arith.constant 0xFF800000 : f32
    %broadcast_in_dim3A_330 = vector.shape_cast %eq3A_328 : vector<128x1xi1> to vector<128x1xi1>
    %broadcast_in_dim3A_331 = vector.broadcast %broadcast_in_dim3A_330 : vector<128x1xi1> to vector<128x64xi1>
    %broadcast_in_dim3A_332 = vector.broadcast %jit3A_329 : f32 to vector<128x64xf32>
    %select_n3A_333 = arith.select %broadcast_in_dim3A_331, %select_n3A_22, %broadcast_in_dim3A_332 : vector<128x64xi1>, vector<128x64xf32>
    %reduce_max3A_334 = arith.constant dense<0xFF800000> : vector<64xf32>
    %reduce_max3A_335 = vector.multi_reduction <maximumf>, %select_n3A_333, %reduce_max3A_334 [0] : vector<128x64xf32> to vector<64xf32>
    %broadcast_in_dim3A_336 = vector.shape_cast %reduce_max3A_335 : vector<64xf32> to vector<1x64xf32>
    %get3A_337 = arith.constant 17 : index
    %get3A_338 = arith.constant 0 : index
    %get3A_339 = vector.load %arg10[%get3A_337, %get3A_338] : memref<56x64xf32, #tpu.memory_space<vmem>>, vector<1x64xf32>
    %max3A_340 = arith.maximumf %get3A_339, %broadcast_in_dim3A_336 : vector<1x64xf32>
    %swap3A_341 = arith.constant 17 : index
    %swap3A_342 = arith.constant 0 : index
    %swap3A_343 = vector.load %arg10[%swap3A_341, %swap3A_342] : memref<56x64xf32, #tpu.memory_space<vmem>>, vector<1x64xf32>
    tpu.vector_store %arg10[%swap3A_341, %swap3A_342], %max3A_340 {strides = array<i32>} : memref<56x64xf32, #tpu.memory_space<vmem>>, vector<1x64xf32>,
    %eq3A_344 = arith.constant 1.800000e+01 : f32
    %eq3A_345 = vector.broadcast %eq3A_344 : f32 to vector<128x1xf32>
    %eq3A_346 = arith.cmpf oeq, %get3A_6, %eq3A_345 : vector<128x1xf32>
    %jit3A_347 = arith.constant 0xFF800000 : f32
    %broadcast_in_dim3A_348 = vector.shape_cast %eq3A_346 : vector<128x1xi1> to vector<128x1xi1>
    %broadcast_in_dim3A_349 = vector.broadcast %broadcast_in_dim3A_348 : vector<128x1xi1> to vector<128x64xi1>
    %broadcast_in_dim3A_350 = vector.broadcast %jit3A_347 : f32 to vector<128x64xf32>
    %select_n3A_351 = arith.select %broadcast_in_dim3A_349, %select_n3A_22, %broadcast_in_dim3A_350 : vector<128x64xi1>, vector<128x64xf32>
    %reduce_max3A_352 = arith.constant dense<0xFF800000> : vector<64xf32>
    %reduce_max3A_353 = vector.multi_reduction <maximumf>, %select_n3A_351, %reduce_max3A_352 [0] : vector<128x64xf32> to vector<64xf32>
    %broadcast_in_dim3A_354 = vector.shape_cast %reduce_max3A_353 : vector<64xf32> to vector<1x64xf32>
    %get3A_355 = arith.constant 18 : index
    %get3A_356 = arith.constant 0 : index
    %get3A_357 = vector.load %arg10[%get3A_355, %get3A_356] : memref<56x64xf32, #tpu.memory_space<vmem>>, vector<1x64xf32>
    %max3A_358 = arith.maximumf %get3A_357, %broadcast_in_dim3A_354 : vector<1x64xf32>
    %swap3A_359 = arith.constant 18 : index
    %swap3A_360 = arith.constant 0 : index
    %swap3A_361 = vector.load %arg10[%swap3A_359, %swap3A_360] : memref<56x64xf32, #tpu.memory_space<vmem>>, vector<1x64xf32>
    tpu.vector_store %arg10[%swap3A_359, %swap3A_360], %max3A_358 {strides = array<i32>} : memref<56x64xf32, #tpu.memory_space<vmem>>, vector<1x64xf32>,
    %eq3A_362 = arith.constant 1.900000e+01 : f32
    %eq3A_363 = vector.broadcast %eq3A_362 : f32 to vector<128x1xf32>
    %eq3A_364 = arith.cmpf oeq, %get3A_6, %eq3A_363 : vector<128x1xf32>
    %jit3A_365 = arith.constant 0xFF800000 : f32
    %broadcast_in_dim3A_366 = vector.shape_cast %eq3A_364 : vector<128x1xi1> to vector<128x1xi1>
    %broadcast_in_dim3A_367 = vector.broadcast %broadcast_in_dim3A_366 : vector<128x1xi1> to vector<128x64xi1>
    %broadcast_in_dim3A_368 = vector.broadcast %jit3A_365 : f32 to vector<128x64xf32>
    %select_n3A_369 = arith.select %broadcast_in_dim3A_367, %select_n3A_22, %broadcast_in_dim3A_368 : vector<128x64xi1>, vector<128x64xf32>
    %reduce_max3A_370 = arith.constant dense<0xFF800000> : vector<64xf32>
    %reduce_max3A_371 = vector.multi_reduction <maximumf>, %select_n3A_369, %reduce_max3A_370 [0] : vector<128x64xf32> to vector<64xf32>
    %broadcast_in_dim3A_372 = vector.shape_cast %reduce_max3A_371 : vector<64xf32> to vector<1x64xf32>
    %get3A_373 = arith.constant 19 : index
    %get3A_374 = arith.constant 0 : index
    %get3A_375 = vector.load %arg10[%get3A_373, %get3A_374] : memref<56x64xf32, #tpu.memory_space<vmem>>, vector<1x64xf32>
    %max3A_376 = arith.maximumf %get3A_375, %broadcast_in_dim3A_372 : vector<1x64xf32>
    %swap3A_377 = arith.constant 19 : index
    %swap3A_378 = arith.constant 0 : index
    %swap3A_379 = vector.load %arg10[%swap3A_377, %swap3A_378] : memref<56x64xf32, #tpu.memory_space<vmem>>, vector<1x64xf32>
    tpu.vector_store %arg10[%swap3A_377, %swap3A_378], %max3A_376 {strides = array<i32>} : memref<56x64xf32, #tpu.memory_space<vmem>>, vector<1x64xf32>,
    %eq3A_380 = arith.constant 2.000000e+01 : f32
    %eq3A_381 = vector.broadcast %eq3A_380 : f32 to vector<128x1xf32>
    %eq3A_382 = arith.cmpf oeq, %get3A_6, %eq3A_381 : vector<128x1xf32>
    %jit3A_383 = arith.constant 0xFF800000 : f32
    %broadcast_in_dim3A_384 = vector.shape_cast %eq3A_382 : vector<128x1xi1> to vector<128x1xi1>
    %broadcast_in_dim3A_385 = vector.broadcast %broadcast_in_dim3A_384 : vector<128x1xi1> to vector<128x64xi1>
    %broadcast_in_dim3A_386 = vector.broadcast %jit3A_383 : f32 to vector<128x64xf32>
    %select_n3A_387 = arith.select %broadcast_in_dim3A_385, %select_n3A_22, %broadcast_in_dim3A_386 : vector<128x64xi1>, vector<128x64xf32>
    %reduce_max3A_388 = arith.constant dense<0xFF800000> : vector<64xf32>
    %reduce_max3A_389 = vector.multi_reduction <maximumf>, %select_n3A_387, %reduce_max3A_388 [0] : vector<128x64xf32> to vector<64xf32>
    %broadcast_in_dim3A_390 = vector.shape_cast %reduce_max3A_389 : vector<64xf32> to vector<1x64xf32>
    %get3A_391 = arith.constant 20 : index
    %get3A_392 = arith.constant 0 : index
    %get3A_393 = vector.load %arg10[%get3A_391, %get3A_392] : memref<56x64xf32, #tpu.memory_space<vmem>>, vector<1x64xf32>
    %max3A_394 = arith.maximumf %get3A_393, %broadcast_in_dim3A_390 : vector<1x64xf32>
    %swap3A_395 = arith.constant 20 : index
    %swap3A_396 = arith.constant 0 : index
    %swap3A_397 = vector.load %arg10[%swap3A_395, %swap3A_396] : memref<56x64xf32, #tpu.memory_space<vmem>>, vector<1x64xf32>
    tpu.vector_store %arg10[%swap3A_395, %swap3A_396], %max3A_394 {strides = array<i32>} : memref<56x64xf32, #tpu.memory_space<vmem>>, vector<1x64xf32>,
    %eq3A_398 = arith.constant 2.100000e+01 : f32
    %eq3A_399 = vector.broadcast %eq3A_398 : f32 to vector<128x1xf32>
    %eq3A_400 = arith.cmpf oeq, %get3A_6, %eq3A_399 : vector<128x1xf32>
    %jit3A_401 = arith.constant 0xFF800000 : f32
    %broadcast_in_dim3A_402 = vector.shape_cast %eq3A_400 : vector<128x1xi1> to vector<128x1xi1>
    %broadcast_in_dim3A_403 = vector.broadcast %broadcast_in_dim3A_402 : vector<128x1xi1> to vector<128x64xi1>
    %broadcast_in_dim3A_404 = vector.broadcast %jit3A_401 : f32 to vector<128x64xf32>
    %select_n3A_405 = arith.select %broadcast_in_dim3A_403, %select_n3A_22, %broadcast_in_dim3A_404 : vector<128x64xi1>, vector<128x64xf32>
    %reduce_max3A_406 = arith.constant dense<0xFF800000> : vector<64xf32>
    %reduce_max3A_407 = vector.multi_reduction <maximumf>, %select_n3A_405, %reduce_max3A_406 [0] : vector<128x64xf32> to vector<64xf32>
    %broadcast_in_dim3A_408 = vector.shape_cast %reduce_max3A_407 : vector<64xf32> to vector<1x64xf32>
    %get3A_409 = arith.constant 21 : index
    %get3A_410 = arith.constant 0 : index
    %get3A_411 = vector.load %arg10[%get3A_409, %get3A_410] : memref<56x64xf32, #tpu.memory_space<vmem>>, vector<1x64xf32>
    %max3A_412 = arith.maximumf %get3A_411, %broadcast_in_dim3A_408 : vector<1x64xf32>
    %swap3A_413 = arith.constant 21 : index
    %swap3A_414 = arith.constant 0 : index
    %swap3A_415 = vector.load %arg10[%swap3A_413, %swap3A_414] : memref<56x64xf32, #tpu.memory_space<vmem>>, vector<1x64xf32>
    tpu.vector_store %arg10[%swap3A_413, %swap3A_414], %max3A_412 {strides = array<i32>} : memref<56x64xf32, #tpu.memory_space<vmem>>, vector<1x64xf32>,
    %eq3A_416 = arith.constant 2.200000e+01 : f32
    %eq3A_417 = vector.broadcast %eq3A_416 : f32 to vector<128x1xf32>
    %eq3A_418 = arith.cmpf oeq, %get3A_6, %eq3A_417 : vector<128x1xf32>
    %jit3A_419 = arith.constant 0xFF800000 : f32
    %broadcast_in_dim3A_420 = vector.shape_cast %eq3A_418 : vector<128x1xi1> to vector<128x1xi1>
    %broadcast_in_dim3A_421 = vector.broadcast %broadcast_in_dim3A_420 : vector<128x1xi1> to vector<128x64xi1>
    %broadcast_in_dim3A_422 = vector.broadcast %jit3A_419 : f32 to vector<128x64xf32>
    %select_n3A_423 = arith.select %broadcast_in_dim3A_421, %select_n3A_22, %broadcast_in_dim3A_422 : vector<128x64xi1>, vector<128x64xf32>
    %reduce_max3A_424 = arith.constant dense<0xFF800000> : vector<64xf32>
    %reduce_max3A_425 = vector.multi_reduction <maximumf>, %select_n3A_423, %reduce_max3A_424 [0] : vector<128x64xf32> to vector<64xf32>
    %broadcast_in_dim3A_426 = vector.shape_cast %reduce_max3A_425 : vector<64xf32> to vector<1x64xf32>
    %get3A_427 = arith.constant 22 : index
    %get3A_428 = arith.constant 0 : index
    %get3A_429 = vector.load %arg10[%get3A_427, %get3A_428] : memref<56x64xf32, #tpu.memory_space<vmem>>, vector<1x64xf32>
    %max3A_430 = arith.maximumf %get3A_429, %broadcast_in_dim3A_426 : vector<1x64xf32>
    %swap3A_431 = arith.constant 22 : index
    %swap3A_432 = arith.constant 0 : index
    %swap3A_433 = vector.load %arg10[%swap3A_431, %swap3A_432] : memref<56x64xf32, #tpu.memory_space<vmem>>, vector<1x64xf32>
    tpu.vector_store %arg10[%swap3A_431, %swap3A_432], %max3A_430 {strides = array<i32>} : memref<56x64xf32, #tpu.memory_space<vmem>>, vector<1x64xf32>,
    %eq3A_434 = arith.constant 2.300000e+01 : f32
    %eq3A_435 = vector.broadcast %eq3A_434 : f32 to vector<128x1xf32>
    %eq3A_436 = arith.cmpf oeq, %get3A_6, %eq3A_435 : vector<128x1xf32>
    %jit3A_437 = arith.constant 0xFF800000 : f32
    %broadcast_in_dim3A_438 = vector.shape_cast %eq3A_436 : vector<128x1xi1> to vector<128x1xi1>
    %broadcast_in_dim3A_439 = vector.broadcast %broadcast_in_dim3A_438 : vector<128x1xi1> to vector<128x64xi1>
    %broadcast_in_dim3A_440 = vector.broadcast %jit3A_437 : f32 to vector<128x64xf32>
    %select_n3A_441 = arith.select %broadcast_in_dim3A_439, %select_n3A_22, %broadcast_in_dim3A_440 : vector<128x64xi1>, vector<128x64xf32>
    %reduce_max3A_442 = arith.constant dense<0xFF800000> : vector<64xf32>
    %reduce_max3A_443 = vector.multi_reduction <maximumf>, %select_n3A_441, %reduce_max3A_442 [0] : vector<128x64xf32> to vector<64xf32>
    %broadcast_in_dim3A_444 = vector.shape_cast %reduce_max3A_443 : vector<64xf32> to vector<1x64xf32>
    %get3A_445 = arith.constant 23 : index
    %get3A_446 = arith.constant 0 : index
    %get3A_447 = vector.load %arg10[%get3A_445, %get3A_446] : memref<56x64xf32, #tpu.memory_space<vmem>>, vector<1x64xf32>
    %max3A_448 = arith.maximumf %get3A_447, %broadcast_in_dim3A_444 : vector<1x64xf32>
    %swap3A_449 = arith.constant 23 : index
    %swap3A_450 = arith.constant 0 : index
    %swap3A_451 = vector.load %arg10[%swap3A_449, %swap3A_450] : memref<56x64xf32, #tpu.memory_space<vmem>>, vector<1x64xf32>
    tpu.vector_store %arg10[%swap3A_449, %swap3A_450], %max3A_448 {strides = array<i32>} : memref<56x64xf32, #tpu.memory_space<vmem>>, vector<1x64xf32>,
    %eq3A_452 = arith.constant 2.400000e+01 : f32
    %eq3A_453 = vector.broadcast %eq3A_452 : f32 to vector<128x1xf32>
    %eq3A_454 = arith.cmpf oeq, %get3A_6, %eq3A_453 : vector<128x1xf32>
    %jit3A_455 = arith.constant 0xFF800000 : f32
    %broadcast_in_dim3A_456 = vector.shape_cast %eq3A_454 : vector<128x1xi1> to vector<128x1xi1>
    %broadcast_in_dim3A_457 = vector.broadcast %broadcast_in_dim3A_456 : vector<128x1xi1> to vector<128x64xi1>
    %broadcast_in_dim3A_458 = vector.broadcast %jit3A_455 : f32 to vector<128x64xf32>
    %select_n3A_459 = arith.select %broadcast_in_dim3A_457, %select_n3A_22, %broadcast_in_dim3A_458 : vector<128x64xi1>, vector<128x64xf32>
    %reduce_max3A_460 = arith.constant dense<0xFF800000> : vector<64xf32>
    %reduce_max3A_461 = vector.multi_reduction <maximumf>, %select_n3A_459, %reduce_max3A_460 [0] : vector<128x64xf32> to vector<64xf32>
    %broadcast_in_dim3A_462 = vector.shape_cast %reduce_max3A_461 : vector<64xf32> to vector<1x64xf32>
    %get3A_463 = arith.constant 24 : index
    %get3A_464 = arith.constant 0 : index
    %get3A_465 = vector.load %arg10[%get3A_463, %get3A_464] : memref<56x64xf32, #tpu.memory_space<vmem>>, vector<1x64xf32>
    %max3A_466 = arith.maximumf %get3A_465, %broadcast_in_dim3A_462 : vector<1x64xf32>
    %swap3A_467 = arith.constant 24 : index
    %swap3A_468 = arith.constant 0 : index
    %swap3A_469 = vector.load %arg10[%swap3A_467, %swap3A_468] : memref<56x64xf32, #tpu.memory_space<vmem>>, vector<1x64xf32>
    tpu.vector_store %arg10[%swap3A_467, %swap3A_468], %max3A_466 {strides = array<i32>} : memref<56x64xf32, #tpu.memory_space<vmem>>, vector<1x64xf32>,
    %eq3A_470 = arith.constant 2.500000e+01 : f32
    %eq3A_471 = vector.broadcast %eq3A_470 : f32 to vector<128x1xf32>
    %eq3A_472 = arith.cmpf oeq, %get3A_6, %eq3A_471 : vector<128x1xf32>
    %jit3A_473 = arith.constant 0xFF800000 : f32
    %broadcast_in_dim3A_474 = vector.shape_cast %eq3A_472 : vector<128x1xi1> to vector<128x1xi1>
    %broadcast_in_dim3A_475 = vector.broadcast %broadcast_in_dim3A_474 : vector<128x1xi1> to vector<128x64xi1>
    %broadcast_in_dim3A_476 = vector.broadcast %jit3A_473 : f32 to vector<128x64xf32>
    %select_n3A_477 = arith.select %broadcast_in_dim3A_475, %select_n3A_22, %broadcast_in_dim3A_476 : vector<128x64xi1>, vector<128x64xf32>
    %reduce_max3A_478 = arith.constant dense<0xFF800000> : vector<64xf32>
    %reduce_max3A_479 = vector.multi_reduction <maximumf>, %select_n3A_477, %reduce_max3A_478 [0] : vector<128x64xf32> to vector<64xf32>
    %broadcast_in_dim3A_480 = vector.shape_cast %reduce_max3A_479 : vector<64xf32> to vector<1x64xf32>
    %get3A_481 = arith.constant 25 : index
    %get3A_482 = arith.constant 0 : index
    %get3A_483 = vector.load %arg10[%get3A_481, %get3A_482] : memref<56x64xf32, #tpu.memory_space<vmem>>, vector<1x64xf32>
    %max3A_484 = arith.maximumf %get3A_483, %broadcast_in_dim3A_480 : vector<1x64xf32>
    %swap3A_485 = arith.constant 25 : index
    %swap3A_486 = arith.constant 0 : index
    %swap3A_487 = vector.load %arg10[%swap3A_485, %swap3A_486] : memref<56x64xf32, #tpu.memory_space<vmem>>, vector<1x64xf32>
    tpu.vector_store %arg10[%swap3A_485, %swap3A_486], %max3A_484 {strides = array<i32>} : memref<56x64xf32, #tpu.memory_space<vmem>>, vector<1x64xf32>,
    %eq3A_488 = arith.constant 2.600000e+01 : f32
    %eq3A_489 = vector.broadcast %eq3A_488 : f32 to vector<128x1xf32>
    %eq3A_490 = arith.cmpf oeq, %get3A_6, %eq3A_489 : vector<128x1xf32>
    %jit3A_491 = arith.constant 0xFF800000 : f32
    %broadcast_in_dim3A_492 = vector.shape_cast %eq3A_490 : vector<128x1xi1> to vector<128x1xi1>
    %broadcast_in_dim3A_493 = vector.broadcast %broadcast_in_dim3A_492 : vector<128x1xi1> to vector<128x64xi1>
    %broadcast_in_dim3A_494 = vector.broadcast %jit3A_491 : f32 to vector<128x64xf32>
    %select_n3A_495 = arith.select %broadcast_in_dim3A_493, %select_n3A_22, %broadcast_in_dim3A_494 : vector<128x64xi1>, vector<128x64xf32>
    %reduce_max3A_496 = arith.constant dense<0xFF800000> : vector<64xf32>
    %reduce_max3A_497 = vector.multi_reduction <maximumf>, %select_n3A_495, %reduce_max3A_496 [0] : vector<128x64xf32> to vector<64xf32>
    %broadcast_in_dim3A_498 = vector.shape_cast %reduce_max3A_497 : vector<64xf32> to vector<1x64xf32>
    %get3A_499 = arith.constant 26 : index
    %get3A_500 = arith.constant 0 : index
    %get3A_501 = vector.load %arg10[%get3A_499, %get3A_500] : memref<56x64xf32, #tpu.memory_space<vmem>>, vector<1x64xf32>
    %max3A_502 = arith.maximumf %get3A_501, %broadcast_in_dim3A_498 : vector<1x64xf32>
    %swap3A_503 = arith.constant 26 : index
    %swap3A_504 = arith.constant 0 : index
    %swap3A_505 = vector.load %arg10[%swap3A_503, %swap3A_504] : memref<56x64xf32, #tpu.memory_space<vmem>>, vector<1x64xf32>
    tpu.vector_store %arg10[%swap3A_503, %swap3A_504], %max3A_502 {strides = array<i32>} : memref<56x64xf32, #tpu.memory_space<vmem>>, vector<1x64xf32>,
    %eq3A_506 = arith.constant 2.700000e+01 : f32
    %eq3A_507 = vector.broadcast %eq3A_506 : f32 to vector<128x1xf32>
    %eq3A_508 = arith.cmpf oeq, %get3A_6, %eq3A_507 : vector<128x1xf32>
    %jit3A_509 = arith.constant 0xFF800000 : f32
    %broadcast_in_dim3A_510 = vector.shape_cast %eq3A_508 : vector<128x1xi1> to vector<128x1xi1>
    %broadcast_in_dim3A_511 = vector.broadcast %broadcast_in_dim3A_510 : vector<128x1xi1> to vector<128x64xi1>
    %broadcast_in_dim3A_512 = vector.broadcast %jit3A_509 : f32 to vector<128x64xf32>
    %select_n3A_513 = arith.select %broadcast_in_dim3A_511, %select_n3A_22, %broadcast_in_dim3A_512 : vector<128x64xi1>, vector<128x64xf32>
    %reduce_max3A_514 = arith.constant dense<0xFF800000> : vector<64xf32>
    %reduce_max3A_515 = vector.multi_reduction <maximumf>, %select_n3A_513, %reduce_max3A_514 [0] : vector<128x64xf32> to vector<64xf32>
    %broadcast_in_dim3A_516 = vector.shape_cast %reduce_max3A_515 : vector<64xf32> to vector<1x64xf32>
    %get3A_517 = arith.constant 27 : index
    %get3A_518 = arith.constant 0 : index
    %get3A_519 = vector.load %arg10[%get3A_517, %get3A_518] : memref<56x64xf32, #tpu.memory_space<vmem>>, vector<1x64xf32>
    %max3A_520 = arith.maximumf %get3A_519, %broadcast_in_dim3A_516 : vector<1x64xf32>
    %swap3A_521 = arith.constant 27 : index
    %swap3A_522 = arith.constant 0 : index
    %swap3A_523 = vector.load %arg10[%swap3A_521, %swap3A_522] : memref<56x64xf32, #tpu.memory_space<vmem>>, vector<1x64xf32>
    tpu.vector_store %arg10[%swap3A_521, %swap3A_522], %max3A_520 {strides = array<i32>} : memref<56x64xf32, #tpu.memory_space<vmem>>, vector<1x64xf32>,
    %eq3A_524 = arith.constant 2.800000e+01 : f32
    %eq3A_525 = vector.broadcast %eq3A_524 : f32 to vector<128x1xf32>
    %eq3A_526 = arith.cmpf oeq, %get3A_6, %eq3A_525 : vector<128x1xf32>
    %jit3A_527 = arith.constant 0xFF800000 : f32
    %broadcast_in_dim3A_528 = vector.shape_cast %eq3A_526 : vector<128x1xi1> to vector<128x1xi1>
    %broadcast_in_dim3A_529 = vector.broadcast %broadcast_in_dim3A_528 : vector<128x1xi1> to vector<128x64xi1>
    %broadcast_in_dim3A_530 = vector.broadcast %jit3A_527 : f32 to vector<128x64xf32>
    %select_n3A_531 = arith.select %broadcast_in_dim3A_529, %select_n3A_22, %broadcast_in_dim3A_530 : vector<128x64xi1>, vector<128x64xf32>
    %reduce_max3A_532 = arith.constant dense<0xFF800000> : vector<64xf32>
    %reduce_max3A_533 = vector.multi_reduction <maximumf>, %select_n3A_531, %reduce_max3A_532 [0] : vector<128x64xf32> to vector<64xf32>
    %broadcast_in_dim3A_534 = vector.shape_cast %reduce_max3A_533 : vector<64xf32> to vector<1x64xf32>
    %get3A_535 = arith.constant 28 : index
    %get3A_536 = arith.constant 0 : index
    %get3A_537 = vector.load %arg10[%get3A_535, %get3A_536] : memref<56x64xf32, #tpu.memory_space<vmem>>, vector<1x64xf32>
    %max3A_538 = arith.maximumf %get3A_537, %broadcast_in_dim3A_534 : vector<1x64xf32>
    %swap3A_539 = arith.constant 28 : index
    %swap3A_540 = arith.constant 0 : index
    %swap3A_541 = vector.load %arg10[%swap3A_539, %swap3A_540] : memref<56x64xf32, #tpu.memory_space<vmem>>, vector<1x64xf32>
    tpu.vector_store %arg10[%swap3A_539, %swap3A_540], %max3A_538 {strides = array<i32>} : memref<56x64xf32, #tpu.memory_space<vmem>>, vector<1x64xf32>,
    %eq3A_542 = arith.constant 2.900000e+01 : f32
    %eq3A_543 = vector.broadcast %eq3A_542 : f32 to vector<128x1xf32>
    %eq3A_544 = arith.cmpf oeq, %get3A_6, %eq3A_543 : vector<128x1xf32>
    %jit3A_545 = arith.constant 0xFF800000 : f32
    %broadcast_in_dim3A_546 = vector.shape_cast %eq3A_544 : vector<128x1xi1> to vector<128x1xi1>
    %broadcast_in_dim3A_547 = vector.broadcast %broadcast_in_dim3A_546 : vector<128x1xi1> to vector<128x64xi1>
    %broadcast_in_dim3A_548 = vector.broadcast %jit3A_545 : f32 to vector<128x64xf32>
    %select_n3A_549 = arith.select %broadcast_in_dim3A_547, %select_n3A_22, %broadcast_in_dim3A_548 : vector<128x64xi1>, vector<128x64xf32>
    %reduce_max3A_550 = arith.constant dense<0xFF800000> : vector<64xf32>
    %reduce_max3A_551 = vector.multi_reduction <maximumf>, %select_n3A_549, %reduce_max3A_550 [0] : vector<128x64xf32> to vector<64xf32>
    %broadcast_in_dim3A_552 = vector.shape_cast %reduce_max3A_551 : vector<64xf32> to vector<1x64xf32>
    %get3A_553 = arith.constant 29 : index
    %get3A_554 = arith.constant 0 : index
    %get3A_555 = vector.load %arg10[%get3A_553, %get3A_554] : memref<56x64xf32, #tpu.memory_space<vmem>>, vector<1x64xf32>
    %max3A_556 = arith.maximumf %get3A_555, %broadcast_in_dim3A_552 : vector<1x64xf32>
    %swap3A_557 = arith.constant 29 : index
    %swap3A_558 = arith.constant 0 : index
    %swap3A_559 = vector.load %arg10[%swap3A_557, %swap3A_558] : memref<56x64xf32, #tpu.memory_space<vmem>>, vector<1x64xf32>
    tpu.vector_store %arg10[%swap3A_557, %swap3A_558], %max3A_556 {strides = array<i32>} : memref<56x64xf32, #tpu.memory_space<vmem>>, vector<1x64xf32>,
    %eq3A_560 = arith.constant 3.000000e+01 : f32
    %eq3A_561 = vector.broadcast %eq3A_560 : f32 to vector<128x1xf32>
    %eq3A_562 = arith.cmpf oeq, %get3A_6, %eq3A_561 : vector<128x1xf32>
    %jit3A_563 = arith.constant 0xFF800000 : f32
    %broadcast_in_dim3A_564 = vector.shape_cast %eq3A_562 : vector<128x1xi1> to vector<128x1xi1>
    %broadcast_in_dim3A_565 = vector.broadcast %broadcast_in_dim3A_564 : vector<128x1xi1> to vector<128x64xi1>
    %broadcast_in_dim3A_566 = vector.broadcast %jit3A_563 : f32 to vector<128x64xf32>
    %select_n3A_567 = arith.select %broadcast_in_dim3A_565, %select_n3A_22, %broadcast_in_dim3A_566 : vector<128x64xi1>, vector<128x64xf32>
    %reduce_max3A_568 = arith.constant dense<0xFF800000> : vector<64xf32>
    %reduce_max3A_569 = vector.multi_reduction <maximumf>, %select_n3A_567, %reduce_max3A_568 [0] : vector<128x64xf32> to vector<64xf32>
    %broadcast_in_dim3A_570 = vector.shape_cast %reduce_max3A_569 : vector<64xf32> to vector<1x64xf32>
    %get3A_571 = arith.constant 30 : index
    %get3A_572 = arith.constant 0 : index
    %get3A_573 = vector.load %arg10[%get3A_571, %get3A_572] : memref<56x64xf32, #tpu.memory_space<vmem>>, vector<1x64xf32>
    %max3A_574 = arith.maximumf %get3A_573, %broadcast_in_dim3A_570 : vector<1x64xf32>
    %swap3A_575 = arith.constant 30 : index
    %swap3A_576 = arith.constant 0 : index
    %swap3A_577 = vector.load %arg10[%swap3A_575, %swap3A_576] : memref<56x64xf32, #tpu.memory_space<vmem>>, vector<1x64xf32>
    tpu.vector_store %arg10[%swap3A_575, %swap3A_576], %max3A_574 {strides = array<i32>} : memref<56x64xf32, #tpu.memory_space<vmem>>, vector<1x64xf32>,
    %eq3A_578 = arith.constant 3.100000e+01 : f32
    %eq3A_579 = vector.broadcast %eq3A_578 : f32 to vector<128x1xf32>
    %eq3A_580 = arith.cmpf oeq, %get3A_6, %eq3A_579 : vector<128x1xf32>
    %jit3A_581 = arith.constant 0xFF800000 : f32
    %broadcast_in_dim3A_582 = vector.shape_cast %eq3A_580 : vector<128x1xi1> to vector<128x1xi1>
    %broadcast_in_dim3A_583 = vector.broadcast %broadcast_in_dim3A_582 : vector<128x1xi1> to vector<128x64xi1>
    %broadcast_in_dim3A_584 = vector.broadcast %jit3A_581 : f32 to vector<128x64xf32>
    %select_n3A_585 = arith.select %broadcast_in_dim3A_583, %select_n3A_22, %broadcast_in_dim3A_584 : vector<128x64xi1>, vector<128x64xf32>
    %reduce_max3A_586 = arith.constant dense<0xFF800000> : vector<64xf32>
    %reduce_max3A_587 = vector.multi_reduction <maximumf>, %select_n3A_585, %reduce_max3A_586 [0] : vector<128x64xf32> to vector<64xf32>
    %broadcast_in_dim3A_588 = vector.shape_cast %reduce_max3A_587 : vector<64xf32> to vector<1x64xf32>
    %get3A_589 = arith.constant 31 : index
    %get3A_590 = arith.constant 0 : index
    %get3A_591 = vector.load %arg10[%get3A_589, %get3A_590] : memref<56x64xf32, #tpu.memory_space<vmem>>, vector<1x64xf32>
    %max3A_592 = arith.maximumf %get3A_591, %broadcast_in_dim3A_588 : vector<1x64xf32>
    %swap3A_593 = arith.constant 31 : index
    %swap3A_594 = arith.constant 0 : index
    %swap3A_595 = vector.load %arg10[%swap3A_593, %swap3A_594] : memref<56x64xf32, #tpu.memory_space<vmem>>, vector<1x64xf32>
    tpu.vector_store %arg10[%swap3A_593, %swap3A_594], %max3A_592 {strides = array<i32>} : memref<56x64xf32, #tpu.memory_space<vmem>>, vector<1x64xf32>,
    %eq3A_596 = arith.constant 3.200000e+01 : f32
    %eq3A_597 = vector.broadcast %eq3A_596 : f32 to vector<128x1xf32>
    %eq3A_598 = arith.cmpf oeq, %get3A_6, %eq3A_597 : vector<128x1xf32>
    %jit3A_599 = arith.constant 0xFF800000 : f32
    %broadcast_in_dim3A_600 = vector.shape_cast %eq3A_598 : vector<128x1xi1> to vector<128x1xi1>
    %broadcast_in_dim3A_601 = vector.broadcast %broadcast_in_dim3A_600 : vector<128x1xi1> to vector<128x64xi1>
    %broadcast_in_dim3A_602 = vector.broadcast %jit3A_599 : f32 to vector<128x64xf32>
    %select_n3A_603 = arith.select %broadcast_in_dim3A_601, %select_n3A_22, %broadcast_in_dim3A_602 : vector<128x64xi1>, vector<128x64xf32>
    %reduce_max3A_604 = arith.constant dense<0xFF800000> : vector<64xf32>
    %reduce_max3A_605 = vector.multi_reduction <maximumf>, %select_n3A_603, %reduce_max3A_604 [0] : vector<128x64xf32> to vector<64xf32>
    %broadcast_in_dim3A_606 = vector.shape_cast %reduce_max3A_605 : vector<64xf32> to vector<1x64xf32>
    %get3A_607 = arith.constant 32 : index
    %get3A_608 = arith.constant 0 : index
    %get3A_609 = vector.load %arg10[%get3A_607, %get3A_608] : memref<56x64xf32, #tpu.memory_space<vmem>>, vector<1x64xf32>
    %max3A_610 = arith.maximumf %get3A_609, %broadcast_in_dim3A_606 : vector<1x64xf32>
    %swap3A_611 = arith.constant 32 : index
    %swap3A_612 = arith.constant 0 : index
    %swap3A_613 = vector.load %arg10[%swap3A_611, %swap3A_612] : memref<56x64xf32, #tpu.memory_space<vmem>>, vector<1x64xf32>
    tpu.vector_store %arg10[%swap3A_611, %swap3A_612], %max3A_610 {strides = array<i32>} : memref<56x64xf32, #tpu.memory_space<vmem>>, vector<1x64xf32>,
    %eq3A_614 = arith.constant 3.300000e+01 : f32
    %eq3A_615 = vector.broadcast %eq3A_614 : f32 to vector<128x1xf32>
    %eq3A_616 = arith.cmpf oeq, %get3A_6, %eq3A_615 : vector<128x1xf32>
    %jit3A_617 = arith.constant 0xFF800000 : f32
    %broadcast_in_dim3A_618 = vector.shape_cast %eq3A_616 : vector<128x1xi1> to vector<128x1xi1>
    %broadcast_in_dim3A_619 = vector.broadcast %broadcast_in_dim3A_618 : vector<128x1xi1> to vector<128x64xi1>
    %broadcast_in_dim3A_620 = vector.broadcast %jit3A_617 : f32 to vector<128x64xf32>
    %select_n3A_621 = arith.select %broadcast_in_dim3A_619, %select_n3A_22, %broadcast_in_dim3A_620 : vector<128x64xi1>, vector<128x64xf32>
    %reduce_max3A_622 = arith.constant dense<0xFF800000> : vector<64xf32>
    %reduce_max3A_623 = vector.multi_reduction <maximumf>, %select_n3A_621, %reduce_max3A_622 [0] : vector<128x64xf32> to vector<64xf32>
    %broadcast_in_dim3A_624 = vector.shape_cast %reduce_max3A_623 : vector<64xf32> to vector<1x64xf32>
    %get3A_625 = arith.constant 33 : index
    %get3A_626 = arith.constant 0 : index
    %get3A_627 = vector.load %arg10[%get3A_625, %get3A_626] : memref<56x64xf32, #tpu.memory_space<vmem>>, vector<1x64xf32>
    %max3A_628 = arith.maximumf %get3A_627, %broadcast_in_dim3A_624 : vector<1x64xf32>
    %swap3A_629 = arith.constant 33 : index
    %swap3A_630 = arith.constant 0 : index
    %swap3A_631 = vector.load %arg10[%swap3A_629, %swap3A_630] : memref<56x64xf32, #tpu.memory_space<vmem>>, vector<1x64xf32>
    tpu.vector_store %arg10[%swap3A_629, %swap3A_630], %max3A_628 {strides = array<i32>} : memref<56x64xf32, #tpu.memory_space<vmem>>, vector<1x64xf32>,
    %eq3A_632 = arith.constant 3.400000e+01 : f32
    %eq3A_633 = vector.broadcast %eq3A_632 : f32 to vector<128x1xf32>
    %eq3A_634 = arith.cmpf oeq, %get3A_6, %eq3A_633 : vector<128x1xf32>
    %jit3A_635 = arith.constant 0xFF800000 : f32
    %broadcast_in_dim3A_636 = vector.shape_cast %eq3A_634 : vector<128x1xi1> to vector<128x1xi1>
    %broadcast_in_dim3A_637 = vector.broadcast %broadcast_in_dim3A_636 : vector<128x1xi1> to vector<128x64xi1>
    %broadcast_in_dim3A_638 = vector.broadcast %jit3A_635 : f32 to vector<128x64xf32>
    %select_n3A_639 = arith.select %broadcast_in_dim3A_637, %select_n3A_22, %broadcast_in_dim3A_638 : vector<128x64xi1>, vector<128x64xf32>
    %reduce_max3A_640 = arith.constant dense<0xFF800000> : vector<64xf32>
    %reduce_max3A_641 = vector.multi_reduction <maximumf>, %select_n3A_639, %reduce_max3A_640 [0] : vector<128x64xf32> to vector<64xf32>
    %broadcast_in_dim3A_642 = vector.shape_cast %reduce_max3A_641 : vector<64xf32> to vector<1x64xf32>
    %get3A_643 = arith.constant 34 : index
    %get3A_644 = arith.constant 0 : index
    %get3A_645 = vector.load %arg10[%get3A_643, %get3A_644] : memref<56x64xf32, #tpu.memory_space<vmem>>, vector<1x64xf32>
    %max3A_646 = arith.maximumf %get3A_645, %broadcast_in_dim3A_642 : vector<1x64xf32>
    %swap3A_647 = arith.constant 34 : index
    %swap3A_648 = arith.constant 0 : index
    %swap3A_649 = vector.load %arg10[%swap3A_647, %swap3A_648] : memref<56x64xf32, #tpu.memory_space<vmem>>, vector<1x64xf32>
    tpu.vector_store %arg10[%swap3A_647, %swap3A_648], %max3A_646 {strides = array<i32>} : memref<56x64xf32, #tpu.memory_space<vmem>>, vector<1x64xf32>,
    %eq3A_650 = arith.constant 3.500000e+01 : f32
    %eq3A_651 = vector.broadcast %eq3A_650 : f32 to vector<128x1xf32>
    %eq3A_652 = arith.cmpf oeq, %get3A_6, %eq3A_651 : vector<128x1xf32>
    %jit3A_653 = arith.constant 0xFF800000 : f32
    %broadcast_in_dim3A_654 = vector.shape_cast %eq3A_652 : vector<128x1xi1> to vector<128x1xi1>
    %broadcast_in_dim3A_655 = vector.broadcast %broadcast_in_dim3A_654 : vector<128x1xi1> to vector<128x64xi1>
    %broadcast_in_dim3A_656 = vector.broadcast %jit3A_653 : f32 to vector<128x64xf32>
    %select_n3A_657 = arith.select %broadcast_in_dim3A_655, %select_n3A_22, %broadcast_in_dim3A_656 : vector<128x64xi1>, vector<128x64xf32>
    %reduce_max3A_658 = arith.constant dense<0xFF800000> : vector<64xf32>
    %reduce_max3A_659 = vector.multi_reduction <maximumf>, %select_n3A_657, %reduce_max3A_658 [0] : vector<128x64xf32> to vector<64xf32>
    %broadcast_in_dim3A_660 = vector.shape_cast %reduce_max3A_659 : vector<64xf32> to vector<1x64xf32>
    %get3A_661 = arith.constant 35 : index
    %get3A_662 = arith.constant 0 : index
    %get3A_663 = vector.load %arg10[%get3A_661, %get3A_662] : memref<56x64xf32, #tpu.memory_space<vmem>>, vector<1x64xf32>
    %max3A_664 = arith.maximumf %get3A_663, %broadcast_in_dim3A_660 : vector<1x64xf32>
    %swap3A_665 = arith.constant 35 : index
    %swap3A_666 = arith.constant 0 : index
    %swap3A_667 = vector.load %arg10[%swap3A_665, %swap3A_666] : memref<56x64xf32, #tpu.memory_space<vmem>>, vector<1x64xf32>
    tpu.vector_store %arg10[%swap3A_665, %swap3A_666], %max3A_664 {strides = array<i32>} : memref<56x64xf32, #tpu.memory_space<vmem>>, vector<1x64xf32>,
    %eq3A_668 = arith.constant 3.600000e+01 : f32
    %eq3A_669 = vector.broadcast %eq3A_668 : f32 to vector<128x1xf32>
    %eq3A_670 = arith.cmpf oeq, %get3A_6, %eq3A_669 : vector<128x1xf32>
    %jit3A_671 = arith.constant 0xFF800000 : f32
    %broadcast_in_dim3A_672 = vector.shape_cast %eq3A_670 : vector<128x1xi1> to vector<128x1xi1>
    %broadcast_in_dim3A_673 = vector.broadcast %broadcast_in_dim3A_672 : vector<128x1xi1> to vector<128x64xi1>
    %broadcast_in_dim3A_674 = vector.broadcast %jit3A_671 : f32 to vector<128x64xf32>
    %select_n3A_675 = arith.select %broadcast_in_dim3A_673, %select_n3A_22, %broadcast_in_dim3A_674 : vector<128x64xi1>, vector<128x64xf32>
    %reduce_max3A_676 = arith.constant dense<0xFF800000> : vector<64xf32>
    %reduce_max3A_677 = vector.multi_reduction <maximumf>, %select_n3A_675, %reduce_max3A_676 [0] : vector<128x64xf32> to vector<64xf32>
    %broadcast_in_dim3A_678 = vector.shape_cast %reduce_max3A_677 : vector<64xf32> to vector<1x64xf32>
    %get3A_679 = arith.constant 36 : index
    %get3A_680 = arith.constant 0 : index
    %get3A_681 = vector.load %arg10[%get3A_679, %get3A_680] : memref<56x64xf32, #tpu.memory_space<vmem>>, vector<1x64xf32>
    %max3A_682 = arith.maximumf %get3A_681, %broadcast_in_dim3A_678 : vector<1x64xf32>
    %swap3A_683 = arith.constant 36 : index
    %swap3A_684 = arith.constant 0 : index
    %swap3A_685 = vector.load %arg10[%swap3A_683, %swap3A_684] : memref<56x64xf32, #tpu.memory_space<vmem>>, vector<1x64xf32>
    tpu.vector_store %arg10[%swap3A_683, %swap3A_684], %max3A_682 {strides = array<i32>} : memref<56x64xf32, #tpu.memory_space<vmem>>, vector<1x64xf32>,
    %eq3A_686 = arith.constant 3.700000e+01 : f32
    %eq3A_687 = vector.broadcast %eq3A_686 : f32 to vector<128x1xf32>
    %eq3A_688 = arith.cmpf oeq, %get3A_6, %eq3A_687 : vector<128x1xf32>
    %jit3A_689 = arith.constant 0xFF800000 : f32
    %broadcast_in_dim3A_690 = vector.shape_cast %eq3A_688 : vector<128x1xi1> to vector<128x1xi1>
    %broadcast_in_dim3A_691 = vector.broadcast %broadcast_in_dim3A_690 : vector<128x1xi1> to vector<128x64xi1>
    %broadcast_in_dim3A_692 = vector.broadcast %jit3A_689 : f32 to vector<128x64xf32>
    %select_n3A_693 = arith.select %broadcast_in_dim3A_691, %select_n3A_22, %broadcast_in_dim3A_692 : vector<128x64xi1>, vector<128x64xf32>
    %reduce_max3A_694 = arith.constant dense<0xFF800000> : vector<64xf32>
    %reduce_max3A_695 = vector.multi_reduction <maximumf>, %select_n3A_693, %reduce_max3A_694 [0] : vector<128x64xf32> to vector<64xf32>
    %broadcast_in_dim3A_696 = vector.shape_cast %reduce_max3A_695 : vector<64xf32> to vector<1x64xf32>
    %get3A_697 = arith.constant 37 : index
    %get3A_698 = arith.constant 0 : index
    %get3A_699 = vector.load %arg10[%get3A_697, %get3A_698] : memref<56x64xf32, #tpu.memory_space<vmem>>, vector<1x64xf32>
    %max3A_700 = arith.maximumf %get3A_699, %broadcast_in_dim3A_696 : vector<1x64xf32>
    %swap3A_701 = arith.constant 37 : index
    %swap3A_702 = arith.constant 0 : index
    %swap3A_703 = vector.load %arg10[%swap3A_701, %swap3A_702] : memref<56x64xf32, #tpu.memory_space<vmem>>, vector<1x64xf32>
    tpu.vector_store %arg10[%swap3A_701, %swap3A_702], %max3A_700 {strides = array<i32>} : memref<56x64xf32, #tpu.memory_space<vmem>>, vector<1x64xf32>,
    %eq3A_704 = arith.constant 3.800000e+01 : f32
    %eq3A_705 = vector.broadcast %eq3A_704 : f32 to vector<128x1xf32>
    %eq3A_706 = arith.cmpf oeq, %get3A_6, %eq3A_705 : vector<128x1xf32>
    %jit3A_707 = arith.constant 0xFF800000 : f32
    %broadcast_in_dim3A_708 = vector.shape_cast %eq3A_706 : vector<128x1xi1> to vector<128x1xi1>
    %broadcast_in_dim3A_709 = vector.broadcast %broadcast_in_dim3A_708 : vector<128x1xi1> to vector<128x64xi1>
    %broadcast_in_dim3A_710 = vector.broadcast %jit3A_707 : f32 to vector<128x64xf32>
    %select_n3A_711 = arith.select %broadcast_in_dim3A_709, %select_n3A_22, %broadcast_in_dim3A_710 : vector<128x64xi1>, vector<128x64xf32>
    %reduce_max3A_712 = arith.constant dense<0xFF800000> : vector<64xf32>
    %reduce_max3A_713 = vector.multi_reduction <maximumf>, %select_n3A_711, %reduce_max3A_712 [0] : vector<128x64xf32> to vector<64xf32>
    %broadcast_in_dim3A_714 = vector.shape_cast %reduce_max3A_713 : vector<64xf32> to vector<1x64xf32>
    %get3A_715 = arith.constant 38 : index
    %get3A_716 = arith.constant 0 : index
    %get3A_717 = vector.load %arg10[%get3A_715, %get3A_716] : memref<56x64xf32, #tpu.memory_space<vmem>>, vector<1x64xf32>
    %max3A_718 = arith.maximumf %get3A_717, %broadcast_in_dim3A_714 : vector<1x64xf32>
    %swap3A_719 = arith.constant 38 : index
    %swap3A_720 = arith.constant 0 : index
    %swap3A_721 = vector.load %arg10[%swap3A_719, %swap3A_720] : memref<56x64xf32, #tpu.memory_space<vmem>>, vector<1x64xf32>
    tpu.vector_store %arg10[%swap3A_719, %swap3A_720], %max3A_718 {strides = array<i32>} : memref<56x64xf32, #tpu.memory_space<vmem>>, vector<1x64xf32>,
    %eq3A_722 = arith.constant 3.900000e+01 : f32
    %eq3A_723 = vector.broadcast %eq3A_722 : f32 to vector<128x1xf32>
    %eq3A_724 = arith.cmpf oeq, %get3A_6, %eq3A_723 : vector<128x1xf32>
    %jit3A_725 = arith.constant 0xFF800000 : f32
    %broadcast_in_dim3A_726 = vector.shape_cast %eq3A_724 : vector<128x1xi1> to vector<128x1xi1>
    %broadcast_in_dim3A_727 = vector.broadcast %broadcast_in_dim3A_726 : vector<128x1xi1> to vector<128x64xi1>
    %broadcast_in_dim3A_728 = vector.broadcast %jit3A_725 : f32 to vector<128x64xf32>
    %select_n3A_729 = arith.select %broadcast_in_dim3A_727, %select_n3A_22, %broadcast_in_dim3A_728 : vector<128x64xi1>, vector<128x64xf32>
    %reduce_max3A_730 = arith.constant dense<0xFF800000> : vector<64xf32>
    %reduce_max3A_731 = vector.multi_reduction <maximumf>, %select_n3A_729, %reduce_max3A_730 [0] : vector<128x64xf32> to vector<64xf32>
    %broadcast_in_dim3A_732 = vector.shape_cast %reduce_max3A_731 : vector<64xf32> to vector<1x64xf32>
    %get3A_733 = arith.constant 39 : index
    %get3A_734 = arith.constant 0 : index
    %get3A_735 = vector.load %arg10[%get3A_733, %get3A_734] : memref<56x64xf32, #tpu.memory_space<vmem>>, vector<1x64xf32>
    %max3A_736 = arith.maximumf %get3A_735, %broadcast_in_dim3A_732 : vector<1x64xf32>
    %swap3A_737 = arith.constant 39 : index
    %swap3A_738 = arith.constant 0 : index
    %swap3A_739 = vector.load %arg10[%swap3A_737, %swap3A_738] : memref<56x64xf32, #tpu.memory_space<vmem>>, vector<1x64xf32>
    tpu.vector_store %arg10[%swap3A_737, %swap3A_738], %max3A_736 {strides = array<i32>} : memref<56x64xf32, #tpu.memory_space<vmem>>, vector<1x64xf32>,
    %eq3A_740 = arith.constant 4.000000e+01 : f32
    %eq3A_741 = vector.broadcast %eq3A_740 : f32 to vector<128x1xf32>
    %eq3A_742 = arith.cmpf oeq, %get3A_6, %eq3A_741 : vector<128x1xf32>
    %jit3A_743 = arith.constant 0xFF800000 : f32
    %broadcast_in_dim3A_744 = vector.shape_cast %eq3A_742 : vector<128x1xi1> to vector<128x1xi1>
    %broadcast_in_dim3A_745 = vector.broadcast %broadcast_in_dim3A_744 : vector<128x1xi1> to vector<128x64xi1>
    %broadcast_in_dim3A_746 = vector.broadcast %jit3A_743 : f32 to vector<128x64xf32>
    %select_n3A_747 = arith.select %broadcast_in_dim3A_745, %select_n3A_22, %broadcast_in_dim3A_746 : vector<128x64xi1>, vector<128x64xf32>
    %reduce_max3A_748 = arith.constant dense<0xFF800000> : vector<64xf32>
    %reduce_max3A_749 = vector.multi_reduction <maximumf>, %select_n3A_747, %reduce_max3A_748 [0] : vector<128x64xf32> to vector<64xf32>
    %broadcast_in_dim3A_750 = vector.shape_cast %reduce_max3A_749 : vector<64xf32> to vector<1x64xf32>
    %get3A_751 = arith.constant 40 : index
    %get3A_752 = arith.constant 0 : index
    %get3A_753 = vector.load %arg10[%get3A_751, %get3A_752] : memref<56x64xf32, #tpu.memory_space<vmem>>, vector<1x64xf32>
    %max3A_754 = arith.maximumf %get3A_753, %broadcast_in_dim3A_750 : vector<1x64xf32>
    %swap3A_755 = arith.constant 40 : index
    %swap3A_756 = arith.constant 0 : index
    %swap3A_757 = vector.load %arg10[%swap3A_755, %swap3A_756] : memref<56x64xf32, #tpu.memory_space<vmem>>, vector<1x64xf32>
    tpu.vector_store %arg10[%swap3A_755, %swap3A_756], %max3A_754 {strides = array<i32>} : memref<56x64xf32, #tpu.memory_space<vmem>>, vector<1x64xf32>,
    %eq3A_758 = arith.constant 4.100000e+01 : f32
    %eq3A_759 = vector.broadcast %eq3A_758 : f32 to vector<128x1xf32>
    %eq3A_760 = arith.cmpf oeq, %get3A_6, %eq3A_759 : vector<128x1xf32>
    %jit3A_761 = arith.constant 0xFF800000 : f32
    %broadcast_in_dim3A_762 = vector.shape_cast %eq3A_760 : vector<128x1xi1> to vector<128x1xi1>
    %broadcast_in_dim3A_763 = vector.broadcast %broadcast_in_dim3A_762 : vector<128x1xi1> to vector<128x64xi1>
    %broadcast_in_dim3A_764 = vector.broadcast %jit3A_761 : f32 to vector<128x64xf32>
    %select_n3A_765 = arith.select %broadcast_in_dim3A_763, %select_n3A_22, %broadcast_in_dim3A_764 : vector<128x64xi1>, vector<128x64xf32>
    %reduce_max3A_766 = arith.constant dense<0xFF800000> : vector<64xf32>
    %reduce_max3A_767 = vector.multi_reduction <maximumf>, %select_n3A_765, %reduce_max3A_766 [0] : vector<128x64xf32> to vector<64xf32>
    %broadcast_in_dim3A_768 = vector.shape_cast %reduce_max3A_767 : vector<64xf32> to vector<1x64xf32>
    %get3A_769 = arith.constant 41 : index
    %get3A_770 = arith.constant 0 : index
    %get3A_771 = vector.load %arg10[%get3A_769, %get3A_770] : memref<56x64xf32, #tpu.memory_space<vmem>>, vector<1x64xf32>
    %max3A_772 = arith.maximumf %get3A_771, %broadcast_in_dim3A_768 : vector<1x64xf32>
    %swap3A_773 = arith.constant 41 : index
    %swap3A_774 = arith.constant 0 : index
    %swap3A_775 = vector.load %arg10[%swap3A_773, %swap3A_774] : memref<56x64xf32, #tpu.memory_space<vmem>>, vector<1x64xf32>
    tpu.vector_store %arg10[%swap3A_773, %swap3A_774], %max3A_772 {strides = array<i32>} : memref<56x64xf32, #tpu.memory_space<vmem>>, vector<1x64xf32>,
    %eq3A_776 = arith.constant 4.200000e+01 : f32
    %eq3A_777 = vector.broadcast %eq3A_776 : f32 to vector<128x1xf32>
    %eq3A_778 = arith.cmpf oeq, %get3A_6, %eq3A_777 : vector<128x1xf32>
    %jit3A_779 = arith.constant 0xFF800000 : f32
    %broadcast_in_dim3A_780 = vector.shape_cast %eq3A_778 : vector<128x1xi1> to vector<128x1xi1>
    %broadcast_in_dim3A_781 = vector.broadcast %broadcast_in_dim3A_780 : vector<128x1xi1> to vector<128x64xi1>
    %broadcast_in_dim3A_782 = vector.broadcast %jit3A_779 : f32 to vector<128x64xf32>
    %select_n3A_783 = arith.select %broadcast_in_dim3A_781, %select_n3A_22, %broadcast_in_dim3A_782 : vector<128x64xi1>, vector<128x64xf32>
    %reduce_max3A_784 = arith.constant dense<0xFF800000> : vector<64xf32>
    %reduce_max3A_785 = vector.multi_reduction <maximumf>, %select_n3A_783, %reduce_max3A_784 [0] : vector<128x64xf32> to vector<64xf32>
    %broadcast_in_dim3A_786 = vector.shape_cast %reduce_max3A_785 : vector<64xf32> to vector<1x64xf32>
    %get3A_787 = arith.constant 42 : index
    %get3A_788 = arith.constant 0 : index
    %get3A_789 = vector.load %arg10[%get3A_787, %get3A_788] : memref<56x64xf32, #tpu.memory_space<vmem>>, vector<1x64xf32>
    %max3A_790 = arith.maximumf %get3A_789, %broadcast_in_dim3A_786 : vector<1x64xf32>
    %swap3A_791 = arith.constant 42 : index
    %swap3A_792 = arith.constant 0 : index
    %swap3A_793 = vector.load %arg10[%swap3A_791, %swap3A_792] : memref<56x64xf32, #tpu.memory_space<vmem>>, vector<1x64xf32>
    tpu.vector_store %arg10[%swap3A_791, %swap3A_792], %max3A_790 {strides = array<i32>} : memref<56x64xf32, #tpu.memory_space<vmem>>, vector<1x64xf32>,
    %eq3A_794 = arith.constant 4.300000e+01 : f32
    %eq3A_795 = vector.broadcast %eq3A_794 : f32 to vector<128x1xf32>
    %eq3A_796 = arith.cmpf oeq, %get3A_6, %eq3A_795 : vector<128x1xf32>
    %jit3A_797 = arith.constant 0xFF800000 : f32
    %broadcast_in_dim3A_798 = vector.shape_cast %eq3A_796 : vector<128x1xi1> to vector<128x1xi1>
    %broadcast_in_dim3A_799 = vector.broadcast %broadcast_in_dim3A_798 : vector<128x1xi1> to vector<128x64xi1>
    %broadcast_in_dim3A_800 = vector.broadcast %jit3A_797 : f32 to vector<128x64xf32>
    %select_n3A_801 = arith.select %broadcast_in_dim3A_799, %select_n3A_22, %broadcast_in_dim3A_800 : vector<128x64xi1>, vector<128x64xf32>
    %reduce_max3A_802 = arith.constant dense<0xFF800000> : vector<64xf32>
    %reduce_max3A_803 = vector.multi_reduction <maximumf>, %select_n3A_801, %reduce_max3A_802 [0] : vector<128x64xf32> to vector<64xf32>
    %broadcast_in_dim3A_804 = vector.shape_cast %reduce_max3A_803 : vector<64xf32> to vector<1x64xf32>
    %get3A_805 = arith.constant 43 : index
    %get3A_806 = arith.constant 0 : index
    %get3A_807 = vector.load %arg10[%get3A_805, %get3A_806] : memref<56x64xf32, #tpu.memory_space<vmem>>, vector<1x64xf32>
    %max3A_808 = arith.maximumf %get3A_807, %broadcast_in_dim3A_804 : vector<1x64xf32>
    %swap3A_809 = arith.constant 43 : index
    %swap3A_810 = arith.constant 0 : index
    %swap3A_811 = vector.load %arg10[%swap3A_809, %swap3A_810] : memref<56x64xf32, #tpu.memory_space<vmem>>, vector<1x64xf32>
    tpu.vector_store %arg10[%swap3A_809, %swap3A_810], %max3A_808 {strides = array<i32>} : memref<56x64xf32, #tpu.memory_space<vmem>>, vector<1x64xf32>,
    %eq3A_812 = arith.constant 4.400000e+01 : f32
    %eq3A_813 = vector.broadcast %eq3A_812 : f32 to vector<128x1xf32>
    %eq3A_814 = arith.cmpf oeq, %get3A_6, %eq3A_813 : vector<128x1xf32>
    %jit3A_815 = arith.constant 0xFF800000 : f32
    %broadcast_in_dim3A_816 = vector.shape_cast %eq3A_814 : vector<128x1xi1> to vector<128x1xi1>
    %broadcast_in_dim3A_817 = vector.broadcast %broadcast_in_dim3A_816 : vector<128x1xi1> to vector<128x64xi1>
    %broadcast_in_dim3A_818 = vector.broadcast %jit3A_815 : f32 to vector<128x64xf32>
    %select_n3A_819 = arith.select %broadcast_in_dim3A_817, %select_n3A_22, %broadcast_in_dim3A_818 : vector<128x64xi1>, vector<128x64xf32>
    %reduce_max3A_820 = arith.constant dense<0xFF800000> : vector<64xf32>
    %reduce_max3A_821 = vector.multi_reduction <maximumf>, %select_n3A_819, %reduce_max3A_820 [0] : vector<128x64xf32> to vector<64xf32>
    %broadcast_in_dim3A_822 = vector.shape_cast %reduce_max3A_821 : vector<64xf32> to vector<1x64xf32>
    %get3A_823 = arith.constant 44 : index
    %get3A_824 = arith.constant 0 : index
    %get3A_825 = vector.load %arg10[%get3A_823, %get3A_824] : memref<56x64xf32, #tpu.memory_space<vmem>>, vector<1x64xf32>
    %max3A_826 = arith.maximumf %get3A_825, %broadcast_in_dim3A_822 : vector<1x64xf32>
    %swap3A_827 = arith.constant 44 : index
    %swap3A_828 = arith.constant 0 : index
    %swap3A_829 = vector.load %arg10[%swap3A_827, %swap3A_828] : memref<56x64xf32, #tpu.memory_space<vmem>>, vector<1x64xf32>
    tpu.vector_store %arg10[%swap3A_827, %swap3A_828], %max3A_826 {strides = array<i32>} : memref<56x64xf32, #tpu.memory_space<vmem>>, vector<1x64xf32>,
    %eq3A_830 = arith.constant 4.500000e+01 : f32
    %eq3A_831 = vector.broadcast %eq3A_830 : f32 to vector<128x1xf32>
    %eq3A_832 = arith.cmpf oeq, %get3A_6, %eq3A_831 : vector<128x1xf32>
    %jit3A_833 = arith.constant 0xFF800000 : f32
    %broadcast_in_dim3A_834 = vector.shape_cast %eq3A_832 : vector<128x1xi1> to vector<128x1xi1>
    %broadcast_in_dim3A_835 = vector.broadcast %broadcast_in_dim3A_834 : vector<128x1xi1> to vector<128x64xi1>
    %broadcast_in_dim3A_836 = vector.broadcast %jit3A_833 : f32 to vector<128x64xf32>
    %select_n3A_837 = arith.select %broadcast_in_dim3A_835, %select_n3A_22, %broadcast_in_dim3A_836 : vector<128x64xi1>, vector<128x64xf32>
    %reduce_max3A_838 = arith.constant dense<0xFF800000> : vector<64xf32>
    %reduce_max3A_839 = vector.multi_reduction <maximumf>, %select_n3A_837, %reduce_max3A_838 [0] : vector<128x64xf32> to vector<64xf32>
    %broadcast_in_dim3A_840 = vector.shape_cast %reduce_max3A_839 : vector<64xf32> to vector<1x64xf32>
    %get3A_841 = arith.constant 45 : index
    %get3A_842 = arith.constant 0 : index
    %get3A_843 = vector.load %arg10[%get3A_841, %get3A_842] : memref<56x64xf32, #tpu.memory_space<vmem>>, vector<1x64xf32>
    %max3A_844 = arith.maximumf %get3A_843, %broadcast_in_dim3A_840 : vector<1x64xf32>
    %swap3A_845 = arith.constant 45 : index
    %swap3A_846 = arith.constant 0 : index
    %swap3A_847 = vector.load %arg10[%swap3A_845, %swap3A_846] : memref<56x64xf32, #tpu.memory_space<vmem>>, vector<1x64xf32>
    tpu.vector_store %arg10[%swap3A_845, %swap3A_846], %max3A_844 {strides = array<i32>} : memref<56x64xf32, #tpu.memory_space<vmem>>, vector<1x64xf32>,
    %eq3A_848 = arith.constant 4.600000e+01 : f32
    %eq3A_849 = vector.broadcast %eq3A_848 : f32 to vector<128x1xf32>
    %eq3A_850 = arith.cmpf oeq, %get3A_6, %eq3A_849 : vector<128x1xf32>
    %jit3A_851 = arith.constant 0xFF800000 : f32
    %broadcast_in_dim3A_852 = vector.shape_cast %eq3A_850 : vector<128x1xi1> to vector<128x1xi1>
    %broadcast_in_dim3A_853 = vector.broadcast %broadcast_in_dim3A_852 : vector<128x1xi1> to vector<128x64xi1>
    %broadcast_in_dim3A_854 = vector.broadcast %jit3A_851 : f32 to vector<128x64xf32>
    %select_n3A_855 = arith.select %broadcast_in_dim3A_853, %select_n3A_22, %broadcast_in_dim3A_854 : vector<128x64xi1>, vector<128x64xf32>
    %reduce_max3A_856 = arith.constant dense<0xFF800000> : vector<64xf32>
    %reduce_max3A_857 = vector.multi_reduction <maximumf>, %select_n3A_855, %reduce_max3A_856 [0] : vector<128x64xf32> to vector<64xf32>
    %broadcast_in_dim3A_858 = vector.shape_cast %reduce_max3A_857 : vector<64xf32> to vector<1x64xf32>
    %get3A_859 = arith.constant 46 : index
    %get3A_860 = arith.constant 0 : index
    %get3A_861 = vector.load %arg10[%get3A_859, %get3A_860] : memref<56x64xf32, #tpu.memory_space<vmem>>, vector<1x64xf32>
    %max3A_862 = arith.maximumf %get3A_861, %broadcast_in_dim3A_858 : vector<1x64xf32>
    %swap3A_863 = arith.constant 46 : index
    %swap3A_864 = arith.constant 0 : index
    %swap3A_865 = vector.load %arg10[%swap3A_863, %swap3A_864] : memref<56x64xf32, #tpu.memory_space<vmem>>, vector<1x64xf32>
    tpu.vector_store %arg10[%swap3A_863, %swap3A_864], %max3A_862 {strides = array<i32>} : memref<56x64xf32, #tpu.memory_space<vmem>>, vector<1x64xf32>,
    %eq3A_866 = arith.constant 4.700000e+01 : f32
    %eq3A_867 = vector.broadcast %eq3A_866 : f32 to vector<128x1xf32>
    %eq3A_868 = arith.cmpf oeq, %get3A_6, %eq3A_867 : vector<128x1xf32>
    %jit3A_869 = arith.constant 0xFF800000 : f32
    %broadcast_in_dim3A_870 = vector.shape_cast %eq3A_868 : vector<128x1xi1> to vector<128x1xi1>
    %broadcast_in_dim3A_871 = vector.broadcast %broadcast_in_dim3A_870 : vector<128x1xi1> to vector<128x64xi1>
    %broadcast_in_dim3A_872 = vector.broadcast %jit3A_869 : f32 to vector<128x64xf32>
    %select_n3A_873 = arith.select %broadcast_in_dim3A_871, %select_n3A_22, %broadcast_in_dim3A_872 : vector<128x64xi1>, vector<128x64xf32>
    %reduce_max3A_874 = arith.constant dense<0xFF800000> : vector<64xf32>
    %reduce_max3A_875 = vector.multi_reduction <maximumf>, %select_n3A_873, %reduce_max3A_874 [0] : vector<128x64xf32> to vector<64xf32>
    %broadcast_in_dim3A_876 = vector.shape_cast %reduce_max3A_875 : vector<64xf32> to vector<1x64xf32>
    %get3A_877 = arith.constant 47 : index
    %get3A_878 = arith.constant 0 : index
    %get3A_879 = vector.load %arg10[%get3A_877, %get3A_878] : memref<56x64xf32, #tpu.memory_space<vmem>>, vector<1x64xf32>
    %max3A_880 = arith.maximumf %get3A_879, %broadcast_in_dim3A_876 : vector<1x64xf32>
    %swap3A_881 = arith.constant 47 : index
    %swap3A_882 = arith.constant 0 : index
    %swap3A_883 = vector.load %arg10[%swap3A_881, %swap3A_882] : memref<56x64xf32, #tpu.memory_space<vmem>>, vector<1x64xf32>
    tpu.vector_store %arg10[%swap3A_881, %swap3A_882], %max3A_880 {strides = array<i32>} : memref<56x64xf32, #tpu.memory_space<vmem>>, vector<1x64xf32>,
    %eq3A_884 = arith.constant 4.800000e+01 : f32
    %eq3A_885 = vector.broadcast %eq3A_884 : f32 to vector<128x1xf32>
    %eq3A_886 = arith.cmpf oeq, %get3A_6, %eq3A_885 : vector<128x1xf32>
    %jit3A_887 = arith.constant 0xFF800000 : f32
    %broadcast_in_dim3A_888 = vector.shape_cast %eq3A_886 : vector<128x1xi1> to vector<128x1xi1>
    %broadcast_in_dim3A_889 = vector.broadcast %broadcast_in_dim3A_888 : vector<128x1xi1> to vector<128x64xi1>
    %broadcast_in_dim3A_890 = vector.broadcast %jit3A_887 : f32 to vector<128x64xf32>
    %select_n3A_891 = arith.select %broadcast_in_dim3A_889, %select_n3A_22, %broadcast_in_dim3A_890 : vector<128x64xi1>, vector<128x64xf32>
    %reduce_max3A_892 = arith.constant dense<0xFF800000> : vector<64xf32>
    %reduce_max3A_893 = vector.multi_reduction <maximumf>, %select_n3A_891, %reduce_max3A_892 [0] : vector<128x64xf32> to vector<64xf32>
    %broadcast_in_dim3A_894 = vector.shape_cast %reduce_max3A_893 : vector<64xf32> to vector<1x64xf32>
    %get3A_895 = arith.constant 48 : index
    %get3A_896 = arith.constant 0 : index
    %get3A_897 = vector.load %arg10[%get3A_895, %get3A_896] : memref<56x64xf32, #tpu.memory_space<vmem>>, vector<1x64xf32>
    %max3A_898 = arith.maximumf %get3A_897, %broadcast_in_dim3A_894 : vector<1x64xf32>
    %swap3A_899 = arith.constant 48 : index
    %swap3A_900 = arith.constant 0 : index
    %swap3A_901 = vector.load %arg10[%swap3A_899, %swap3A_900] : memref<56x64xf32, #tpu.memory_space<vmem>>, vector<1x64xf32>
    tpu.vector_store %arg10[%swap3A_899, %swap3A_900], %max3A_898 {strides = array<i32>} : memref<56x64xf32, #tpu.memory_space<vmem>>, vector<1x64xf32>,
    %eq3A_902 = arith.constant 4.900000e+01 : f32
    %eq3A_903 = vector.broadcast %eq3A_902 : f32 to vector<128x1xf32>
    %eq3A_904 = arith.cmpf oeq, %get3A_6, %eq3A_903 : vector<128x1xf32>
    %jit3A_905 = arith.constant 0xFF800000 : f32
    %broadcast_in_dim3A_906 = vector.shape_cast %eq3A_904 : vector<128x1xi1> to vector<128x1xi1>
    %broadcast_in_dim3A_907 = vector.broadcast %broadcast_in_dim3A_906 : vector<128x1xi1> to vector<128x64xi1>
    %broadcast_in_dim3A_908 = vector.broadcast %jit3A_905 : f32 to vector<128x64xf32>
    %select_n3A_909 = arith.select %broadcast_in_dim3A_907, %select_n3A_22, %broadcast_in_dim3A_908 : vector<128x64xi1>, vector<128x64xf32>
    %reduce_max3A_910 = arith.constant dense<0xFF800000> : vector<64xf32>
    %reduce_max3A_911 = vector.multi_reduction <maximumf>, %select_n3A_909, %reduce_max3A_910 [0] : vector<128x64xf32> to vector<64xf32>
    %broadcast_in_dim3A_912 = vector.shape_cast %reduce_max3A_911 : vector<64xf32> to vector<1x64xf32>
    %get3A_913 = arith.constant 49 : index
    %get3A_914 = arith.constant 0 : index
    %get3A_915 = vector.load %arg10[%get3A_913, %get3A_914] : memref<56x64xf32, #tpu.memory_space<vmem>>, vector<1x64xf32>
    %max3A_916 = arith.maximumf %get3A_915, %broadcast_in_dim3A_912 : vector<1x64xf32>
    %swap3A_917 = arith.constant 49 : index
    %swap3A_918 = arith.constant 0 : index
    %swap3A_919 = vector.load %arg10[%swap3A_917, %swap3A_918] : memref<56x64xf32, #tpu.memory_space<vmem>>, vector<1x64xf32>
    tpu.vector_store %arg10[%swap3A_917, %swap3A_918], %max3A_916 {strides = array<i32>} : memref<56x64xf32, #tpu.memory_space<vmem>>, vector<1x64xf32>,
    %eq3A_920 = arith.constant 79 : i32
    %eq3A_921 = arith.cmpi eq, %arg0, %eq3A_920 : i32
    %convert_element_type3A_922 = arith.extui %eq3A_921 : i1 to i32
    %cond3A_923 = arith.constant 0 : i32
    %cond3A_924 = arith.cmpi ne, %convert_element_type3A_922, %cond3A_923 : i32
    scf.if %cond3A_924 {
      %get3A_925 = arith.constant 0 : index
      %get3A_926 = arith.constant 0 : index
      %get3A_927 = vector.load %arg10[%get3A_925, %get3A_926] : memref<56x64xf32, #tpu.memory_space<vmem>>, vector<56x64xf32>
      %is_finite3A = tpu.weird %get3A_927 : vector<56x64xf32> -> vector<56x64xi1>
      %is_finite3A_928 = arith.constant dense<true> : vector<56x64xi1>
      %is_finite3A_929 = arith.xori %is_finite3A, %is_finite3A_928 : vector<56x64xi1>
      %jit3A_930 = arith.constant 0.000000e+00 : f32
      %broadcast_in_dim3A_931 = vector.broadcast %jit3A_930 : f32 to vector<56x64xf32>
      %select_n3A_932 = arith.select %is_finite3A_929, %get3A_927, %broadcast_in_dim3A_931 : vector<56x64xi1>, vector<56x64xf32>
      %get3A_933 = arith.constant 0 : index
      %get3A_934 = arith.constant 0 : index
      %get3A_935 = vector.load %arg3[%get3A_933, %get3A_934] : memref<64x64xf32, #tpu.memory_space<vmem>>, vector<64x64xf32>
      %dot_general3A = arith.constant dense<0.000000e+00> : vector<56x64xf32>
      %dot_general3A_936 = tpu.matmul %select_n3A_932, %get3A_935, %dot_general3A {dimension_numbers = #tpu.dot_dimension_numbers<[1], [0], [0], [1], [0, 0, 1, 1], [], []>, transpose_lhs_hint = false} : vector<56x64xf32>, vector<64x64xf32>, vector<56x64xf32> -> vector<56x64xf32>
      %get3A_937 = arith.constant 0 : index
      %get3A_938 = arith.constant 0 : index
      %get3A_939 = vector.load %arg4[%get3A_937, %get3A_938] : memref<1x64xf32, #tpu.memory_space<vmem>>, vector<1x64xf32>
      %add3A_940 = vector.broadcast %get3A_939 : vector<1x64xf32> to vector<56x64xf32>
      %add3A_941 = arith.addf %dot_general3A_936, %add3A_940 : vector<56x64xf32>
      %gt3A_942 = arith.constant 0.000000e+00 : f32
      %gt3A_943 = vector.broadcast %gt3A_942 : f32 to vector<56x64xf32>
      %gt3A_944 = arith.cmpf ogt, %add3A_941, %gt3A_943 : vector<56x64xf32>
      %exp3A = math.exp %add3A_941 : vector<56x64xf32>
      %sub3A = arith.constant 1.000000e+00 : f32
      %sub3A_945 = vector.broadcast %sub3A : f32 to vector<56x64xf32>
      %sub3A_946 = arith.subf %exp3A, %sub3A_945 : vector<56x64xf32>
      %select_n3A_947 = arith.select %gt3A_944, %add3A_941, %sub3A_946 : vector<56x64xi1>, vector<56x64xf32>
      %get3A_948 = arith.constant 0 : index
      %get3A_949 = arith.constant 0 : index
      %get3A_950 = vector.load %arg5[%get3A_948, %get3A_949] : memref<64x32xf32, #tpu.memory_space<vmem>>, vector<64x32xf32>
      %dot_general3A_951 = arith.constant dense<0.000000e+00> : vector<56x32xf32>
      %dot_general3A_952 = tpu.matmul %select_n3A_947, %get3A_950, %dot_general3A_951 {dimension_numbers = #tpu.dot_dimension_numbers<[1], [0], [0], [1], [0, 0, 1, 1], [], []>, transpose_lhs_hint = false} : vector<56x64xf32>, vector<64x32xf32>, vector<56x32xf32> -> vector<56x32xf32>
      %get3A_953 = arith.constant 0 : index
      %get3A_954 = arith.constant 0 : index
      %get3A_955 = vector.load %arg6[%get3A_953, %get3A_954] : memref<1x32xf32, #tpu.memory_space<vmem>>, vector<1x32xf32>
      %add3A_956 = vector.broadcast %get3A_955 : vector<1x32xf32> to vector<56x32xf32>
      %add3A_957 = arith.addf %dot_general3A_952, %add3A_956 : vector<56x32xf32>
      %gt3A_958 = arith.constant 0.000000e+00 : f32
      %gt3A_959 = vector.broadcast %gt3A_958 : f32 to vector<56x32xf32>
      %gt3A_960 = arith.cmpf ogt, %add3A_957, %gt3A_959 : vector<56x32xf32>
      %exp3A_961 = math.exp %add3A_957 : vector<56x32xf32>
      %sub3A_962 = arith.constant 1.000000e+00 : f32
      %sub3A_963 = vector.broadcast %sub3A_962 : f32 to vector<56x32xf32>
      %sub3A_964 = arith.subf %exp3A_961, %sub3A_963 : vector<56x32xf32>
      %select_n3A_965 = arith.select %gt3A_960, %add3A_957, %sub3A_964 : vector<56x32xi1>, vector<56x32xf32>
      %get3A_966 = arith.constant 0 : index
      %get3A_967 = arith.constant 0 : index
      %get3A_968 = vector.load %arg7[%get3A_966, %get3A_967] : memref<32x8xf32, #tpu.memory_space<vmem>>, vector<32x8xf32>
      %dot_general3A_969 = arith.constant dense<0.000000e+00> : vector<56x8xf32>
      %dot_general3A_970 = tpu.matmul %select_n3A_965, %get3A_968, %dot_general3A_969 {dimension_numbers = #tpu.dot_dimension_numbers<[1], [0], [0], [1], [0, 0, 1, 1], [], []>, transpose_lhs_hint = false} : vector<56x32xf32>, vector<32x8xf32>, vector<56x8xf32> -> vector<56x8xf32>
      %get3A_971 = arith.constant 0 : index
      %get3A_972 = arith.constant 0 : index
      %get3A_973 = vector.load %arg8[%get3A_971, %get3A_972] : memref<1x8xf32, #tpu.memory_space<vmem>>, vector<1x8xf32>
      %add3A_974 = vector.broadcast %get3A_973 : vector<1x8xf32> to vector<56x8xf32>
      %add3A_975 = arith.addf %dot_general3A_970, %add3A_974 : vector<56x8xf32>
      %slice3A = vector.extract_strided_slice %add3A_975 {offsets = [0, 0], sizes = [56, 1], strides = [1, 1]} : vector<56x8xf32> to vector<56x1xf32>
      %abs3A = math.absf %slice3A : vector<56x1xf32>
      %neg3A = arith.constant 0.000000e+00 : f32
      %neg3A_976 = vector.broadcast %neg3A : f32 to vector<56x1xf32>
      %neg3A_977 = arith.subf %neg3A_976, %abs3A : vector<56x1xf32>
      %exp3A_978 = math.exp %neg3A_977 : vector<56x1xf32>
      %log1p3A = math.log1p %exp3A_978 : vector<56x1xf32>
      %slice3A_979 = vector.extract_strided_slice %add3A_975 {offsets = [0, 0], sizes = [56, 1], strides = [1, 1]} : vector<56x8xf32> to vector<56x1xf32>
      %max3A_980 = arith.constant 0.000000e+00 : f32
      %max3A_981 = vector.broadcast %max3A_980 : f32 to vector<56x1xf32>
      %max3A_982 = arith.maximumf %slice3A_979, %max3A_981 : vector<56x1xf32>
      %add3A_983 = arith.addf %log1p3A, %max3A_982 : vector<56x1xf32>
      %slice3A_984 = vector.extract_strided_slice %add3A_975 {offsets = [0, 1], sizes = [56, 1], strides = [1, 1]} : vector<56x8xf32> to vector<56x1xf32>
      %jit3A_985 = arith.constant -3.14159274 : f32
      %jit3A_986 = arith.constant 3.14159274 : f32
      %max3A_987 = vector.broadcast %jit3A_985 : f32 to vector<56x1xf32>
      %max3A_988 = arith.maximumf %max3A_987, %slice3A_984 : vector<56x1xf32>
      %min3A = vector.broadcast %jit3A_986 : f32 to vector<56x1xf32>
      %min3A_989 = arith.minimumf %min3A, %max3A_988 : vector<56x1xf32>
      %cos3A = math.cos %min3A_989 : vector<56x1xf32>
      %sin3A = math.sin %min3A_989 : vector<56x1xf32>
      %broadcast_in_dim3A_990 = arith.constant 0.000000e+00 : f32
      %broadcast_in_dim3A_991 = vector.broadcast %broadcast_in_dim3A_990 : f32 to vector<56x125xf32>
      %concatenate3A = tpu.concatenate %add3A_983, %cos3A, %sin3A, %broadcast_in_dim3A_991 in 1 : vector<56x1xf32>, vector<56x1xf32>, vector<56x1xf32>, vector<56x125xf32> -> vector<56x128xf32>
      %swap3A_992 = arith.constant 0 : index
      %swap3A_993 = arith.constant 0 : index
      %swap3A_994 = vector.load %arg9[%swap3A_992, %swap3A_993] : memref<56x128xf32, #tpu.memory_space<vmem>>, vector<56x128xf32>
      tpu.vector_store %arg9[%swap3A_992, %swap3A_993], %concatenate3A {strides = array<i32>} : memref<56x128xf32, #tpu.memory_space<vmem>>, vector<56x128xf32>,
    } else {
    }
    return
  }
  func.func @transform_0(%arg0: i32) -> (i32, i32) {
    %c0_i32 = arith.constant 0 : i32
    %c0_i32_0 = arith.constant 0 : i32
    return %arg0, %c0_i32 : i32, i32
  }
  func.func @transform_1(%arg0: i32) -> (i32, i32) {
    %c0_i32 = arith.constant 0 : i32
    %c0_i32_0 = arith.constant 0 : i32
    return %arg0, %c0_i32 : i32, i32
  }
  func.func @transform_2(%arg0: i32) -> (i32, i32) {
    %c0_i32 = arith.constant 0 : i32
    %c0_i32_0 = arith.constant 0 : i32
    %c0_i32_1 = arith.constant 0 : i32
    return %c0_i32, %c0_i32_0 : i32, i32
  }
  func.func @transform_3(%arg0: i32) -> (i32, i32) {
    %c0_i32 = arith.constant 0 : i32
    %c0_i32_0 = arith.constant 0 : i32
    %c0_i32_1 = arith.constant 0 : i32
    return %c0_i32, %c0_i32_0 : i32, i32
  }
  func.func @transform_4(%arg0: i32) -> (i32, i32) {
    %c0_i32 = arith.constant 0 : i32
    %c0_i32_0 = arith.constant 0 : i32
    %c0_i32_1 = arith.constant 0 : i32
    return %c0_i32, %c0_i32_0 : i32, i32
  }
  func.func @transform_5(%arg0: i32) -> (i32, i32) {
    %c0_i32 = arith.constant 0 : i32
    %c0_i32_0 = arith.constant 0 : i32
    %c0_i32_1 = arith.constant 0 : i32
    return %c0_i32, %c0_i32_0 : i32, i32
  }
  func.func @transform_6(%arg0: i32) -> (i32, i32) {
    %c0_i32 = arith.constant 0 : i32
    %c0_i32_0 = arith.constant 0 : i32
    %c0_i32_1 = arith.constant 0 : i32
    return %c0_i32, %c0_i32_0 : i32, i32
  }
  func.func @transform_7(%arg0: i32) -> (i32, i32) {
    %c0_i32 = arith.constant 0 : i32
    %c0_i32_0 = arith.constant 0 : i32
    %c0_i32_1 = arith.constant 0 : i32
    return %c0_i32, %c0_i32_0 : i32, i32
  }
  func.func @transform_8(%arg0: i32) -> (i32, i32) {
    %c0_i32 = arith.constant 0 : i32
    %c0_i32_0 = arith.constant 0 : i32
    %c0_i32_1 = arith.constant 0 : i32
    return %c0_i32, %c0_i32_0 : i32, i32
  }
}

</mosaic_0001>

<sc_bundles>
// kernel: kernel.16.cloned.1.call-start
scs
__scs_entry_jumppad:
0x0: {  	(pc) =	sbr.rel $0x88, $3  }
0x1: {  	(tag) =	ssettag $0x0;
	lr =	simm.s32 $0x1  }
0x2: {  	[smem:$0x3F8C] =	sst lr;
	_ =	strace $0xD0000000  }
0x3: {  	_ = 	snop  }
0x4: {  	_ = 	snop  }
0x5: {  	_ = 	snop  }
0x6: {  	_ = 	snop  }
0x7: {  	_ = 	snop  }
__scs_overlays_trampoline_lowered:
0x8: {  	[smem:$0x3F9B] =	sst s0  }
0x9: {  	[smem:$0x3F9C] =	sst s1  }
0xa: {  	[smem:$0x3F9D] =	sst s2  }
0xb: {  	[smem:$0x3F9E] =	sst s3  }
0xc: {  	[smem:$0x3F9F] =	sst s4  }
0xd: {  	[smem:$0x3FA0] =	sst s5  }
0xe: {  	[smem:$0x3FA1] =	sst s6  }
0xf: {  	[smem:$0x3FA2] =	sst s7  }
0x10: {  	[smem:$0x3FA3] =	sst s8  }
0x11: {  	[smem:$0x3FA4] =	sst s9;
	s0 =	simm.s32 @!p0 $0x0  }
0x12: {  	s1 =	sld [smem:$0x3F8A];
	s0 =	simm.s32 @p0 $0x1  }
0x13: {  	[smem:$0x3FA5] =	sst s0;
	s0 =	simm.s32 @!p1 $0x0  }
0x14: {  	s2 =	sld [smem:$0x3F89];
	s0 =	simm.s32 @p1 $0x1  }
0x15: {  	[smem:$0x3FA6] =	sst s0;
	s0 =	simm.s32 @!p2 $0x0  }
0x16: {  	s3 =	sld [smem:$0x3FDB];
	s0 =	simm.s32 @p2 $0x1  }
0x17: {  	s4 =	simm.s32 $0x1BF5;
	[smem:$0x3FA8] =	sst s0  }
0x18: {  	s0 =	sld [smem:$0x3F8B];
	_ =	swait.ge [sflag:s4], $0x0  }
0x19: {  	s7 =	sld [smem:$0x3F8C]  }
0x1a: {  	s8 =	sadd.s32 $0xFFFFE003, lr  }
0x1b: {  	s9 =	sadd.s32 $0xFFFFFEF7, lr;
	s5 =	simm.s32 $0xFFFFFFFF;
	p2 =	slt.u32 s8, $0xFFFFF086  }
0x1c: {  	p1 =	slt.u32 s9, $0xF7A;
	s5 =	simm.s32 @!p2 $0x0  }
0x1d: {  	s5 =	simm.s32 @p1 $0x1;
	p0 =	seq.s32 s7, s2  }
0x1e: {  	s7 =	smul.u32 @!p0 $0xF7A, s2;
	p2 =	seq.s32 @!p0 s5, $0x0  }
0x1f: {  	s9 =	smul.u32 $0xF7A, s1;
	s8 =	simm.s32 @!p0 $0x1BF5;
	p2 =	por !p2, p0  }
0x20: {  	[sflag:s8] =	ssyncset.s32 @!p0 $0xFFFFF086;
	s6 =	sadd.s32 @!p0 s3, s7;
	s7 =	simm.s32 @!p0 $0x108  }
0x21: {  	s3 =	sadd.s32 s3, s9;
	s6 =	sadd.s32 @!p0 $0x88, s6;
	s7 =	simm.s32 @p2 $0x1082  }
0x22: {  	[simem:s7], [sflag:s8] =	dma.local @!p0 [hbm:s6], $0xF7A  }
0x23: {  	s9 =	sor.u32 $0xD0000000, s2;
	s6 =	simm.s32 $0x108;
	_ =	swait.ge @!p0 [sflag:s8], $0x0  }
0x24: {  	s3 =	sadd.s32 $0x88, s3;
	s6 =	simm.s32 @!p1 $0x1082;
	[sflag:s4] =	ssyncset.s32 $0xFFFFF086  }
0x25: {  	[simem:s6], [sflag:s4] =	dma.local [hbm:s3], $0xF7A  }
0x26: {  	[smem:$0x3F8C] =	sst s1;
	(tag) =	ssettag s2;
	_ =	strace s9  }
0x27: {  	s1 =	sld [smem:$0x3F9C]  }
0x28: {  	s2 =	sld [smem:$0x3F9D]  }
0x29: {  	s4 =	sld [smem:$0x3F9F]  }
0x2a: {  	p0 =	seq.s32 s5, $0x0;
	s5 =	sld [smem:$0x3FA0]  }
0x2b: {  	s6 =	sld [smem:$0x3FA1]  }
0x2c: {  	s7 =	sld [smem:$0x3FA2]  }
0x2d: {  	s3 =	simm.s32 $0x108;
	s8 =	sld [smem:$0x3FA3]  }
0x2e: {  	s3 =	simm.s32 @!p0 $0x1082;
	s9 =	sld [smem:$0x3FA4]  }
0x2f: {  	lr =	sadd.s32 s0, s3;
	s0 =	sld [smem:$0x3F9B]  }
0x30: {  	s3 =	sld [smem:$0x3F9E]  }
0x31: {  	[smem:$0x3FA7] =	sst s10  }
0x32: {  	s10 =	sld [smem:$0x3FA5];
	_ =	sdelay $0x3  }
0x33: {  	p0 =	seq.s32 s10, $0x1;
	s10 =	sld [smem:$0x3FA7];
	_ =	sdelay $0x3  }
0x34: {  	[smem:$0x3FA7] =	sst s10  }
0x35: {  	s10 =	sld [smem:$0x3FA6];
	_ =	sdelay $0x3  }
0x36: {  	p1 =	seq.s32 s10, $0x1;
	s10 =	sld [smem:$0x3FA7];
	_ =	sdelay $0x3  }
0x37: {  	[smem:$0x3FA7] =	sst s10  }
0x38: {  	s10 =	sld [smem:$0x3FA8]  }
0x39: {  	_ = 	snop;
	(pc) =	sbr.ind lr, $3  }
0x3a: {  	_ = 	snop  }
0x3b: {  	_ = 	snop  }
0x3c: {  	p2 =	seq.s32 s10, $0x1;
	s10 =	sld [smem:$0x3FA7]  }
0x3d: {  	_ =	shalt  }
0x3e: {  	_ =	shalt  }
0x3f: {  	_ =	shalt  }
0x40: {  	_ =	shalt  }
0x41: {  	_ =	shalt  }
0x42: {  	_ =	shalt  }
0x43: {  	_ =	shalt  }
0x44: {  	_ =	shalt  }
0x45: {  	_ =	shalt  }
0x46: {  	_ =	shalt  }
0x47: {  	_ =	shalt  }
0x48: {  	_ =	shalt  }
0x49: {  	_ =	shalt  }
0x4a: {  	_ =	shalt  }
0x4b: {  	_ =	shalt  }
0x4c: {  	_ =	shalt  }
0x4d: {  	_ =	shalt  }
0x4e: {  	_ =	shalt  }
0x4f: {  	_ =	shalt  }
0x50: {  	_ =	shalt  }
0x51: {  	_ =	shalt  }
0x52: {  	_ =	shalt  }
0x53: {  	_ =	shalt  }
0x54: {  	_ =	shalt  }
0x55: {  	_ =	shalt  }
0x56: {  	_ =	shalt  }
0x57: {  	_ =	shalt  }
0x58: {  	_ =	shalt  }
0x59: {  	_ =	shalt  }
0x5a: {  	_ =	shalt  }
0x5b: {  	_ =	shalt  }
0x5c: {  	_ =	shalt  }
0x5d: {  	_ =	shalt  }
0x5e: {  	_ =	shalt  }
0x5f: {  	_ =	shalt  }
0x60: {  	_ =	shalt  }
0x61: {  	_ =	shalt  }
0x62: {  	_ =	shalt  }
0x63: {  	_ =	shalt  }
0x64: {  	_ =	shalt  }
0x65: {  	_ =	shalt  }
0x66: {  	_ =	shalt  }
0x67: {  	_ =	shalt  }
0x68: {  	_ =	shalt  }
0x69: {  	_ =	shalt  }
0x6a: {  	_ =	shalt  }
0x6b: {  	_ =	shalt  }
0x6c: {  	_ =	shalt  }
0x6d: {  	_ =	shalt  }
0x6e: {  	_ =	shalt  }
0x6f: {  	_ =	shalt  }
0x70: {  	_ =	shalt  }
0x71: {  	_ =	shalt  }
0x72: {  	_ =	shalt  }
0x73: {  	_ =	shalt  }
0x74: {  	_ =	shalt  }
0x75: {  	_ =	shalt  }
0x76: {  	_ =	shalt  }
0x77: {  	_ =	shalt  }
0x78: {  	_ =	shalt  }
0x79: {  	_ =	shalt  }
0x7a: {  	_ =	shalt  }
0x7b: {  	_ =	shalt  }
0x7c: {  	_ =	shalt  }
0x7d: {  	_ =	shalt  }
0x7e: {  	_ =	shalt  }
0x7f: {  	_ =	shalt  }
0x80: {  	_ =	shalt  }
0x81: {  	_ =	shalt  }
0x82: {  	_ =	shalt  }
0x83: {  	_ =	shalt  }
0x84: {  	_ =	shalt  }
0x85: {  	_ =	shalt  }
0x86: {  	_ =	shalt  }
0x87: {  	_ =	shalt  }
.Lfunc_end0:
.L_simem_size_0:
called_computation_lowered:
.L_overlay_start_0:
0x88: {  	s2 =	sld [smem:$0x3FD9]  }
0x89: {  	s3 =	sld [smem:$0x3FFE];
	_ =	sdelay $0x1  }
0x8a: {  	s1 =	srdreg.scid  }
0x8b: {  	s0 =	sand.u32 $0x1, s1  }
0x8c: {  	s16 =	sshll.u32 s0, $0xA;
	s2 =	sadd.s32 s3, s2  }
0x8d: {  	s2 =	sadd.s32 s2, s16  }
0x8e: {  	[smem:$0x3FB3] =	sst s2  }
0x8f: {  	_ = 	snop  }
0x90: {  	(tm) =	ssettm $0x1  }
0x91: {  	s17 =	sld [smem:$0x3FFB];
	_ =	sdelay $0x3  }
0x92: {  	_ =	strace s17  }
0x93: {  	s2 =	sld [smem:$0x3FFC];
	_ =	sdelay $0x3  }
0x94: {  	_ =	strace s2  }
0x95: {  	s2 =	sld [smem:$0x3FFD];
	_ =	sdelay $0x3  }
0x96: {  	_ =	strace s2  }
0x97: {  	_ =	strace $0x8FFFFFFF  }
0x98: {  	s18 =	sld [smem:$0x3FDB];
	_ =	sdelay $0x1  }
0x99: {  	s19 =	simm.s32 $_scs_section_size  }
0x9a: {  	s4 =	simm.s32 $_size__tile_overlayer_lowered;
	s5 =	simm.s32 $_tile_overlayer_lowered  }
0x9b: {  	s22 =	simm.s32 $0x1BFF;
	s21 =	sshll.u32 s5, $0x1;
	s2 =	sadd.s32 s19, s18  }
0x9c: {  	s6 =	simm.s32 $0x0;
	s20 =	sshll.u32 s4, $0x1;
	s4 =	sadd.s32 s21, s2  }
0x9d: {  	[timem:s6], [sflag:s22] =	dma.local [hbm:s4], s20  }
0x9e: {  	_ =	swait.ge [sflag:s22], s20  }
0x9f: {  	s3 =	ssub.s32 $0x0, s20;
	[sflag:s22] =	ssyncset.done $0x0  }
0xa0: {  	[sflag:s22] =	ssyncadd.s32 s3;
	_ =	sdelay $0x1  }
0xa1: {  	s23 =	simm.s32 $0x1B8B  }
0xa2: {  	_ =	swait.ge [sflag:s23], $0x1  }
0xa3: {  	[sflag:s23] =	ssyncset.done $0x0  }
0xa4: {  	s25 =	simm.s32 $0x1B8E;
	s24 =	sld [smem:$0x3FFE];
	[sflag:s23] =	ssyncadd.s32 $0xFFFFFFFF  }
0xa5: {  	s26 =	simm.s32 $execute0_lowered;
	[smem:$0x3FD2] =	sst s25  }
0xa6: {  	s4 =	sshll.u32 s26, $0x1;
	_ =	strace $0x80000046;
	[dreg:$0x1] =	wrdreg $0xFFFFFFFF  }
0xa7: {  	s28 =	simm.s32 $_size_execute0_lowered;
	s2 =	sadd.s32 s2, s4;
	[dreg:$0x0] =	wrdreg $0x0  }
0xa8: {  	s4 =	sshll.u32 s28, $0x1;
	[dreg:$0x2] =	wrdreg s2  }
0xa9: {  	[dreg:$0x3] =	wrdreg s4  }
0xaa: {  	[dreg:$0x4] =	wrdreg $0xC0  }
0xab: {  	_ =	task [dreg:s6], $0x5FFFF  }
0xac: {  	[dreg:$0x1] =	wrdreg $0xFFFFFFFF  }
0xad: {  	[dreg:$0x0] =	wrdreg $0x60  }
0xae: {  	[dreg:$0x2] =	wrdreg s24  }
0xaf: {  	[dreg:$0x3] =	wrdreg $0x9  }
0xb0: {  	_ =	task.clear_ibuf [dreg:s6], $0x4FFFF;
	_ =	strace $0x90000046  }
0xb1: {  	s29 =	simm.s32 $0x9;
	_ =	strace $0x80000048  }
0xb2: {  	_ =	swait.ge [sflag:s29], $0x1  }
0xb3: {  	[sflag:s29] =	ssyncadd.s32 $0xFFFFFFFF  }
0xb4: {  	_ =	strace $0x90000048  }
0xb5: {  	_ =	sfence  }
0xb6: {  	s30 =	sld [smem:$0x0];
	_ =	sdelay $0x2  }
0xb7: {  	s31 =	sshll.u32 s1, $0xD;
	s1 =	sshrl.u32 s1, $0x2  }
0xb8: {  	s3 =	sand.u32 $0x4000, s31;
	s1 =	sadd.s32 s1, s30  }
0xb9: {  	s0 =	sor.u32 s3, s0;
	s1 =	sshll.u32 s1, $0x11  }
0xba: {  	s0 =	sor.u32 s1, s0  }
0xbb: {  	s0 =	sadd.s32 $0x8F2B, s0  }
0xbc: {  	[sflag:s0] =	ssyncadd.remote.s32 $0x1  }
0xbd: {  	_ =	sfence.sel $0xFFFF  }
0xbe: {  	[dreg:$0x0] =	wrdreg $0xFFFFFFFF;
	(pc) =	sbr.abs _section_cstart, $3  }
0xbf: {  	[dreg:$0x1] =	wrdreg $0xFFFFFFFF  }
0xc0: {  	_ =	task.clear_ibuf [dreg:s6], $0x2FFFF;
	_ =	strace $0x9FFFFFFF  }
0xc1: {  	(tm) =	ssettm $0x7FFFFFFF  }
tec
execute0_lowered:
.L_overlay_start_1:
0x0: {  	(tag) =	ssettag $0x1  }
0x1: {  	s1 =	srdreg.scid;
	s0 =	stileid.u32  }
0x2: {  	s1 =	sand.u32 $0x1, s1;
	s2 =	sshll.u32 s0, $0x1  }
0x3: {  	s14 =	sor.u32 s1, s2  }
0x4: {  	s3 =	smul.u32 $0x140, s14  }
0x5: {  	s9 =	rddreg [dreg:$0x0]  }
0x6: {  	s2 =	simm.s32 $0x0;
	s3 =	sadd.s32 s3, s9  }
0x7: {  	[smem:$0x7FF] =	sst s2;
	s3 =	sadd.s32 $0x85A00, s3  }
0x8: {  	_ =	strace $0x80000047;
	[dreg:$0x2] =	wrdreg s3  }
0x9: {  	s3 =	simm.s32 $0x5;
	s4 =	rddreg [dreg:$0x2]  }
0xa: {  	[tilespmem:s2], [sflag:$0x5] =	stream.linear.gather [hbm4b:s4+s2], $0xA00, $0x38;
	[tilespmem:$0x18A00] =	vst v63  }
0xb: {  	_ =	swait.ge [sflag:s3], $0xA00  }
0xc: {  	s5 =	simm.s32 $0x100;
	[sflag:s3] =	ssyncset.done $0x0  }
0xd: {  	s6 =	simm.s32 $0xA00;
	s4 =	sadd.s32 $0x35400, s9;
	[sflag:s3] =	ssyncadd.s32 $0xFFFFF600  }
0xe: {  	[tilespmem:s6], [sflag:$0x1] =	stream.indirect.gather [hbm4b:s4+s5], $0x80, s2, s5, $0xb8;
	[tilespmem:$0x18A00] =	vst v63  }
0xf: {  	s7 =	simm.s32 $0x8A00;
	s8 =	simm.s32 $0x1  }
0x10: {  	[tilespmem:s7], [sflag:$0x1] =	stream.indirect.gather [hbm4b:s4+s5], $0x80, s5, s5, $0xb8;
	[tilespmem:$0x18A00] =	vst v63  }
0x11: {  	s10 =	smul.u32 $0xA000, s14;
	_ =	swait.ge [sflag:s8], $0x8000  }
0x12: {  	s15 =	sadd.s32 $0x88200, s9;
	[sflag:s8] =	ssyncset.done $0x0  }
0x13: {  	s9 =	sadd.s32 s15, s10;
	[sflag:s8] =	ssyncadd.s32 $0xFFFF8000  }
0x14: {  	[hbm4b:s9+s2] =	stream.linear.scatter [tilespmem:s6], [sflag:$0x2], $0x8000, $0x38;
	[tilespmem:$0x18A00] =	vst v63  }
0x15: {  	s11 =	simm.s32 $0x10A00;
	s10 =	simm.s32 $0x200  }
0x16: {  	[tilespmem:s11], [sflag:$0x1] =	stream.indirect.gather [hbm4b:s4+s5], $0x80, s10, s5, $0xb8;
	[tilespmem:$0x18A00] =	vst v63  }
0x17: {  	_ =	swait.ge [sflag:s8], $0x8000  }
0x18: {  	[sflag:s8] =	ssyncset.done $0x0  }
0x19: {  	s12 =	simm.s32 $0x2;
	s13 =	sadd.s32 $0x1000, s9;
	[sflag:s8] =	ssyncadd.s32 $0xFFFF8000  }
0x1a: {  	[hbm4b:s13+s2] =	stream.linear.scatter [tilespmem:s7], [sflag:$0x3], $0x8000, $0x38;
	[tilespmem:$0x18A00] =	vst v63  }
0x1b: {  	_ =	swait.ge [sflag:s12], $0x8000  }
0x1c: {  	[sflag:s12] =	ssyncset.done $0x0  }
0x1d: {  	s16 =	smul.u32 $0x50000, s14;
	s14 =	simm.s32 $0x300;
	[sflag:s12] =	ssyncadd.s32 $0xFFFF8000  }
0x1e: {  	[tilespmem:s6], [sflag:$0x1] =	stream.indirect.gather [hbm4b:s4+s5], $0x80, s14, s5, $0xb8;
	[tilespmem:$0x18A00] =	vst v63  }
0x1f: {  	s16 =	sshrl.u32 s16, $0x3;
	_ =	swait.ge [sflag:s8], $0x8000  }
0x20: {  	s31 =	sadd.s32 s15, s16;
	[sflag:s8] =	ssyncset.done $0x0  }
0x21: {  	s16 =	simm.s32 $0x3;
	s15 =	sadd.s32 $0x2000, s31;
	[sflag:s8] =	ssyncadd.s32 $0xFFFF8000  }
0x22: {  	[hbm4b:s15+s2] =	stream.linear.scatter [tilespmem:s11], [sflag:$0x4], $0x8000, $0x38;
	[tilespmem:$0x18A00] =	vst v63  }
0x23: {  	_ =	swait.ge [sflag:s16], $0x8000  }
0x24: {  	[sflag:s16] =	ssyncset.done $0x0  }
0x25: {  	s17 =	simm.s32 $0x400;
	[sflag:s16] =	ssyncadd.s32 $0xFFFF8000  }
0x26: {  	[tilespmem:s7], [sflag:$0x1] =	stream.indirect.gather [hbm4b:s4+s5], $0x80, s17, s5, $0xb8;
	[tilespmem:$0x18A00] =	vst v63  }
0x27: {  	_ =	swait.ge [sflag:s8], $0x8000  }
0x28: {  	[sflag:s8] =	ssyncset.done $0x0  }
0x29: {  	s19 =	simm.s32 $0x4;
	s18 =	sadd.s32 $0x3000, s31;
	[sflag:s8] =	ssyncadd.s32 $0xFFFF8000  }
0x2a: {  	[hbm4b:s18+s2] =	stream.linear.scatter [tilespmem:s6], [sflag:$0x2], $0x8000, $0x38;
	[tilespmem:$0x18A00] =	vst v63  }
0x2b: {  	_ =	swait.ge [sflag:s19], $0x8000  }
0x2c: {  	[sflag:s19] =	ssyncset.done $0x0  }
0x2d: {  	s20 =	simm.s32 $0x500;
	[sflag:s19] =	ssyncadd.s32 $0xFFFF8000  }
0x2e: {  	[tilespmem:s11], [sflag:$0x1] =	stream.indirect.gather [hbm4b:s4+s5], $0x80, s20, s5, $0xb8;
	[tilespmem:$0x18A00] =	vst v63  }
0x2f: {  	_ =	swait.ge [sflag:s8], $0x8000  }
0x30: {  	[sflag:s8] =	ssyncset.done $0x0  }
0x31: {  	s21 =	sadd.s32 $0x4000, s31;
	[sflag:s8] =	ssyncadd.s32 $0xFFFF8000  }
0x32: {  	[hbm4b:s21+s2] =	stream.linear.scatter [tilespmem:s7], [sflag:$0x3], $0x8000, $0x38;
	[tilespmem:$0x18A00] =	vst v63  }
0x33: {  	_ =	swait.ge [sflag:s12], $0x8000  }
0x34: {  	[sflag:s12] =	ssyncset.done $0x0  }
0x35: {  	s22 =	simm.s32 $0x600;
	[sflag:s12] =	ssyncadd.s32 $0xFFFF8000  }
0x36: {  	[tilespmem:s6], [sflag:$0x1] =	stream.indirect.gather [hbm4b:s4+s5], $0x80, s22, s5, $0xb8;
	[tilespmem:$0x18A00] =	vst v63  }
0x37: {  	_ =	swait.ge [sflag:s8], $0x8000  }
0x38: {  	[sflag:s8] =	ssyncset.done $0x0  }
0x39: {  	s23 =	sadd.s32 $0x5000, s31;
	[sflag:s8] =	ssyncadd.s32 $0xFFFF8000  }
0x3a: {  	[hbm4b:s23+s2] =	stream.linear.scatter [tilespmem:s11], [sflag:$0x4], $0x8000, $0x38;
	[tilespmem:$0x18A00] =	vst v63  }
0x3b: {  	_ =	swait.ge [sflag:s16], $0x8000  }
0x3c: {  	[sflag:s16] =	ssyncset.done $0x0  }
0x3d: {  	s24 =	simm.s32 $0x700;
	[sflag:s16] =	ssyncadd.s32 $0xFFFF8000  }
0x3e: {  	[tilespmem:s7], [sflag:$0x1] =	stream.indirect.gather [hbm4b:s4+s5], $0x80, s24, s5, $0xb8;
	[tilespmem:$0x18A00] =	vst v63  }
0x3f: {  	_ =	swait.ge [sflag:s8], $0x8000  }
0x40: {  	[sflag:s8] =	ssyncset.done $0x0  }
0x41: {  	s25 =	sadd.s32 $0x6000, s31;
	[sflag:s8] =	ssyncadd.s32 $0xFFFF8000  }
0x42: {  	[hbm4b:s25+s2] =	stream.linear.scatter [tilespmem:s6], [sflag:$0x2], $0x8000, $0x38;
	[tilespmem:$0x18A00] =	vst v63  }
0x43: {  	_ =	swait.ge [sflag:s19], $0x8000  }
0x44: {  	[sflag:s19] =	ssyncset.done $0x0  }
0x45: {  	s26 =	simm.s32 $0x800;
	[sflag:s19] =	ssyncadd.s32 $0xFFFF8000  }
0x46: {  	[tilespmem:s11], [sflag:$0x1] =	stream.indirect.gather [hbm4b:s4+s5], $0x80, s26, s5, $0xb8;
	[tilespmem:$0x18A00] =	vst v63  }
0x47: {  	_ =	swait.ge [sflag:s8], $0x8000  }
0x48: {  	[sflag:s8] =	ssyncset.done $0x0  }
0x49: {  	s28 =	sadd.s32 $0x7000, s31;
	[sflag:s8] =	ssyncadd.s32 $0xFFFF8000  }
0x4a: {  	[hbm4b:s28+s2] =	stream.linear.scatter [tilespmem:s7], [sflag:$0x3], $0x8000, $0x38;
	[tilespmem:$0x18A00] =	vst v63  }
0x4b: {  	_ =	swait.ge [sflag:s12], $0x8000  }
0x4c: {  	[sflag:s12] =	ssyncset.done $0x0  }
0x4d: {  	s29 =	simm.s32 $0x900;
	[sflag:s12] =	ssyncadd.s32 $0xFFFF8000  }
0x4e: {  	[tilespmem:s6], [sflag:$0x1] =	stream.indirect.gather [hbm4b:s4+s5], $0x80, s29, s5, $0xb8;
	[tilespmem:$0x18A00] =	vst v63  }
0x4f: {  	_ =	swait.ge [sflag:s8], $0x8000  }
0x50: {  	[sflag:s8] =	ssyncset.done $0x0  }
0x51: {  	s30 =	sadd.s32 $0x8000, s31;
	[sflag:s8] =	ssyncadd.s32 $0xFFFF8000  }
0x52: {  	[hbm4b:s30+s2] =	stream.linear.scatter [tilespmem:s11], [sflag:$0x4], $0x8000, $0x38;
	[tilespmem:$0x18A00] =	vst v63  }
0x53: {  	s1 =	ssub.s32 $0x2, s1;
	_ =	swait.ge [sflag:s8], $0x8000  }
0x54: {  	s0 =	sshrl.u32 s1, $0x1;
	[sflag:s8] =	ssyncset.done $0x0  }
0x55: {  	s0 =	ssub.s32 s1, s0;
	s31 =	sadd.s32 $0x9000, s31;
	[sflag:s8] =	ssyncadd.s32 $0xFFFF8000  }
0x56: {  	[hbm4b:s31+s2] =	stream.linear.scatter [tilespmem:s6], [sflag:$0x2], $0x8000, $0x38;
	[tilespmem:$0x18A00] =	vst v63  }
0x57: {  	s0 =	smax.u32 s0, $0x1;
	_ =	swait.ge [sflag:s16], $0x8000  }
0x58: {  	p0 =	sne.s32 s0, $0x1;
	[sflag:s16] =	ssyncset.done $0x0  }
.Ltmp0:
0x59: {  	[sflag:s16] =	ssyncadd.s32 $0xFFFF8000;
	(pc) =	sbr.rel @!p0 .LBB2_2-.Ltmp0, $4  }
0x5a: {  	_ =	swait.ge [sflag:s19], $0x8000  }
0x5b: {  	[sflag:s19] =	ssyncset.done $0x0  }
0x5c: {  	[sflag:s19] =	ssyncadd.s32 $0xFFFF8000  }
0x5d: {  	s1 =	sadd.s32 $0xFFFFFFFF, s0;
	_ =	swait.ge [sflag:s12], $0x8000  }
.LBB2_1:
0x5e: {  	[sflag:s12] =	ssyncset.done $0x0  }
0x5f: {  	s0 =	rddreg [dreg:$0x2];
	[sflag:s12] =	ssyncadd.s32 $0xFFFF8000  }
0x60: {  	[tilespmem:s2], [sflag:$0x5] =	stream.linear.gather [hbm4b:s0+s2], $0xA00, $0x38;
	[tilespmem:$0x18A00] =	vst v63  }
0x61: {  	_ =	swait.ge [sflag:s3], $0xA00  }
0x62: {  	[sflag:s3] =	ssyncset.done $0x0  }
0x63: {  	[sflag:s3] =	ssyncadd.s32 $0xFFFFF600  }
0x64: {  	[tilespmem:s6], [sflag:$0x1] =	stream.indirect.gather [hbm4b:s4+s5], $0x80, s2, s5, $0xb8;
	[tilespmem:$0x18A00] =	vst v63  }
0x65: {  	_ = 	snop  }
0x66: {  	[tilespmem:s7], [sflag:$0x1] =	stream.indirect.gather [hbm4b:s4+s5], $0x80, s5, s5, $0xb8;
	[tilespmem:$0x18A00] =	vst v63  }
0x67: {  	_ =	swait.ge [sflag:s8], $0x8000  }
0x68: {  	[sflag:s8] =	ssyncset.done $0x0  }
0x69: {  	[sflag:s8] =	ssyncadd.s32 $0xFFFF8000  }
0x6a: {  	[hbm4b:s9+s2] =	stream.linear.scatter [tilespmem:s6], [sflag:$0x2], $0x8000, $0x38;
	[tilespmem:$0x18A00] =	vst v63  }
0x6b: {  	_ = 	snop  }
0x6c: {  	[tilespmem:s11], [sflag:$0x1] =	stream.indirect.gather [hbm4b:s4+s5], $0x80, s10, s5, $0xb8;
	[tilespmem:$0x18A00] =	vst v63  }
0x6d: {  	_ =	swait.ge [sflag:s8], $0x8000  }
0x6e: {  	[sflag:s8] =	ssyncset.done $0x0  }
0x6f: {  	[sflag:s8] =	ssyncadd.s32 $0xFFFF8000  }
0x70: {  	[hbm4b:s13+s2] =	stream.linear.scatter [tilespmem:s7], [sflag:$0x3], $0x8000, $0x38;
	[tilespmem:$0x18A00] =	vst v63  }
0x71: {  	_ =	swait.ge [sflag:s12], $0x8000  }
0x72: {  	[sflag:s12] =	ssyncset.done $0x0  }
0x73: {  	[sflag:s12] =	ssyncadd.s32 $0xFFFF8000  }
0x74: {  	[tilespmem:s6], [sflag:$0x1] =	stream.indirect.gather [hbm4b:s4+s5], $0x80, s14, s5, $0xb8;
	[tilespmem:$0x18A00] =	vst v63  }
0x75: {  	_ =	swait.ge [sflag:s8], $0x8000  }
0x76: {  	[sflag:s8] =	ssyncset.done $0x0  }
0x77: {  	[sflag:s8] =	ssyncadd.s32 $0xFFFF8000  }
0x78: {  	[hbm4b:s15+s2] =	stream.linear.scatter [tilespmem:s11], [sflag:$0x4], $0x8000, $0x38;
	[tilespmem:$0x18A00] =	vst v63  }
0x79: {  	_ =	swait.ge [sflag:s16], $0x8000  }
0x7a: {  	[sflag:s16] =	ssyncset.done $0x0  }
0x7b: {  	[sflag:s16] =	ssyncadd.s32 $0xFFFF8000  }
0x7c: {  	[tilespmem:s7], [sflag:$0x1] =	stream.indirect.gather [hbm4b:s4+s5], $0x80, s17, s5, $0xb8;
	[tilespmem:$0x18A00] =	vst v63  }
0x7d: {  	_ =	swait.ge [sflag:s8], $0x8000  }
0x7e: {  	[sflag:s8] =	ssyncset.done $0x0  }
0x7f: {  	[sflag:s8] =	ssyncadd.s32 $0xFFFF8000  }
0x80: {  	[hbm4b:s18+s2] =	stream.linear.scatter [tilespmem:s6], [sflag:$0x2], $0x8000, $0x38;
	[tilespmem:$0x18A00] =	vst v63  }
0x81: {  	_ =	swait.ge [sflag:s19], $0x8000  }
0x82: {  	[sflag:s19] =	ssyncset.done $0x0  }
0x83: {  	[sflag:s19] =	ssyncadd.s32 $0xFFFF8000  }
0x84: {  	[tilespmem:s11], [sflag:$0x1] =	stream.indirect.gather [hbm4b:s4+s5], $0x80, s20, s5, $0xb8;
	[tilespmem:$0x18A00] =	vst v63  }
0x85: {  	_ =	swait.ge [sflag:s8], $0x8000  }
0x86: {  	[sflag:s8] =	ssyncset.done $0x0  }
0x87: {  	[sflag:s8] =	ssyncadd.s32 $0xFFFF8000  }
0x88: {  	[hbm4b:s21+s2] =	stream.linear.scatter [tilespmem:s7], [sflag:$0x3], $0x8000, $0x38;
	[tilespmem:$0x18A00] =	vst v63  }
0x89: {  	_ =	swait.ge [sflag:s12], $0x8000  }
0x8a: {  	[sflag:s12] =	ssyncset.done $0x0  }
0x8b: {  	[sflag:s12] =	ssyncadd.s32 $0xFFFF8000  }
0x8c: {  	[tilespmem:s6], [sflag:$0x1] =	stream.indirect.gather [hbm4b:s4+s5], $0x80, s22, s5, $0xb8;
	[tilespmem:$0x18A00] =	vst v63  }
0x8d: {  	_ =	swait.ge [sflag:s8], $0x8000  }
0x8e: {  	[sflag:s8] =	ssyncset.done $0x0  }
0x8f: {  	[sflag:s8] =	ssyncadd.s32 $0xFFFF8000  }
0x90: {  	[hbm4b:s23+s2] =	stream.linear.scatter [tilespmem:s11], [sflag:$0x4], $0x8000, $0x38;
	[tilespmem:$0x18A00] =	vst v63  }
0x91: {  	_ =	swait.ge [sflag:s16], $0x8000  }
0x92: {  	[sflag:s16] =	ssyncset.done $0x0  }
0x93: {  	[sflag:s16] =	ssyncadd.s32 $0xFFFF8000  }
0x94: {  	[tilespmem:s7], [sflag:$0x1] =	stream.indirect.gather [hbm4b:s4+s5], $0x80, s24, s5, $0xb8;
	[tilespmem:$0x18A00] =	vst v63  }
0x95: {  	_ =	swait.ge [sflag:s8], $0x8000  }
0x96: {  	[sflag:s8] =	ssyncset.done $0x0  }
0x97: {  	[sflag:s8] =	ssyncadd.s32 $0xFFFF8000  }
0x98: {  	[hbm4b:s25+s2] =	stream.linear.scatter [tilespmem:s6], [sflag:$0x2], $0x8000, $0x38;
	[tilespmem:$0x18A00] =	vst v63  }
0x99: {  	_ =	swait.ge [sflag:s19], $0x8000  }
0x9a: {  	[sflag:s19] =	ssyncset.done $0x0  }
0x9b: {  	[sflag:s19] =	ssyncadd.s32 $0xFFFF8000  }
0x9c: {  	[tilespmem:s11], [sflag:$0x1] =	stream.indirect.gather [hbm4b:s4+s5], $0x80, s26, s5, $0xb8;
	[tilespmem:$0x18A00] =	vst v63  }
0x9d: {  	_ =	swait.ge [sflag:s8], $0x8000  }
0x9e: {  	[sflag:s8] =	ssyncset.done $0x0  }
0x9f: {  	[sflag:s8] =	ssyncadd.s32 $0xFFFF8000  }
0xa0: {  	[hbm4b:s28+s2] =	stream.linear.scatter [tilespmem:s7], [sflag:$0x3], $0x8000, $0x38;
	[tilespmem:$0x18A00] =	vst v63  }
0xa1: {  	_ =	swait.ge [sflag:s12], $0x8000  }
0xa2: {  	[sflag:s12] =	ssyncset.done $0x0  }
0xa3: {  	[sflag:s12] =	ssyncadd.s32 $0xFFFF8000  }
0xa4: {  	[tilespmem:s6], [sflag:$0x1] =	stream.indirect.gather [hbm4b:s4+s5], $0x80, s29, s5, $0xb8;
	[tilespmem:$0x18A00] =	vst v63  }
0xa5: {  	_ =	swait.ge [sflag:s8], $0x8000  }
0xa6: {  	[sflag:s8] =	ssyncset.done $0x0  }
0xa7: {  	[sflag:s8] =	ssyncadd.s32 $0xFFFF8000  }
0xa8: {  	[hbm4b:s30+s2] =	stream.linear.scatter [tilespmem:s11], [sflag:$0x4], $0x8000, $0x38;
	[tilespmem:$0x18A00] =	vst v63  }
0xa9: {  	_ =	swait.ge [sflag:s8], $0x8000  }
0xaa: {  	[sflag:s8] =	ssyncset.done $0x0  }
0xab: {  	[sflag:s8] =	ssyncadd.s32 $0xFFFF8000  }
0xac: {  	[hbm4b:s31+s2] =	stream.linear.scatter [tilespmem:s6], [sflag:$0x2], $0x8000, $0x38;
	[tilespmem:$0x18A00] =	vst v63  }
0xad: {  	_ =	swait.ge [sflag:s16], $0x8000  }
0xae: {  	p0 =	sne.s32 s1, $0x1;
	[sflag:s16] =	ssyncset.done $0x0  }
.Ltmp1:
0xaf: {  	[sflag:s16] =	ssyncadd.s32 $0xFFFF8000;
	(pc) =	sbr.rel @p0 .LBB2_1-.Ltmp1, $4  }
0xb0: {  	_ =	swait.ge [sflag:s19], $0x8000  }
0xb1: {  	[sflag:s19] =	ssyncset.done $0x0  }
0xb2: {  	[sflag:s19] =	ssyncadd.s32 $0xFFFF8000  }
0xb3: {  	s1 =	sadd.s32 $0xFFFFFFFF, s1;
	_ =	swait.ge [sflag:s12], $0x8000  }
.LBB2_2:
0xb4: {  	[sflag:s12] =	ssyncset.done $0x0  }
0xb5: {  	[sflag:s12] =	ssyncadd.s32 $0xFFFF8000  }
0xb6: {  	_ =	sfence.sel $0x180000  }
0xb7: {  	[bflag:$0x0] =	sbarrier.arrive $0xFFFF  }
0xb8: {  	_ =	strace $0x90000047  }
0xb9: {  	s0 =	stileid.u32;
	[bflag:$0x2] =	sbarrier.arrive $0xFFFF  }
0xba: {  	p0 =	sne.s32 s0, $0x0;
	s0 =	rddreg [dreg:$0x1]  }
0xbb: {  	s0 =	sadd.s32 @!p0 $0x100000, s0  }
0xbc: {  	[sflag:s0] =	ssyncadd.tile.s32 @!p0 $0x1;
	_ =	shalt  }
.Lfunc_end2:
_tile_overlayer_lowered:
.L_overlay_start_2:
0xbd: {  	(tag) =	ssettag $0x2  }
0xbe: {  	s0 =	rddreg [dreg:$0x0];
	s2 =	stileid.u32  }
0xbf: {  	s1 =	rddreg [dreg:$0x1];
	p0 =	sne.s32 s2, $0x0  }
0xc0: {  	s3 =	rddreg [dreg:$0x2];
	[bflag:$0x3] =	sbarrier.arrive $0xFFFF;
	s2 =	simm.s32 @!p0 $0x1C05  }
0xc1: {  	[timem:s3], [sflag:s2] =	dma.local @!p0 [hbm:s0], s1  }
0xc2: {  	s0 =	simm.s32 @!p0 $0x5  }
0xc3: {  	_ =	swait.ge @!p0 [sflag:s0], s1  }
0xc4: {  	s1 =	ssub.s32 @!p0 $0x0, s1;
	[sflag:s0] =	ssyncset.done @!p0 $0x0  }
0xc5: {  	[sflag:s0] =	ssyncadd.s32 @!p0 s1  }
0xc6: {  	[bflag:$0x3] =	sbarrier.arrive $0xFFFF  }
0xc7: {  	_ =	shalt  }

// kernel: kernel.19.cloned.1.call-start
scs
__scs_entry_jumppad:
0x0: {  	(pc) =	sbr.rel $0x88, $3  }
0x1: {  	(tag) =	ssettag $0x0;
	lr =	simm.s32 $0x1  }
0x2: {  	[smem:$0x3F8C] =	sst lr;
	_ =	strace $0xD0000000  }
0x3: {  	_ = 	snop  }
0x4: {  	_ = 	snop  }
0x5: {  	_ = 	snop  }
0x6: {  	_ = 	snop  }
0x7: {  	_ = 	snop  }
__scs_overlays_trampoline_lowered:
0x8: {  	[smem:$0x3F9B] =	sst s0  }
0x9: {  	[smem:$0x3F9C] =	sst s1  }
0xa: {  	[smem:$0x3F9D] =	sst s2  }
0xb: {  	[smem:$0x3F9E] =	sst s3  }
0xc: {  	[smem:$0x3F9F] =	sst s4  }
0xd: {  	[smem:$0x3FA0] =	sst s5  }
0xe: {  	[smem:$0x3FA1] =	sst s6  }
0xf: {  	[smem:$0x3FA2] =	sst s7  }
0x10: {  	[smem:$0x3FA3] =	sst s8  }
0x11: {  	[smem:$0x3FA4] =	sst s9;
	s0 =	simm.s32 @!p0 $0x0  }
0x12: {  	s1 =	sld [smem:$0x3F8A];
	s0 =	simm.s32 @p0 $0x1  }
0x13: {  	[smem:$0x3FA5] =	sst s0;
	s0 =	simm.s32 @!p1 $0x0  }
0x14: {  	s2 =	sld [smem:$0x3F89];
	s0 =	simm.s32 @p1 $0x1  }
0x15: {  	[smem:$0x3FA6] =	sst s0;
	s0 =	simm.s32 @!p2 $0x0  }
0x16: {  	s3 =	sld [smem:$0x3FDB];
	s0 =	simm.s32 @p2 $0x1  }
0x17: {  	s4 =	simm.s32 $0x1BF5;
	[smem:$0x3FA8] =	sst s0  }
0x18: {  	s0 =	sld [smem:$0x3F8B];
	_ =	swait.ge [sflag:s4], $0x0  }
0x19: {  	s7 =	sld [smem:$0x3F8C]  }
0x1a: {  	s8 =	sadd.s32 $0xFFFFE003, lr  }
0x1b: {  	s9 =	sadd.s32 $0xFFFFFEF7, lr;
	s5 =	simm.s32 $0xFFFFFFFF;
	p2 =	slt.u32 s8, $0xFFFFF086  }
0x1c: {  	p1 =	slt.u32 s9, $0xF7A;
	s5 =	simm.s32 @!p2 $0x0  }
0x1d: {  	s5 =	simm.s32 @p1 $0x1;
	p0 =	seq.s32 s7, s2  }
0x1e: {  	s7 =	smul.u32 @!p0 $0xF7A, s2;
	p2 =	seq.s32 @!p0 s5, $0x0  }
0x1f: {  	s9 =	smul.u32 $0xF7A, s1;
	s8 =	simm.s32 @!p0 $0x1BF5;
	p2 =	por !p2, p0  }
0x20: {  	[sflag:s8] =	ssyncset.s32 @!p0 $0xFFFFF086;
	s6 =	sadd.s32 @!p0 s3, s7;
	s7 =	simm.s32 @!p0 $0x108  }
0x21: {  	s3 =	sadd.s32 s3, s9;
	s6 =	sadd.s32 @!p0 $0x88, s6;
	s7 =	simm.s32 @p2 $0x1082  }
0x22: {  	[simem:s7], [sflag:s8] =	dma.local @!p0 [hbm:s6], $0xF7A  }
0x23: {  	s9 =	sor.u32 $0xD0000000, s2;
	s6 =	simm.s32 $0x108;
	_ =	swait.ge @!p0 [sflag:s8], $0x0  }
0x24: {  	s3 =	sadd.s32 $0x88, s3;
	s6 =	simm.s32 @!p1 $0x1082;
	[sflag:s4] =	ssyncset.s32 $0xFFFFF086  }
0x25: {  	[simem:s6], [sflag:s4] =	dma.local [hbm:s3], $0xF7A  }
0x26: {  	[smem:$0x3F8C] =	sst s1;
	(tag) =	ssettag s2;
	_ =	strace s9  }
0x27: {  	s1 =	sld [smem:$0x3F9C]  }
0x28: {  	s2 =	sld [smem:$0x3F9D]  }
0x29: {  	s4 =	sld [smem:$0x3F9F]  }
0x2a: {  	p0 =	seq.s32 s5, $0x0;
	s5 =	sld [smem:$0x3FA0]  }
0x2b: {  	s6 =	sld [smem:$0x3FA1]  }
0x2c: {  	s7 =	sld [smem:$0x3FA2]  }
0x2d: {  	s3 =	simm.s32 $0x108;
	s8 =	sld [smem:$0x3FA3]  }
0x2e: {  	s3 =	simm.s32 @!p0 $0x1082;
	s9 =	sld [smem:$0x3FA4]  }
0x2f: {  	lr =	sadd.s32 s0, s3;
	s0 =	sld [smem:$0x3F9B]  }
0x30: {  	s3 =	sld [smem:$0x3F9E]  }
0x31: {  	[smem:$0x3FA7] =	sst s10  }
0x32: {  	s10 =	sld [smem:$0x3FA5];
	_ =	sdelay $0x3  }
0x33: {  	p0 =	seq.s32 s10, $0x1;
	s10 =	sld [smem:$0x3FA7];
	_ =	sdelay $0x3  }
0x34: {  	[smem:$0x3FA7] =	sst s10  }
0x35: {  	s10 =	sld [smem:$0x3FA6];
	_ =	sdelay $0x3  }
0x36: {  	p1 =	seq.s32 s10, $0x1;
	s10 =	sld [smem:$0x3FA7];
	_ =	sdelay $0x3  }
0x37: {  	[smem:$0x3FA7] =	sst s10  }
0x38: {  	s10 =	sld [smem:$0x3FA8]  }
0x39: {  	_ = 	snop;
	(pc) =	sbr.ind lr, $3  }
0x3a: {  	_ = 	snop  }
0x3b: {  	_ = 	snop  }
0x3c: {  	p2 =	seq.s32 s10, $0x1;
	s10 =	sld [smem:$0x3FA7]  }
0x3d: {  	_ =	shalt  }
0x3e: {  	_ =	shalt  }
0x3f: {  	_ =	shalt  }
0x40: {  	_ =	shalt  }
0x41: {  	_ =	shalt  }
0x42: {  	_ =	shalt  }
0x43: {  	_ =	shalt  }
0x44: {  	_ =	shalt  }
0x45: {  	_ =	shalt  }
0x46: {  	_ =	shalt  }
0x47: {  	_ =	shalt  }
0x48: {  	_ =	shalt  }
0x49: {  	_ =	shalt  }
0x4a: {  	_ =	shalt  }
0x4b: {  	_ =	shalt  }
0x4c: {  	_ =	shalt  }
0x4d: {  	_ =	shalt  }
0x4e: {  	_ =	shalt  }
0x4f: {  	_ =	shalt  }
0x50: {  	_ =	shalt  }
0x51: {  	_ =	shalt  }
0x52: {  	_ =	shalt  }
0x53: {  	_ =	shalt  }
0x54: {  	_ =	shalt  }
0x55: {  	_ =	shalt  }
0x56: {  	_ =	shalt  }
0x57: {  	_ =	shalt  }
0x58: {  	_ =	shalt  }
0x59: {  	_ =	shalt  }
0x5a: {  	_ =	shalt  }
0x5b: {  	_ =	shalt  }
0x5c: {  	_ =	shalt  }
0x5d: {  	_ =	shalt  }
0x5e: {  	_ =	shalt  }
0x5f: {  	_ =	shalt  }
0x60: {  	_ =	shalt  }
0x61: {  	_ =	shalt  }
0x62: {  	_ =	shalt  }
0x63: {  	_ =	shalt  }
0x64: {  	_ =	shalt  }
0x65: {  	_ =	shalt  }
0x66: {  	_ =	shalt  }
0x67: {  	_ =	shalt  }
0x68: {  	_ =	shalt  }
0x69: {  	_ =	shalt  }
0x6a: {  	_ =	shalt  }
0x6b: {  	_ =	shalt  }
0x6c: {  	_ =	shalt  }
0x6d: {  	_ =	shalt  }
0x6e: {  	_ =	shalt  }
0x6f: {  	_ =	shalt  }
0x70: {  	_ =	shalt  }
0x71: {  	_ =	shalt  }
0x72: {  	_ =	shalt  }
0x73: {  	_ =	shalt  }
0x74: {  	_ =	shalt  }
0x75: {  	_ =	shalt  }
0x76: {  	_ =	shalt  }
0x77: {  	_ =	shalt  }
0x78: {  	_ =	shalt  }
0x79: {  	_ =	shalt  }
0x7a: {  	_ =	shalt  }
0x7b: {  	_ =	shalt  }
0x7c: {  	_ =	shalt  }
0x7d: {  	_ =	shalt  }
0x7e: {  	_ =	shalt  }
0x7f: {  	_ =	shalt  }
0x80: {  	_ =	shalt  }
0x81: {  	_ =	shalt  }
0x82: {  	_ =	shalt  }
0x83: {  	_ =	shalt  }
0x84: {  	_ =	shalt  }
0x85: {  	_ =	shalt  }
0x86: {  	_ =	shalt  }
0x87: {  	_ =	shalt  }
.Lfunc_end0:
.L_simem_size_0:
called_computation.1_lowered:
.L_overlay_start_0:
0x88: {  	s2 =	sld [smem:$0x3FD9]  }
0x89: {  	s3 =	sld [smem:$0x3FFE];
	_ =	sdelay $0x1  }
0x8a: {  	s1 =	srdreg.scid  }
0x8b: {  	s0 =	sand.u32 $0x1, s1  }
0x8c: {  	s16 =	sshll.u32 s0, $0xA;
	s2 =	sadd.s32 s3, s2  }
0x8d: {  	s2 =	sadd.s32 s2, s16  }
0x8e: {  	[smem:$0x3FB3] =	sst s2  }
0x8f: {  	_ = 	snop  }
0x90: {  	(tm) =	ssettm $0x1  }
0x91: {  	s17 =	sld [smem:$0x3FFB];
	_ =	sdelay $0x3  }
0x92: {  	_ =	strace s17  }
0x93: {  	s2 =	sld [smem:$0x3FFC];
	_ =	sdelay $0x3  }
0x94: {  	_ =	strace s2  }
0x95: {  	s2 =	sld [smem:$0x3FFD];
	_ =	sdelay $0x3  }
0x96: {  	_ =	strace s2  }
0x97: {  	_ =	strace $0x8FFFFFFF  }
0x98: {  	s18 =	sld [smem:$0x3FDB];
	_ =	sdelay $0x1  }
0x99: {  	s19 =	simm.s32 $_scs_section_size  }
0x9a: {  	s4 =	simm.s32 $_size__tile_overlayer_lowered;
	s5 =	simm.s32 $_tile_overlayer_lowered  }
0x9b: {  	s22 =	simm.s32 $0x1BFF;
	s21 =	sshll.u32 s5, $0x1;
	s2 =	sadd.s32 s19, s18  }
0x9c: {  	s6 =	simm.s32 $0x0;
	s20 =	sshll.u32 s4, $0x1;
	s4 =	sadd.s32 s21, s2  }
0x9d: {  	[timem:s6], [sflag:s22] =	dma.local [hbm:s4], s20  }
0x9e: {  	_ =	swait.ge [sflag:s22], s20  }
0x9f: {  	s3 =	ssub.s32 $0x0, s20;
	[sflag:s22] =	ssyncset.done $0x0  }
0xa0: {  	[sflag:s22] =	ssyncadd.s32 s3;
	_ =	sdelay $0x1  }
0xa1: {  	s23 =	simm.s32 $0x1B8B  }
0xa2: {  	_ =	swait.ge [sflag:s23], $0x1  }
0xa3: {  	[sflag:s23] =	ssyncset.done $0x0  }
0xa4: {  	s25 =	simm.s32 $0x1B8E;
	s24 =	sld [smem:$0x3FFE];
	[sflag:s23] =	ssyncadd.s32 $0xFFFFFFFF  }
0xa5: {  	s26 =	simm.s32 $execute0_lowered;
	[smem:$0x3FD2] =	sst s25  }
0xa6: {  	s4 =	sshll.u32 s26, $0x1;
	_ =	strace $0x80000049;
	[dreg:$0x1] =	wrdreg $0xFFFFFFFF  }
0xa7: {  	s28 =	simm.s32 $_size_execute0_lowered;
	s2 =	sadd.s32 s2, s4;
	[dreg:$0x0] =	wrdreg $0x0  }
0xa8: {  	s4 =	sshll.u32 s28, $0x1;
	[dreg:$0x2] =	wrdreg s2  }
0xa9: {  	[dreg:$0x3] =	wrdreg s4  }
0xaa: {  	[dreg:$0x4] =	wrdreg $0xC0  }
0xab: {  	_ =	task [dreg:s6], $0x5FFFF  }
0xac: {  	[dreg:$0x1] =	wrdreg $0xFFFFFFFF  }
0xad: {  	[dreg:$0x0] =	wrdreg $0x60  }
0xae: {  	[dreg:$0x2] =	wrdreg s24  }
0xaf: {  	[dreg:$0x3] =	wrdreg $0x9  }
0xb0: {  	_ =	task.clear_ibuf [dreg:s6], $0x4FFFF;
	_ =	strace $0x90000049  }
0xb1: {  	s29 =	simm.s32 $0x9;
	_ =	strace $0x8000004B  }
0xb2: {  	_ =	swait.ge [sflag:s29], $0x1  }
0xb3: {  	[sflag:s29] =	ssyncadd.s32 $0xFFFFFFFF  }
0xb4: {  	_ =	strace $0x9000004B  }
0xb5: {  	_ =	sfence  }
0xb6: {  	s30 =	sld [smem:$0x0];
	_ =	sdelay $0x2  }
0xb7: {  	s31 =	sshll.u32 s1, $0xD;
	s1 =	sshrl.u32 s1, $0x2  }
0xb8: {  	s3 =	sand.u32 $0x4000, s31;
	s1 =	sadd.s32 s1, s30  }
0xb9: {  	s0 =	sor.u32 s3, s0;
	s1 =	sshll.u32 s1, $0x11  }
0xba: {  	s0 =	sor.u32 s1, s0  }
0xbb: {  	s0 =	sadd.s32 $0x8F2B, s0  }
0xbc: {  	[sflag:s0] =	ssyncadd.remote.s32 $0x1  }
0xbd: {  	_ =	sfence.sel $0xFFFF  }
0xbe: {  	[dreg:$0x0] =	wrdreg $0xFFFFFFFF;
	(pc) =	sbr.abs _section_cstart, $3  }
0xbf: {  	[dreg:$0x1] =	wrdreg $0xFFFFFFFF  }
0xc0: {  	_ =	task.clear_ibuf [dreg:s6], $0x2FFFF;
	_ =	strace $0x9FFFFFFF  }
0xc1: {  	(tm) =	ssettm $0x7FFFFFFF  }
tec
execute0_lowered:
.L_overlay_start_1:
0x0: {  	(tag) =	ssettag $0x1  }
0x1: {  	s1 =	srdreg.scid;
	s0 =	stileid.u32  }
0x2: {  	s1 =	sand.u32 $0x1, s1;
	s2 =	sshll.u32 s0, $0x1  }
0x3: {  	s14 =	sor.u32 s1, s2  }
0x4: {  	s3 =	smul.u32 $0x140, s14  }
0x5: {  	s9 =	rddreg [dreg:$0x0]  }
0x6: {  	s2 =	simm.s32 $0x0;
	s3 =	sadd.s32 s3, s9  }
0x7: {  	[smem:$0x7FF] =	sst s2;
	s3 =	sadd.s32 $0x85A00, s3  }
0x8: {  	_ =	strace $0x8000004A;
	[dreg:$0x2] =	wrdreg s3  }
0x9: {  	s3 =	simm.s32 $0x5;
	s4 =	rddreg [dreg:$0x2]  }
0xa: {  	[tilespmem:s2], [sflag:$0x5] =	stream.linear.gather [hbm4b:s4+s2], $0xA00, $0x38;
	[tilespmem:$0x18A00] =	vst v63  }
0xb: {  	_ =	swait.ge [sflag:s3], $0xA00  }
0xc: {  	s5 =	simm.s32 $0x100;
	[sflag:s3] =	ssyncset.done $0x0  }
0xd: {  	s6 =	simm.s32 $0xA00;
	s4 =	sadd.s32 $0x35400, s9;
	[sflag:s3] =	ssyncadd.s32 $0xFFFFF600  }
0xe: {  	[tilespmem:s6], [sflag:$0x1] =	stream.indirect.gather [hbm4b:s4+s5], $0x80, s2, s5, $0xb8;
	[tilespmem:$0x18A00] =	vst v63  }
0xf: {  	s7 =	simm.s32 $0x8A00;
	s8 =	simm.s32 $0x1  }
0x10: {  	[tilespmem:s7], [sflag:$0x1] =	stream.indirect.gather [hbm4b:s4+s5], $0x80, s5, s5, $0xb8;
	[tilespmem:$0x18A00] =	vst v63  }
0x11: {  	s10 =	smul.u32 $0xA000, s14;
	_ =	swait.ge [sflag:s8], $0x8000  }
0x12: {  	s15 =	sadd.s32 $0x88200, s9;
	[sflag:s8] =	ssyncset.done $0x0  }
0x13: {  	s9 =	sadd.s32 s15, s10;
	[sflag:s8] =	ssyncadd.s32 $0xFFFF8000  }
0x14: {  	[hbm4b:s9+s2] =	stream.linear.scatter [tilespmem:s6], [sflag:$0x2], $0x8000, $0x38;
	[tilespmem:$0x18A00] =	vst v63  }
0x15: {  	s11 =	simm.s32 $0x10A00;
	s10 =	simm.s32 $0x200  }
0x16: {  	[tilespmem:s11], [sflag:$0x1] =	stream.indirect.gather [hbm4b:s4+s5], $0x80, s10, s5, $0xb8;
	[tilespmem:$0x18A00] =	vst v63  }
0x17: {  	_ =	swait.ge [sflag:s8], $0x8000  }
0x18: {  	[sflag:s8] =	ssyncset.done $0x0  }
0x19: {  	s12 =	simm.s32 $0x2;
	s13 =	sadd.s32 $0x1000, s9;
	[sflag:s8] =	ssyncadd.s32 $0xFFFF8000  }
0x1a: {  	[hbm4b:s13+s2] =	stream.linear.scatter [tilespmem:s7], [sflag:$0x3], $0x8000, $0x38;
	[tilespmem:$0x18A00] =	vst v63  }
0x1b: {  	_ =	swait.ge [sflag:s12], $0x8000  }
0x1c: {  	[sflag:s12] =	ssyncset.done $0x0  }
0x1d: {  	s16 =	smul.u32 $0x50000, s14;
	s14 =	simm.s32 $0x300;
	[sflag:s12] =	ssyncadd.s32 $0xFFFF8000  }
0x1e: {  	[tilespmem:s6], [sflag:$0x1] =	stream.indirect.gather [hbm4b:s4+s5], $0x80, s14, s5, $0xb8;
	[tilespmem:$0x18A00] =	vst v63  }
0x1f: {  	s16 =	sshrl.u32 s16, $0x3;
	_ =	swait.ge [sflag:s8], $0x8000  }
0x20: {  	s31 =	sadd.s32 s15, s16;
	[sflag:s8] =	ssyncset.done $0x0  }
0x21: {  	s16 =	simm.s32 $0x3;
	s15 =	sadd.s32 $0x2000, s31;
	[sflag:s8] =	ssyncadd.s32 $0xFFFF8000  }
0x22: {  	[hbm4b:s15+s2] =	stream.linear.scatter [tilespmem:s11], [sflag:$0x4], $0x8000, $0x38;
	[tilespmem:$0x18A00] =	vst v63  }
0x23: {  	_ =	swait.ge [sflag:s16], $0x8000  }
0x24: {  	[sflag:s16] =	ssyncset.done $0x0  }
0x25: {  	s17 =	simm.s32 $0x400;
	[sflag:s16] =	ssyncadd.s32 $0xFFFF8000  }
0x26: {  	[tilespmem:s7], [sflag:$0x1] =	stream.indirect.gather [hbm4b:s4+s5], $0x80, s17, s5, $0xb8;
	[tilespmem:$0x18A00] =	vst v63  }
0x27: {  	_ =	swait.ge [sflag:s8], $0x8000  }
0x28: {  	[sflag:s8] =	ssyncset.done $0x0  }
0x29: {  	s19 =	simm.s32 $0x4;
	s18 =	sadd.s32 $0x3000, s31;
	[sflag:s8] =	ssyncadd.s32 $0xFFFF8000  }
0x2a: {  	[hbm4b:s18+s2] =	stream.linear.scatter [tilespmem:s6], [sflag:$0x2], $0x8000, $0x38;
	[tilespmem:$0x18A00] =	vst v63  }
0x2b: {  	_ =	swait.ge [sflag:s19], $0x8000  }
0x2c: {  	[sflag:s19] =	ssyncset.done $0x0  }
0x2d: {  	s20 =	simm.s32 $0x500;
	[sflag:s19] =	ssyncadd.s32 $0xFFFF8000  }
0x2e: {  	[tilespmem:s11], [sflag:$0x1] =	stream.indirect.gather [hbm4b:s4+s5], $0x80, s20, s5, $0xb8;
	[tilespmem:$0x18A00] =	vst v63  }
0x2f: {  	_ =	swait.ge [sflag:s8], $0x8000  }
0x30: {  	[sflag:s8] =	ssyncset.done $0x0  }
0x31: {  	s21 =	sadd.s32 $0x4000, s31;
	[sflag:s8] =	ssyncadd.s32 $0xFFFF8000  }
0x32: {  	[hbm4b:s21+s2] =	stream.linear.scatter [tilespmem:s7], [sflag:$0x3], $0x8000, $0x38;
	[tilespmem:$0x18A00] =	vst v63  }
0x33: {  	_ =	swait.ge [sflag:s12], $0x8000  }
0x34: {  	[sflag:s12] =	ssyncset.done $0x0  }
0x35: {  	s22 =	simm.s32 $0x600;
	[sflag:s12] =	ssyncadd.s32 $0xFFFF8000  }
0x36: {  	[tilespmem:s6], [sflag:$0x1] =	stream.indirect.gather [hbm4b:s4+s5], $0x80, s22, s5, $0xb8;
	[tilespmem:$0x18A00] =	vst v63  }
0x37: {  	_ =	swait.ge [sflag:s8], $0x8000  }
0x38: {  	[sflag:s8] =	ssyncset.done $0x0  }
0x39: {  	s23 =	sadd.s32 $0x5000, s31;
	[sflag:s8] =	ssyncadd.s32 $0xFFFF8000  }
0x3a: {  	[hbm4b:s23+s2] =	stream.linear.scatter [tilespmem:s11], [sflag:$0x4], $0x8000, $0x38;
	[tilespmem:$0x18A00] =	vst v63  }
0x3b: {  	_ =	swait.ge [sflag:s16], $0x8000  }
0x3c: {  	[sflag:s16] =	ssyncset.done $0x0  }
0x3d: {  	s24 =	simm.s32 $0x700;
	[sflag:s16] =	ssyncadd.s32 $0xFFFF8000  }
0x3e: {  	[tilespmem:s7], [sflag:$0x1] =	stream.indirect.gather [hbm4b:s4+s5], $0x80, s24, s5, $0xb8;
	[tilespmem:$0x18A00] =	vst v63  }
0x3f: {  	_ =	swait.ge [sflag:s8], $0x8000  }
0x40: {  	[sflag:s8] =	ssyncset.done $0x0  }
0x41: {  	s25 =	sadd.s32 $0x6000, s31;
	[sflag:s8] =	ssyncadd.s32 $0xFFFF8000  }
0x42: {  	[hbm4b:s25+s2] =	stream.linear.scatter [tilespmem:s6], [sflag:$0x2], $0x8000, $0x38;
	[tilespmem:$0x18A00] =	vst v63  }
0x43: {  	_ =	swait.ge [sflag:s19], $0x8000  }
0x44: {  	[sflag:s19] =	ssyncset.done $0x0  }
0x45: {  	s26 =	simm.s32 $0x800;
	[sflag:s19] =	ssyncadd.s32 $0xFFFF8000  }
0x46: {  	[tilespmem:s11], [sflag:$0x1] =	stream.indirect.gather [hbm4b:s4+s5], $0x80, s26, s5, $0xb8;
	[tilespmem:$0x18A00] =	vst v63  }
0x47: {  	_ =	swait.ge [sflag:s8], $0x8000  }
0x48: {  	[sflag:s8] =	ssyncset.done $0x0  }
0x49: {  	s28 =	sadd.s32 $0x7000, s31;
	[sflag:s8] =	ssyncadd.s32 $0xFFFF8000  }
0x4a: {  	[hbm4b:s28+s2] =	stream.linear.scatter [tilespmem:s7], [sflag:$0x3], $0x8000, $0x38;
	[tilespmem:$0x18A00] =	vst v63  }
0x4b: {  	_ =	swait.ge [sflag:s12], $0x8000  }
0x4c: {  	[sflag:s12] =	ssyncset.done $0x0  }
0x4d: {  	s29 =	simm.s32 $0x900;
	[sflag:s12] =	ssyncadd.s32 $0xFFFF8000  }
0x4e: {  	[tilespmem:s6], [sflag:$0x1] =	stream.indirect.gather [hbm4b:s4+s5], $0x80, s29, s5, $0xb8;
	[tilespmem:$0x18A00] =	vst v63  }
0x4f: {  	_ =	swait.ge [sflag:s8], $0x8000  }
0x50: {  	[sflag:s8] =	ssyncset.done $0x0  }
0x51: {  	s30 =	sadd.s32 $0x8000, s31;
	[sflag:s8] =	ssyncadd.s32 $0xFFFF8000  }
0x52: {  	[hbm4b:s30+s2] =	stream.linear.scatter [tilespmem:s11], [sflag:$0x4], $0x8000, $0x38;
	[tilespmem:$0x18A00] =	vst v63  }
0x53: {  	s1 =	ssub.s32 $0x2, s1;
	_ =	swait.ge [sflag:s8], $0x8000  }
0x54: {  	s0 =	sshrl.u32 s1, $0x1;
	[sflag:s8] =	ssyncset.done $0x0  }
0x55: {  	s0 =	ssub.s32 s1, s0;
	s31 =	sadd.s32 $0x9000, s31;
	[sflag:s8] =	ssyncadd.s32 $0xFFFF8000  }
0x56: {  	[hbm4b:s31+s2] =	stream.linear.scatter [tilespmem:s6], [sflag:$0x2], $0x8000, $0x38;
	[tilespmem:$0x18A00] =	vst v63  }
0x57: {  	s0 =	smax.u32 s0, $0x1;
	_ =	swait.ge [sflag:s16], $0x8000  }
0x58: {  	p0 =	sne.s32 s0, $0x1;
	[sflag:s16] =	ssyncset.done $0x0  }
.Ltmp0:
0x59: {  	[sflag:s16] =	ssyncadd.s32 $0xFFFF8000;
	(pc) =	sbr.rel @!p0 .LBB2_2-.Ltmp0, $4  }
0x5a: {  	_ =	swait.ge [sflag:s19], $0x8000  }
0x5b: {  	[sflag:s19] =	ssyncset.done $0x0  }
0x5c: {  	[sflag:s19] =	ssyncadd.s32 $0xFFFF8000  }
0x5d: {  	s1 =	sadd.s32 $0xFFFFFFFF, s0;
	_ =	swait.ge [sflag:s12], $0x8000  }
.LBB2_1:
0x5e: {  	[sflag:s12] =	ssyncset.done $0x0  }
0x5f: {  	s0 =	rddreg [dreg:$0x2];
	[sflag:s12] =	ssyncadd.s32 $0xFFFF8000  }
0x60: {  	[tilespmem:s2], [sflag:$0x5] =	stream.linear.gather [hbm4b:s0+s2], $0xA00, $0x38;
	[tilespmem:$0x18A00] =	vst v63  }
0x61: {  	_ =	swait.ge [sflag:s3], $0xA00  }
0x62: {  	[sflag:s3] =	ssyncset.done $0x0  }
0x63: {  	[sflag:s3] =	ssyncadd.s32 $0xFFFFF600  }
0x64: {  	[tilespmem:s6], [sflag:$0x1] =	stream.indirect.gather [hbm4b:s4+s5], $0x80, s2, s5, $0xb8;
	[tilespmem:$0x18A00] =	vst v63  }
0x65: {  	_ = 	snop  }
0x66: {  	[tilespmem:s7], [sflag:$0x1] =	stream.indirect.gather [hbm4b:s4+s5], $0x80, s5, s5, $0xb8;
	[tilespmem:$0x18A00] =	vst v63  }
0x67: {  	_ =	swait.ge [sflag:s8], $0x8000  }
0x68: {  	[sflag:s8] =	ssyncset.done $0x0  }
0x69: {  	[sflag:s8] =	ssyncadd.s32 $0xFFFF8000  }
0x6a: {  	[hbm4b:s9+s2] =	stream.linear.scatter [tilespmem:s6], [sflag:$0x2], $0x8000, $0x38;
	[tilespmem:$0x18A00] =	vst v63  }
0x6b: {  	_ = 	snop  }
0x6c: {  	[tilespmem:s11], [sflag:$0x1] =	stream.indirect.gather [hbm4b:s4+s5], $0x80, s10, s5, $0xb8;
	[tilespmem:$0x18A00] =	vst v63  }
0x6d: {  	_ =	swait.ge [sflag:s8], $0x8000  }
0x6e: {  	[sflag:s8] =	ssyncset.done $0x0  }
0x6f: {  	[sflag:s8] =	ssyncadd.s32 $0xFFFF8000  }
0x70: {  	[hbm4b:s13+s2] =	stream.linear.scatter [tilespmem:s7], [sflag:$0x3], $0x8000, $0x38;
	[tilespmem:$0x18A00] =	vst v63  }
0x71: {  	_ =	swait.ge [sflag:s12], $0x8000  }
0x72: {  	[sflag:s12] =	ssyncset.done $0x0  }
0x73: {  	[sflag:s12] =	ssyncadd.s32 $0xFFFF8000  }
0x74: {  	[tilespmem:s6], [sflag:$0x1] =	stream.indirect.gather [hbm4b:s4+s5], $0x80, s14, s5, $0xb8;
	[tilespmem:$0x18A00] =	vst v63  }
0x75: {  	_ =	swait.ge [sflag:s8], $0x8000  }
0x76: {  	[sflag:s8] =	ssyncset.done $0x0  }
0x77: {  	[sflag:s8] =	ssyncadd.s32 $0xFFFF8000  }
0x78: {  	[hbm4b:s15+s2] =	stream.linear.scatter [tilespmem:s11], [sflag:$0x4], $0x8000, $0x38;
	[tilespmem:$0x18A00] =	vst v63  }
0x79: {  	_ =	swait.ge [sflag:s16], $0x8000  }
0x7a: {  	[sflag:s16] =	ssyncset.done $0x0  }
0x7b: {  	[sflag:s16] =	ssyncadd.s32 $0xFFFF8000  }
0x7c: {  	[tilespmem:s7], [sflag:$0x1] =	stream.indirect.gather [hbm4b:s4+s5], $0x80, s17, s5, $0xb8;
	[tilespmem:$0x18A00] =	vst v63  }
0x7d: {  	_ =	swait.ge [sflag:s8], $0x8000  }
0x7e: {  	[sflag:s8] =	ssyncset.done $0x0  }
0x7f: {  	[sflag:s8] =	ssyncadd.s32 $0xFFFF8000  }
0x80: {  	[hbm4b:s18+s2] =	stream.linear.scatter [tilespmem:s6], [sflag:$0x2], $0x8000, $0x38;
	[tilespmem:$0x18A00] =	vst v63  }
0x81: {  	_ =	swait.ge [sflag:s19], $0x8000  }
0x82: {  	[sflag:s19] =	ssyncset.done $0x0  }
0x83: {  	[sflag:s19] =	ssyncadd.s32 $0xFFFF8000  }
0x84: {  	[tilespmem:s11], [sflag:$0x1] =	stream.indirect.gather [hbm4b:s4+s5], $0x80, s20, s5, $0xb8;
	[tilespmem:$0x18A00] =	vst v63  }
0x85: {  	_ =	swait.ge [sflag:s8], $0x8000  }
0x86: {  	[sflag:s8] =	ssyncset.done $0x0  }
0x87: {  	[sflag:s8] =	ssyncadd.s32 $0xFFFF8000  }
0x88: {  	[hbm4b:s21+s2] =	stream.linear.scatter [tilespmem:s7], [sflag:$0x3], $0x8000, $0x38;
	[tilespmem:$0x18A00] =	vst v63  }
0x89: {  	_ =	swait.ge [sflag:s12], $0x8000  }
0x8a: {  	[sflag:s12] =	ssyncset.done $0x0  }
0x8b: {  	[sflag:s12] =	ssyncadd.s32 $0xFFFF8000  }
0x8c: {  	[tilespmem:s6], [sflag:$0x1] =	stream.indirect.gather [hbm4b:s4+s5], $0x80, s22, s5, $0xb8;
	[tilespmem:$0x18A00] =	vst v63  }
0x8d: {  	_ =	swait.ge [sflag:s8], $0x8000  }
0x8e: {  	[sflag:s8] =	ssyncset.done $0x0  }
0x8f: {  	[sflag:s8] =	ssyncadd.s32 $0xFFFF8000  }
0x90: {  	[hbm4b:s23+s2] =	stream.linear.scatter [tilespmem:s11], [sflag:$0x4], $0x8000, $0x38;
	[tilespmem:$0x18A00] =	vst v63  }
0x91: {  	_ =	swait.ge [sflag:s16], $0x8000  }
0x92: {  	[sflag:s16] =	ssyncset.done $0x0  }
0x93: {  	[sflag:s16] =	ssyncadd.s32 $0xFFFF8000  }
0x94: {  	[tilespmem:s7], [sflag:$0x1] =	stream.indirect.gather [hbm4b:s4+s5], $0x80, s24, s5, $0xb8;
	[tilespmem:$0x18A00] =	vst v63  }
0x95: {  	_ =	swait.ge [sflag:s8], $0x8000  }
0x96: {  	[sflag:s8] =	ssyncset.done $0x0  }
0x97: {  	[sflag:s8] =	ssyncadd.s32 $0xFFFF8000  }
0x98: {  	[hbm4b:s25+s2] =	stream.linear.scatter [tilespmem:s6], [sflag:$0x2], $0x8000, $0x38;
	[tilespmem:$0x18A00] =	vst v63  }
0x99: {  	_ =	swait.ge [sflag:s19], $0x8000  }
0x9a: {  	[sflag:s19] =	ssyncset.done $0x0  }
0x9b: {  	[sflag:s19] =	ssyncadd.s32 $0xFFFF8000  }
0x9c: {  	[tilespmem:s11], [sflag:$0x1] =	stream.indirect.gather [hbm4b:s4+s5], $0x80, s26, s5, $0xb8;
	[tilespmem:$0x18A00] =	vst v63  }
0x9d: {  	_ =	swait.ge [sflag:s8], $0x8000  }
0x9e: {  	[sflag:s8] =	ssyncset.done $0x0  }
0x9f: {  	[sflag:s8] =	ssyncadd.s32 $0xFFFF8000  }
0xa0: {  	[hbm4b:s28+s2] =	stream.linear.scatter [tilespmem:s7], [sflag:$0x3], $0x8000, $0x38;
	[tilespmem:$0x18A00] =	vst v63  }
0xa1: {  	_ =	swait.ge [sflag:s12], $0x8000  }
0xa2: {  	[sflag:s12] =	ssyncset.done $0x0  }
0xa3: {  	[sflag:s12] =	ssyncadd.s32 $0xFFFF8000  }
0xa4: {  	[tilespmem:s6], [sflag:$0x1] =	stream.indirect.gather [hbm4b:s4+s5], $0x80, s29, s5, $0xb8;
	[tilespmem:$0x18A00] =	vst v63  }
0xa5: {  	_ =	swait.ge [sflag:s8], $0x8000  }
0xa6: {  	[sflag:s8] =	ssyncset.done $0x0  }
0xa7: {  	[sflag:s8] =	ssyncadd.s32 $0xFFFF8000  }
0xa8: {  	[hbm4b:s30+s2] =	stream.linear.scatter [tilespmem:s11], [sflag:$0x4], $0x8000, $0x38;
	[tilespmem:$0x18A00] =	vst v63  }
0xa9: {  	_ =	swait.ge [sflag:s8], $0x8000  }
0xaa: {  	[sflag:s8] =	ssyncset.done $0x0  }
0xab: {  	[sflag:s8] =	ssyncadd.s32 $0xFFFF8000  }
0xac: {  	[hbm4b:s31+s2] =	stream.linear.scatter [tilespmem:s6], [sflag:$0x2], $0x8000, $0x38;
	[tilespmem:$0x18A00] =	vst v63  }
0xad: {  	_ =	swait.ge [sflag:s16], $0x8000  }
0xae: {  	p0 =	sne.s32 s1, $0x1;
	[sflag:s16] =	ssyncset.done $0x0  }
.Ltmp1:
0xaf: {  	[sflag:s16] =	ssyncadd.s32 $0xFFFF8000;
	(pc) =	sbr.rel @p0 .LBB2_1-.Ltmp1, $4  }
0xb0: {  	_ =	swait.ge [sflag:s19], $0x8000  }
0xb1: {  	[sflag:s19] =	ssyncset.done $0x0  }
0xb2: {  	[sflag:s19] =	ssyncadd.s32 $0xFFFF8000  }
0xb3: {  	s1 =	sadd.s32 $0xFFFFFFFF, s1;
	_ =	swait.ge [sflag:s12], $0x8000  }
.LBB2_2:
0xb4: {  	[sflag:s12] =	ssyncset.done $0x0  }
0xb5: {  	[sflag:s12] =	ssyncadd.s32 $0xFFFF8000  }
0xb6: {  	_ =	sfence.sel $0x180000  }
0xb7: {  	[bflag:$0x0] =	sbarrier.arrive $0xFFFF  }
0xb8: {  	_ =	strace $0x9000004A  }
0xb9: {  	s0 =	stileid.u32;
	[bflag:$0x2] =	sbarrier.arrive $0xFFFF  }
0xba: {  	p0 =	sne.s32 s0, $0x0;
	s0 =	rddreg [dreg:$0x1]  }
0xbb: {  	s0 =	sadd.s32 @!p0 $0x100000, s0  }
0xbc: {  	[sflag:s0] =	ssyncadd.tile.s32 @!p0 $0x1;
	_ =	shalt  }
.Lfunc_end2:
_tile_overlayer_lowered:
.L_overlay_start_2:
0xbd: {  	(tag) =	ssettag $0x2  }
0xbe: {  	s0 =	rddreg [dreg:$0x0];
	s2 =	stileid.u32  }
0xbf: {  	s1 =	rddreg [dreg:$0x1];
	p0 =	sne.s32 s2, $0x0  }
0xc0: {  	s3 =	rddreg [dreg:$0x2];
	[bflag:$0x3] =	sbarrier.arrive $0xFFFF;
	s2 =	simm.s32 @!p0 $0x1C05  }
0xc1: {  	[timem:s3], [sflag:s2] =	dma.local @!p0 [hbm:s0], s1  }
0xc2: {  	s0 =	simm.s32 @!p0 $0x5  }
0xc3: {  	_ =	swait.ge @!p0 [sflag:s0], s1  }
0xc4: {  	s1 =	ssub.s32 @!p0 $0x0, s1;
	[sflag:s0] =	ssyncset.done @!p0 $0x0  }
0xc5: {  	[sflag:s0] =	ssyncadd.s32 @!p0 s1  }
0xc6: {  	[bflag:$0x3] =	sbarrier.arrive $0xFFFF  }
0xc7: {  	_ =	shalt  }

// kernel: kernel.22.cloned.1.call-start
scs
__scs_entry_jumppad:
0x0: {  	(pc) =	sbr.rel $0x88, $3  }
0x1: {  	(tag) =	ssettag $0x0;
	lr =	simm.s32 $0x1  }
0x2: {  	[smem:$0x3F8C] =	sst lr;
	_ =	strace $0xD0000000  }
0x3: {  	_ = 	snop  }
0x4: {  	_ = 	snop  }
0x5: {  	_ = 	snop  }
0x6: {  	_ = 	snop  }
0x7: {  	_ = 	snop  }
__scs_overlays_trampoline_lowered:
0x8: {  	[smem:$0x3F9B] =	sst s0  }
0x9: {  	[smem:$0x3F9C] =	sst s1  }
0xa: {  	[smem:$0x3F9D] =	sst s2  }
0xb: {  	[smem:$0x3F9E] =	sst s3  }
0xc: {  	[smem:$0x3F9F] =	sst s4  }
0xd: {  	[smem:$0x3FA0] =	sst s5  }
0xe: {  	[smem:$0x3FA1] =	sst s6  }
0xf: {  	[smem:$0x3FA2] =	sst s7  }
0x10: {  	[smem:$0x3FA3] =	sst s8  }
0x11: {  	[smem:$0x3FA4] =	sst s9;
	s0 =	simm.s32 @!p0 $0x0  }
0x12: {  	s1 =	sld [smem:$0x3F8A];
	s0 =	simm.s32 @p0 $0x1  }
0x13: {  	[smem:$0x3FA5] =	sst s0;
	s0 =	simm.s32 @!p1 $0x0  }
0x14: {  	s2 =	sld [smem:$0x3F89];
	s0 =	simm.s32 @p1 $0x1  }
0x15: {  	[smem:$0x3FA6] =	sst s0;
	s0 =	simm.s32 @!p2 $0x0  }
0x16: {  	s3 =	sld [smem:$0x3FDB];
	s0 =	simm.s32 @p2 $0x1  }
0x17: {  	s4 =	simm.s32 $0x1BF5;
	[smem:$0x3FA8] =	sst s0  }
0x18: {  	s0 =	sld [smem:$0x3F8B];
	_ =	swait.ge [sflag:s4], $0x0  }
0x19: {  	s7 =	sld [smem:$0x3F8C]  }
0x1a: {  	s8 =	sadd.s32 $0xFFFFE003, lr  }
0x1b: {  	s9 =	sadd.s32 $0xFFFFFEF7, lr;
	s5 =	simm.s32 $0xFFFFFFFF;
	p2 =	slt.u32 s8, $0xFFFFF086  }
0x1c: {  	p1 =	slt.u32 s9, $0xF7A;
	s5 =	simm.s32 @!p2 $0x0  }
0x1d: {  	s5 =	simm.s32 @p1 $0x1;
	p0 =	seq.s32 s7, s2  }
0x1e: {  	s7 =	smul.u32 @!p0 $0xF7A, s2;
	p2 =	seq.s32 @!p0 s5, $0x0  }
0x1f: {  	s9 =	smul.u32 $0xF7A, s1;
	s8 =	simm.s32 @!p0 $0x1BF5;
	p2 =	por !p2, p0  }
0x20: {  	[sflag:s8] =	ssyncset.s32 @!p0 $0xFFFFF086;
	s6 =	sadd.s32 @!p0 s3, s7;
	s7 =	simm.s32 @!p0 $0x108  }
0x21: {  	s3 =	sadd.s32 s3, s9;
	s6 =	sadd.s32 @!p0 $0x88, s6;
	s7 =	simm.s32 @p2 $0x1082  }
0x22: {  	[simem:s7], [sflag:s8] =	dma.local @!p0 [hbm:s6], $0xF7A  }
0x23: {  	s9 =	sor.u32 $0xD0000000, s2;
	s6 =	simm.s32 $0x108;
	_ =	swait.ge @!p0 [sflag:s8], $0x0  }
0x24: {  	s3 =	sadd.s32 $0x88, s3;
	s6 =	simm.s32 @!p1 $0x1082;
	[sflag:s4] =	ssyncset.s32 $0xFFFFF086  }
0x25: {  	[simem:s6], [sflag:s4] =	dma.local [hbm:s3], $0xF7A  }
0x26: {  	[smem:$0x3F8C] =	sst s1;
	(tag) =	ssettag s2;
	_ =	strace s9  }
0x27: {  	s1 =	sld [smem:$0x3F9C]  }
0x28: {  	s2 =	sld [smem:$0x3F9D]  }
0x29: {  	s4 =	sld [smem:$0x3F9F]  }
0x2a: {  	p0 =	seq.s32 s5, $0x0;
	s5 =	sld [smem:$0x3FA0]  }
0x2b: {  	s6 =	sld [smem:$0x3FA1]  }
0x2c: {  	s7 =	sld [smem:$0x3FA2]  }
0x2d: {  	s3 =	simm.s32 $0x108;
	s8 =	sld [smem:$0x3FA3]  }
0x2e: {  	s3 =	simm.s32 @!p0 $0x1082;
	s9 =	sld [smem:$0x3FA4]  }
0x2f: {  	lr =	sadd.s32 s0, s3;
	s0 =	sld [smem:$0x3F9B]  }
0x30: {  	s3 =	sld [smem:$0x3F9E]  }
0x31: {  	[smem:$0x3FA7] =	sst s10  }
0x32: {  	s10 =	sld [smem:$0x3FA5];
	_ =	sdelay $0x3  }
0x33: {  	p0 =	seq.s32 s10, $0x1;
	s10 =	sld [smem:$0x3FA7];
	_ =	sdelay $0x3  }
0x34: {  	[smem:$0x3FA7] =	sst s10  }
0x35: {  	s10 =	sld [smem:$0x3FA6];
	_ =	sdelay $0x3  }
0x36: {  	p1 =	seq.s32 s10, $0x1;
	s10 =	sld [smem:$0x3FA7];
	_ =	sdelay $0x3  }
0x37: {  	[smem:$0x3FA7] =	sst s10  }
0x38: {  	s10 =	sld [smem:$0x3FA8]  }
0x39: {  	_ = 	snop;
	(pc) =	sbr.ind lr, $3  }
0x3a: {  	_ = 	snop  }
0x3b: {  	_ = 	snop  }
0x3c: {  	p2 =	seq.s32 s10, $0x1;
	s10 =	sld [smem:$0x3FA7]  }
0x3d: {  	_ =	shalt  }
0x3e: {  	_ =	shalt  }
0x3f: {  	_ =	shalt  }
0x40: {  	_ =	shalt  }
0x41: {  	_ =	shalt  }
0x42: {  	_ =	shalt  }
0x43: {  	_ =	shalt  }
0x44: {  	_ =	shalt  }
0x45: {  	_ =	shalt  }
0x46: {  	_ =	shalt  }
0x47: {  	_ =	shalt  }
0x48: {  	_ =	shalt  }
0x49: {  	_ =	shalt  }
0x4a: {  	_ =	shalt  }
0x4b: {  	_ =	shalt  }
0x4c: {  	_ =	shalt  }
0x4d: {  	_ =	shalt  }
0x4e: {  	_ =	shalt  }
0x4f: {  	_ =	shalt  }
0x50: {  	_ =	shalt  }
0x51: {  	_ =	shalt  }
0x52: {  	_ =	shalt  }
0x53: {  	_ =	shalt  }
0x54: {  	_ =	shalt  }
0x55: {  	_ =	shalt  }
0x56: {  	_ =	shalt  }
0x57: {  	_ =	shalt  }
0x58: {  	_ =	shalt  }
0x59: {  	_ =	shalt  }
0x5a: {  	_ =	shalt  }
0x5b: {  	_ =	shalt  }
0x5c: {  	_ =	shalt  }
0x5d: {  	_ =	shalt  }
0x5e: {  	_ =	shalt  }
0x5f: {  	_ =	shalt  }
0x60: {  	_ =	shalt  }
0x61: {  	_ =	shalt  }
0x62: {  	_ =	shalt  }
0x63: {  	_ =	shalt  }
0x64: {  	_ =	shalt  }
0x65: {  	_ =	shalt  }
0x66: {  	_ =	shalt  }
0x67: {  	_ =	shalt  }
0x68: {  	_ =	shalt  }
0x69: {  	_ =	shalt  }
0x6a: {  	_ =	shalt  }
0x6b: {  	_ =	shalt  }
0x6c: {  	_ =	shalt  }
0x6d: {  	_ =	shalt  }
0x6e: {  	_ =	shalt  }
0x6f: {  	_ =	shalt  }
0x70: {  	_ =	shalt  }
0x71: {  	_ =	shalt  }
0x72: {  	_ =	shalt  }
0x73: {  	_ =	shalt  }
0x74: {  	_ =	shalt  }
0x75: {  	_ =	shalt  }
0x76: {  	_ =	shalt  }
0x77: {  	_ =	shalt  }
0x78: {  	_ =	shalt  }
0x79: {  	_ =	shalt  }
0x7a: {  	_ =	shalt  }
0x7b: {  	_ =	shalt  }
0x7c: {  	_ =	shalt  }
0x7d: {  	_ =	shalt  }
0x7e: {  	_ =	shalt  }
0x7f: {  	_ =	shalt  }
0x80: {  	_ =	shalt  }
0x81: {  	_ =	shalt  }
0x82: {  	_ =	shalt  }
0x83: {  	_ =	shalt  }
0x84: {  	_ =	shalt  }
0x85: {  	_ =	shalt  }
0x86: {  	_ =	shalt  }
0x87: {  	_ =	shalt  }
.Lfunc_end0:
.L_simem_size_0:
called_computation.2_lowered:
.L_overlay_start_0:
0x88: {  	s2 =	sld [smem:$0x3FD9]  }
0x89: {  	s3 =	sld [smem:$0x3FFE];
	_ =	sdelay $0x1  }
0x8a: {  	s1 =	srdreg.scid  }
0x8b: {  	s0 =	sand.u32 $0x1, s1  }
0x8c: {  	s16 =	sshll.u32 s0, $0xA;
	s2 =	sadd.s32 s3, s2  }
0x8d: {  	s2 =	sadd.s32 s2, s16  }
0x8e: {  	[smem:$0x3FB3] =	sst s2  }
0x8f: {  	_ = 	snop  }
0x90: {  	(tm) =	ssettm $0x1  }
0x91: {  	s17 =	sld [smem:$0x3FFB];
	_ =	sdelay $0x3  }
0x92: {  	_ =	strace s17  }
0x93: {  	s2 =	sld [smem:$0x3FFC];
	_ =	sdelay $0x3  }
0x94: {  	_ =	strace s2  }
0x95: {  	s2 =	sld [smem:$0x3FFD];
	_ =	sdelay $0x3  }
0x96: {  	_ =	strace s2  }
0x97: {  	_ =	strace $0x8FFFFFFF  }
0x98: {  	s18 =	sld [smem:$0x3FDB];
	_ =	sdelay $0x1  }
0x99: {  	s19 =	simm.s32 $_scs_section_size  }
0x9a: {  	s4 =	simm.s32 $_size__tile_overlayer_lowered;
	s5 =	simm.s32 $_tile_overlayer_lowered  }
0x9b: {  	s22 =	simm.s32 $0x1BFF;
	s21 =	sshll.u32 s5, $0x1;
	s2 =	sadd.s32 s19, s18  }
0x9c: {  	s6 =	simm.s32 $0x0;
	s20 =	sshll.u32 s4, $0x1;
	s4 =	sadd.s32 s21, s2  }
0x9d: {  	[timem:s6], [sflag:s22] =	dma.local [hbm:s4], s20  }
0x9e: {  	_ =	swait.ge [sflag:s22], s20  }
0x9f: {  	s3 =	ssub.s32 $0x0, s20;
	[sflag:s22] =	ssyncset.done $0x0  }
0xa0: {  	[sflag:s22] =	ssyncadd.s32 s3;
	_ =	sdelay $0x1  }
0xa1: {  	s23 =	simm.s32 $0x1B8B  }
0xa2: {  	_ =	swait.ge [sflag:s23], $0x1  }
0xa3: {  	[sflag:s23] =	ssyncset.done $0x0  }
0xa4: {  	s25 =	simm.s32 $0x1B8E;
	s24 =	sld [smem:$0x3FFE];
	[sflag:s23] =	ssyncadd.s32 $0xFFFFFFFF  }
0xa5: {  	s26 =	simm.s32 $execute0_lowered;
	[smem:$0x3FD2] =	sst s25  }
0xa6: {  	s4 =	sshll.u32 s26, $0x1;
	_ =	strace $0x8000004C;
	[dreg:$0x1] =	wrdreg $0xFFFFFFFF  }
0xa7: {  	s28 =	simm.s32 $_size_execute0_lowered;
	s2 =	sadd.s32 s2, s4;
	[dreg:$0x0] =	wrdreg $0x0  }
0xa8: {  	s4 =	sshll.u32 s28, $0x1;
	[dreg:$0x2] =	wrdreg s2  }
0xa9: {  	[dreg:$0x3] =	wrdreg s4  }
0xaa: {  	[dreg:$0x4] =	wrdreg $0xC0  }
0xab: {  	_ =	task [dreg:s6], $0x5FFFF  }
0xac: {  	[dreg:$0x1] =	wrdreg $0xFFFFFFFF  }
0xad: {  	[dreg:$0x0] =	wrdreg $0x60  }
0xae: {  	[dreg:$0x2] =	wrdreg s24  }
0xaf: {  	[dreg:$0x3] =	wrdreg $0x9  }
0xb0: {  	_ =	task.clear_ibuf [dreg:s6], $0x4FFFF;
	_ =	strace $0x9000004C  }
0xb1: {  	s29 =	simm.s32 $0x9;
	_ =	strace $0x8000004E  }
0xb2: {  	_ =	swait.ge [sflag:s29], $0x1  }
0xb3: {  	[sflag:s29] =	ssyncadd.s32 $0xFFFFFFFF  }
0xb4: {  	_ =	strace $0x9000004E  }
0xb5: {  	_ =	sfence  }
0xb6: {  	s30 =	sld [smem:$0x0];
	_ =	sdelay $0x2  }
0xb7: {  	s31 =	sshll.u32 s1, $0xD;
	s1 =	sshrl.u32 s1, $0x2  }
0xb8: {  	s3 =	sand.u32 $0x4000, s31;
	s1 =	sadd.s32 s1, s30  }
0xb9: {  	s0 =	sor.u32 s3, s0;
	s1 =	sshll.u32 s1, $0x11  }
0xba: {  	s0 =	sor.u32 s1, s0  }
0xbb: {  	s0 =	sadd.s32 $0x8F2B, s0  }
0xbc: {  	[sflag:s0] =	ssyncadd.remote.s32 $0x1  }
0xbd: {  	_ =	sfence.sel $0xFFFF  }
0xbe: {  	[dreg:$0x0] =	wrdreg $0xFFFFFFFF;
	(pc) =	sbr.abs _section_cstart, $3  }
0xbf: {  	[dreg:$0x1] =	wrdreg $0xFFFFFFFF  }
0xc0: {  	_ =	task.clear_ibuf [dreg:s6], $0x2FFFF;
	_ =	strace $0x9FFFFFFF  }
0xc1: {  	(tm) =	ssettm $0x7FFFFFFF  }
tec
execute0_lowered:
.L_overlay_start_1:
0x0: {  	(tag) =	ssettag $0x1  }
0x1: {  	s1 =	srdreg.scid;
	s0 =	stileid.u32  }
0x2: {  	s6 =	sand.u32 $0x1, s1;
	s30 =	sshll.u32 s0, $0x1  }
0x3: {  	s9 =	rddreg [dreg:$0x0];
	s7 =	sor.u32 s6, s30  }
0x4: {  	s2 =	simm.s32 $0x0;
	s1 =	rddreg [dreg:$0x1];
	s3 =	smul.u32 $0x28, s7  }
0x5: {  	s4 =	simm.s32 $0x3;
	s8 =	simm.s32 $0x1;
	[smem:$0x7FF] =	sst s2  }
0x6: {  	s5 =	sadd.s32 $0xD400, s9;
	_ =	strace $0x8000004D;
	s3 =	sadd.s32 s3, s9  }
0x7: {  	s11 =	ssub.s32 $0x2, s6;
	s10 =	smul.u32 $0x1400, s7;
	s3 =	sadd.s32 $0x35400, s3  }
0x8: {  	[tilespmem:s2], [sflag:$0x3] =	stream.linear.gather [hbm4b:s3+s2], $0x140, $0x38;
	[tilespmem:$0x18180] =	vst v63  }
0x9: {  	s6 =	simm.s32 $0x100;
	s31 =	sshrl.u32 s11, $0x1;
	_ =	swait.ge [sflag:s4], $0x140  }
0xa: {  	s9 =	sadd.s32 s10, s9;
	s10 =	ssub.s32 s11, s31;
	[sflag:s4] =	ssyncset.done $0x0  }
0xb: {  	s7 =	simm.s32 $0x180;
	s11 =	smax.u32 s10, $0x1;
	[sflag:s4] =	ssyncadd.s32 $0xFFFFFEC0  }
0xc: {  	[tilespmem:s7], [sflag:$0x1] =	stream.indirect.gather [hbm4b:s5+s6], $0x80, s2, s6, $0xb8;
	[tilespmem:$0x18180] =	vst v63  }
0xd: {  	p0 =	sne.s32 s11, $0x1;
	_ =	swait.ge [sflag:s8], $0x8000  }
.Ltmp0:
0xe: {  	[sflag:s8] =	ssyncset.done $0x0;
	(pc) =	sbr.rel @!p0 .LBB2_2-.Ltmp0, $4  }
0xf: {  	s9 =	sadd.s32 $0x5DA00, s9;
	s10 =	simm.s32 $0x2;
	[sflag:s8] =	ssyncadd.s32 $0xFFFF8000  }
0x10: {  	[hbm4b:s9+s2] =	stream.linear.scatter [tilespmem:s7], [sflag:$0x2], $0x8000, $0x38;
	[tilespmem:$0x18180] =	vst v63  }
0x11: {  	_ =	swait.ge [sflag:s10], $0x8000  }
0x12: {  	s11 =	sadd.s32 $0xFFFFFFFF, s11;
	[sflag:s10] =	ssyncset.done $0x0  }
.LBB2_1:
0x13: {  	p0 =	sne.s32 s11, $0x1;
	s11 =	sadd.s32 $0xFFFFFFFF, s11;
	[sflag:s10] =	ssyncadd.s32 $0xFFFF8000  }
0x14: {  	[tilespmem:s2], [sflag:$0x3] =	stream.linear.gather [hbm4b:s3+s2], $0x140, $0x38;
	[tilespmem:$0x18180] =	vst v63  }
0x15: {  	_ =	swait.ge [sflag:s4], $0x140  }
0x16: {  	[sflag:s4] =	ssyncset.done $0x0  }
0x17: {  	[sflag:s4] =	ssyncadd.s32 $0xFFFFFEC0  }
0x18: {  	[tilespmem:s7], [sflag:$0x1] =	stream.indirect.gather [hbm4b:s5+s6], $0x80, s2, s6, $0xb8;
	[tilespmem:$0x18180] =	vst v63  }
0x19: {  	_ =	swait.ge [sflag:s8], $0x8000  }
.Ltmp1:
0x1a: {  	[sflag:s8] =	ssyncset.done $0x0;
	(pc) =	sbr.rel @p0 .LBB2_1-.Ltmp1, $4  }
0x1b: {  	[sflag:s8] =	ssyncadd.s32 $0xFFFF8000  }
0x1c: {  	[hbm4b:s9+s2] =	stream.linear.scatter [tilespmem:s7], [sflag:$0x2], $0x8000, $0x38;
	[tilespmem:$0x18180] =	vst v63  }
0x1d: {  	_ =	swait.ge [sflag:s10], $0x8000  }
0x1e: {  	[sflag:s10] =	ssyncset.done $0x0  }
.LBB2_2:
0x1f: {  	[sflag:s10] =	ssyncadd.s32 $0xFFFF8000  }
0x20: {  	_ =	sfence.sel $0x180000  }
0x21: {  	[bflag:$0x0] =	sbarrier.arrive $0xFFFF  }
0x22: {  	p0 =	sne.s32 s0, $0x0;
	_ =	strace $0x9000004D  }
0x23: {  	s0 =	sadd.s32 @!p0 $0x100000, s1;
	[bflag:$0x2] =	sbarrier.arrive $0xFFFF  }
0x24: {  	[sflag:s0] =	ssyncadd.tile.s32 @!p0 $0x1;
	_ =	shalt  }
.Lfunc_end2:
_tile_overlayer_lowered:
.L_overlay_start_2:
0x25: {  	(tag) =	ssettag $0x2  }
0x26: {  	s0 =	rddreg [dreg:$0x0];
	s2 =	stileid.u32  }
0x27: {  	s1 =	rddreg [dreg:$0x1];
	p0 =	sne.s32 s2, $0x0  }
0x28: {  	s3 =	rddreg [dreg:$0x2];
	[bflag:$0x3] =	sbarrier.arrive $0xFFFF;
	s2 =	simm.s32 @!p0 $0x1C03  }
0x29: {  	[timem:s3], [sflag:s2] =	dma.local @!p0 [hbm:s0], s1  }
0x2a: {  	s0 =	simm.s32 @!p0 $0x3  }
0x2b: {  	_ =	swait.ge @!p0 [sflag:s0], s1  }
0x2c: {  	s1 =	ssub.s32 @!p0 $0x0, s1;
	[sflag:s0] =	ssyncset.done @!p0 $0x0  }
0x2d: {  	[sflag:s0] =	ssyncadd.s32 @!p0 s1  }
0x2e: {  	[bflag:$0x3] =	sbarrier.arrive $0xFFFF  }
0x2f: {  	_ =	shalt  }

// kernel: kernel.25.cloned.1.call-start
scs
__scs_entry_jumppad:
0x0: {  	(pc) =	sbr.rel $0x88, $3  }
0x1: {  	(tag) =	ssettag $0x0;
	lr =	simm.s32 $0x1  }
0x2: {  	[smem:$0x3F8C] =	sst lr;
	_ =	strace $0xD0000000  }
0x3: {  	_ = 	snop  }
0x4: {  	_ = 	snop  }
0x5: {  	_ = 	snop  }
0x6: {  	_ = 	snop  }
0x7: {  	_ = 	snop  }
__scs_overlays_trampoline_lowered:
0x8: {  	[smem:$0x3F9B] =	sst s0  }
0x9: {  	[smem:$0x3F9C] =	sst s1  }
0xa: {  	[smem:$0x3F9D] =	sst s2  }
0xb: {  	[smem:$0x3F9E] =	sst s3  }
0xc: {  	[smem:$0x3F9F] =	sst s4  }
0xd: {  	[smem:$0x3FA0] =	sst s5  }
0xe: {  	[smem:$0x3FA1] =	sst s6  }
0xf: {  	[smem:$0x3FA2] =	sst s7  }
0x10: {  	[smem:$0x3FA3] =	sst s8  }
0x11: {  	[smem:$0x3FA4] =	sst s9;
	s0 =	simm.s32 @!p0 $0x0  }
0x12: {  	s1 =	sld [smem:$0x3F8A];
	s0 =	simm.s32 @p0 $0x1  }
0x13: {  	[smem:$0x3FA5] =	sst s0;
	s0 =	simm.s32 @!p1 $0x0  }
0x14: {  	s2 =	sld [smem:$0x3F89];
	s0 =	simm.s32 @p1 $0x1  }
0x15: {  	[smem:$0x3FA6] =	sst s0;
	s0 =	simm.s32 @!p2 $0x0  }
0x16: {  	s3 =	sld [smem:$0x3FDB];
	s0 =	simm.s32 @p2 $0x1  }
0x17: {  	s4 =	simm.s32 $0x1BF5;
	[smem:$0x3FA8] =	sst s0  }
0x18: {  	s0 =	sld [smem:$0x3F8B];
	_ =	swait.ge [sflag:s4], $0x0  }
0x19: {  	s7 =	sld [smem:$0x3F8C]  }
0x1a: {  	s8 =	sadd.s32 $0xFFFFE003, lr  }
0x1b: {  	s9 =	sadd.s32 $0xFFFFFEF7, lr;
	s5 =	simm.s32 $0xFFFFFFFF;
	p2 =	slt.u32 s8, $0xFFFFF086  }
0x1c: {  	p1 =	slt.u32 s9, $0xF7A;
	s5 =	simm.s32 @!p2 $0x0  }
0x1d: {  	s5 =	simm.s32 @p1 $0x1;
	p0 =	seq.s32 s7, s2  }
0x1e: {  	s7 =	smul.u32 @!p0 $0xF7A, s2;
	p2 =	seq.s32 @!p0 s5, $0x0  }
0x1f: {  	s9 =	smul.u32 $0xF7A, s1;
	s8 =	simm.s32 @!p0 $0x1BF5;
	p2 =	por !p2, p0  }
0x20: {  	[sflag:s8] =	ssyncset.s32 @!p0 $0xFFFFF086;
	s6 =	sadd.s32 @!p0 s3, s7;
	s7 =	simm.s32 @!p0 $0x108  }
0x21: {  	s3 =	sadd.s32 s3, s9;
	s6 =	sadd.s32 @!p0 $0x88, s6;
	s7 =	simm.s32 @p2 $0x1082  }
0x22: {  	[simem:s7], [sflag:s8] =	dma.local @!p0 [hbm:s6], $0xF7A  }
0x23: {  	s9 =	sor.u32 $0xD0000000, s2;
	s6 =	simm.s32 $0x108;
	_ =	swait.ge @!p0 [sflag:s8], $0x0  }
0x24: {  	s3 =	sadd.s32 $0x88, s3;
	s6 =	simm.s32 @!p1 $0x1082;
	[sflag:s4] =	ssyncset.s32 $0xFFFFF086  }
0x25: {  	[simem:s6], [sflag:s4] =	dma.local [hbm:s3], $0xF7A  }
0x26: {  	[smem:$0x3F8C] =	sst s1;
	(tag) =	ssettag s2;
	_ =	strace s9  }
0x27: {  	s1 =	sld [smem:$0x3F9C]  }
0x28: {  	s2 =	sld [smem:$0x3F9D]  }
0x29: {  	s4 =	sld [smem:$0x3F9F]  }
0x2a: {  	p0 =	seq.s32 s5, $0x0;
	s5 =	sld [smem:$0x3FA0]  }
0x2b: {  	s6 =	sld [smem:$0x3FA1]  }
0x2c: {  	s7 =	sld [smem:$0x3FA2]  }
0x2d: {  	s3 =	simm.s32 $0x108;
	s8 =	sld [smem:$0x3FA3]  }
0x2e: {  	s3 =	simm.s32 @!p0 $0x1082;
	s9 =	sld [smem:$0x3FA4]  }
0x2f: {  	lr =	sadd.s32 s0, s3;
	s0 =	sld [smem:$0x3F9B]  }
0x30: {  	s3 =	sld [smem:$0x3F9E]  }
0x31: {  	[smem:$0x3FA7] =	sst s10  }
0x32: {  	s10 =	sld [smem:$0x3FA5];
	_ =	sdelay $0x3  }
0x33: {  	p0 =	seq.s32 s10, $0x1;
	s10 =	sld [smem:$0x3FA7];
	_ =	sdelay $0x3  }
0x34: {  	[smem:$0x3FA7] =	sst s10  }
0x35: {  	s10 =	sld [smem:$0x3FA6];
	_ =	sdelay $0x3  }
0x36: {  	p1 =	seq.s32 s10, $0x1;
	s10 =	sld [smem:$0x3FA7];
	_ =	sdelay $0x3  }
0x37: {  	[smem:$0x3FA7] =	sst s10  }
0x38: {  	s10 =	sld [smem:$0x3FA8]  }
0x39: {  	_ = 	snop;
	(pc) =	sbr.ind lr, $3  }
0x3a: {  	_ = 	snop  }
0x3b: {  	_ = 	snop  }
0x3c: {  	p2 =	seq.s32 s10, $0x1;
	s10 =	sld [smem:$0x3FA7]  }
0x3d: {  	_ =	shalt  }
0x3e: {  	_ =	shalt  }
0x3f: {  	_ =	shalt  }
0x40: {  	_ =	shalt  }
0x41: {  	_ =	shalt  }
0x42: {  	_ =	shalt  }
0x43: {  	_ =	shalt  }
0x44: {  	_ =	shalt  }
0x45: {  	_ =	shalt  }
0x46: {  	_ =	shalt  }
0x47: {  	_ =	shalt  }
0x48: {  	_ =	shalt  }
0x49: {  	_ =	shalt  }
0x4a: {  	_ =	shalt  }
0x4b: {  	_ =	shalt  }
0x4c: {  	_ =	shalt  }
0x4d: {  	_ =	shalt  }
0x4e: {  	_ =	shalt  }
0x4f: {  	_ =	shalt  }
0x50: {  	_ =	shalt  }
0x51: {  	_ =	shalt  }
0x52: {  	_ =	shalt  }
0x53: {  	_ =	shalt  }
0x54: {  	_ =	shalt  }
0x55: {  	_ =	shalt  }
0x56: {  	_ =	shalt  }
0x57: {  	_ =	shalt  }
0x58: {  	_ =	shalt  }
0x59: {  	_ =	shalt  }
0x5a: {  	_ =	shalt  }
0x5b: {  	_ =	shalt  }
0x5c: {  	_ =	shalt  }
0x5d: {  	_ =	shalt  }
0x5e: {  	_ =	shalt  }
0x5f: {  	_ =	shalt  }
0x60: {  	_ =	shalt  }
0x61: {  	_ =	shalt  }
0x62: {  	_ =	shalt  }
0x63: {  	_ =	shalt  }
0x64: {  	_ =	shalt  }
0x65: {  	_ =	shalt  }
0x66: {  	_ =	shalt  }
0x67: {  	_ =	shalt  }
0x68: {  	_ =	shalt  }
0x69: {  	_ =	shalt  }
0x6a: {  	_ =	shalt  }
0x6b: {  	_ =	shalt  }
0x6c: {  	_ =	shalt  }
0x6d: {  	_ =	shalt  }
0x6e: {  	_ =	shalt  }
0x6f: {  	_ =	shalt  }
0x70: {  	_ =	shalt  }
0x71: {  	_ =	shalt  }
0x72: {  	_ =	shalt  }
0x73: {  	_ =	shalt  }
0x74: {  	_ =	shalt  }
0x75: {  	_ =	shalt  }
0x76: {  	_ =	shalt  }
0x77: {  	_ =	shalt  }
0x78: {  	_ =	shalt  }
0x79: {  	_ =	shalt  }
0x7a: {  	_ =	shalt  }
0x7b: {  	_ =	shalt  }
0x7c: {  	_ =	shalt  }
0x7d: {  	_ =	shalt  }
0x7e: {  	_ =	shalt  }
0x7f: {  	_ =	shalt  }
0x80: {  	_ =	shalt  }
0x81: {  	_ =	shalt  }
0x82: {  	_ =	shalt  }
0x83: {  	_ =	shalt  }
0x84: {  	_ =	shalt  }
0x85: {  	_ =	shalt  }
0x86: {  	_ =	shalt  }
0x87: {  	_ =	shalt  }
.Lfunc_end0:
.L_simem_size_0:
called_computation.3_lowered:
.L_overlay_start_0:
0x88: {  	s2 =	sld [smem:$0x3FD9]  }
0x89: {  	s3 =	sld [smem:$0x3FFE];
	_ =	sdelay $0x1  }
0x8a: {  	s1 =	srdreg.scid  }
0x8b: {  	s0 =	sand.u32 $0x1, s1  }
0x8c: {  	s16 =	sshll.u32 s0, $0xA;
	s2 =	sadd.s32 s3, s2  }
0x8d: {  	s2 =	sadd.s32 s2, s16  }
0x8e: {  	[smem:$0x3FB3] =	sst s2  }
0x8f: {  	_ = 	snop  }
0x90: {  	(tm) =	ssettm $0x1  }
0x91: {  	s17 =	sld [smem:$0x3FFB];
	_ =	sdelay $0x3  }
0x92: {  	_ =	strace s17  }
0x93: {  	s2 =	sld [smem:$0x3FFC];
	_ =	sdelay $0x3  }
0x94: {  	_ =	strace s2  }
0x95: {  	s2 =	sld [smem:$0x3FFD];
	_ =	sdelay $0x3  }
0x96: {  	_ =	strace s2  }
0x97: {  	_ =	strace $0x8FFFFFFF  }
0x98: {  	s18 =	sld [smem:$0x3FDB];
	_ =	sdelay $0x1  }
0x99: {  	s19 =	simm.s32 $_scs_section_size  }
0x9a: {  	s4 =	simm.s32 $_size__tile_overlayer_lowered;
	s5 =	simm.s32 $_tile_overlayer_lowered  }
0x9b: {  	s22 =	simm.s32 $0x1BFF;
	s21 =	sshll.u32 s5, $0x1;
	s2 =	sadd.s32 s19, s18  }
0x9c: {  	s6 =	simm.s32 $0x0;
	s20 =	sshll.u32 s4, $0x1;
	s4 =	sadd.s32 s21, s2  }
0x9d: {  	[timem:s6], [sflag:s22] =	dma.local [hbm:s4], s20  }
0x9e: {  	_ =	swait.ge [sflag:s22], s20  }
0x9f: {  	s3 =	ssub.s32 $0x0, s20;
	[sflag:s22] =	ssyncset.done $0x0  }
0xa0: {  	[sflag:s22] =	ssyncadd.s32 s3;
	_ =	sdelay $0x1  }
0xa1: {  	s23 =	simm.s32 $0x1B8B  }
0xa2: {  	_ =	swait.ge [sflag:s23], $0x1  }
0xa3: {  	[sflag:s23] =	ssyncset.done $0x0  }
0xa4: {  	s25 =	simm.s32 $0x1B8E;
	s24 =	sld [smem:$0x3FFE];
	[sflag:s23] =	ssyncadd.s32 $0xFFFFFFFF  }
0xa5: {  	s26 =	simm.s32 $execute0_lowered;
	[smem:$0x3FD2] =	sst s25  }
0xa6: {  	s4 =	sshll.u32 s26, $0x1;
	_ =	strace $0x8000004F;
	[dreg:$0x1] =	wrdreg $0xFFFFFFFF  }
0xa7: {  	s28 =	simm.s32 $_size_execute0_lowered;
	s2 =	sadd.s32 s2, s4;
	[dreg:$0x0] =	wrdreg $0x0  }
0xa8: {  	s4 =	sshll.u32 s28, $0x1;
	[dreg:$0x2] =	wrdreg s2  }
0xa9: {  	[dreg:$0x3] =	wrdreg s4  }
0xaa: {  	[dreg:$0x4] =	wrdreg $0xC0  }
0xab: {  	_ =	task [dreg:s6], $0x5FFFF  }
0xac: {  	[dreg:$0x1] =	wrdreg $0xFFFFFFFF  }
0xad: {  	[dreg:$0x0] =	wrdreg $0x60  }
0xae: {  	[dreg:$0x2] =	wrdreg s24  }
0xaf: {  	[dreg:$0x3] =	wrdreg $0x9  }
0xb0: {  	_ =	task.clear_ibuf [dreg:s6], $0x4FFFF;
	_ =	strace $0x9000004F  }
0xb1: {  	s29 =	simm.s32 $0x9;
	_ =	strace $0x80000051  }
0xb2: {  	_ =	swait.ge [sflag:s29], $0x1  }
0xb3: {  	[sflag:s29] =	ssyncadd.s32 $0xFFFFFFFF  }
0xb4: {  	_ =	strace $0x90000051  }
0xb5: {  	_ =	sfence  }
0xb6: {  	s30 =	sld [smem:$0x0];
	_ =	sdelay $0x2  }
0xb7: {  	s31 =	sshll.u32 s1, $0xD;
	s1 =	sshrl.u32 s1, $0x2  }
0xb8: {  	s3 =	sand.u32 $0x4000, s31;
	s1 =	sadd.s32 s1, s30  }
0xb9: {  	s0 =	sor.u32 s3, s0;
	s1 =	sshll.u32 s1, $0x11  }
0xba: {  	s0 =	sor.u32 s1, s0  }
0xbb: {  	s0 =	sadd.s32 $0x8F2B, s0  }
0xbc: {  	[sflag:s0] =	ssyncadd.remote.s32 $0x1  }
0xbd: {  	_ =	sfence.sel $0xFFFF  }
0xbe: {  	[dreg:$0x0] =	wrdreg $0xFFFFFFFF;
	(pc) =	sbr.abs _section_cstart, $3  }
0xbf: {  	[dreg:$0x1] =	wrdreg $0xFFFFFFFF  }
0xc0: {  	_ =	task.clear_ibuf [dreg:s6], $0x2FFFF;
	_ =	strace $0x9FFFFFFF  }
0xc1: {  	(tm) =	ssettm $0x7FFFFFFF  }
tec
execute0_lowered:
.L_overlay_start_1:
0x0: {  	(tag) =	ssettag $0x1  }
0x1: {  	s1 =	srdreg.scid;
	s0 =	stileid.u32  }
0x2: {  	s1 =	sand.u32 $0x1, s1;
	s2 =	sshll.u32 s0, $0x1  }
0x3: {  	s14 =	sor.u32 s1, s2  }
0x4: {  	s3 =	smul.u32 $0x140, s14  }
0x5: {  	s9 =	rddreg [dreg:$0x0]  }
0x6: {  	s2 =	simm.s32 $0x0;
	s3 =	sadd.s32 s3, s9  }
0x7: {  	[smem:$0x7FF] =	sst s2;
	s3 =	sadd.s32 $0x5D400, s3  }
0x8: {  	_ =	strace $0x80000050;
	[dreg:$0x2] =	wrdreg s3  }
0x9: {  	s3 =	simm.s32 $0x5;
	s4 =	rddreg [dreg:$0x2]  }
0xa: {  	[tilespmem:s2], [sflag:$0x5] =	stream.linear.gather [hbm4b:s4+s2], $0xA00, $0x38;
	[tilespmem:$0x18A00] =	vst v63  }
0xb: {  	_ =	swait.ge [sflag:s3], $0xA00  }
0xc: {  	s5 =	simm.s32 $0x100;
	[sflag:s3] =	ssyncset.done $0x0  }
0xd: {  	s6 =	simm.s32 $0xA00;
	s4 =	sadd.s32 $0xD400, s9;
	[sflag:s3] =	ssyncadd.s32 $0xFFFFF600  }
0xe: {  	[tilespmem:s6], [sflag:$0x1] =	stream.indirect.gather [hbm4b:s4+s5], $0x80, s2, s5, $0xb8;
	[tilespmem:$0x18A00] =	vst v63  }
0xf: {  	s7 =	simm.s32 $0x8A00;
	s8 =	simm.s32 $0x1  }
0x10: {  	[tilespmem:s7], [sflag:$0x1] =	stream.indirect.gather [hbm4b:s4+s5], $0x80, s5, s5, $0xb8;
	[tilespmem:$0x18A00] =	vst v63  }
0x11: {  	s10 =	smul.u32 $0xA000, s14;
	_ =	swait.ge [sflag:s8], $0x8000  }
0x12: {  	s15 =	sadd.s32 $0x5FC00, s9;
	[sflag:s8] =	ssyncset.done $0x0  }
0x13: {  	s9 =	sadd.s32 s15, s10;
	[sflag:s8] =	ssyncadd.s32 $0xFFFF8000  }
0x14: {  	[hbm4b:s9+s2] =	stream.linear.scatter [tilespmem:s6], [sflag:$0x2], $0x8000, $0x38;
	[tilespmem:$0x18A00] =	vst v63  }
0x15: {  	s11 =	simm.s32 $0x10A00;
	s10 =	simm.s32 $0x200  }
0x16: {  	[tilespmem:s11], [sflag:$0x1] =	stream.indirect.gather [hbm4b:s4+s5], $0x80, s10, s5, $0xb8;
	[tilespmem:$0x18A00] =	vst v63  }
0x17: {  	_ =	swait.ge [sflag:s8], $0x8000  }
0x18: {  	[sflag:s8] =	ssyncset.done $0x0  }
0x19: {  	s12 =	simm.s32 $0x2;
	s13 =	sadd.s32 $0x1000, s9;
	[sflag:s8] =	ssyncadd.s32 $0xFFFF8000  }
0x1a: {  	[hbm4b:s13+s2] =	stream.linear.scatter [tilespmem:s7], [sflag:$0x3], $0x8000, $0x38;
	[tilespmem:$0x18A00] =	vst v63  }
0x1b: {  	_ =	swait.ge [sflag:s12], $0x8000  }
0x1c: {  	[sflag:s12] =	ssyncset.done $0x0  }
0x1d: {  	s16 =	smul.u32 $0x50000, s14;
	s14 =	simm.s32 $0x300;
	[sflag:s12] =	ssyncadd.s32 $0xFFFF8000  }
0x1e: {  	[tilespmem:s6], [sflag:$0x1] =	stream.indirect.gather [hbm4b:s4+s5], $0x80, s14, s5, $0xb8;
	[tilespmem:$0x18A00] =	vst v63  }
0x1f: {  	s16 =	sshrl.u32 s16, $0x3;
	_ =	swait.ge [sflag:s8], $0x8000  }
0x20: {  	s31 =	sadd.s32 s15, s16;
	[sflag:s8] =	ssyncset.done $0x0  }
0x21: {  	s16 =	simm.s32 $0x3;
	s15 =	sadd.s32 $0x2000, s31;
	[sflag:s8] =	ssyncadd.s32 $0xFFFF8000  }
0x22: {  	[hbm4b:s15+s2] =	stream.linear.scatter [tilespmem:s11], [sflag:$0x4], $0x8000, $0x38;
	[tilespmem:$0x18A00] =	vst v63  }
0x23: {  	_ =	swait.ge [sflag:s16], $0x8000  }
0x24: {  	[sflag:s16] =	ssyncset.done $0x0  }
0x25: {  	s17 =	simm.s32 $0x400;
	[sflag:s16] =	ssyncadd.s32 $0xFFFF8000  }
0x26: {  	[tilespmem:s7], [sflag:$0x1] =	stream.indirect.gather [hbm4b:s4+s5], $0x80, s17, s5, $0xb8;
	[tilespmem:$0x18A00] =	vst v63  }
0x27: {  	_ =	swait.ge [sflag:s8], $0x8000  }
0x28: {  	[sflag:s8] =	ssyncset.done $0x0  }
0x29: {  	s19 =	simm.s32 $0x4;
	s18 =	sadd.s32 $0x3000, s31;
	[sflag:s8] =	ssyncadd.s32 $0xFFFF8000  }
0x2a: {  	[hbm4b:s18+s2] =	stream.linear.scatter [tilespmem:s6], [sflag:$0x2], $0x8000, $0x38;
	[tilespmem:$0x18A00] =	vst v63  }
0x2b: {  	_ =	swait.ge [sflag:s19], $0x8000  }
0x2c: {  	[sflag:s19] =	ssyncset.done $0x0  }
0x2d: {  	s20 =	simm.s32 $0x500;
	[sflag:s19] =	ssyncadd.s32 $0xFFFF8000  }
0x2e: {  	[tilespmem:s11], [sflag:$0x1] =	stream.indirect.gather [hbm4b:s4+s5], $0x80, s20, s5, $0xb8;
	[tilespmem:$0x18A00] =	vst v63  }
0x2f: {  	_ =	swait.ge [sflag:s8], $0x8000  }
0x30: {  	[sflag:s8] =	ssyncset.done $0x0  }
0x31: {  	s21 =	sadd.s32 $0x4000, s31;
	[sflag:s8] =	ssyncadd.s32 $0xFFFF8000  }
0x32: {  	[hbm4b:s21+s2] =	stream.linear.scatter [tilespmem:s7], [sflag:$0x3], $0x8000, $0x38;
	[tilespmem:$0x18A00] =	vst v63  }
0x33: {  	_ =	swait.ge [sflag:s12], $0x8000  }
0x34: {  	[sflag:s12] =	ssyncset.done $0x0  }
0x35: {  	s22 =	simm.s32 $0x600;
	[sflag:s12] =	ssyncadd.s32 $0xFFFF8000  }
0x36: {  	[tilespmem:s6], [sflag:$0x1] =	stream.indirect.gather [hbm4b:s4+s5], $0x80, s22, s5, $0xb8;
	[tilespmem:$0x18A00] =	vst v63  }
0x37: {  	_ =	swait.ge [sflag:s8], $0x8000  }
0x38: {  	[sflag:s8] =	ssyncset.done $0x0  }
0x39: {  	s23 =	sadd.s32 $0x5000, s31;
	[sflag:s8] =	ssyncadd.s32 $0xFFFF8000  }
0x3a: {  	[hbm4b:s23+s2] =	stream.linear.scatter [tilespmem:s11], [sflag:$0x4], $0x8000, $0x38;
	[tilespmem:$0x18A00] =	vst v63  }
0x3b: {  	_ =	swait.ge [sflag:s16], $0x8000  }
0x3c: {  	[sflag:s16] =	ssyncset.done $0x0  }
0x3d: {  	s24 =	simm.s32 $0x700;
	[sflag:s16] =	ssyncadd.s32 $0xFFFF8000  }
0x3e: {  	[tilespmem:s7], [sflag:$0x1] =	stream.indirect.gather [hbm4b:s4+s5], $0x80, s24, s5, $0xb8;
	[tilespmem:$0x18A00] =	vst v63  }
0x3f: {  	_ =	swait.ge [sflag:s8], $0x8000  }
0x40: {  	[sflag:s8] =	ssyncset.done $0x0  }
0x41: {  	s25 =	sadd.s32 $0x6000, s31;
	[sflag:s8] =	ssyncadd.s32 $0xFFFF8000  }
0x42: {  	[hbm4b:s25+s2] =	stream.linear.scatter [tilespmem:s6], [sflag:$0x2], $0x8000, $0x38;
	[tilespmem:$0x18A00] =	vst v63  }
0x43: {  	_ =	swait.ge [sflag:s19], $0x8000  }
0x44: {  	[sflag:s19] =	ssyncset.done $0x0  }
0x45: {  	s26 =	simm.s32 $0x800;
	[sflag:s19] =	ssyncadd.s32 $0xFFFF8000  }
0x46: {  	[tilespmem:s11], [sflag:$0x1] =	stream.indirect.gather [hbm4b:s4+s5], $0x80, s26, s5, $0xb8;
	[tilespmem:$0x18A00] =	vst v63  }
0x47: {  	_ =	swait.ge [sflag:s8], $0x8000  }
0x48: {  	[sflag:s8] =	ssyncset.done $0x0  }
0x49: {  	s28 =	sadd.s32 $0x7000, s31;
	[sflag:s8] =	ssyncadd.s32 $0xFFFF8000  }
0x4a: {  	[hbm4b:s28+s2] =	stream.linear.scatter [tilespmem:s7], [sflag:$0x3], $0x8000, $0x38;
	[tilespmem:$0x18A00] =	vst v63  }
0x4b: {  	_ =	swait.ge [sflag:s12], $0x8000  }
0x4c: {  	[sflag:s12] =	ssyncset.done $0x0  }
0x4d: {  	s29 =	simm.s32 $0x900;
	[sflag:s12] =	ssyncadd.s32 $0xFFFF8000  }
0x4e: {  	[tilespmem:s6], [sflag:$0x1] =	stream.indirect.gather [hbm4b:s4+s5], $0x80, s29, s5, $0xb8;
	[tilespmem:$0x18A00] =	vst v63  }
0x4f: {  	_ =	swait.ge [sflag:s8], $0x8000  }
0x50: {  	[sflag:s8] =	ssyncset.done $0x0  }
0x51: {  	s30 =	sadd.s32 $0x8000, s31;
	[sflag:s8] =	ssyncadd.s32 $0xFFFF8000  }
0x52: {  	[hbm4b:s30+s2] =	stream.linear.scatter [tilespmem:s11], [sflag:$0x4], $0x8000, $0x38;
	[tilespmem:$0x18A00] =	vst v63  }
0x53: {  	s1 =	ssub.s32 $0x2, s1;
	_ =	swait.ge [sflag:s8], $0x8000  }
0x54: {  	s0 =	sshrl.u32 s1, $0x1;
	[sflag:s8] =	ssyncset.done $0x0  }
0x55: {  	s0 =	ssub.s32 s1, s0;
	s31 =	sadd.s32 $0x9000, s31;
	[sflag:s8] =	ssyncadd.s32 $0xFFFF8000  }
0x56: {  	[hbm4b:s31+s2] =	stream.linear.scatter [tilespmem:s6], [sflag:$0x2], $0x8000, $0x38;
	[tilespmem:$0x18A00] =	vst v63  }
0x57: {  	s0 =	smax.u32 s0, $0x1;
	_ =	swait.ge [sflag:s16], $0x8000  }
0x58: {  	p0 =	sne.s32 s0, $0x1;
	[sflag:s16] =	ssyncset.done $0x0  }
.Ltmp0:
0x59: {  	[sflag:s16] =	ssyncadd.s32 $0xFFFF8000;
	(pc) =	sbr.rel @!p0 .LBB2_2-.Ltmp0, $4  }
0x5a: {  	_ =	swait.ge [sflag:s19], $0x8000  }
0x5b: {  	[sflag:s19] =	ssyncset.done $0x0  }
0x5c: {  	[sflag:s19] =	ssyncadd.s32 $0xFFFF8000  }
0x5d: {  	s1 =	sadd.s32 $0xFFFFFFFF, s0;
	_ =	swait.ge [sflag:s12], $0x8000  }
.LBB2_1:
0x5e: {  	[sflag:s12] =	ssyncset.done $0x0  }
0x5f: {  	s0 =	rddreg [dreg:$0x2];
	[sflag:s12] =	ssyncadd.s32 $0xFFFF8000  }
0x60: {  	[tilespmem:s2], [sflag:$0x5] =	stream.linear.gather [hbm4b:s0+s2], $0xA00, $0x38;
	[tilespmem:$0x18A00] =	vst v63  }
0x61: {  	_ =	swait.ge [sflag:s3], $0xA00  }
0x62: {  	[sflag:s3] =	ssyncset.done $0x0  }
0x63: {  	[sflag:s3] =	ssyncadd.s32 $0xFFFFF600  }
0x64: {  	[tilespmem:s6], [sflag:$0x1] =	stream.indirect.gather [hbm4b:s4+s5], $0x80, s2, s5, $0xb8;
	[tilespmem:$0x18A00] =	vst v63  }
0x65: {  	_ = 	snop  }
0x66: {  	[tilespmem:s7], [sflag:$0x1] =	stream.indirect.gather [hbm4b:s4+s5], $0x80, s5, s5, $0xb8;
	[tilespmem:$0x18A00] =	vst v63  }
0x67: {  	_ =	swait.ge [sflag:s8], $0x8000  }
0x68: {  	[sflag:s8] =	ssyncset.done $0x0  }
0x69: {  	[sflag:s8] =	ssyncadd.s32 $0xFFFF8000  }
0x6a: {  	[hbm4b:s9+s2] =	stream.linear.scatter [tilespmem:s6], [sflag:$0x2], $0x8000, $0x38;
	[tilespmem:$0x18A00] =	vst v63  }
0x6b: {  	_ = 	snop  }
0x6c: {  	[tilespmem:s11], [sflag:$0x1] =	stream.indirect.gather [hbm4b:s4+s5], $0x80, s10, s5, $0xb8;
	[tilespmem:$0x18A00] =	vst v63  }
0x6d: {  	_ =	swait.ge [sflag:s8], $0x8000  }
0x6e: {  	[sflag:s8] =	ssyncset.done $0x0  }
0x6f: {  	[sflag:s8] =	ssyncadd.s32 $0xFFFF8000  }
0x70: {  	[hbm4b:s13+s2] =	stream.linear.scatter [tilespmem:s7], [sflag:$0x3], $0x8000, $0x38;
	[tilespmem:$0x18A00] =	vst v63  }
0x71: {  	_ =	swait.ge [sflag:s12], $0x8000  }
0x72: {  	[sflag:s12] =	ssyncset.done $0x0  }
0x73: {  	[sflag:s12] =	ssyncadd.s32 $0xFFFF8000  }
0x74: {  	[tilespmem:s6], [sflag:$0x1] =	stream.indirect.gather [hbm4b:s4+s5], $0x80, s14, s5, $0xb8;
	[tilespmem:$0x18A00] =	vst v63  }
0x75: {  	_ =	swait.ge [sflag:s8], $0x8000  }
0x76: {  	[sflag:s8] =	ssyncset.done $0x0  }
0x77: {  	[sflag:s8] =	ssyncadd.s32 $0xFFFF8000  }
0x78: {  	[hbm4b:s15+s2] =	stream.linear.scatter [tilespmem:s11], [sflag:$0x4], $0x8000, $0x38;
	[tilespmem:$0x18A00] =	vst v63  }
0x79: {  	_ =	swait.ge [sflag:s16], $0x8000  }
0x7a: {  	[sflag:s16] =	ssyncset.done $0x0  }
0x7b: {  	[sflag:s16] =	ssyncadd.s32 $0xFFFF8000  }
0x7c: {  	[tilespmem:s7], [sflag:$0x1] =	stream.indirect.gather [hbm4b:s4+s5], $0x80, s17, s5, $0xb8;
	[tilespmem:$0x18A00] =	vst v63  }
0x7d: {  	_ =	swait.ge [sflag:s8], $0x8000  }
0x7e: {  	[sflag:s8] =	ssyncset.done $0x0  }
0x7f: {  	[sflag:s8] =	ssyncadd.s32 $0xFFFF8000  }
0x80: {  	[hbm4b:s18+s2] =	stream.linear.scatter [tilespmem:s6], [sflag:$0x2], $0x8000, $0x38;
	[tilespmem:$0x18A00] =	vst v63  }
0x81: {  	_ =	swait.ge [sflag:s19], $0x8000  }
0x82: {  	[sflag:s19] =	ssyncset.done $0x0  }
0x83: {  	[sflag:s19] =	ssyncadd.s32 $0xFFFF8000  }
0x84: {  	[tilespmem:s11], [sflag:$0x1] =	stream.indirect.gather [hbm4b:s4+s5], $0x80, s20, s5, $0xb8;
	[tilespmem:$0x18A00] =	vst v63  }
0x85: {  	_ =	swait.ge [sflag:s8], $0x8000  }
0x86: {  	[sflag:s8] =	ssyncset.done $0x0  }
0x87: {  	[sflag:s8] =	ssyncadd.s32 $0xFFFF8000  }
0x88: {  	[hbm4b:s21+s2] =	stream.linear.scatter [tilespmem:s7], [sflag:$0x3], $0x8000, $0x38;
	[tilespmem:$0x18A00] =	vst v63  }
0x89: {  	_ =	swait.ge [sflag:s12], $0x8000  }
0x8a: {  	[sflag:s12] =	ssyncset.done $0x0  }
0x8b: {  	[sflag:s12] =	ssyncadd.s32 $0xFFFF8000  }
0x8c: {  	[tilespmem:s6], [sflag:$0x1] =	stream.indirect.gather [hbm4b:s4+s5], $0x80, s22, s5, $0xb8;
	[tilespmem:$0x18A00] =	vst v63  }
0x8d: {  	_ =	swait.ge [sflag:s8], $0x8000  }
0x8e: {  	[sflag:s8] =	ssyncset.done $0x0  }
0x8f: {  	[sflag:s8] =	ssyncadd.s32 $0xFFFF8000  }
0x90: {  	[hbm4b:s23+s2] =	stream.linear.scatter [tilespmem:s11], [sflag:$0x4], $0x8000, $0x38;
	[tilespmem:$0x18A00] =	vst v63  }
0x91: {  	_ =	swait.ge [sflag:s16], $0x8000  }
0x92: {  	[sflag:s16] =	ssyncset.done $0x0  }
0x93: {  	[sflag:s16] =	ssyncadd.s32 $0xFFFF8000  }
0x94: {  	[tilespmem:s7], [sflag:$0x1] =	stream.indirect.gather [hbm4b:s4+s5], $0x80, s24, s5, $0xb8;
	[tilespmem:$0x18A00] =	vst v63  }
0x95: {  	_ =	swait.ge [sflag:s8], $0x8000  }
0x96: {  	[sflag:s8] =	ssyncset.done $0x0  }
0x97: {  	[sflag:s8] =	ssyncadd.s32 $0xFFFF8000  }
0x98: {  	[hbm4b:s25+s2] =	stream.linear.scatter [tilespmem:s6], [sflag:$0x2], $0x8000, $0x38;
	[tilespmem:$0x18A00] =	vst v63  }
0x99: {  	_ =	swait.ge [sflag:s19], $0x8000  }
0x9a: {  	[sflag:s19] =	ssyncset.done $0x0  }
0x9b: {  	[sflag:s19] =	ssyncadd.s32 $0xFFFF8000  }
0x9c: {  	[tilespmem:s11], [sflag:$0x1] =	stream.indirect.gather [hbm4b:s4+s5], $0x80, s26, s5, $0xb8;
	[tilespmem:$0x18A00] =	vst v63  }
0x9d: {  	_ =	swait.ge [sflag:s8], $0x8000  }
0x9e: {  	[sflag:s8] =	ssyncset.done $0x0  }
0x9f: {  	[sflag:s8] =	ssyncadd.s32 $0xFFFF8000  }
0xa0: {  	[hbm4b:s28+s2] =	stream.linear.scatter [tilespmem:s7], [sflag:$0x3], $0x8000, $0x38;
	[tilespmem:$0x18A00] =	vst v63  }
0xa1: {  	_ =	swait.ge [sflag:s12], $0x8000  }
0xa2: {  	[sflag:s12] =	ssyncset.done $0x0  }
0xa3: {  	[sflag:s12] =	ssyncadd.s32 $0xFFFF8000  }
0xa4: {  	[tilespmem:s6], [sflag:$0x1] =	stream.indirect.gather [hbm4b:s4+s5], $0x80, s29, s5, $0xb8;
	[tilespmem:$0x18A00] =	vst v63  }
0xa5: {  	_ =	swait.ge [sflag:s8], $0x8000  }
0xa6: {  	[sflag:s8] =	ssyncset.done $0x0  }
0xa7: {  	[sflag:s8] =	ssyncadd.s32 $0xFFFF8000  }
0xa8: {  	[hbm4b:s30+s2] =	stream.linear.scatter [tilespmem:s11], [sflag:$0x4], $0x8000, $0x38;
	[tilespmem:$0x18A00] =	vst v63  }
0xa9: {  	_ =	swait.ge [sflag:s8], $0x8000  }
0xaa: {  	[sflag:s8] =	ssyncset.done $0x0  }
0xab: {  	[sflag:s8] =	ssyncadd.s32 $0xFFFF8000  }
0xac: {  	[hbm4b:s31+s2] =	stream.linear.scatter [tilespmem:s6], [sflag:$0x2], $0x8000, $0x38;
	[tilespmem:$0x18A00] =	vst v63  }
0xad: {  	_ =	swait.ge [sflag:s16], $0x8000  }
0xae: {  	p0 =	sne.s32 s1, $0x1;
	[sflag:s16] =	ssyncset.done $0x0  }
.Ltmp1:
0xaf: {  	[sflag:s16] =	ssyncadd.s32 $0xFFFF8000;
	(pc) =	sbr.rel @p0 .LBB2_1-.Ltmp1, $4  }
0xb0: {  	_ =	swait.ge [sflag:s19], $0x8000  }
0xb1: {  	[sflag:s19] =	ssyncset.done $0x0  }
0xb2: {  	[sflag:s19] =	ssyncadd.s32 $0xFFFF8000  }
0xb3: {  	s1 =	sadd.s32 $0xFFFFFFFF, s1;
	_ =	swait.ge [sflag:s12], $0x8000  }
.LBB2_2:
0xb4: {  	[sflag:s12] =	ssyncset.done $0x0  }
0xb5: {  	[sflag:s12] =	ssyncadd.s32 $0xFFFF8000  }
0xb6: {  	_ =	sfence.sel $0x180000  }
0xb7: {  	[bflag:$0x0] =	sbarrier.arrive $0xFFFF  }
0xb8: {  	_ =	strace $0x90000050  }
0xb9: {  	s0 =	stileid.u32;
	[bflag:$0x2] =	sbarrier.arrive $0xFFFF  }
0xba: {  	p0 =	sne.s32 s0, $0x0;
	s0 =	rddreg [dreg:$0x1]  }
0xbb: {  	s0 =	sadd.s32 @!p0 $0x100000, s0  }
0xbc: {  	[sflag:s0] =	ssyncadd.tile.s32 @!p0 $0x1;
	_ =	shalt  }
.Lfunc_end2:
_tile_overlayer_lowered:
.L_overlay_start_2:
0xbd: {  	(tag) =	ssettag $0x2  }
0xbe: {  	s0 =	rddreg [dreg:$0x0];
	s2 =	stileid.u32  }
0xbf: {  	s1 =	rddreg [dreg:$0x1];
	p0 =	sne.s32 s2, $0x0  }
0xc0: {  	s3 =	rddreg [dreg:$0x2];
	[bflag:$0x3] =	sbarrier.arrive $0xFFFF;
	s2 =	simm.s32 @!p0 $0x1C05  }
0xc1: {  	[timem:s3], [sflag:s2] =	dma.local @!p0 [hbm:s0], s1  }
0xc2: {  	s0 =	simm.s32 @!p0 $0x5  }
0xc3: {  	_ =	swait.ge @!p0 [sflag:s0], s1  }
0xc4: {  	s1 =	ssub.s32 @!p0 $0x0, s1;
	[sflag:s0] =	ssyncset.done @!p0 $0x0  }
0xc5: {  	[sflag:s0] =	ssyncadd.s32 @!p0 s1  }
0xc6: {  	[bflag:$0x3] =	sbarrier.arrive $0xFFFF  }
0xc7: {  	_ =	shalt  }

</sc_bundles>
